<compile_context>
chip_gen: v7x
topology: tpu7x:2x2x1
jax: 0.10.2.dev20260603
libtpu: 0.0.44.dev20260713+nightly
codegen_flags: <defaults>
</compile_context>

<pallas_src>
import functools

import jax
import jax.numpy as jnp
from jax import lax
from jax.experimental import pallas as pl
from jax.experimental.pallas import tpu as pltpu
from jax.experimental.pallas import tpu_sc as plsc

N_NODES = 10000
D = 128
NC = 2
NS = 16
NW = NC * NS
K = 128
N_EDGES = 320000
CHUNKS = 80
NEP = NW * CHUNKS * K
N_PAD = 10240
ROWS_PER_TILE = N_PAD // NS

_MESH = plsc.VectorSubcoreMesh(core_axis_name="c", subcore_axis_name="s")


@functools.partial(
    pl.kernel,
    out_type=jax.ShapeDtypeStruct((NC, N_PAD), jnp.float32),
    mesh=_MESH,
    scratch_types=[
        pltpu.VMEM((CHUNKS, K), jnp.int32),
        pltpu.VMEM((K,), jnp.float32),
        pltpu.VMEM((ROWS_PER_TILE,), jnp.float32),
        pltpu.VMEM_SHARED((N_PAD,), jnp.float32),
    ],
)
def _sc_degree(dst_hbm, out_hbm, dst_v, ones_v, z_v, acc):
    c = lax.axis_index("c")
    s = lax.axis_index("s")
    wid = s * NC + c
    one16 = jnp.full((16,), 1.0, jnp.float32)
    zero16 = jnp.zeros((16,), jnp.float32)
    for k in range(K // 16):
        ones_v[pl.ds(16 * k, 16)] = one16

    @pl.loop(0, ROWS_PER_TILE // 16)
    def _(i):
        z_v[pl.ds(i * 16, 16)] = zero16

    pltpu.sync_copy(z_v, acc.at[pl.ds(s * ROWS_PER_TILE, ROWS_PER_TILE)])
    plsc.subcore_barrier()
    pltpu.sync_copy(dst_hbm.at[wid], dst_v)

    @pl.loop(0, CHUNKS)
    def _(j):
        pltpu.sync_copy(ones_v, acc.at[dst_v.at[j]], add=True)

    plsc.subcore_barrier()
    pltpu.sync_copy(acc.at[pl.ds(s * ROWS_PER_TILE, ROWS_PER_TILE)],
                    out_hbm.at[c, pl.ds(s * ROWS_PER_TILE, ROWS_PER_TILE)])


CH_A = 80
CH_B = 80
SEG = 40


@functools.partial(
    pl.kernel,
    out_type=jax.ShapeDtypeStruct((NC, N_PAD, D), jnp.float32),
    mesh=_MESH,
    scratch_types=[
        pltpu.VMEM((SEG, K), jnp.int32),
        pltpu.VMEM((SEG, K), jnp.int32),
        pltpu.VMEM((K, D), jnp.float32),
        pltpu.VMEM((K, D), jnp.float32),
        pltpu.SemaphoreType.DMA,
        pltpu.SemaphoreType.DMA,
        pltpu.VMEM_SHARED((N_PAD, D), jnp.float32),
    ],
)
def _sc_aggregate(h_hbm, srca_hbm, dsta_hbm, srcb_hbm, dstb_hbm, out_hbm,
                  src_v, dst_v, rows0, rows1, sem0, sem1, acc):
    c = lax.axis_index("c")
    s = lax.axis_index("s")
    zero16 = jnp.zeros((16,), jnp.float32)
    bufs = (rows0, rows1)
    sems = (sem0, sem1)

    with jax.named_scope("agg_zero"):
        @pl.loop(0, K)
        def _(r):
            for k in range(D // 16):
                rows0[r, pl.ds(16 * k, 16)] = zero16

        for b in range(ROWS_PER_TILE // K):
            pltpu.sync_copy(rows0, acc.at[pl.ds(s * ROWS_PER_TILE + b * K, K)])
    plsc.subcore_barrier()

    def run_segments(src_hbm, dst_hbm, nseg):
        for seg in range(nseg):
            pltpu.sync_copy(src_hbm.at[s, pl.ds(seg * SEG, SEG)], src_v)
            pltpu.sync_copy(dst_hbm.at[s, pl.ds(seg * SEG, SEG)], dst_v)
            pltpu.async_copy(h_hbm.at[src_v.at[0]], rows0, sem0)
            pltpu.async_copy(h_hbm.at[src_v.at[1]], rows1, sem1)

            @pl.loop(0, SEG, step=2)
            def _(j):
                for b in range(2):
                    jj = j + b
                    pltpu.make_async_copy(
                        h_hbm.at[src_v.at[jj]], bufs[b], sems[b]).wait()
                    pltpu.sync_copy(bufs[b], acc.at[dst_v.at[jj]], add=True)

                    @pl.when(jj + 2 < SEG)
                    def _():
                        pltpu.async_copy(
                            h_hbm.at[src_v.at[jj + 2]], bufs[b], sems[b])

    with jax.named_scope("agg_ring"):
        @pl.when(c == 0)
        def _():
            run_segments(srca_hbm, dsta_hbm, CH_A // SEG)

        @pl.when(c == 1)
        def _():
            run_segments(srcb_hbm, dstb_hbm, CH_B // SEG)

    plsc.subcore_barrier()
    with jax.named_scope("agg_out"):
        pltpu.sync_copy(acc.at[pl.ds(s * ROWS_PER_TILE, ROWS_PER_TILE)],
                        out_hbm.at[c, pl.ds(s * ROWS_PER_TILE, ROWS_PER_TILE)])


R_BLK = 1000


def _tc_dense_body(relu, p0, p1, pd0, pd1, h, wl, bl, wr, out):
    dinv = 1.0 / jnp.maximum(pd0[...] + pd1[...], 1.0)
    agg = (p0[...] + p1[...]) * dinv
    o = (jnp.dot(agg, wl[...], preferred_element_type=jnp.float32) + bl[...]
         + jnp.dot(h[...], wr[...], preferred_element_type=jnp.float32))
    n = jnp.sqrt(jnp.sum(o * o, axis=-1, keepdims=True))
    o = o / jnp.maximum(n, 1e-12)
    if relu:
        o = jnp.maximum(o, 0.0)
    out[...] = o


def _make_tc_dense(relu):
    row_spec = pl.BlockSpec((R_BLK, D), lambda i: (i, 0))
    col_spec = pl.BlockSpec((R_BLK, 1), lambda i: (i, 0))
    w_spec = pl.BlockSpec((D, D), lambda i: (0, 0))
    b_spec = pl.BlockSpec((1, D), lambda i: (0, 0))
    return pl.pallas_call(
        functools.partial(_tc_dense_body, relu),
        grid=(N_NODES // R_BLK,),
        in_specs=[row_spec, row_spec, col_spec, col_spec, row_spec,
                  w_spec, b_spec, w_spec],
        out_specs=row_spec,
        out_shape=jax.ShapeDtypeStruct((N_NODES, D), jnp.float32),
    )


_TC_DENSE = {True: _make_tc_dense(True), False: _make_tc_dense(False)}


def kernel(x, edge_index, Wl0, bl0, Wr0, Wl1, bl1, Wr1, Wl2, bl2, Wr2):
    ei = edge_index.astype(jnp.int32)
    pad = NEP - N_EDGES
    src_fill = jnp.arange(pad, dtype=jnp.int32) % N_NODES
    src_p = jnp.concatenate([ei[0], src_fill])
    trash = N_NODES + (jnp.arange(pad, dtype=jnp.int32) % (N_PAD - N_NODES))
    dst_p = jnp.concatenate([ei[1], trash])
    dst3 = dst_p.reshape(NW, CHUNKS, K)
    n_a = NS * CH_A * K
    srca = src_p[:n_a].reshape(NS, CH_A, K)
    dsta = dst_p[:n_a].reshape(NS, CH_A, K)
    srcb = src_p[n_a:].reshape(NS, CH_B, K)
    dstb = dst_p[n_a:].reshape(NS, CH_B, K)

    pdeg = _sc_degree(dst3)
    pd0 = pdeg[0, :N_NODES][:, None]
    pd1 = pdeg[1, :N_NODES][:, None]

    h = x
    for Wl, bl, Wr, relu in ((Wl0, bl0, Wr0, True),
                             (Wl1, bl1, Wr1, True),
                             (Wl2, bl2, Wr2, False)):
        p = _sc_aggregate(h, srca, dsta, srcb, dstb)
        h = _TC_DENSE[relu](p[0, :N_NODES], p[1, :N_NODES], pd0, pd1, h,
                            Wl, bl.reshape(1, D), Wr)
    return h

# --- scband reference (transcript-rebuilt; emitter-appended) ---
"""Pipeline reference for scband-gcn-40020505264508 (READ-ONLY COPY).

The authoritative reference and input builder live on the scoring server;
editing this copy changes nothing except your own understanding.
"""

import jax, jax.numpy as jnp
import numpy as np

N_NODES = 10000
N_EDGES = 320000
D_IN = 128
D_HID = 128
D_OUT = 128


def _glorot(key, shape):
    fan_in, fan_out = shape[0], shape[1]
    limit = float(np.sqrt(6.0 / (fan_in + fan_out)))
    return jax.random.uniform(key, shape, dtype=jnp.float32, minval=-limit, maxval=limit)


def setup_inputs(seed: int = 0) -> dict:
    key = jax.random.key(seed)
    ks = jax.random.split(key, 12)
    x = jax.random.normal(ks[0], (N_NODES, D_IN), dtype=jnp.float32)
    edge_index = jax.random.randint(ks[1], (2, N_EDGES), 0, N_NODES, dtype=jnp.int64) if jax.config.jax_enable_x64 else jax.random.randint(ks[1], (2, N_EDGES), 0, N_NODES, dtype=jnp.int32)
    # SAGEConv params: lin_l (neighbor aggregate, with bias), lin_r (root, no bias)
    Wl0 = _glorot(ks[2], (D_IN, D_HID)); bl0 = jnp.zeros((D_HID,), jnp.float32); Wr0 = _glorot(ks[3], (D_IN, D_HID))
    Wl1 = _glorot(ks[4], (D_HID, D_HID)); bl1 = jnp.zeros((D_HID,), jnp.float32); Wr1 = _glorot(ks[5], (D_HID, D_HID))
    Wl2 = _glorot(ks[6], (D_HID, D_OUT)); bl2 = jnp.zeros((D_OUT,), jnp.float32); Wr2 = _glorot(ks[7], (D_HID, D_OUT))
    return {"x": x, "edge_index": edge_index,
            "Wl0": Wl0, "bl0": bl0, "Wr0": Wr0,
            "Wl1": Wl1, "bl1": bl1, "Wr1": Wr1,
            "Wl2": Wl2, "bl2": bl2, "Wr2": Wr2}


def _mean_aggr(x, src, dst, num_nodes):
    msgs = jnp.take(x, src, axis=0)
    summed = jax.ops.segment_sum(msgs, dst, num_segments=num_nodes)
    deg = jax.ops.segment_sum(jnp.ones((src.shape[0],), jnp.float32), dst, num_segments=num_nodes)
    deg = jnp.clip(deg, 1.0, None)
    return summed / deg[:, None]


def _sage_conv(x, src, dst, Wl, bl, Wr, num_nodes, normalize=True):
    agg = _mean_aggr(x, src, dst, num_nodes)
    out = agg @ Wl + bl + x @ Wr
    if normalize:
        norm = jnp.linalg.norm(out, ord=2, axis=-1, keepdims=True)
        out = out / jnp.clip(norm, 1e-12, None)
    return out


def reference(x, edge_index, Wl0, bl0, Wr0, Wl1, bl1, Wr1, Wl2, bl2, Wr2):
    src = edge_index[0]
    dst = edge_index[1]
    n = x.shape[0]
    # layer 0 + relu (eval mode: dropout is identity)
    h = _sage_conv(x, src, dst, Wl0, bl0, Wr0, n)
    h = jax.nn.relu(h)
    # layer 1 + relu
    h = _sage_conv(h, src, dst, Wl1, bl1, Wr1, n)
    h = jax.nn.relu(h)
    # final layer (no relu)
    h = _sage_conv(h, src, dst, Wl2, bl2, Wr2, n)
    return h

if __name__ == "__main__":
    import jax
    _d = setup_inputs()
    print(jax.jit(kernel)(*tuple(_d.values())))

</pallas_src>

<mosaic_0001>
#map = affine_map<(d0, d1) -> (0, 0, 0)>
#map1 = affine_map<(d0, d1) -> (0, 0)>
module attributes {stable_mosaic.version = 14 : i64} {
  func.func @_sc_degree(%arg0: i32, %arg1: i32, %arg2: memref<32x80x128xi32, #tpu.memory_space<hbm>>, %arg3: memref<2x10240xf32, #tpu.memory_space<hbm>>, %arg4: memref<80x128xi32, #tpu.memory_space<vmem>>, %arg5: memref<128xf32, #tpu.memory_space<vmem>>, %arg6: memref<640xf32, #tpu.memory_space<vmem>>, %arg7: memref<10240xf32, #tpu.memory_space<vmem_shared>>) attributes {dimension_semantics = [#tpu.dimension_semantics<core_parallel>, #tpu.dimension_semantics<subcore_parallel>], iteration_bounds = array<i64: 2, 16>, scalar_prefetch = 0 : i64, scratch_operands = 4 : i64, tpu.core_type = #tpu.core_type<sc_vector_subcore>, window_params = [{transform_indices = #map}, {transform_indices = #map1}]} {
    %mul3A = arith.constant 2 : i32
    %mul3A_0 = arith.muli %arg1, %mul3A : i32
    %add3A = arith.addi %mul3A_0, %arg0 : i32
    %broadcast_in_dim3A = arith.constant 1.000000e+00 : f32
    %broadcast_in_dim3A_1 = vector.broadcast %broadcast_in_dim3A : f32 to vector<16xf32>
    %broadcast_in_dim3A_2 = arith.constant 0.000000e+00 : f32
    %broadcast_in_dim3A_3 = vector.broadcast %broadcast_in_dim3A_2 : f32 to vector<16xf32>
    %swap3A = arith.constant 0 : index
    %swap3A_4 = tpu.vector_load %arg5[%swap3A] {strides = array<i32>} : memref<128xf32, #tpu.memory_space<vmem>>, vector<16xf32>,
    %swap3A_5 = vector.shape_cast %swap3A_4 : vector<16xf32> to vector<16xf32>
    %swap3A_6 = vector.shape_cast %broadcast_in_dim3A_1 : vector<16xf32> to vector<16xf32>
    tpu.vector_store %arg5[%swap3A], %swap3A_6 {strides = array<i32>} : memref<128xf32, #tpu.memory_space<vmem>>, vector<16xf32>,
    %swap3A_7 = arith.constant 16 : index
    %swap3A_8 = tpu.vector_load %arg5[%swap3A_7] {strides = array<i32>} : memref<128xf32, #tpu.memory_space<vmem>>, vector<16xf32>,
    %swap3A_9 = vector.shape_cast %swap3A_8 : vector<16xf32> to vector<16xf32>
    %swap3A_10 = vector.shape_cast %broadcast_in_dim3A_1 : vector<16xf32> to vector<16xf32>
    tpu.vector_store %arg5[%swap3A_7], %swap3A_10 {strides = array<i32>} : memref<128xf32, #tpu.memory_space<vmem>>, vector<16xf32>,
    %swap3A_11 = arith.constant 32 : index
    %swap3A_12 = tpu.vector_load %arg5[%swap3A_11] {strides = array<i32>} : memref<128xf32, #tpu.memory_space<vmem>>, vector<16xf32>,
    %swap3A_13 = vector.shape_cast %swap3A_12 : vector<16xf32> to vector<16xf32>
    %swap3A_14 = vector.shape_cast %broadcast_in_dim3A_1 : vector<16xf32> to vector<16xf32>
    tpu.vector_store %arg5[%swap3A_11], %swap3A_14 {strides = array<i32>} : memref<128xf32, #tpu.memory_space<vmem>>, vector<16xf32>,
    %swap3A_15 = arith.constant 48 : index
    %swap3A_16 = tpu.vector_load %arg5[%swap3A_15] {strides = array<i32>} : memref<128xf32, #tpu.memory_space<vmem>>, vector<16xf32>,
    %swap3A_17 = vector.shape_cast %swap3A_16 : vector<16xf32> to vector<16xf32>
    %swap3A_18 = vector.shape_cast %broadcast_in_dim3A_1 : vector<16xf32> to vector<16xf32>
    tpu.vector_store %arg5[%swap3A_15], %swap3A_18 {strides = array<i32>} : memref<128xf32, #tpu.memory_space<vmem>>, vector<16xf32>,
    %swap3A_19 = arith.constant 64 : index
    %swap3A_20 = tpu.vector_load %arg5[%swap3A_19] {strides = array<i32>} : memref<128xf32, #tpu.memory_space<vmem>>, vector<16xf32>,
    %swap3A_21 = vector.shape_cast %swap3A_20 : vector<16xf32> to vector<16xf32>
    %swap3A_22 = vector.shape_cast %broadcast_in_dim3A_1 : vector<16xf32> to vector<16xf32>
    tpu.vector_store %arg5[%swap3A_19], %swap3A_22 {strides = array<i32>} : memref<128xf32, #tpu.memory_space<vmem>>, vector<16xf32>,
    %swap3A_23 = arith.constant 80 : index
    %swap3A_24 = tpu.vector_load %arg5[%swap3A_23] {strides = array<i32>} : memref<128xf32, #tpu.memory_space<vmem>>, vector<16xf32>,
    %swap3A_25 = vector.shape_cast %swap3A_24 : vector<16xf32> to vector<16xf32>
    %swap3A_26 = vector.shape_cast %broadcast_in_dim3A_1 : vector<16xf32> to vector<16xf32>
    tpu.vector_store %arg5[%swap3A_23], %swap3A_26 {strides = array<i32>} : memref<128xf32, #tpu.memory_space<vmem>>, vector<16xf32>,
    %swap3A_27 = arith.constant 96 : index
    %swap3A_28 = tpu.vector_load %arg5[%swap3A_27] {strides = array<i32>} : memref<128xf32, #tpu.memory_space<vmem>>, vector<16xf32>,
    %swap3A_29 = vector.shape_cast %swap3A_28 : vector<16xf32> to vector<16xf32>
    %swap3A_30 = vector.shape_cast %broadcast_in_dim3A_1 : vector<16xf32> to vector<16xf32>
    tpu.vector_store %arg5[%swap3A_27], %swap3A_30 {strides = array<i32>} : memref<128xf32, #tpu.memory_space<vmem>>, vector<16xf32>,
    %swap3A_31 = arith.constant 112 : index
    %swap3A_32 = tpu.vector_load %arg5[%swap3A_31] {strides = array<i32>} : memref<128xf32, #tpu.memory_space<vmem>>, vector<16xf32>,
    %swap3A_33 = vector.shape_cast %swap3A_32 : vector<16xf32> to vector<16xf32>
    %swap3A_34 = vector.shape_cast %broadcast_in_dim3A_1 : vector<16xf32> to vector<16xf32>
    tpu.vector_store %arg5[%swap3A_31], %swap3A_34 {strides = array<i32>} : memref<128xf32, #tpu.memory_space<vmem>>, vector<16xf32>,
    %scan3A = arith.constant 0 : i32
    %scan3A_35 = arith.constant 40 : i32
    %scan3A_36 = arith.addi %scan3A, %scan3A_35 : i32
    %scan3A_37 = arith.constant 1 : i32
    scf.for %scan3A_51 = %scan3A to %scan3A_36 step %scan3A_37  : i32 {
      %mul3A_52 = arith.constant 1 : i32
      %mul3A_53 = arith.muli %scan3A_51, %mul3A_52 : i32
      %add3A_54 = arith.constant 0 : i32
      %add3A_55 = arith.addi %add3A_54, %mul3A_53 : i32
      %mul3A_56 = arith.constant 16 : i32
      %mul3A_57 = arith.muli %add3A_55, %mul3A_56 : i32
      %swap3A_58 = arith.index_cast %mul3A_57 : i32 to index
      %swap3A_59 = tpu.vector_load %arg6[%swap3A_58] {strides = array<i32>} : memref<640xf32, #tpu.memory_space<vmem>>, vector<16xf32>,
      %swap3A_60 = vector.shape_cast %swap3A_59 : vector<16xf32> to vector<16xf32>
      %swap3A_61 = vector.shape_cast %broadcast_in_dim3A_3 : vector<16xf32> to vector<16xf32>
      tpu.vector_store %arg6[%swap3A_58], %swap3A_61 {strides = array<i32>} : memref<640xf32, #tpu.memory_space<vmem>>, vector<16xf32>,
    }
    %scan3A_38 = arith.constant 40 : i32
    %mul3A_39 = arith.constant 640 : i32
    %mul3A_40 = arith.muli %arg1, %mul3A_39 : i32
    "tpu.region"() ({
      %run_scoped3A = tpu.sem_alloc : memref<!tpu.dma_semaphore, #tpu.memory_space<semaphore_mem>>
      %dma_start3A = tpu.memref_slice %arg7[%mul3A_40] : memref<10240xf32, #tpu.memory_space<vmem_shared>> -> memref<640xf32, #tpu.memory_space<vmem_shared>>
      %dma_start3A_51 = tpu.memref_slice %arg7[%mul3A_40] : memref<10240xf32, #tpu.memory_space<vmem_shared>> -> memref<640xf32, #tpu.memory_space<vmem_shared>>
      tpu.enqueue_dma source(%arg6 : memref<640xf32, #tpu.memory_space<vmem>>) target(%dma_start3A_51 : memref<640xf32, #tpu.memory_space<vmem_shared>>) target_semaphore(%run_scoped3A : memref<!tpu.dma_semaphore, #tpu.memory_space<semaphore_mem>>)
      %dma_wait3A = tpu.memref_slice %arg7[%mul3A_40] : memref<10240xf32, #tpu.memory_space<vmem_shared>> -> memref<640xf32, #tpu.memory_space<vmem_shared>>
      %dma_wait3A_52 = tpu.memref_slice %arg7[%mul3A_40] : memref<10240xf32, #tpu.memory_space<vmem_shared>> -> memref<640xf32, #tpu.memory_space<vmem_shared>>
      tpu.wait_dma2 semaphore(%run_scoped3A : memref<!tpu.dma_semaphore, #tpu.memory_space<semaphore_mem>>) src(%arg6 : memref<640xf32, #tpu.memory_space<vmem>>) dst(%dma_wait3A_52 : memref<640xf32, #tpu.memory_space<vmem_shared>>)
      tpu.yield
    }) : () -> ()
    %barrier3A = arith.constant 0 : index
    tpu.barrier barrier_id(%barrier3A)
    "tpu.region"() ({
      %run_scoped3A = tpu.sem_alloc : memref<!tpu.dma_semaphore, #tpu.memory_space<semaphore_mem>>
      %dma_start3A = arith.constant 0 : i32
      %dma_start3A_51 = arith.constant 0 : i32
      %dma_start3A_52 = tpu.memref_slice %arg2[%add3A, %dma_start3A, %dma_start3A_51] : memref<32x80x128xi32, #tpu.memory_space<hbm>> -> memref<1x80x128xi32, #tpu.memory_space<hbm>>
      %dma_start3A_53 = tpu.memref_squeeze %dma_start3A_52 : memref<1x80x128xi32, #tpu.memory_space<hbm>> -> memref<80x128xi32, #tpu.memory_space<hbm>>
      %dma_start3A_54 = arith.constant 0 : i32
      %dma_start3A_55 = arith.constant 0 : i32
      %dma_start3A_56 = tpu.memref_slice %arg2[%add3A, %dma_start3A_54, %dma_start3A_55] : memref<32x80x128xi32, #tpu.memory_space<hbm>> -> memref<1x80x128xi32, #tpu.memory_space<hbm>>
      %dma_start3A_57 = tpu.memref_squeeze %dma_start3A_56 : memref<1x80x128xi32, #tpu.memory_space<hbm>> -> memref<80x128xi32, #tpu.memory_space<hbm>>
      tpu.enqueue_dma source(%dma_start3A_57 : memref<80x128xi32, #tpu.memory_space<hbm>>) target(%arg4 : memref<80x128xi32, #tpu.memory_space<vmem>>) target_semaphore(%run_scoped3A : memref<!tpu.dma_semaphore, #tpu.memory_space<semaphore_mem>>)
      %dma_wait3A = arith.constant 0 : i32
      %dma_wait3A_58 = arith.constant 0 : i32
      %dma_wait3A_59 = tpu.memref_slice %arg2[%add3A, %dma_wait3A, %dma_wait3A_58] : memref<32x80x128xi32, #tpu.memory_space<hbm>> -> memref<1x80x128xi32, #tpu.memory_space<hbm>>
      %dma_wait3A_60 = tpu.memref_squeeze %dma_wait3A_59 : memref<1x80x128xi32, #tpu.memory_space<hbm>> -> memref<80x128xi32, #tpu.memory_space<hbm>>
      %dma_wait3A_61 = arith.constant 0 : i32
      %dma_wait3A_62 = arith.constant 0 : i32
      %dma_wait3A_63 = tpu.memref_slice %arg2[%add3A, %dma_wait3A_61, %dma_wait3A_62] : memref<32x80x128xi32, #tpu.memory_space<hbm>> -> memref<1x80x128xi32, #tpu.memory_space<hbm>>
      %dma_wait3A_64 = tpu.memref_squeeze %dma_wait3A_63 : memref<1x80x128xi32, #tpu.memory_space<hbm>> -> memref<80x128xi32, #tpu.memory_space<hbm>>
      tpu.wait_dma2 semaphore(%run_scoped3A : memref<!tpu.dma_semaphore, #tpu.memory_space<semaphore_mem>>) src(%dma_wait3A_64 : memref<80x128xi32, #tpu.memory_space<hbm>>) dst(%arg4 : memref<80x128xi32, #tpu.memory_space<vmem>>)
      tpu.yield
    }) : () -> ()
    %scan3A_41 = arith.constant 0 : i32
    %scan3A_42 = arith.constant 80 : i32
    %scan3A_43 = arith.addi %scan3A_41, %scan3A_42 : i32
    %scan3A_44 = arith.constant 1 : i32
    scf.for %scan3A_51 = %scan3A_41 to %scan3A_43 step %scan3A_44  : i32 {
      %mul3A_52 = arith.constant 1 : i32
      %mul3A_53 = arith.muli %scan3A_51, %mul3A_52 : i32
      %add3A_54 = arith.constant 0 : i32
      %add3A_55 = arith.addi %add3A_54, %mul3A_53 : i32
      "tpu.region"() ({
        %run_scoped3A = tpu.sem_alloc : memref<!tpu.dma_semaphore, #tpu.memory_space<semaphore_mem>>
        %dma_start3A = arith.constant 0 : i32
        %dma_start3A_56 = tpu.memref_slice %arg4[%add3A_55, %dma_start3A] : memref<80x128xi32, #tpu.memory_space<vmem>> -> memref<1x128xi32, #tpu.memory_space<vmem>>
        %dma_start3A_57 = tpu.memref_squeeze %dma_start3A_56 : memref<1x128xi32, #tpu.memory_space<vmem>> -> memref<128xi32, #tpu.memory_space<vmem>>
        %dma_start3A_58 = arith.constant 0 : i32
        %dma_start3A_59 = tpu.memref_slice %arg7[%dma_start3A_58] : memref<10240xf32, #tpu.memory_space<vmem_shared>> -> memref<10240xf32, #tpu.memory_space<vmem_shared>>
        tpu.enqueue_indirect_dma source(%arg5 : memref<128xf32, #tpu.memory_space<vmem>>) target(%dma_start3A_59 : memref<10240xf32, #tpu.memory_space<vmem_shared>>) offsets(%dma_start3A_57 : memref<128xi32, #tpu.memory_space<vmem>>) semaphore(%run_scoped3A : memref<!tpu.dma_semaphore, #tpu.memory_space<semaphore_mem>>) {add = true}
        %dma_wait3A = arith.constant 0 : i32
        %dma_wait3A_60 = tpu.memref_slice %arg4[%add3A_55, %dma_wait3A] : memref<80x128xi32, #tpu.memory_space<vmem>> -> memref<1x128xi32, #tpu.memory_space<vmem>>
        %dma_wait3A_61 = tpu.memref_squeeze %dma_wait3A_60 : memref<1x128xi32, #tpu.memory_space<vmem>> -> memref<128xi32, #tpu.memory_space<vmem>>
        %dma_wait3A_62 = arith.constant 0 : i32
        %dma_wait3A_63 = tpu.memref_slice %arg7[%dma_wait3A_62] : memref<10240xf32, #tpu.memory_space<vmem_shared>> -> memref<10240xf32, #tpu.memory_space<vmem_shared>>
        tpu.wait_indirect_dma semaphore(%run_scoped3A : memref<!tpu.dma_semaphore, #tpu.memory_space<semaphore_mem>>) src(%arg5 : memref<128xf32, #tpu.memory_space<vmem>>) dst(%dma_wait3A_63 : memref<10240xf32, #tpu.memory_space<vmem_shared>>)
        tpu.yield
      }) : () -> ()
    }
    %scan3A_45 = arith.constant 80 : i32
    %barrier3A_46 = arith.constant 0 : index
    tpu.barrier barrier_id(%barrier3A_46)
    %mul3A_47 = arith.constant 640 : i32
    %mul3A_48 = arith.muli %arg1, %mul3A_47 : i32
    %mul3A_49 = arith.constant 640 : i32
    %mul3A_50 = arith.muli %arg1, %mul3A_49 : i32
    "tpu.region"() ({
      %run_scoped3A = tpu.sem_alloc : memref<!tpu.dma_semaphore, #tpu.memory_space<semaphore_mem>>
      %dma_start3A = tpu.memref_slice %arg3[%arg0, %mul3A_50] : memref<2x10240xf32, #tpu.memory_space<hbm>> -> memref<1x640xf32, #tpu.memory_space<hbm>>
      %dma_start3A_51 = tpu.memref_squeeze %dma_start3A : memref<1x640xf32, #tpu.memory_space<hbm>> -> memref<640xf32, #tpu.memory_space<hbm>>
      %dma_start3A_52 = tpu.memref_slice %arg7[%mul3A_48] : memref<10240xf32, #tpu.memory_space<vmem_shared>> -> memref<640xf32, #tpu.memory_space<vmem_shared>>
      tpu.enqueue_dma source(%dma_start3A_52 : memref<640xf32, #tpu.memory_space<vmem_shared>>) target(%dma_start3A_51 : memref<640xf32, #tpu.memory_space<hbm>>) target_semaphore(%run_scoped3A : memref<!tpu.dma_semaphore, #tpu.memory_space<semaphore_mem>>)
      %dma_wait3A = tpu.memref_slice %arg3[%arg0, %mul3A_50] : memref<2x10240xf32, #tpu.memory_space<hbm>> -> memref<1x640xf32, #tpu.memory_space<hbm>>
      %dma_wait3A_53 = tpu.memref_squeeze %dma_wait3A : memref<1x640xf32, #tpu.memory_space<hbm>> -> memref<640xf32, #tpu.memory_space<hbm>>
      %dma_wait3A_54 = tpu.memref_slice %arg7[%mul3A_48] : memref<10240xf32, #tpu.memory_space<vmem_shared>> -> memref<640xf32, #tpu.memory_space<vmem_shared>>
      tpu.wait_dma2 semaphore(%run_scoped3A : memref<!tpu.dma_semaphore, #tpu.memory_space<semaphore_mem>>) src(%dma_wait3A_54 : memref<640xf32, #tpu.memory_space<vmem_shared>>) dst(%dma_wait3A_53 : memref<640xf32, #tpu.memory_space<hbm>>)
      tpu.yield
    }) : () -> ()
    return
  }
}

#map = affine_map<(d0, d1) -> (0, 0)>
#map1 = affine_map<(d0, d1) -> (0, 0, 0)>
module attributes {stable_mosaic.version = 14 : i64} {
  func.func @_sc_aggregate(%arg0: i32, %arg1: i32, %arg2: memref<10000x128xf32, #tpu.memory_space<hbm>>, %arg3: memref<16x80x128xi32, #tpu.memory_space<hbm>>, %arg4: memref<16x80x128xi32, #tpu.memory_space<hbm>>, %arg5: memref<16x80x128xi32, #tpu.memory_space<hbm>>, %arg6: memref<16x80x128xi32, #tpu.memory_space<hbm>>, %arg7: memref<2x10240x128xf32, #tpu.memory_space<hbm>>, %arg8: memref<40x128xi32, #tpu.memory_space<vmem>>, %arg9: memref<40x128xi32, #tpu.memory_space<vmem>>, %arg10: memref<128x128xf32, #tpu.memory_space<vmem>>, %arg11: memref<128x128xf32, #tpu.memory_space<vmem>>, %arg12: memref<!tpu.dma_semaphore, #tpu.memory_space<semaphore_mem>>, %arg13: memref<!tpu.dma_semaphore, #tpu.memory_space<semaphore_mem>>, %arg14: memref<10240x128xf32, #tpu.memory_space<vmem_shared>>) attributes {dimension_semantics = [#tpu.dimension_semantics<core_parallel>, #tpu.dimension_semantics<subcore_parallel>], iteration_bounds = array<i64: 2, 16>, scalar_prefetch = 0 : i64, scratch_operands = 7 : i64, tpu.core_type = #tpu.core_type<sc_vector_subcore>, window_params = [{transform_indices = #map}, {transform_indices = #map1}, {transform_indices = #map1}, {transform_indices = #map1}, {transform_indices = #map1}, {transform_indices = #map1}]} {
    %broadcast_in_dim3A = arith.constant 0.000000e+00 : f32
    %broadcast_in_dim3A_0 = vector.broadcast %broadcast_in_dim3A : f32 to vector<16xf32>
    "tpu.trace_start"() <{level = 10 : i32, message = "agg_zero"}> : () -> ()
    %scan3A = arith.constant 0 : i32
    %scan3A_1 = arith.constant 128 : i32
    %scan3A_2 = arith.addi %scan3A, %scan3A_1 : i32
    %scan3A_3 = arith.constant 1 : i32
    scf.for %scan3A_35 = %scan3A to %scan3A_2 step %scan3A_3  : i32 {
      %mul3A_36 = arith.constant 1 : i32
      %mul3A_37 = arith.muli %scan3A_35, %mul3A_36 : i32
      %add3A_38 = arith.constant 0 : i32
      %add3A_39 = arith.addi %add3A_38, %mul3A_37 : i32
      %swap3A = arith.index_cast %add3A_39 : i32 to index
      %swap3A_40 = arith.constant 0 : index
      %swap3A_41 = tpu.vector_load %arg10[%swap3A, %swap3A_40] {strides = array<i32>} : memref<128x128xf32, #tpu.memory_space<vmem>>, vector<1x16xf32>,
      %swap3A_42 = vector.shape_cast %swap3A_41 : vector<1x16xf32> to vector<16xf32>
      %swap3A_43 = vector.shape_cast %broadcast_in_dim3A_0 : vector<16xf32> to vector<1x16xf32>
      tpu.vector_store %arg10[%swap3A, %swap3A_40], %swap3A_43 {strides = array<i32>} : memref<128x128xf32, #tpu.memory_space<vmem>>, vector<1x16xf32>,
      %swap3A_44 = arith.index_cast %add3A_39 : i32 to index
      %swap3A_45 = arith.constant 16 : index
      %swap3A_46 = tpu.vector_load %arg10[%swap3A_44, %swap3A_45] {strides = array<i32>} : memref<128x128xf32, #tpu.memory_space<vmem>>, vector<1x16xf32>,
      %swap3A_47 = vector.shape_cast %swap3A_46 : vector<1x16xf32> to vector<16xf32>
      %swap3A_48 = vector.shape_cast %broadcast_in_dim3A_0 : vector<16xf32> to vector<1x16xf32>
      tpu.vector_store %arg10[%swap3A_44, %swap3A_45], %swap3A_48 {strides = array<i32>} : memref<128x128xf32, #tpu.memory_space<vmem>>, vector<1x16xf32>,
      %swap3A_49 = arith.index_cast %add3A_39 : i32 to index
      %swap3A_50 = arith.constant 32 : index
      %swap3A_51 = tpu.vector_load %arg10[%swap3A_49, %swap3A_50] {strides = array<i32>} : memref<128x128xf32, #tpu.memory_space<vmem>>, vector<1x16xf32>,
      %swap3A_52 = vector.shape_cast %swap3A_51 : vector<1x16xf32> to vector<16xf32>
      %swap3A_53 = vector.shape_cast %broadcast_in_dim3A_0 : vector<16xf32> to vector<1x16xf32>
      tpu.vector_store %arg10[%swap3A_49, %swap3A_50], %swap3A_53 {strides = array<i32>} : memref<128x128xf32, #tpu.memory_space<vmem>>, vector<1x16xf32>,
      %swap3A_54 = arith.index_cast %add3A_39 : i32 to index
      %swap3A_55 = arith.constant 48 : index
      %swap3A_56 = tpu.vector_load %arg10[%swap3A_54, %swap3A_55] {strides = array<i32>} : memref<128x128xf32, #tpu.memory_space<vmem>>, vector<1x16xf32>,
      %swap3A_57 = vector.shape_cast %swap3A_56 : vector<1x16xf32> to vector<16xf32>
      %swap3A_58 = vector.shape_cast %broadcast_in_dim3A_0 : vector<16xf32> to vector<1x16xf32>
      tpu.vector_store %arg10[%swap3A_54, %swap3A_55], %swap3A_58 {strides = array<i32>} : memref<128x128xf32, #tpu.memory_space<vmem>>, vector<1x16xf32>,
      %swap3A_59 = arith.index_cast %add3A_39 : i32 to index
      %swap3A_60 = arith.constant 64 : index
      %swap3A_61 = tpu.vector_load %arg10[%swap3A_59, %swap3A_60] {strides = array<i32>} : memref<128x128xf32, #tpu.memory_space<vmem>>, vector<1x16xf32>,
      %swap3A_62 = vector.shape_cast %swap3A_61 : vector<1x16xf32> to vector<16xf32>
      %swap3A_63 = vector.shape_cast %broadcast_in_dim3A_0 : vector<16xf32> to vector<1x16xf32>
      tpu.vector_store %arg10[%swap3A_59, %swap3A_60], %swap3A_63 {strides = array<i32>} : memref<128x128xf32, #tpu.memory_space<vmem>>, vector<1x16xf32>,
      %swap3A_64 = arith.index_cast %add3A_39 : i32 to index
      %swap3A_65 = arith.constant 80 : index
      %swap3A_66 = tpu.vector_load %arg10[%swap3A_64, %swap3A_65] {strides = array<i32>} : memref<128x128xf32, #tpu.memory_space<vmem>>, vector<1x16xf32>,
      %swap3A_67 = vector.shape_cast %swap3A_66 : vector<1x16xf32> to vector<16xf32>
      %swap3A_68 = vector.shape_cast %broadcast_in_dim3A_0 : vector<16xf32> to vector<1x16xf32>
      tpu.vector_store %arg10[%swap3A_64, %swap3A_65], %swap3A_68 {strides = array<i32>} : memref<128x128xf32, #tpu.memory_space<vmem>>, vector<1x16xf32>,
      %swap3A_69 = arith.index_cast %add3A_39 : i32 to index
      %swap3A_70 = arith.constant 96 : index
      %swap3A_71 = tpu.vector_load %arg10[%swap3A_69, %swap3A_70] {strides = array<i32>} : memref<128x128xf32, #tpu.memory_space<vmem>>, vector<1x16xf32>,
      %swap3A_72 = vector.shape_cast %swap3A_71 : vector<1x16xf32> to vector<16xf32>
      %swap3A_73 = vector.shape_cast %broadcast_in_dim3A_0 : vector<16xf32> to vector<1x16xf32>
      tpu.vector_store %arg10[%swap3A_69, %swap3A_70], %swap3A_73 {strides = array<i32>} : memref<128x128xf32, #tpu.memory_space<vmem>>, vector<1x16xf32>,
      %swap3A_74 = arith.index_cast %add3A_39 : i32 to index
      %swap3A_75 = arith.constant 112 : index
      %swap3A_76 = tpu.vector_load %arg10[%swap3A_74, %swap3A_75] {strides = array<i32>} : memref<128x128xf32, #tpu.memory_space<vmem>>, vector<1x16xf32>,
      %swap3A_77 = vector.shape_cast %swap3A_76 : vector<1x16xf32> to vector<16xf32>
      %swap3A_78 = vector.shape_cast %broadcast_in_dim3A_0 : vector<16xf32> to vector<1x16xf32>
      tpu.vector_store %arg10[%swap3A_74, %swap3A_75], %swap3A_78 {strides = array<i32>} : memref<128x128xf32, #tpu.memory_space<vmem>>, vector<1x16xf32>,
    }
    %scan3A_4 = arith.constant 128 : i32
    %mul3A = arith.constant 640 : i32
    %mul3A_5 = arith.muli %arg1, %mul3A : i32
    %add3A = arith.constant 0 : i32
    %add3A_6 = arith.addi %mul3A_5, %add3A : i32
    "tpu.region"() ({
      %run_scoped3A = tpu.sem_alloc : memref<!tpu.dma_semaphore, #tpu.memory_space<semaphore_mem>>
      %dma_start3A = arith.constant 0 : i32
      %dma_start3A_35 = tpu.memref_slice %arg14[%add3A_6, %dma_start3A] : memref<10240x128xf32, #tpu.memory_space<vmem_shared>> -> memref<128x128xf32, #tpu.memory_space<vmem_shared>>
      %dma_start3A_36 = arith.constant 0 : i32
      %dma_start3A_37 = tpu.memref_slice %arg14[%add3A_6, %dma_start3A_36] : memref<10240x128xf32, #tpu.memory_space<vmem_shared>> -> memref<128x128xf32, #tpu.memory_space<vmem_shared>>
      tpu.enqueue_dma source(%arg10 : memref<128x128xf32, #tpu.memory_space<vmem>>) target(%dma_start3A_37 : memref<128x128xf32, #tpu.memory_space<vmem_shared>>) target_semaphore(%run_scoped3A : memref<!tpu.dma_semaphore, #tpu.memory_space<semaphore_mem>>)
      %dma_wait3A = arith.constant 0 : i32
      %dma_wait3A_38 = tpu.memref_slice %arg14[%add3A_6, %dma_wait3A] : memref<10240x128xf32, #tpu.memory_space<vmem_shared>> -> memref<128x128xf32, #tpu.memory_space<vmem_shared>>
      %dma_wait3A_39 = arith.constant 0 : i32
      %dma_wait3A_40 = tpu.memref_slice %arg14[%add3A_6, %dma_wait3A_39] : memref<10240x128xf32, #tpu.memory_space<vmem_shared>> -> memref<128x128xf32, #tpu.memory_space<vmem_shared>>
      tpu.wait_dma2 semaphore(%run_scoped3A : memref<!tpu.dma_semaphore, #tpu.memory_space<semaphore_mem>>) src(%arg10 : memref<128x128xf32, #tpu.memory_space<vmem>>) dst(%dma_wait3A_40 : memref<128x128xf32, #tpu.memory_space<vmem_shared>>)
      tpu.yield
    }) : () -> ()
    %mul3A_7 = arith.constant 640 : i32
    %mul3A_8 = arith.muli %arg1, %mul3A_7 : i32
    %add3A_9 = arith.constant 128 : i32
    %add3A_10 = arith.addi %mul3A_8, %add3A_9 : i32
    "tpu.region"() ({
      %run_scoped3A = tpu.sem_alloc : memref<!tpu.dma_semaphore, #tpu.memory_space<semaphore_mem>>
      %dma_start3A = arith.constant 0 : i32
      %dma_start3A_35 = tpu.memref_slice %arg14[%add3A_10, %dma_start3A] : memref<10240x128xf32, #tpu.memory_space<vmem_shared>> -> memref<128x128xf32, #tpu.memory_space<vmem_shared>>
      %dma_start3A_36 = arith.constant 0 : i32
      %dma_start3A_37 = tpu.memref_slice %arg14[%add3A_10, %dma_start3A_36] : memref<10240x128xf32, #tpu.memory_space<vmem_shared>> -> memref<128x128xf32, #tpu.memory_space<vmem_shared>>
      tpu.enqueue_dma source(%arg10 : memref<128x128xf32, #tpu.memory_space<vmem>>) target(%dma_start3A_37 : memref<128x128xf32, #tpu.memory_space<vmem_shared>>) target_semaphore(%run_scoped3A : memref<!tpu.dma_semaphore, #tpu.memory_space<semaphore_mem>>)
      %dma_wait3A = arith.constant 0 : i32
      %dma_wait3A_38 = tpu.memref_slice %arg14[%add3A_10, %dma_wait3A] : memref<10240x128xf32, #tpu.memory_space<vmem_shared>> -> memref<128x128xf32, #tpu.memory_space<vmem_shared>>
      %dma_wait3A_39 = arith.constant 0 : i32
      %dma_wait3A_40 = tpu.memref_slice %arg14[%add3A_10, %dma_wait3A_39] : memref<10240x128xf32, #tpu.memory_space<vmem_shared>> -> memref<128x128xf32, #tpu.memory_space<vmem_shared>>
      tpu.wait_dma2 semaphore(%run_scoped3A : memref<!tpu.dma_semaphore, #tpu.memory_space<semaphore_mem>>) src(%arg10 : memref<128x128xf32, #tpu.memory_space<vmem>>) dst(%dma_wait3A_40 : memref<128x128xf32, #tpu.memory_space<vmem_shared>>)
      tpu.yield
    }) : () -> ()
    %mul3A_11 = arith.constant 640 : i32
    %mul3A_12 = arith.muli %arg1, %mul3A_11 : i32
    %add3A_13 = arith.constant 256 : i32
    %add3A_14 = arith.addi %mul3A_12, %add3A_13 : i32
    "tpu.region"() ({
      %run_scoped3A = tpu.sem_alloc : memref<!tpu.dma_semaphore, #tpu.memory_space<semaphore_mem>>
      %dma_start3A = arith.constant 0 : i32
      %dma_start3A_35 = tpu.memref_slice %arg14[%add3A_14, %dma_start3A] : memref<10240x128xf32, #tpu.memory_space<vmem_shared>> -> memref<128x128xf32, #tpu.memory_space<vmem_shared>>
      %dma_start3A_36 = arith.constant 0 : i32
      %dma_start3A_37 = tpu.memref_slice %arg14[%add3A_14, %dma_start3A_36] : memref<10240x128xf32, #tpu.memory_space<vmem_shared>> -> memref<128x128xf32, #tpu.memory_space<vmem_shared>>
      tpu.enqueue_dma source(%arg10 : memref<128x128xf32, #tpu.memory_space<vmem>>) target(%dma_start3A_37 : memref<128x128xf32, #tpu.memory_space<vmem_shared>>) target_semaphore(%run_scoped3A : memref<!tpu.dma_semaphore, #tpu.memory_space<semaphore_mem>>)
      %dma_wait3A = arith.constant 0 : i32
      %dma_wait3A_38 = tpu.memref_slice %arg14[%add3A_14, %dma_wait3A] : memref<10240x128xf32, #tpu.memory_space<vmem_shared>> -> memref<128x128xf32, #tpu.memory_space<vmem_shared>>
      %dma_wait3A_39 = arith.constant 0 : i32
      %dma_wait3A_40 = tpu.memref_slice %arg14[%add3A_14, %dma_wait3A_39] : memref<10240x128xf32, #tpu.memory_space<vmem_shared>> -> memref<128x128xf32, #tpu.memory_space<vmem_shared>>
      tpu.wait_dma2 semaphore(%run_scoped3A : memref<!tpu.dma_semaphore, #tpu.memory_space<semaphore_mem>>) src(%arg10 : memref<128x128xf32, #tpu.memory_space<vmem>>) dst(%dma_wait3A_40 : memref<128x128xf32, #tpu.memory_space<vmem_shared>>)
      tpu.yield
    }) : () -> ()
    %mul3A_15 = arith.constant 640 : i32
    %mul3A_16 = arith.muli %arg1, %mul3A_15 : i32
    %add3A_17 = arith.constant 384 : i32
    %add3A_18 = arith.addi %mul3A_16, %add3A_17 : i32
    "tpu.region"() ({
      %run_scoped3A = tpu.sem_alloc : memref<!tpu.dma_semaphore, #tpu.memory_space<semaphore_mem>>
      %dma_start3A = arith.constant 0 : i32
      %dma_start3A_35 = tpu.memref_slice %arg14[%add3A_18, %dma_start3A] : memref<10240x128xf32, #tpu.memory_space<vmem_shared>> -> memref<128x128xf32, #tpu.memory_space<vmem_shared>>
      %dma_start3A_36 = arith.constant 0 : i32
      %dma_start3A_37 = tpu.memref_slice %arg14[%add3A_18, %dma_start3A_36] : memref<10240x128xf32, #tpu.memory_space<vmem_shared>> -> memref<128x128xf32, #tpu.memory_space<vmem_shared>>
      tpu.enqueue_dma source(%arg10 : memref<128x128xf32, #tpu.memory_space<vmem>>) target(%dma_start3A_37 : memref<128x128xf32, #tpu.memory_space<vmem_shared>>) target_semaphore(%run_scoped3A : memref<!tpu.dma_semaphore, #tpu.memory_space<semaphore_mem>>)
      %dma_wait3A = arith.constant 0 : i32
      %dma_wait3A_38 = tpu.memref_slice %arg14[%add3A_18, %dma_wait3A] : memref<10240x128xf32, #tpu.memory_space<vmem_shared>> -> memref<128x128xf32, #tpu.memory_space<vmem_shared>>
      %dma_wait3A_39 = arith.constant 0 : i32
      %dma_wait3A_40 = tpu.memref_slice %arg14[%add3A_18, %dma_wait3A_39] : memref<10240x128xf32, #tpu.memory_space<vmem_shared>> -> memref<128x128xf32, #tpu.memory_space<vmem_shared>>
      tpu.wait_dma2 semaphore(%run_scoped3A : memref<!tpu.dma_semaphore, #tpu.memory_space<semaphore_mem>>) src(%arg10 : memref<128x128xf32, #tpu.memory_space<vmem>>) dst(%dma_wait3A_40 : memref<128x128xf32, #tpu.memory_space<vmem_shared>>)
      tpu.yield
    }) : () -> ()
    %mul3A_19 = arith.constant 640 : i32
    %mul3A_20 = arith.muli %arg1, %mul3A_19 : i32
    %add3A_21 = arith.constant 512 : i32
    %add3A_22 = arith.addi %mul3A_20, %add3A_21 : i32
    "tpu.region"() ({
      %run_scoped3A = tpu.sem_alloc : memref<!tpu.dma_semaphore, #tpu.memory_space<semaphore_mem>>
      %dma_start3A = arith.constant 0 : i32
      %dma_start3A_35 = tpu.memref_slice %arg14[%add3A_22, %dma_start3A] : memref<10240x128xf32, #tpu.memory_space<vmem_shared>> -> memref<128x128xf32, #tpu.memory_space<vmem_shared>>
      %dma_start3A_36 = arith.constant 0 : i32
      %dma_start3A_37 = tpu.memref_slice %arg14[%add3A_22, %dma_start3A_36] : memref<10240x128xf32, #tpu.memory_space<vmem_shared>> -> memref<128x128xf32, #tpu.memory_space<vmem_shared>>
      tpu.enqueue_dma source(%arg10 : memref<128x128xf32, #tpu.memory_space<vmem>>) target(%dma_start3A_37 : memref<128x128xf32, #tpu.memory_space<vmem_shared>>) target_semaphore(%run_scoped3A : memref<!tpu.dma_semaphore, #tpu.memory_space<semaphore_mem>>)
      %dma_wait3A = arith.constant 0 : i32
      %dma_wait3A_38 = tpu.memref_slice %arg14[%add3A_22, %dma_wait3A] : memref<10240x128xf32, #tpu.memory_space<vmem_shared>> -> memref<128x128xf32, #tpu.memory_space<vmem_shared>>
      %dma_wait3A_39 = arith.constant 0 : i32
      %dma_wait3A_40 = tpu.memref_slice %arg14[%add3A_22, %dma_wait3A_39] : memref<10240x128xf32, #tpu.memory_space<vmem_shared>> -> memref<128x128xf32, #tpu.memory_space<vmem_shared>>
      tpu.wait_dma2 semaphore(%run_scoped3A : memref<!tpu.dma_semaphore, #tpu.memory_space<semaphore_mem>>) src(%arg10 : memref<128x128xf32, #tpu.memory_space<vmem>>) dst(%dma_wait3A_40 : memref<128x128xf32, #tpu.memory_space<vmem_shared>>)
      tpu.yield
    }) : () -> ()
    "tpu.trace_stop"() : () -> ()
    %barrier3A = arith.constant 0 : index
    tpu.barrier barrier_id(%barrier3A)
    %eq3A = arith.constant 0 : i32
    "tpu.trace_start"() <{level = 10 : i32, message = "agg_ring"}> : () -> ()
    %eq3A_23 = arith.cmpi eq, %arg0, %eq3A : i32
    %convert_element_type3A = arith.extui %eq3A_23 : i1 to i32
    %cond3A = arith.constant 0 : i32
    %cond3A_24 = arith.cmpi ne, %convert_element_type3A, %cond3A : i32
    scf.if %cond3A_24 {
      "tpu.region"() ({
        %run_scoped3A = tpu.sem_alloc : memref<!tpu.dma_semaphore, #tpu.memory_space<semaphore_mem>>
        %dma_start3A_72 = arith.constant 0 : i32
        %dma_start3A_73 = arith.constant 0 : i32
        %dma_start3A_74 = tpu.memref_slice %arg3[%arg1, %dma_start3A_72, %dma_start3A_73] : memref<16x80x128xi32, #tpu.memory_space<hbm>> -> memref<1x40x128xi32, #tpu.memory_space<hbm>>
        %dma_start3A_75 = tpu.memref_squeeze %dma_start3A_74 : memref<1x40x128xi32, #tpu.memory_space<hbm>> -> memref<40x128xi32, #tpu.memory_space<hbm>>
        %dma_start3A_76 = arith.constant 0 : i32
        %dma_start3A_77 = arith.constant 0 : i32
        %dma_start3A_78 = tpu.memref_slice %arg3[%arg1, %dma_start3A_76, %dma_start3A_77] : memref<16x80x128xi32, #tpu.memory_space<hbm>> -> memref<1x40x128xi32, #tpu.memory_space<hbm>>
        %dma_start3A_79 = tpu.memref_squeeze %dma_start3A_78 : memref<1x40x128xi32, #tpu.memory_space<hbm>> -> memref<40x128xi32, #tpu.memory_space<hbm>>
        tpu.enqueue_dma source(%dma_start3A_79 : memref<40x128xi32, #tpu.memory_space<hbm>>) target(%arg8 : memref<40x128xi32, #tpu.memory_space<vmem>>) target_semaphore(%run_scoped3A : memref<!tpu.dma_semaphore, #tpu.memory_space<semaphore_mem>>)
        %dma_wait3A = arith.constant 0 : i32
        %dma_wait3A_80 = arith.constant 0 : i32
        %dma_wait3A_81 = tpu.memref_slice %arg3[%arg1, %dma_wait3A, %dma_wait3A_80] : memref<16x80x128xi32, #tpu.memory_space<hbm>> -> memref<1x40x128xi32, #tpu.memory_space<hbm>>
        %dma_wait3A_82 = tpu.memref_squeeze %dma_wait3A_81 : memref<1x40x128xi32, #tpu.memory_space<hbm>> -> memref<40x128xi32, #tpu.memory_space<hbm>>
        %dma_wait3A_83 = arith.constant 0 : i32
        %dma_wait3A_84 = arith.constant 0 : i32
        %dma_wait3A_85 = tpu.memref_slice %arg3[%arg1, %dma_wait3A_83, %dma_wait3A_84] : memref<16x80x128xi32, #tpu.memory_space<hbm>> -> memref<1x40x128xi32, #tpu.memory_space<hbm>>
        %dma_wait3A_86 = tpu.memref_squeeze %dma_wait3A_85 : memref<1x40x128xi32, #tpu.memory_space<hbm>> -> memref<40x128xi32, #tpu.memory_space<hbm>>
        tpu.wait_dma2 semaphore(%run_scoped3A : memref<!tpu.dma_semaphore, #tpu.memory_space<semaphore_mem>>) src(%dma_wait3A_86 : memref<40x128xi32, #tpu.memory_space<hbm>>) dst(%arg8 : memref<40x128xi32, #tpu.memory_space<vmem>>)
        tpu.yield
      }) : () -> ()
      "tpu.region"() ({
        %run_scoped3A = tpu.sem_alloc : memref<!tpu.dma_semaphore, #tpu.memory_space<semaphore_mem>>
        %dma_start3A_72 = arith.constant 0 : i32
        %dma_start3A_73 = arith.constant 0 : i32
        %dma_start3A_74 = tpu.memref_slice %arg4[%arg1, %dma_start3A_72, %dma_start3A_73] : memref<16x80x128xi32, #tpu.memory_space<hbm>> -> memref<1x40x128xi32, #tpu.memory_space<hbm>>
        %dma_start3A_75 = tpu.memref_squeeze %dma_start3A_74 : memref<1x40x128xi32, #tpu.memory_space<hbm>> -> memref<40x128xi32, #tpu.memory_space<hbm>>
        %dma_start3A_76 = arith.constant 0 : i32
        %dma_start3A_77 = arith.constant 0 : i32
        %dma_start3A_78 = tpu.memref_slice %arg4[%arg1, %dma_start3A_76, %dma_start3A_77] : memref<16x80x128xi32, #tpu.memory_space<hbm>> -> memref<1x40x128xi32, #tpu.memory_space<hbm>>
        %dma_start3A_79 = tpu.memref_squeeze %dma_start3A_78 : memref<1x40x128xi32, #tpu.memory_space<hbm>> -> memref<40x128xi32, #tpu.memory_space<hbm>>
        tpu.enqueue_dma source(%dma_start3A_79 : memref<40x128xi32, #tpu.memory_space<hbm>>) target(%arg9 : memref<40x128xi32, #tpu.memory_space<vmem>>) target_semaphore(%run_scoped3A : memref<!tpu.dma_semaphore, #tpu.memory_space<semaphore_mem>>)
        %dma_wait3A = arith.constant 0 : i32
        %dma_wait3A_80 = arith.constant 0 : i32
        %dma_wait3A_81 = tpu.memref_slice %arg4[%arg1, %dma_wait3A, %dma_wait3A_80] : memref<16x80x128xi32, #tpu.memory_space<hbm>> -> memref<1x40x128xi32, #tpu.memory_space<hbm>>
        %dma_wait3A_82 = tpu.memref_squeeze %dma_wait3A_81 : memref<1x40x128xi32, #tpu.memory_space<hbm>> -> memref<40x128xi32, #tpu.memory_space<hbm>>
        %dma_wait3A_83 = arith.constant 0 : i32
        %dma_wait3A_84 = arith.constant 0 : i32
        %dma_wait3A_85 = tpu.memref_slice %arg4[%arg1, %dma_wait3A_83, %dma_wait3A_84] : memref<16x80x128xi32, #tpu.memory_space<hbm>> -> memref<1x40x128xi32, #tpu.memory_space<hbm>>
        %dma_wait3A_86 = tpu.memref_squeeze %dma_wait3A_85 : memref<1x40x128xi32, #tpu.memory_space<hbm>> -> memref<40x128xi32, #tpu.memory_space<hbm>>
        tpu.wait_dma2 semaphore(%run_scoped3A : memref<!tpu.dma_semaphore, #tpu.memory_space<semaphore_mem>>) src(%dma_wait3A_86 : memref<40x128xi32, #tpu.memory_space<hbm>>) dst(%arg9 : memref<40x128xi32, #tpu.memory_space<vmem>>)
        tpu.yield
      }) : () -> ()
      %dma_start3A = arith.constant 0 : i32
      %dma_start3A_35 = arith.constant 0 : i32
      %dma_start3A_36 = tpu.memref_slice %arg8[%dma_start3A, %dma_start3A_35] : memref<40x128xi32, #tpu.memory_space<vmem>> -> memref<1x128xi32, #tpu.memory_space<vmem>>
      %dma_start3A_37 = tpu.memref_squeeze %dma_start3A_36 : memref<1x128xi32, #tpu.memory_space<vmem>> -> memref<128xi32, #tpu.memory_space<vmem>>
      %dma_start3A_38 = arith.constant 0 : i32
      %dma_start3A_39 = arith.constant 0 : i32
      %dma_start3A_40 = tpu.memref_slice %arg2[%dma_start3A_38, %dma_start3A_39] : memref<10000x128xf32, #tpu.memory_space<hbm>> -> memref<10000x128xf32, #tpu.memory_space<hbm>>
      tpu.enqueue_indirect_dma source(%dma_start3A_40 : memref<10000x128xf32, #tpu.memory_space<hbm>>) target(%arg10 : memref<128x128xf32, #tpu.memory_space<vmem>>) offsets(%dma_start3A_37 : memref<128xi32, #tpu.memory_space<vmem>>) semaphore(%arg12 : memref<!tpu.dma_semaphore, #tpu.memory_space<semaphore_mem>>)
      %dma_start3A_41 = arith.constant 1 : i32
      %dma_start3A_42 = arith.constant 0 : i32
      %dma_start3A_43 = tpu.memref_slice %arg8[%dma_start3A_41, %dma_start3A_42] : memref<40x128xi32, #tpu.memory_space<vmem>> -> memref<1x128xi32, #tpu.memory_space<vmem>>
      %dma_start3A_44 = tpu.memref_squeeze %dma_start3A_43 : memref<1x128xi32, #tpu.memory_space<vmem>> -> memref<128xi32, #tpu.memory_space<vmem>>
      %dma_start3A_45 = arith.constant 0 : i32
      %dma_start3A_46 = arith.constant 0 : i32
      %dma_start3A_47 = tpu.memref_slice %arg2[%dma_start3A_45, %dma_start3A_46] : memref<10000x128xf32, #tpu.memory_space<hbm>> -> memref<10000x128xf32, #tpu.memory_space<hbm>>
      tpu.enqueue_indirect_dma source(%dma_start3A_47 : memref<10000x128xf32, #tpu.memory_space<hbm>>) target(%arg11 : memref<128x128xf32, #tpu.memory_space<vmem>>) offsets(%dma_start3A_44 : memref<128xi32, #tpu.memory_space<vmem>>) semaphore(%arg13 : memref<!tpu.dma_semaphore, #tpu.memory_space<semaphore_mem>>)
      %scan3A_48 = arith.constant 0 : i32
      %scan3A_49 = arith.constant 20 : i32
      %scan3A_50 = arith.addi %scan3A_48, %scan3A_49 : i32
      %scan3A_51 = arith.constant 1 : i32
      scf.for %scan3A_72 = %scan3A_48 to %scan3A_50 step %scan3A_51  : i32 {
        %mul3A_73 = arith.constant 2 : i32
        %mul3A_74 = arith.muli %scan3A_72, %mul3A_73 : i32
        %add3A_75 = arith.constant 0 : i32
        %add3A_76 = arith.addi %add3A_75, %mul3A_74 : i32
        %add3A_77 = arith.constant 0 : i32
        %add3A_78 = arith.addi %add3A_76, %add3A_77 : i32
        %dma_wait3A = arith.constant 0 : i32
        %dma_wait3A_79 = tpu.memref_slice %arg8[%add3A_78, %dma_wait3A] : memref<40x128xi32, #tpu.memory_space<vmem>> -> memref<1x128xi32, #tpu.memory_space<vmem>>
        %dma_wait3A_80 = tpu.memref_squeeze %dma_wait3A_79 : memref<1x128xi32, #tpu.memory_space<vmem>> -> memref<128xi32, #tpu.memory_space<vmem>>
        %dma_wait3A_81 = arith.constant 0 : i32
        %dma_wait3A_82 = arith.constant 0 : i32
        %dma_wait3A_83 = tpu.memref_slice %arg2[%dma_wait3A_81, %dma_wait3A_82] : memref<10000x128xf32, #tpu.memory_space<hbm>> -> memref<10000x128xf32, #tpu.memory_space<hbm>>
        tpu.wait_indirect_dma semaphore(%arg12 : memref<!tpu.dma_semaphore, #tpu.memory_space<semaphore_mem>>) src(%dma_wait3A_83 : memref<10000x128xf32, #tpu.memory_space<hbm>>) dst(%arg10 : memref<128x128xf32, #tpu.memory_space<vmem>>)
        "tpu.region"() ({
          %run_scoped3A = tpu.sem_alloc : memref<!tpu.dma_semaphore, #tpu.memory_space<semaphore_mem>>
          %dma_start3A_105 = arith.constant 0 : i32
          %dma_start3A_106 = tpu.memref_slice %arg9[%add3A_78, %dma_start3A_105] : memref<40x128xi32, #tpu.memory_space<vmem>> -> memref<1x128xi32, #tpu.memory_space<vmem>>
          %dma_start3A_107 = tpu.memref_squeeze %dma_start3A_106 : memref<1x128xi32, #tpu.memory_space<vmem>> -> memref<128xi32, #tpu.memory_space<vmem>>
          %dma_start3A_108 = arith.constant 0 : i32
          %dma_start3A_109 = arith.constant 0 : i32
          %dma_start3A_110 = tpu.memref_slice %arg14[%dma_start3A_108, %dma_start3A_109] : memref<10240x128xf32, #tpu.memory_space<vmem_shared>> -> memref<10240x128xf32, #tpu.memory_space<vmem_shared>>
          tpu.enqueue_indirect_dma source(%arg10 : memref<128x128xf32, #tpu.memory_space<vmem>>) target(%dma_start3A_110 : memref<10240x128xf32, #tpu.memory_space<vmem_shared>>) offsets(%dma_start3A_107 : memref<128xi32, #tpu.memory_space<vmem>>) semaphore(%run_scoped3A : memref<!tpu.dma_semaphore, #tpu.memory_space<semaphore_mem>>) {add = true}
          %dma_wait3A_111 = arith.constant 0 : i32
          %dma_wait3A_112 = tpu.memref_slice %arg9[%add3A_78, %dma_wait3A_111] : memref<40x128xi32, #tpu.memory_space<vmem>> -> memref<1x128xi32, #tpu.memory_space<vmem>>
          %dma_wait3A_113 = tpu.memref_squeeze %dma_wait3A_112 : memref<1x128xi32, #tpu.memory_space<vmem>> -> memref<128xi32, #tpu.memory_space<vmem>>
          %dma_wait3A_114 = arith.constant 0 : i32
          %dma_wait3A_115 = arith.constant 0 : i32
          %dma_wait3A_116 = tpu.memref_slice %arg14[%dma_wait3A_114, %dma_wait3A_115] : memref<10240x128xf32, #tpu.memory_space<vmem_shared>> -> memref<10240x128xf32, #tpu.memory_space<vmem_shared>>
          tpu.wait_indirect_dma semaphore(%run_scoped3A : memref<!tpu.dma_semaphore, #tpu.memory_space<semaphore_mem>>) src(%arg10 : memref<128x128xf32, #tpu.memory_space<vmem>>) dst(%dma_wait3A_116 : memref<10240x128xf32, #tpu.memory_space<vmem_shared>>)
          tpu.yield
        }) : () -> ()
        %add3A_84 = arith.constant 2 : i32
        %add3A_85 = arith.addi %add3A_78, %add3A_84 : i32
        %lt3A = arith.constant 40 : i32
        %lt3A_86 = arith.cmpi slt, %add3A_85, %lt3A : i32
        %convert_element_type3A_87 = arith.extui %lt3A_86 : i1 to i32
        %cond3A_88 = arith.constant 0 : i32
        %cond3A_89 = arith.cmpi ne, %convert_element_type3A_87, %cond3A_88 : i32
        scf.if %cond3A_89 {
          %add3A_105 = arith.constant 2 : i32
          %add3A_106 = arith.addi %add3A_78, %add3A_105 : i32
          %dma_start3A_107 = arith.constant 0 : i32
          %dma_start3A_108 = tpu.memref_slice %arg8[%add3A_106, %dma_start3A_107] : memref<40x128xi32, #tpu.memory_space<vmem>> -> memref<1x128xi32, #tpu.memory_space<vmem>>
          %dma_start3A_109 = tpu.memref_squeeze %dma_start3A_108 : memref<1x128xi32, #tpu.memory_space<vmem>> -> memref<128xi32, #tpu.memory_space<vmem>>
          %dma_start3A_110 = arith.constant 0 : i32
          %dma_start3A_111 = arith.constant 0 : i32
          %dma_start3A_112 = tpu.memref_slice %arg2[%dma_start3A_110, %dma_start3A_111] : memref<10000x128xf32, #tpu.memory_space<hbm>> -> memref<10000x128xf32, #tpu.memory_space<hbm>>
          tpu.enqueue_indirect_dma source(%dma_start3A_112 : memref<10000x128xf32, #tpu.memory_space<hbm>>) target(%arg10 : memref<128x128xf32, #tpu.memory_space<vmem>>) offsets(%dma_start3A_109 : memref<128xi32, #tpu.memory_space<vmem>>) semaphore(%arg12 : memref<!tpu.dma_semaphore, #tpu.memory_space<semaphore_mem>>)
        } else {
        }
        %add3A_90 = arith.constant 1 : i32
        %add3A_91 = arith.addi %add3A_76, %add3A_90 : i32
        %dma_wait3A_92 = arith.constant 0 : i32
        %dma_wait3A_93 = tpu.memref_slice %arg8[%add3A_91, %dma_wait3A_92] : memref<40x128xi32, #tpu.memory_space<vmem>> -> memref<1x128xi32, #tpu.memory_space<vmem>>
        %dma_wait3A_94 = tpu.memref_squeeze %dma_wait3A_93 : memref<1x128xi32, #tpu.memory_space<vmem>> -> memref<128xi32, #tpu.memory_space<vmem>>
        %dma_wait3A_95 = arith.constant 0 : i32
        %dma_wait3A_96 = arith.constant 0 : i32
        %dma_wait3A_97 = tpu.memref_slice %arg2[%dma_wait3A_95, %dma_wait3A_96] : memref<10000x128xf32, #tpu.memory_space<hbm>> -> memref<10000x128xf32, #tpu.memory_space<hbm>>
        tpu.wait_indirect_dma semaphore(%arg13 : memref<!tpu.dma_semaphore, #tpu.memory_space<semaphore_mem>>) src(%dma_wait3A_97 : memref<10000x128xf32, #tpu.memory_space<hbm>>) dst(%arg11 : memref<128x128xf32, #tpu.memory_space<vmem>>)
        "tpu.region"() ({
          %run_scoped3A = tpu.sem_alloc : memref<!tpu.dma_semaphore, #tpu.memory_space<semaphore_mem>>
          %dma_start3A_105 = arith.constant 0 : i32
          %dma_start3A_106 = tpu.memref_slice %arg9[%add3A_91, %dma_start3A_105] : memref<40x128xi32, #tpu.memory_space<vmem>> -> memref<1x128xi32, #tpu.memory_space<vmem>>
          %dma_start3A_107 = tpu.memref_squeeze %dma_start3A_106 : memref<1x128xi32, #tpu.memory_space<vmem>> -> memref<128xi32, #tpu.memory_space<vmem>>
          %dma_start3A_108 = arith.constant 0 : i32
          %dma_start3A_109 = arith.constant 0 : i32
          %dma_start3A_110 = tpu.memref_slice %arg14[%dma_start3A_108, %dma_start3A_109] : memref<10240x128xf32, #tpu.memory_space<vmem_shared>> -> memref<10240x128xf32, #tpu.memory_space<vmem_shared>>
          tpu.enqueue_indirect_dma source(%arg11 : memref<128x128xf32, #tpu.memory_space<vmem>>) target(%dma_start3A_110 : memref<10240x128xf32, #tpu.memory_space<vmem_shared>>) offsets(%dma_start3A_107 : memref<128xi32, #tpu.memory_space<vmem>>) semaphore(%run_scoped3A : memref<!tpu.dma_semaphore, #tpu.memory_space<semaphore_mem>>) {add = true}
          %dma_wait3A_111 = arith.constant 0 : i32
          %dma_wait3A_112 = tpu.memref_slice %arg9[%add3A_91, %dma_wait3A_111] : memref<40x128xi32, #tpu.memory_space<vmem>> -> memref<1x128xi32, #tpu.memory_space<vmem>>
          %dma_wait3A_113 = tpu.memref_squeeze %dma_wait3A_112 : memref<1x128xi32, #tpu.memory_space<vmem>> -> memref<128xi32, #tpu.memory_space<vmem>>
          %dma_wait3A_114 = arith.constant 0 : i32
          %dma_wait3A_115 = arith.constant 0 : i32
          %dma_wait3A_116 = tpu.memref_slice %arg14[%dma_wait3A_114, %dma_wait3A_115] : memref<10240x128xf32, #tpu.memory_space<vmem_shared>> -> memref<10240x128xf32, #tpu.memory_space<vmem_shared>>
          tpu.wait_indirect_dma semaphore(%run_scoped3A : memref<!tpu.dma_semaphore, #tpu.memory_space<semaphore_mem>>) src(%arg11 : memref<128x128xf32, #tpu.memory_space<vmem>>) dst(%dma_wait3A_116 : memref<10240x128xf32, #tpu.memory_space<vmem_shared>>)
          tpu.yield
        }) : () -> ()
        %add3A_98 = arith.constant 2 : i32
        %add3A_99 = arith.addi %add3A_91, %add3A_98 : i32
        %lt3A_100 = arith.constant 40 : i32
        %lt3A_101 = arith.cmpi slt, %add3A_99, %lt3A_100 : i32
        %convert_element_type3A_102 = arith.extui %lt3A_101 : i1 to i32
        %cond3A_103 = arith.constant 0 : i32
        %cond3A_104 = arith.cmpi ne, %convert_element_type3A_102, %cond3A_103 : i32
        scf.if %cond3A_104 {
          %add3A_105 = arith.constant 2 : i32
          %add3A_106 = arith.addi %add3A_91, %add3A_105 : i32
          %dma_start3A_107 = arith.constant 0 : i32
          %dma_start3A_108 = tpu.memref_slice %arg8[%add3A_106, %dma_start3A_107] : memref<40x128xi32, #tpu.memory_space<vmem>> -> memref<1x128xi32, #tpu.memory_space<vmem>>
          %dma_start3A_109 = tpu.memref_squeeze %dma_start3A_108 : memref<1x128xi32, #tpu.memory_space<vmem>> -> memref<128xi32, #tpu.memory_space<vmem>>
          %dma_start3A_110 = arith.constant 0 : i32
          %dma_start3A_111 = arith.constant 0 : i32
          %dma_start3A_112 = tpu.memref_slice %arg2[%dma_start3A_110, %dma_start3A_111] : memref<10000x128xf32, #tpu.memory_space<hbm>> -> memref<10000x128xf32, #tpu.memory_space<hbm>>
          tpu.enqueue_indirect_dma source(%dma_start3A_112 : memref<10000x128xf32, #tpu.memory_space<hbm>>) target(%arg11 : memref<128x128xf32, #tpu.memory_space<vmem>>) offsets(%dma_start3A_109 : memref<128xi32, #tpu.memory_space<vmem>>) semaphore(%arg13 : memref<!tpu.dma_semaphore, #tpu.memory_space<semaphore_mem>>)
        } else {
        }
      }
      %scan3A_52 = arith.constant 20 : i32
      "tpu.region"() ({
        %run_scoped3A = tpu.sem_alloc : memref<!tpu.dma_semaphore, #tpu.memory_space<semaphore_mem>>
        %dma_start3A_72 = arith.constant 40 : i32
        %dma_start3A_73 = arith.constant 0 : i32
        %dma_start3A_74 = tpu.memref_slice %arg3[%arg1, %dma_start3A_72, %dma_start3A_73] : memref<16x80x128xi32, #tpu.memory_space<hbm>> -> memref<1x40x128xi32, #tpu.memory_space<hbm>>
        %dma_start3A_75 = tpu.memref_squeeze %dma_start3A_74 : memref<1x40x128xi32, #tpu.memory_space<hbm>> -> memref<40x128xi32, #tpu.memory_space<hbm>>
        %dma_start3A_76 = arith.constant 40 : i32
        %dma_start3A_77 = arith.constant 0 : i32
        %dma_start3A_78 = tpu.memref_slice %arg3[%arg1, %dma_start3A_76, %dma_start3A_77] : memref<16x80x128xi32, #tpu.memory_space<hbm>> -> memref<1x40x128xi32, #tpu.memory_space<hbm>>
        %dma_start3A_79 = tpu.memref_squeeze %dma_start3A_78 : memref<1x40x128xi32, #tpu.memory_space<hbm>> -> memref<40x128xi32, #tpu.memory_space<hbm>>
        tpu.enqueue_dma source(%dma_start3A_79 : memref<40x128xi32, #tpu.memory_space<hbm>>) target(%arg8 : memref<40x128xi32, #tpu.memory_space<vmem>>) target_semaphore(%run_scoped3A : memref<!tpu.dma_semaphore, #tpu.memory_space<semaphore_mem>>)
        %dma_wait3A = arith.constant 40 : i32
        %dma_wait3A_80 = arith.constant 0 : i32
        %dma_wait3A_81 = tpu.memref_slice %arg3[%arg1, %dma_wait3A, %dma_wait3A_80] : memref<16x80x128xi32, #tpu.memory_space<hbm>> -> memref<1x40x128xi32, #tpu.memory_space<hbm>>
        %dma_wait3A_82 = tpu.memref_squeeze %dma_wait3A_81 : memref<1x40x128xi32, #tpu.memory_space<hbm>> -> memref<40x128xi32, #tpu.memory_space<hbm>>
        %dma_wait3A_83 = arith.constant 40 : i32
        %dma_wait3A_84 = arith.constant 0 : i32
        %dma_wait3A_85 = tpu.memref_slice %arg3[%arg1, %dma_wait3A_83, %dma_wait3A_84] : memref<16x80x128xi32, #tpu.memory_space<hbm>> -> memref<1x40x128xi32, #tpu.memory_space<hbm>>
        %dma_wait3A_86 = tpu.memref_squeeze %dma_wait3A_85 : memref<1x40x128xi32, #tpu.memory_space<hbm>> -> memref<40x128xi32, #tpu.memory_space<hbm>>
        tpu.wait_dma2 semaphore(%run_scoped3A : memref<!tpu.dma_semaphore, #tpu.memory_space<semaphore_mem>>) src(%dma_wait3A_86 : memref<40x128xi32, #tpu.memory_space<hbm>>) dst(%arg8 : memref<40x128xi32, #tpu.memory_space<vmem>>)
        tpu.yield
      }) : () -> ()
      "tpu.region"() ({
        %run_scoped3A = tpu.sem_alloc : memref<!tpu.dma_semaphore, #tpu.memory_space<semaphore_mem>>
        %dma_start3A_72 = arith.constant 40 : i32
        %dma_start3A_73 = arith.constant 0 : i32
        %dma_start3A_74 = tpu.memref_slice %arg4[%arg1, %dma_start3A_72, %dma_start3A_73] : memref<16x80x128xi32, #tpu.memory_space<hbm>> -> memref<1x40x128xi32, #tpu.memory_space<hbm>>
        %dma_start3A_75 = tpu.memref_squeeze %dma_start3A_74 : memref<1x40x128xi32, #tpu.memory_space<hbm>> -> memref<40x128xi32, #tpu.memory_space<hbm>>
        %dma_start3A_76 = arith.constant 40 : i32
        %dma_start3A_77 = arith.constant 0 : i32
        %dma_start3A_78 = tpu.memref_slice %arg4[%arg1, %dma_start3A_76, %dma_start3A_77] : memref<16x80x128xi32, #tpu.memory_space<hbm>> -> memref<1x40x128xi32, #tpu.memory_space<hbm>>
        %dma_start3A_79 = tpu.memref_squeeze %dma_start3A_78 : memref<1x40x128xi32, #tpu.memory_space<hbm>> -> memref<40x128xi32, #tpu.memory_space<hbm>>
        tpu.enqueue_dma source(%dma_start3A_79 : memref<40x128xi32, #tpu.memory_space<hbm>>) target(%arg9 : memref<40x128xi32, #tpu.memory_space<vmem>>) target_semaphore(%run_scoped3A : memref<!tpu.dma_semaphore, #tpu.memory_space<semaphore_mem>>)
        %dma_wait3A = arith.constant 40 : i32
        %dma_wait3A_80 = arith.constant 0 : i32
        %dma_wait3A_81 = tpu.memref_slice %arg4[%arg1, %dma_wait3A, %dma_wait3A_80] : memref<16x80x128xi32, #tpu.memory_space<hbm>> -> memref<1x40x128xi32, #tpu.memory_space<hbm>>
        %dma_wait3A_82 = tpu.memref_squeeze %dma_wait3A_81 : memref<1x40x128xi32, #tpu.memory_space<hbm>> -> memref<40x128xi32, #tpu.memory_space<hbm>>
        %dma_wait3A_83 = arith.constant 40 : i32
        %dma_wait3A_84 = arith.constant 0 : i32
        %dma_wait3A_85 = tpu.memref_slice %arg4[%arg1, %dma_wait3A_83, %dma_wait3A_84] : memref<16x80x128xi32, #tpu.memory_space<hbm>> -> memref<1x40x128xi32, #tpu.memory_space<hbm>>
        %dma_wait3A_86 = tpu.memref_squeeze %dma_wait3A_85 : memref<1x40x128xi32, #tpu.memory_space<hbm>> -> memref<40x128xi32, #tpu.memory_space<hbm>>
        tpu.wait_dma2 semaphore(%run_scoped3A : memref<!tpu.dma_semaphore, #tpu.memory_space<semaphore_mem>>) src(%dma_wait3A_86 : memref<40x128xi32, #tpu.memory_space<hbm>>) dst(%arg9 : memref<40x128xi32, #tpu.memory_space<vmem>>)
        tpu.yield
      }) : () -> ()
      %dma_start3A_53 = arith.constant 0 : i32
      %dma_start3A_54 = arith.constant 0 : i32
      %dma_start3A_55 = tpu.memref_slice %arg8[%dma_start3A_53, %dma_start3A_54] : memref<40x128xi32, #tpu.memory_space<vmem>> -> memref<1x128xi32, #tpu.memory_space<vmem>>
      %dma_start3A_56 = tpu.memref_squeeze %dma_start3A_55 : memref<1x128xi32, #tpu.memory_space<vmem>> -> memref<128xi32, #tpu.memory_space<vmem>>
      %dma_start3A_57 = arith.constant 0 : i32
      %dma_start3A_58 = arith.constant 0 : i32
      %dma_start3A_59 = tpu.memref_slice %arg2[%dma_start3A_57, %dma_start3A_58] : memref<10000x128xf32, #tpu.memory_space<hbm>> -> memref<10000x128xf32, #tpu.memory_space<hbm>>
      tpu.enqueue_indirect_dma source(%dma_start3A_59 : memref<10000x128xf32, #tpu.memory_space<hbm>>) target(%arg10 : memref<128x128xf32, #tpu.memory_space<vmem>>) offsets(%dma_start3A_56 : memref<128xi32, #tpu.memory_space<vmem>>) semaphore(%arg12 : memref<!tpu.dma_semaphore, #tpu.memory_space<semaphore_mem>>)
      %dma_start3A_60 = arith.constant 1 : i32
      %dma_start3A_61 = arith.constant 0 : i32
      %dma_start3A_62 = tpu.memref_slice %arg8[%dma_start3A_60, %dma_start3A_61] : memref<40x128xi32, #tpu.memory_space<vmem>> -> memref<1x128xi32, #tpu.memory_space<vmem>>
      %dma_start3A_63 = tpu.memref_squeeze %dma_start3A_62 : memref<1x128xi32, #tpu.memory_space<vmem>> -> memref<128xi32, #tpu.memory_space<vmem>>
      %dma_start3A_64 = arith.constant 0 : i32
      %dma_start3A_65 = arith.constant 0 : i32
      %dma_start3A_66 = tpu.memref_slice %arg2[%dma_start3A_64, %dma_start3A_65] : memref<10000x128xf32, #tpu.memory_space<hbm>> -> memref<10000x128xf32, #tpu.memory_space<hbm>>
      tpu.enqueue_indirect_dma source(%dma_start3A_66 : memref<10000x128xf32, #tpu.memory_space<hbm>>) target(%arg11 : memref<128x128xf32, #tpu.memory_space<vmem>>) offsets(%dma_start3A_63 : memref<128xi32, #tpu.memory_space<vmem>>) semaphore(%arg13 : memref<!tpu.dma_semaphore, #tpu.memory_space<semaphore_mem>>)
      %scan3A_67 = arith.constant 0 : i32
      %scan3A_68 = arith.constant 20 : i32
      %scan3A_69 = arith.addi %scan3A_67, %scan3A_68 : i32
      %scan3A_70 = arith.constant 1 : i32
      scf.for %scan3A_72 = %scan3A_67 to %scan3A_69 step %scan3A_70  : i32 {
        %mul3A_73 = arith.constant 2 : i32
        %mul3A_74 = arith.muli %scan3A_72, %mul3A_73 : i32
        %add3A_75 = arith.constant 0 : i32
        %add3A_76 = arith.addi %add3A_75, %mul3A_74 : i32
        %add3A_77 = arith.constant 0 : i32
        %add3A_78 = arith.addi %add3A_76, %add3A_77 : i32
        %dma_wait3A = arith.constant 0 : i32
        %dma_wait3A_79 = tpu.memref_slice %arg8[%add3A_78, %dma_wait3A] : memref<40x128xi32, #tpu.memory_space<vmem>> -> memref<1x128xi32, #tpu.memory_space<vmem>>
        %dma_wait3A_80 = tpu.memref_squeeze %dma_wait3A_79 : memref<1x128xi32, #tpu.memory_space<vmem>> -> memref<128xi32, #tpu.memory_space<vmem>>
        %dma_wait3A_81 = arith.constant 0 : i32
        %dma_wait3A_82 = arith.constant 0 : i32
        %dma_wait3A_83 = tpu.memref_slice %arg2[%dma_wait3A_81, %dma_wait3A_82] : memref<10000x128xf32, #tpu.memory_space<hbm>> -> memref<10000x128xf32, #tpu.memory_space<hbm>>
        tpu.wait_indirect_dma semaphore(%arg12 : memref<!tpu.dma_semaphore, #tpu.memory_space<semaphore_mem>>) src(%dma_wait3A_83 : memref<10000x128xf32, #tpu.memory_space<hbm>>) dst(%arg10 : memref<128x128xf32, #tpu.memory_space<vmem>>)
        "tpu.region"() ({
          %run_scoped3A = tpu.sem_alloc : memref<!tpu.dma_semaphore, #tpu.memory_space<semaphore_mem>>
          %dma_start3A_105 = arith.constant 0 : i32
          %dma_start3A_106 = tpu.memref_slice %arg9[%add3A_78, %dma_start3A_105] : memref<40x128xi32, #tpu.memory_space<vmem>> -> memref<1x128xi32, #tpu.memory_space<vmem>>
          %dma_start3A_107 = tpu.memref_squeeze %dma_start3A_106 : memref<1x128xi32, #tpu.memory_space<vmem>> -> memref<128xi32, #tpu.memory_space<vmem>>
          %dma_start3A_108 = arith.constant 0 : i32
          %dma_start3A_109 = arith.constant 0 : i32
          %dma_start3A_110 = tpu.memref_slice %arg14[%dma_start3A_108, %dma_start3A_109] : memref<10240x128xf32, #tpu.memory_space<vmem_shared>> -> memref<10240x128xf32, #tpu.memory_space<vmem_shared>>
          tpu.enqueue_indirect_dma source(%arg10 : memref<128x128xf32, #tpu.memory_space<vmem>>) target(%dma_start3A_110 : memref<10240x128xf32, #tpu.memory_space<vmem_shared>>) offsets(%dma_start3A_107 : memref<128xi32, #tpu.memory_space<vmem>>) semaphore(%run_scoped3A : memref<!tpu.dma_semaphore, #tpu.memory_space<semaphore_mem>>) {add = true}
          %dma_wait3A_111 = arith.constant 0 : i32
          %dma_wait3A_112 = tpu.memref_slice %arg9[%add3A_78, %dma_wait3A_111] : memref<40x128xi32, #tpu.memory_space<vmem>> -> memref<1x128xi32, #tpu.memory_space<vmem>>
          %dma_wait3A_113 = tpu.memref_squeeze %dma_wait3A_112 : memref<1x128xi32, #tpu.memory_space<vmem>> -> memref<128xi32, #tpu.memory_space<vmem>>
          %dma_wait3A_114 = arith.constant 0 : i32
          %dma_wait3A_115 = arith.constant 0 : i32
          %dma_wait3A_116 = tpu.memref_slice %arg14[%dma_wait3A_114, %dma_wait3A_115] : memref<10240x128xf32, #tpu.memory_space<vmem_shared>> -> memref<10240x128xf32, #tpu.memory_space<vmem_shared>>
          tpu.wait_indirect_dma semaphore(%run_scoped3A : memref<!tpu.dma_semaphore, #tpu.memory_space<semaphore_mem>>) src(%arg10 : memref<128x128xf32, #tpu.memory_space<vmem>>) dst(%dma_wait3A_116 : memref<10240x128xf32, #tpu.memory_space<vmem_shared>>)
          tpu.yield
        }) : () -> ()
        %add3A_84 = arith.constant 2 : i32
        %add3A_85 = arith.addi %add3A_78, %add3A_84 : i32
        %lt3A = arith.constant 40 : i32
        %lt3A_86 = arith.cmpi slt, %add3A_85, %lt3A : i32
        %convert_element_type3A_87 = arith.extui %lt3A_86 : i1 to i32
        %cond3A_88 = arith.constant 0 : i32
        %cond3A_89 = arith.cmpi ne, %convert_element_type3A_87, %cond3A_88 : i32
        scf.if %cond3A_89 {
          %add3A_105 = arith.constant 2 : i32
          %add3A_106 = arith.addi %add3A_78, %add3A_105 : i32
          %dma_start3A_107 = arith.constant 0 : i32
          %dma_start3A_108 = tpu.memref_slice %arg8[%add3A_106, %dma_start3A_107] : memref<40x128xi32, #tpu.memory_space<vmem>> -> memref<1x128xi32, #tpu.memory_space<vmem>>
          %dma_start3A_109 = tpu.memref_squeeze %dma_start3A_108 : memref<1x128xi32, #tpu.memory_space<vmem>> -> memref<128xi32, #tpu.memory_space<vmem>>
          %dma_start3A_110 = arith.constant 0 : i32
          %dma_start3A_111 = arith.constant 0 : i32
          %dma_start3A_112 = tpu.memref_slice %arg2[%dma_start3A_110, %dma_start3A_111] : memref<10000x128xf32, #tpu.memory_space<hbm>> -> memref<10000x128xf32, #tpu.memory_space<hbm>>
          tpu.enqueue_indirect_dma source(%dma_start3A_112 : memref<10000x128xf32, #tpu.memory_space<hbm>>) target(%arg10 : memref<128x128xf32, #tpu.memory_space<vmem>>) offsets(%dma_start3A_109 : memref<128xi32, #tpu.memory_space<vmem>>) semaphore(%arg12 : memref<!tpu.dma_semaphore, #tpu.memory_space<semaphore_mem>>)
        } else {
        }
        %add3A_90 = arith.constant 1 : i32
        %add3A_91 = arith.addi %add3A_76, %add3A_90 : i32
        %dma_wait3A_92 = arith.constant 0 : i32
        %dma_wait3A_93 = tpu.memref_slice %arg8[%add3A_91, %dma_wait3A_92] : memref<40x128xi32, #tpu.memory_space<vmem>> -> memref<1x128xi32, #tpu.memory_space<vmem>>
        %dma_wait3A_94 = tpu.memref_squeeze %dma_wait3A_93 : memref<1x128xi32, #tpu.memory_space<vmem>> -> memref<128xi32, #tpu.memory_space<vmem>>
        %dma_wait3A_95 = arith.constant 0 : i32
        %dma_wait3A_96 = arith.constant 0 : i32
        %dma_wait3A_97 = tpu.memref_slice %arg2[%dma_wait3A_95, %dma_wait3A_96] : memref<10000x128xf32, #tpu.memory_space<hbm>> -> memref<10000x128xf32, #tpu.memory_space<hbm>>
        tpu.wait_indirect_dma semaphore(%arg13 : memref<!tpu.dma_semaphore, #tpu.memory_space<semaphore_mem>>) src(%dma_wait3A_97 : memref<10000x128xf32, #tpu.memory_space<hbm>>) dst(%arg11 : memref<128x128xf32, #tpu.memory_space<vmem>>)
        "tpu.region"() ({
          %run_scoped3A = tpu.sem_alloc : memref<!tpu.dma_semaphore, #tpu.memory_space<semaphore_mem>>
          %dma_start3A_105 = arith.constant 0 : i32
          %dma_start3A_106 = tpu.memref_slice %arg9[%add3A_91, %dma_start3A_105] : memref<40x128xi32, #tpu.memory_space<vmem>> -> memref<1x128xi32, #tpu.memory_space<vmem>>
          %dma_start3A_107 = tpu.memref_squeeze %dma_start3A_106 : memref<1x128xi32, #tpu.memory_space<vmem>> -> memref<128xi32, #tpu.memory_space<vmem>>
          %dma_start3A_108 = arith.constant 0 : i32
          %dma_start3A_109 = arith.constant 0 : i32
          %dma_start3A_110 = tpu.memref_slice %arg14[%dma_start3A_108, %dma_start3A_109] : memref<10240x128xf32, #tpu.memory_space<vmem_shared>> -> memref<10240x128xf32, #tpu.memory_space<vmem_shared>>
          tpu.enqueue_indirect_dma source(%arg11 : memref<128x128xf32, #tpu.memory_space<vmem>>) target(%dma_start3A_110 : memref<10240x128xf32, #tpu.memory_space<vmem_shared>>) offsets(%dma_start3A_107 : memref<128xi32, #tpu.memory_space<vmem>>) semaphore(%run_scoped3A : memref<!tpu.dma_semaphore, #tpu.memory_space<semaphore_mem>>) {add = true}
          %dma_wait3A_111 = arith.constant 0 : i32
          %dma_wait3A_112 = tpu.memref_slice %arg9[%add3A_91, %dma_wait3A_111] : memref<40x128xi32, #tpu.memory_space<vmem>> -> memref<1x128xi32, #tpu.memory_space<vmem>>
          %dma_wait3A_113 = tpu.memref_squeeze %dma_wait3A_112 : memref<1x128xi32, #tpu.memory_space<vmem>> -> memref<128xi32, #tpu.memory_space<vmem>>
          %dma_wait3A_114 = arith.constant 0 : i32
          %dma_wait3A_115 = arith.constant 0 : i32
          %dma_wait3A_116 = tpu.memref_slice %arg14[%dma_wait3A_114, %dma_wait3A_115] : memref<10240x128xf32, #tpu.memory_space<vmem_shared>> -> memref<10240x128xf32, #tpu.memory_space<vmem_shared>>
          tpu.wait_indirect_dma semaphore(%run_scoped3A : memref<!tpu.dma_semaphore, #tpu.memory_space<semaphore_mem>>) src(%arg11 : memref<128x128xf32, #tpu.memory_space<vmem>>) dst(%dma_wait3A_116 : memref<10240x128xf32, #tpu.memory_space<vmem_shared>>)
          tpu.yield
        }) : () -> ()
        %add3A_98 = arith.constant 2 : i32
        %add3A_99 = arith.addi %add3A_91, %add3A_98 : i32
        %lt3A_100 = arith.constant 40 : i32
        %lt3A_101 = arith.cmpi slt, %add3A_99, %lt3A_100 : i32
        %convert_element_type3A_102 = arith.extui %lt3A_101 : i1 to i32
        %cond3A_103 = arith.constant 0 : i32
        %cond3A_104 = arith.cmpi ne, %convert_element_type3A_102, %cond3A_103 : i32
        scf.if %cond3A_104 {
          %add3A_105 = arith.constant 2 : i32
          %add3A_106 = arith.addi %add3A_91, %add3A_105 : i32
          %dma_start3A_107 = arith.constant 0 : i32
          %dma_start3A_108 = tpu.memref_slice %arg8[%add3A_106, %dma_start3A_107] : memref<40x128xi32, #tpu.memory_space<vmem>> -> memref<1x128xi32, #tpu.memory_space<vmem>>
          %dma_start3A_109 = tpu.memref_squeeze %dma_start3A_108 : memref<1x128xi32, #tpu.memory_space<vmem>> -> memref<128xi32, #tpu.memory_space<vmem>>
          %dma_start3A_110 = arith.constant 0 : i32
          %dma_start3A_111 = arith.constant 0 : i32
          %dma_start3A_112 = tpu.memref_slice %arg2[%dma_start3A_110, %dma_start3A_111] : memref<10000x128xf32, #tpu.memory_space<hbm>> -> memref<10000x128xf32, #tpu.memory_space<hbm>>
          tpu.enqueue_indirect_dma source(%dma_start3A_112 : memref<10000x128xf32, #tpu.memory_space<hbm>>) target(%arg11 : memref<128x128xf32, #tpu.memory_space<vmem>>) offsets(%dma_start3A_109 : memref<128xi32, #tpu.memory_space<vmem>>) semaphore(%arg13 : memref<!tpu.dma_semaphore, #tpu.memory_space<semaphore_mem>>)
        } else {
        }
      }
      %scan3A_71 = arith.constant 20 : i32
    } else {
    }
    %eq3A_25 = arith.constant 1 : i32
    %eq3A_26 = arith.cmpi eq, %arg0, %eq3A_25 : i32
    %convert_element_type3A_27 = arith.extui %eq3A_26 : i1 to i32
    %cond3A_28 = arith.constant 0 : i32
    %cond3A_29 = arith.cmpi ne, %convert_element_type3A_27, %cond3A_28 : i32
    scf.if %cond3A_29 {
      "tpu.region"() ({
        %run_scoped3A = tpu.sem_alloc : memref<!tpu.dma_semaphore, #tpu.memory_space<semaphore_mem>>
        %dma_start3A_72 = arith.constant 0 : i32
        %dma_start3A_73 = arith.constant 0 : i32
        %dma_start3A_74 = tpu.memref_slice %arg5[%arg1, %dma_start3A_72, %dma_start3A_73] : memref<16x80x128xi32, #tpu.memory_space<hbm>> -> memref<1x40x128xi32, #tpu.memory_space<hbm>>
        %dma_start3A_75 = tpu.memref_squeeze %dma_start3A_74 : memref<1x40x128xi32, #tpu.memory_space<hbm>> -> memref<40x128xi32, #tpu.memory_space<hbm>>
        %dma_start3A_76 = arith.constant 0 : i32
        %dma_start3A_77 = arith.constant 0 : i32
        %dma_start3A_78 = tpu.memref_slice %arg5[%arg1, %dma_start3A_76, %dma_start3A_77] : memref<16x80x128xi32, #tpu.memory_space<hbm>> -> memref<1x40x128xi32, #tpu.memory_space<hbm>>
        %dma_start3A_79 = tpu.memref_squeeze %dma_start3A_78 : memref<1x40x128xi32, #tpu.memory_space<hbm>> -> memref<40x128xi32, #tpu.memory_space<hbm>>
        tpu.enqueue_dma source(%dma_start3A_79 : memref<40x128xi32, #tpu.memory_space<hbm>>) target(%arg8 : memref<40x128xi32, #tpu.memory_space<vmem>>) target_semaphore(%run_scoped3A : memref<!tpu.dma_semaphore, #tpu.memory_space<semaphore_mem>>)
        %dma_wait3A = arith.constant 0 : i32
        %dma_wait3A_80 = arith.constant 0 : i32
        %dma_wait3A_81 = tpu.memref_slice %arg5[%arg1, %dma_wait3A, %dma_wait3A_80] : memref<16x80x128xi32, #tpu.memory_space<hbm>> -> memref<1x40x128xi32, #tpu.memory_space<hbm>>
        %dma_wait3A_82 = tpu.memref_squeeze %dma_wait3A_81 : memref<1x40x128xi32, #tpu.memory_space<hbm>> -> memref<40x128xi32, #tpu.memory_space<hbm>>
        %dma_wait3A_83 = arith.constant 0 : i32
        %dma_wait3A_84 = arith.constant 0 : i32
        %dma_wait3A_85 = tpu.memref_slice %arg5[%arg1, %dma_wait3A_83, %dma_wait3A_84] : memref<16x80x128xi32, #tpu.memory_space<hbm>> -> memref<1x40x128xi32, #tpu.memory_space<hbm>>
        %dma_wait3A_86 = tpu.memref_squeeze %dma_wait3A_85 : memref<1x40x128xi32, #tpu.memory_space<hbm>> -> memref<40x128xi32, #tpu.memory_space<hbm>>
        tpu.wait_dma2 semaphore(%run_scoped3A : memref<!tpu.dma_semaphore, #tpu.memory_space<semaphore_mem>>) src(%dma_wait3A_86 : memref<40x128xi32, #tpu.memory_space<hbm>>) dst(%arg8 : memref<40x128xi32, #tpu.memory_space<vmem>>)
        tpu.yield
      }) : () -> ()
      "tpu.region"() ({
        %run_scoped3A = tpu.sem_alloc : memref<!tpu.dma_semaphore, #tpu.memory_space<semaphore_mem>>
        %dma_start3A_72 = arith.constant 0 : i32
        %dma_start3A_73 = arith.constant 0 : i32
        %dma_start3A_74 = tpu.memref_slice %arg6[%arg1, %dma_start3A_72, %dma_start3A_73] : memref<16x80x128xi32, #tpu.memory_space<hbm>> -> memref<1x40x128xi32, #tpu.memory_space<hbm>>
        %dma_start3A_75 = tpu.memref_squeeze %dma_start3A_74 : memref<1x40x128xi32, #tpu.memory_space<hbm>> -> memref<40x128xi32, #tpu.memory_space<hbm>>
        %dma_start3A_76 = arith.constant 0 : i32
        %dma_start3A_77 = arith.constant 0 : i32
        %dma_start3A_78 = tpu.memref_slice %arg6[%arg1, %dma_start3A_76, %dma_start3A_77] : memref<16x80x128xi32, #tpu.memory_space<hbm>> -> memref<1x40x128xi32, #tpu.memory_space<hbm>>
        %dma_start3A_79 = tpu.memref_squeeze %dma_start3A_78 : memref<1x40x128xi32, #tpu.memory_space<hbm>> -> memref<40x128xi32, #tpu.memory_space<hbm>>
        tpu.enqueue_dma source(%dma_start3A_79 : memref<40x128xi32, #tpu.memory_space<hbm>>) target(%arg9 : memref<40x128xi32, #tpu.memory_space<vmem>>) target_semaphore(%run_scoped3A : memref<!tpu.dma_semaphore, #tpu.memory_space<semaphore_mem>>)
        %dma_wait3A = arith.constant 0 : i32
        %dma_wait3A_80 = arith.constant 0 : i32
        %dma_wait3A_81 = tpu.memref_slice %arg6[%arg1, %dma_wait3A, %dma_wait3A_80] : memref<16x80x128xi32, #tpu.memory_space<hbm>> -> memref<1x40x128xi32, #tpu.memory_space<hbm>>
        %dma_wait3A_82 = tpu.memref_squeeze %dma_wait3A_81 : memref<1x40x128xi32, #tpu.memory_space<hbm>> -> memref<40x128xi32, #tpu.memory_space<hbm>>
        %dma_wait3A_83 = arith.constant 0 : i32
        %dma_wait3A_84 = arith.constant 0 : i32
        %dma_wait3A_85 = tpu.memref_slice %arg6[%arg1, %dma_wait3A_83, %dma_wait3A_84] : memref<16x80x128xi32, #tpu.memory_space<hbm>> -> memref<1x40x128xi32, #tpu.memory_space<hbm>>
        %dma_wait3A_86 = tpu.memref_squeeze %dma_wait3A_85 : memref<1x40x128xi32, #tpu.memory_space<hbm>> -> memref<40x128xi32, #tpu.memory_space<hbm>>
        tpu.wait_dma2 semaphore(%run_scoped3A : memref<!tpu.dma_semaphore, #tpu.memory_space<semaphore_mem>>) src(%dma_wait3A_86 : memref<40x128xi32, #tpu.memory_space<hbm>>) dst(%arg9 : memref<40x128xi32, #tpu.memory_space<vmem>>)
        tpu.yield
      }) : () -> ()
      %dma_start3A = arith.constant 0 : i32
      %dma_start3A_35 = arith.constant 0 : i32
      %dma_start3A_36 = tpu.memref_slice %arg8[%dma_start3A, %dma_start3A_35] : memref<40x128xi32, #tpu.memory_space<vmem>> -> memref<1x128xi32, #tpu.memory_space<vmem>>
      %dma_start3A_37 = tpu.memref_squeeze %dma_start3A_36 : memref<1x128xi32, #tpu.memory_space<vmem>> -> memref<128xi32, #tpu.memory_space<vmem>>
      %dma_start3A_38 = arith.constant 0 : i32
      %dma_start3A_39 = arith.constant 0 : i32
      %dma_start3A_40 = tpu.memref_slice %arg2[%dma_start3A_38, %dma_start3A_39] : memref<10000x128xf32, #tpu.memory_space<hbm>> -> memref<10000x128xf32, #tpu.memory_space<hbm>>
      tpu.enqueue_indirect_dma source(%dma_start3A_40 : memref<10000x128xf32, #tpu.memory_space<hbm>>) target(%arg10 : memref<128x128xf32, #tpu.memory_space<vmem>>) offsets(%dma_start3A_37 : memref<128xi32, #tpu.memory_space<vmem>>) semaphore(%arg12 : memref<!tpu.dma_semaphore, #tpu.memory_space<semaphore_mem>>)
      %dma_start3A_41 = arith.constant 1 : i32
      %dma_start3A_42 = arith.constant 0 : i32
      %dma_start3A_43 = tpu.memref_slice %arg8[%dma_start3A_41, %dma_start3A_42] : memref<40x128xi32, #tpu.memory_space<vmem>> -> memref<1x128xi32, #tpu.memory_space<vmem>>
      %dma_start3A_44 = tpu.memref_squeeze %dma_start3A_43 : memref<1x128xi32, #tpu.memory_space<vmem>> -> memref<128xi32, #tpu.memory_space<vmem>>
      %dma_start3A_45 = arith.constant 0 : i32
      %dma_start3A_46 = arith.constant 0 : i32
      %dma_start3A_47 = tpu.memref_slice %arg2[%dma_start3A_45, %dma_start3A_46] : memref<10000x128xf32, #tpu.memory_space<hbm>> -> memref<10000x128xf32, #tpu.memory_space<hbm>>
      tpu.enqueue_indirect_dma source(%dma_start3A_47 : memref<10000x128xf32, #tpu.memory_space<hbm>>) target(%arg11 : memref<128x128xf32, #tpu.memory_space<vmem>>) offsets(%dma_start3A_44 : memref<128xi32, #tpu.memory_space<vmem>>) semaphore(%arg13 : memref<!tpu.dma_semaphore, #tpu.memory_space<semaphore_mem>>)
      %scan3A_48 = arith.constant 0 : i32
      %scan3A_49 = arith.constant 20 : i32
      %scan3A_50 = arith.addi %scan3A_48, %scan3A_49 : i32
      %scan3A_51 = arith.constant 1 : i32
      scf.for %scan3A_72 = %scan3A_48 to %scan3A_50 step %scan3A_51  : i32 {
        %mul3A_73 = arith.constant 2 : i32
        %mul3A_74 = arith.muli %scan3A_72, %mul3A_73 : i32
        %add3A_75 = arith.constant 0 : i32
        %add3A_76 = arith.addi %add3A_75, %mul3A_74 : i32
        %add3A_77 = arith.constant 0 : i32
        %add3A_78 = arith.addi %add3A_76, %add3A_77 : i32
        %dma_wait3A = arith.constant 0 : i32
        %dma_wait3A_79 = tpu.memref_slice %arg8[%add3A_78, %dma_wait3A] : memref<40x128xi32, #tpu.memory_space<vmem>> -> memref<1x128xi32, #tpu.memory_space<vmem>>
        %dma_wait3A_80 = tpu.memref_squeeze %dma_wait3A_79 : memref<1x128xi32, #tpu.memory_space<vmem>> -> memref<128xi32, #tpu.memory_space<vmem>>
        %dma_wait3A_81 = arith.constant 0 : i32
        %dma_wait3A_82 = arith.constant 0 : i32
        %dma_wait3A_83 = tpu.memref_slice %arg2[%dma_wait3A_81, %dma_wait3A_82] : memref<10000x128xf32, #tpu.memory_space<hbm>> -> memref<10000x128xf32, #tpu.memory_space<hbm>>
        tpu.wait_indirect_dma semaphore(%arg12 : memref<!tpu.dma_semaphore, #tpu.memory_space<semaphore_mem>>) src(%dma_wait3A_83 : memref<10000x128xf32, #tpu.memory_space<hbm>>) dst(%arg10 : memref<128x128xf32, #tpu.memory_space<vmem>>)
        "tpu.region"() ({
          %run_scoped3A = tpu.sem_alloc : memref<!tpu.dma_semaphore, #tpu.memory_space<semaphore_mem>>
          %dma_start3A_105 = arith.constant 0 : i32
          %dma_start3A_106 = tpu.memref_slice %arg9[%add3A_78, %dma_start3A_105] : memref<40x128xi32, #tpu.memory_space<vmem>> -> memref<1x128xi32, #tpu.memory_space<vmem>>
          %dma_start3A_107 = tpu.memref_squeeze %dma_start3A_106 : memref<1x128xi32, #tpu.memory_space<vmem>> -> memref<128xi32, #tpu.memory_space<vmem>>
          %dma_start3A_108 = arith.constant 0 : i32
          %dma_start3A_109 = arith.constant 0 : i32
          %dma_start3A_110 = tpu.memref_slice %arg14[%dma_start3A_108, %dma_start3A_109] : memref<10240x128xf32, #tpu.memory_space<vmem_shared>> -> memref<10240x128xf32, #tpu.memory_space<vmem_shared>>
          tpu.enqueue_indirect_dma source(%arg10 : memref<128x128xf32, #tpu.memory_space<vmem>>) target(%dma_start3A_110 : memref<10240x128xf32, #tpu.memory_space<vmem_shared>>) offsets(%dma_start3A_107 : memref<128xi32, #tpu.memory_space<vmem>>) semaphore(%run_scoped3A : memref<!tpu.dma_semaphore, #tpu.memory_space<semaphore_mem>>) {add = true}
          %dma_wait3A_111 = arith.constant 0 : i32
          %dma_wait3A_112 = tpu.memref_slice %arg9[%add3A_78, %dma_wait3A_111] : memref<40x128xi32, #tpu.memory_space<vmem>> -> memref<1x128xi32, #tpu.memory_space<vmem>>
          %dma_wait3A_113 = tpu.memref_squeeze %dma_wait3A_112 : memref<1x128xi32, #tpu.memory_space<vmem>> -> memref<128xi32, #tpu.memory_space<vmem>>
          %dma_wait3A_114 = arith.constant 0 : i32
          %dma_wait3A_115 = arith.constant 0 : i32
          %dma_wait3A_116 = tpu.memref_slice %arg14[%dma_wait3A_114, %dma_wait3A_115] : memref<10240x128xf32, #tpu.memory_space<vmem_shared>> -> memref<10240x128xf32, #tpu.memory_space<vmem_shared>>
          tpu.wait_indirect_dma semaphore(%run_scoped3A : memref<!tpu.dma_semaphore, #tpu.memory_space<semaphore_mem>>) src(%arg10 : memref<128x128xf32, #tpu.memory_space<vmem>>) dst(%dma_wait3A_116 : memref<10240x128xf32, #tpu.memory_space<vmem_shared>>)
          tpu.yield
        }) : () -> ()
        %add3A_84 = arith.constant 2 : i32
        %add3A_85 = arith.addi %add3A_78, %add3A_84 : i32
        %lt3A = arith.constant 40 : i32
        %lt3A_86 = arith.cmpi slt, %add3A_85, %lt3A : i32
        %convert_element_type3A_87 = arith.extui %lt3A_86 : i1 to i32
        %cond3A_88 = arith.constant 0 : i32
        %cond3A_89 = arith.cmpi ne, %convert_element_type3A_87, %cond3A_88 : i32
        scf.if %cond3A_89 {
          %add3A_105 = arith.constant 2 : i32
          %add3A_106 = arith.addi %add3A_78, %add3A_105 : i32
          %dma_start3A_107 = arith.constant 0 : i32
          %dma_start3A_108 = tpu.memref_slice %arg8[%add3A_106, %dma_start3A_107] : memref<40x128xi32, #tpu.memory_space<vmem>> -> memref<1x128xi32, #tpu.memory_space<vmem>>
          %dma_start3A_109 = tpu.memref_squeeze %dma_start3A_108 : memref<1x128xi32, #tpu.memory_space<vmem>> -> memref<128xi32, #tpu.memory_space<vmem>>
          %dma_start3A_110 = arith.constant 0 : i32
          %dma_start3A_111 = arith.constant 0 : i32
          %dma_start3A_112 = tpu.memref_slice %arg2[%dma_start3A_110, %dma_start3A_111] : memref<10000x128xf32, #tpu.memory_space<hbm>> -> memref<10000x128xf32, #tpu.memory_space<hbm>>
          tpu.enqueue_indirect_dma source(%dma_start3A_112 : memref<10000x128xf32, #tpu.memory_space<hbm>>) target(%arg10 : memref<128x128xf32, #tpu.memory_space<vmem>>) offsets(%dma_start3A_109 : memref<128xi32, #tpu.memory_space<vmem>>) semaphore(%arg12 : memref<!tpu.dma_semaphore, #tpu.memory_space<semaphore_mem>>)
        } else {
        }
        %add3A_90 = arith.constant 1 : i32
        %add3A_91 = arith.addi %add3A_76, %add3A_90 : i32
        %dma_wait3A_92 = arith.constant 0 : i32
        %dma_wait3A_93 = tpu.memref_slice %arg8[%add3A_91, %dma_wait3A_92] : memref<40x128xi32, #tpu.memory_space<vmem>> -> memref<1x128xi32, #tpu.memory_space<vmem>>
        %dma_wait3A_94 = tpu.memref_squeeze %dma_wait3A_93 : memref<1x128xi32, #tpu.memory_space<vmem>> -> memref<128xi32, #tpu.memory_space<vmem>>
        %dma_wait3A_95 = arith.constant 0 : i32
        %dma_wait3A_96 = arith.constant 0 : i32
        %dma_wait3A_97 = tpu.memref_slice %arg2[%dma_wait3A_95, %dma_wait3A_96] : memref<10000x128xf32, #tpu.memory_space<hbm>> -> memref<10000x128xf32, #tpu.memory_space<hbm>>
        tpu.wait_indirect_dma semaphore(%arg13 : memref<!tpu.dma_semaphore, #tpu.memory_space<semaphore_mem>>) src(%dma_wait3A_97 : memref<10000x128xf32, #tpu.memory_space<hbm>>) dst(%arg11 : memref<128x128xf32, #tpu.memory_space<vmem>>)
        "tpu.region"() ({
          %run_scoped3A = tpu.sem_alloc : memref<!tpu.dma_semaphore, #tpu.memory_space<semaphore_mem>>
          %dma_start3A_105 = arith.constant 0 : i32
          %dma_start3A_106 = tpu.memref_slice %arg9[%add3A_91, %dma_start3A_105] : memref<40x128xi32, #tpu.memory_space<vmem>> -> memref<1x128xi32, #tpu.memory_space<vmem>>
          %dma_start3A_107 = tpu.memref_squeeze %dma_start3A_106 : memref<1x128xi32, #tpu.memory_space<vmem>> -> memref<128xi32, #tpu.memory_space<vmem>>
          %dma_start3A_108 = arith.constant 0 : i32
          %dma_start3A_109 = arith.constant 0 : i32
          %dma_start3A_110 = tpu.memref_slice %arg14[%dma_start3A_108, %dma_start3A_109] : memref<10240x128xf32, #tpu.memory_space<vmem_shared>> -> memref<10240x128xf32, #tpu.memory_space<vmem_shared>>
          tpu.enqueue_indirect_dma source(%arg11 : memref<128x128xf32, #tpu.memory_space<vmem>>) target(%dma_start3A_110 : memref<10240x128xf32, #tpu.memory_space<vmem_shared>>) offsets(%dma_start3A_107 : memref<128xi32, #tpu.memory_space<vmem>>) semaphore(%run_scoped3A : memref<!tpu.dma_semaphore, #tpu.memory_space<semaphore_mem>>) {add = true}
          %dma_wait3A_111 = arith.constant 0 : i32
          %dma_wait3A_112 = tpu.memref_slice %arg9[%add3A_91, %dma_wait3A_111] : memref<40x128xi32, #tpu.memory_space<vmem>> -> memref<1x128xi32, #tpu.memory_space<vmem>>
          %dma_wait3A_113 = tpu.memref_squeeze %dma_wait3A_112 : memref<1x128xi32, #tpu.memory_space<vmem>> -> memref<128xi32, #tpu.memory_space<vmem>>
          %dma_wait3A_114 = arith.constant 0 : i32
          %dma_wait3A_115 = arith.constant 0 : i32
          %dma_wait3A_116 = tpu.memref_slice %arg14[%dma_wait3A_114, %dma_wait3A_115] : memref<10240x128xf32, #tpu.memory_space<vmem_shared>> -> memref<10240x128xf32, #tpu.memory_space<vmem_shared>>
          tpu.wait_indirect_dma semaphore(%run_scoped3A : memref<!tpu.dma_semaphore, #tpu.memory_space<semaphore_mem>>) src(%arg11 : memref<128x128xf32, #tpu.memory_space<vmem>>) dst(%dma_wait3A_116 : memref<10240x128xf32, #tpu.memory_space<vmem_shared>>)
          tpu.yield
        }) : () -> ()
        %add3A_98 = arith.constant 2 : i32
        %add3A_99 = arith.addi %add3A_91, %add3A_98 : i32
        %lt3A_100 = arith.constant 40 : i32
        %lt3A_101 = arith.cmpi slt, %add3A_99, %lt3A_100 : i32
        %convert_element_type3A_102 = arith.extui %lt3A_101 : i1 to i32
        %cond3A_103 = arith.constant 0 : i32
        %cond3A_104 = arith.cmpi ne, %convert_element_type3A_102, %cond3A_103 : i32
        scf.if %cond3A_104 {
          %add3A_105 = arith.constant 2 : i32
          %add3A_106 = arith.addi %add3A_91, %add3A_105 : i32
          %dma_start3A_107 = arith.constant 0 : i32
          %dma_start3A_108 = tpu.memref_slice %arg8[%add3A_106, %dma_start3A_107] : memref<40x128xi32, #tpu.memory_space<vmem>> -> memref<1x128xi32, #tpu.memory_space<vmem>>
          %dma_start3A_109 = tpu.memref_squeeze %dma_start3A_108 : memref<1x128xi32, #tpu.memory_space<vmem>> -> memref<128xi32, #tpu.memory_space<vmem>>
          %dma_start3A_110 = arith.constant 0 : i32
          %dma_start3A_111 = arith.constant 0 : i32
          %dma_start3A_112 = tpu.memref_slice %arg2[%dma_start3A_110, %dma_start3A_111] : memref<10000x128xf32, #tpu.memory_space<hbm>> -> memref<10000x128xf32, #tpu.memory_space<hbm>>
          tpu.enqueue_indirect_dma source(%dma_start3A_112 : memref<10000x128xf32, #tpu.memory_space<hbm>>) target(%arg11 : memref<128x128xf32, #tpu.memory_space<vmem>>) offsets(%dma_start3A_109 : memref<128xi32, #tpu.memory_space<vmem>>) semaphore(%arg13 : memref<!tpu.dma_semaphore, #tpu.memory_space<semaphore_mem>>)
        } else {
        }
      }
      %scan3A_52 = arith.constant 20 : i32
      "tpu.region"() ({
        %run_scoped3A = tpu.sem_alloc : memref<!tpu.dma_semaphore, #tpu.memory_space<semaphore_mem>>
        %dma_start3A_72 = arith.constant 40 : i32
        %dma_start3A_73 = arith.constant 0 : i32
        %dma_start3A_74 = tpu.memref_slice %arg5[%arg1, %dma_start3A_72, %dma_start3A_73] : memref<16x80x128xi32, #tpu.memory_space<hbm>> -> memref<1x40x128xi32, #tpu.memory_space<hbm>>
        %dma_start3A_75 = tpu.memref_squeeze %dma_start3A_74 : memref<1x40x128xi32, #tpu.memory_space<hbm>> -> memref<40x128xi32, #tpu.memory_space<hbm>>
        %dma_start3A_76 = arith.constant 40 : i32
        %dma_start3A_77 = arith.constant 0 : i32
        %dma_start3A_78 = tpu.memref_slice %arg5[%arg1, %dma_start3A_76, %dma_start3A_77] : memref<16x80x128xi32, #tpu.memory_space<hbm>> -> memref<1x40x128xi32, #tpu.memory_space<hbm>>
        %dma_start3A_79 = tpu.memref_squeeze %dma_start3A_78 : memref<1x40x128xi32, #tpu.memory_space<hbm>> -> memref<40x128xi32, #tpu.memory_space<hbm>>
        tpu.enqueue_dma source(%dma_start3A_79 : memref<40x128xi32, #tpu.memory_space<hbm>>) target(%arg8 : memref<40x128xi32, #tpu.memory_space<vmem>>) target_semaphore(%run_scoped3A : memref<!tpu.dma_semaphore, #tpu.memory_space<semaphore_mem>>)
        %dma_wait3A = arith.constant 40 : i32
        %dma_wait3A_80 = arith.constant 0 : i32
        %dma_wait3A_81 = tpu.memref_slice %arg5[%arg1, %dma_wait3A, %dma_wait3A_80] : memref<16x80x128xi32, #tpu.memory_space<hbm>> -> memref<1x40x128xi32, #tpu.memory_space<hbm>>
        %dma_wait3A_82 = tpu.memref_squeeze %dma_wait3A_81 : memref<1x40x128xi32, #tpu.memory_space<hbm>> -> memref<40x128xi32, #tpu.memory_space<hbm>>
        %dma_wait3A_83 = arith.constant 40 : i32
        %dma_wait3A_84 = arith.constant 0 : i32
        %dma_wait3A_85 = tpu.memref_slice %arg5[%arg1, %dma_wait3A_83, %dma_wait3A_84] : memref<16x80x128xi32, #tpu.memory_space<hbm>> -> memref<1x40x128xi32, #tpu.memory_space<hbm>>
        %dma_wait3A_86 = tpu.memref_squeeze %dma_wait3A_85 : memref<1x40x128xi32, #tpu.memory_space<hbm>> -> memref<40x128xi32, #tpu.memory_space<hbm>>
        tpu.wait_dma2 semaphore(%run_scoped3A : memref<!tpu.dma_semaphore, #tpu.memory_space<semaphore_mem>>) src(%dma_wait3A_86 : memref<40x128xi32, #tpu.memory_space<hbm>>) dst(%arg8 : memref<40x128xi32, #tpu.memory_space<vmem>>)
        tpu.yield
      }) : () -> ()
      "tpu.region"() ({
        %run_scoped3A = tpu.sem_alloc : memref<!tpu.dma_semaphore, #tpu.memory_space<semaphore_mem>>
        %dma_start3A_72 = arith.constant 40 : i32
        %dma_start3A_73 = arith.constant 0 : i32
        %dma_start3A_74 = tpu.memref_slice %arg6[%arg1, %dma_start3A_72, %dma_start3A_73] : memref<16x80x128xi32, #tpu.memory_space<hbm>> -> memref<1x40x128xi32, #tpu.memory_space<hbm>>
        %dma_start3A_75 = tpu.memref_squeeze %dma_start3A_74 : memref<1x40x128xi32, #tpu.memory_space<hbm>> -> memref<40x128xi32, #tpu.memory_space<hbm>>
        %dma_start3A_76 = arith.constant 40 : i32
        %dma_start3A_77 = arith.constant 0 : i32
        %dma_start3A_78 = tpu.memref_slice %arg6[%arg1, %dma_start3A_76, %dma_start3A_77] : memref<16x80x128xi32, #tpu.memory_space<hbm>> -> memref<1x40x128xi32, #tpu.memory_space<hbm>>
        %dma_start3A_79 = tpu.memref_squeeze %dma_start3A_78 : memref<1x40x128xi32, #tpu.memory_space<hbm>> -> memref<40x128xi32, #tpu.memory_space<hbm>>
        tpu.enqueue_dma source(%dma_start3A_79 : memref<40x128xi32, #tpu.memory_space<hbm>>) target(%arg9 : memref<40x128xi32, #tpu.memory_space<vmem>>) target_semaphore(%run_scoped3A : memref<!tpu.dma_semaphore, #tpu.memory_space<semaphore_mem>>)
        %dma_wait3A = arith.constant 40 : i32
        %dma_wait3A_80 = arith.constant 0 : i32
        %dma_wait3A_81 = tpu.memref_slice %arg6[%arg1, %dma_wait3A, %dma_wait3A_80] : memref<16x80x128xi32, #tpu.memory_space<hbm>> -> memref<1x40x128xi32, #tpu.memory_space<hbm>>
        %dma_wait3A_82 = tpu.memref_squeeze %dma_wait3A_81 : memref<1x40x128xi32, #tpu.memory_space<hbm>> -> memref<40x128xi32, #tpu.memory_space<hbm>>
        %dma_wait3A_83 = arith.constant 40 : i32
        %dma_wait3A_84 = arith.constant 0 : i32
        %dma_wait3A_85 = tpu.memref_slice %arg6[%arg1, %dma_wait3A_83, %dma_wait3A_84] : memref<16x80x128xi32, #tpu.memory_space<hbm>> -> memref<1x40x128xi32, #tpu.memory_space<hbm>>
        %dma_wait3A_86 = tpu.memref_squeeze %dma_wait3A_85 : memref<1x40x128xi32, #tpu.memory_space<hbm>> -> memref<40x128xi32, #tpu.memory_space<hbm>>
        tpu.wait_dma2 semaphore(%run_scoped3A : memref<!tpu.dma_semaphore, #tpu.memory_space<semaphore_mem>>) src(%dma_wait3A_86 : memref<40x128xi32, #tpu.memory_space<hbm>>) dst(%arg9 : memref<40x128xi32, #tpu.memory_space<vmem>>)
        tpu.yield
      }) : () -> ()
      %dma_start3A_53 = arith.constant 0 : i32
      %dma_start3A_54 = arith.constant 0 : i32
      %dma_start3A_55 = tpu.memref_slice %arg8[%dma_start3A_53, %dma_start3A_54] : memref<40x128xi32, #tpu.memory_space<vmem>> -> memref<1x128xi32, #tpu.memory_space<vmem>>
      %dma_start3A_56 = tpu.memref_squeeze %dma_start3A_55 : memref<1x128xi32, #tpu.memory_space<vmem>> -> memref<128xi32, #tpu.memory_space<vmem>>
      %dma_start3A_57 = arith.constant 0 : i32
      %dma_start3A_58 = arith.constant 0 : i32
      %dma_start3A_59 = tpu.memref_slice %arg2[%dma_start3A_57, %dma_start3A_58] : memref<10000x128xf32, #tpu.memory_space<hbm>> -> memref<10000x128xf32, #tpu.memory_space<hbm>>
      tpu.enqueue_indirect_dma source(%dma_start3A_59 : memref<10000x128xf32, #tpu.memory_space<hbm>>) target(%arg10 : memref<128x128xf32, #tpu.memory_space<vmem>>) offsets(%dma_start3A_56 : memref<128xi32, #tpu.memory_space<vmem>>) semaphore(%arg12 : memref<!tpu.dma_semaphore, #tpu.memory_space<semaphore_mem>>)
      %dma_start3A_60 = arith.constant 1 : i32
      %dma_start3A_61 = arith.constant 0 : i32
      %dma_start3A_62 = tpu.memref_slice %arg8[%dma_start3A_60, %dma_start3A_61] : memref<40x128xi32, #tpu.memory_space<vmem>> -> memref<1x128xi32, #tpu.memory_space<vmem>>
      %dma_start3A_63 = tpu.memref_squeeze %dma_start3A_62 : memref<1x128xi32, #tpu.memory_space<vmem>> -> memref<128xi32, #tpu.memory_space<vmem>>
      %dma_start3A_64 = arith.constant 0 : i32
      %dma_start3A_65 = arith.constant 0 : i32
      %dma_start3A_66 = tpu.memref_slice %arg2[%dma_start3A_64, %dma_start3A_65] : memref<10000x128xf32, #tpu.memory_space<hbm>> -> memref<10000x128xf32, #tpu.memory_space<hbm>>
      tpu.enqueue_indirect_dma source(%dma_start3A_66 : memref<10000x128xf32, #tpu.memory_space<hbm>>) target(%arg11 : memref<128x128xf32, #tpu.memory_space<vmem>>) offsets(%dma_start3A_63 : memref<128xi32, #tpu.memory_space<vmem>>) semaphore(%arg13 : memref<!tpu.dma_semaphore, #tpu.memory_space<semaphore_mem>>)
      %scan3A_67 = arith.constant 0 : i32
      %scan3A_68 = arith.constant 20 : i32
      %scan3A_69 = arith.addi %scan3A_67, %scan3A_68 : i32
      %scan3A_70 = arith.constant 1 : i32
      scf.for %scan3A_72 = %scan3A_67 to %scan3A_69 step %scan3A_70  : i32 {
        %mul3A_73 = arith.constant 2 : i32
        %mul3A_74 = arith.muli %scan3A_72, %mul3A_73 : i32
        %add3A_75 = arith.constant 0 : i32
        %add3A_76 = arith.addi %add3A_75, %mul3A_74 : i32
        %add3A_77 = arith.constant 0 : i32
        %add3A_78 = arith.addi %add3A_76, %add3A_77 : i32
        %dma_wait3A = arith.constant 0 : i32
        %dma_wait3A_79 = tpu.memref_slice %arg8[%add3A_78, %dma_wait3A] : memref<40x128xi32, #tpu.memory_space<vmem>> -> memref<1x128xi32, #tpu.memory_space<vmem>>
        %dma_wait3A_80 = tpu.memref_squeeze %dma_wait3A_79 : memref<1x128xi32, #tpu.memory_space<vmem>> -> memref<128xi32, #tpu.memory_space<vmem>>
        %dma_wait3A_81 = arith.constant 0 : i32
        %dma_wait3A_82 = arith.constant 0 : i32
        %dma_wait3A_83 = tpu.memref_slice %arg2[%dma_wait3A_81, %dma_wait3A_82] : memref<10000x128xf32, #tpu.memory_space<hbm>> -> memref<10000x128xf32, #tpu.memory_space<hbm>>
        tpu.wait_indirect_dma semaphore(%arg12 : memref<!tpu.dma_semaphore, #tpu.memory_space<semaphore_mem>>) src(%dma_wait3A_83 : memref<10000x128xf32, #tpu.memory_space<hbm>>) dst(%arg10 : memref<128x128xf32, #tpu.memory_space<vmem>>)
        "tpu.region"() ({
          %run_scoped3A = tpu.sem_alloc : memref<!tpu.dma_semaphore, #tpu.memory_space<semaphore_mem>>
          %dma_start3A_105 = arith.constant 0 : i32
          %dma_start3A_106 = tpu.memref_slice %arg9[%add3A_78, %dma_start3A_105] : memref<40x128xi32, #tpu.memory_space<vmem>> -> memref<1x128xi32, #tpu.memory_space<vmem>>
          %dma_start3A_107 = tpu.memref_squeeze %dma_start3A_106 : memref<1x128xi32, #tpu.memory_space<vmem>> -> memref<128xi32, #tpu.memory_space<vmem>>
          %dma_start3A_108 = arith.constant 0 : i32
          %dma_start3A_109 = arith.constant 0 : i32
          %dma_start3A_110 = tpu.memref_slice %arg14[%dma_start3A_108, %dma_start3A_109] : memref<10240x128xf32, #tpu.memory_space<vmem_shared>> -> memref<10240x128xf32, #tpu.memory_space<vmem_shared>>
          tpu.enqueue_indirect_dma source(%arg10 : memref<128x128xf32, #tpu.memory_space<vmem>>) target(%dma_start3A_110 : memref<10240x128xf32, #tpu.memory_space<vmem_shared>>) offsets(%dma_start3A_107 : memref<128xi32, #tpu.memory_space<vmem>>) semaphore(%run_scoped3A : memref<!tpu.dma_semaphore, #tpu.memory_space<semaphore_mem>>) {add = true}
          %dma_wait3A_111 = arith.constant 0 : i32
          %dma_wait3A_112 = tpu.memref_slice %arg9[%add3A_78, %dma_wait3A_111] : memref<40x128xi32, #tpu.memory_space<vmem>> -> memref<1x128xi32, #tpu.memory_space<vmem>>
          %dma_wait3A_113 = tpu.memref_squeeze %dma_wait3A_112 : memref<1x128xi32, #tpu.memory_space<vmem>> -> memref<128xi32, #tpu.memory_space<vmem>>
          %dma_wait3A_114 = arith.constant 0 : i32
          %dma_wait3A_115 = arith.constant 0 : i32
          %dma_wait3A_116 = tpu.memref_slice %arg14[%dma_wait3A_114, %dma_wait3A_115] : memref<10240x128xf32, #tpu.memory_space<vmem_shared>> -> memref<10240x128xf32, #tpu.memory_space<vmem_shared>>
          tpu.wait_indirect_dma semaphore(%run_scoped3A : memref<!tpu.dma_semaphore, #tpu.memory_space<semaphore_mem>>) src(%arg10 : memref<128x128xf32, #tpu.memory_space<vmem>>) dst(%dma_wait3A_116 : memref<10240x128xf32, #tpu.memory_space<vmem_shared>>)
          tpu.yield
        }) : () -> ()
        %add3A_84 = arith.constant 2 : i32
        %add3A_85 = arith.addi %add3A_78, %add3A_84 : i32
        %lt3A = arith.constant 40 : i32
        %lt3A_86 = arith.cmpi slt, %add3A_85, %lt3A : i32
        %convert_element_type3A_87 = arith.extui %lt3A_86 : i1 to i32
        %cond3A_88 = arith.constant 0 : i32
        %cond3A_89 = arith.cmpi ne, %convert_element_type3A_87, %cond3A_88 : i32
        scf.if %cond3A_89 {
          %add3A_105 = arith.constant 2 : i32
          %add3A_106 = arith.addi %add3A_78, %add3A_105 : i32
          %dma_start3A_107 = arith.constant 0 : i32
          %dma_start3A_108 = tpu.memref_slice %arg8[%add3A_106, %dma_start3A_107] : memref<40x128xi32, #tpu.memory_space<vmem>> -> memref<1x128xi32, #tpu.memory_space<vmem>>
          %dma_start3A_109 = tpu.memref_squeeze %dma_start3A_108 : memref<1x128xi32, #tpu.memory_space<vmem>> -> memref<128xi32, #tpu.memory_space<vmem>>
          %dma_start3A_110 = arith.constant 0 : i32
          %dma_start3A_111 = arith.constant 0 : i32
          %dma_start3A_112 = tpu.memref_slice %arg2[%dma_start3A_110, %dma_start3A_111] : memref<10000x128xf32, #tpu.memory_space<hbm>> -> memref<10000x128xf32, #tpu.memory_space<hbm>>
          tpu.enqueue_indirect_dma source(%dma_start3A_112 : memref<10000x128xf32, #tpu.memory_space<hbm>>) target(%arg10 : memref<128x128xf32, #tpu.memory_space<vmem>>) offsets(%dma_start3A_109 : memref<128xi32, #tpu.memory_space<vmem>>) semaphore(%arg12 : memref<!tpu.dma_semaphore, #tpu.memory_space<semaphore_mem>>)
        } else {
        }
        %add3A_90 = arith.constant 1 : i32
        %add3A_91 = arith.addi %add3A_76, %add3A_90 : i32
        %dma_wait3A_92 = arith.constant 0 : i32
        %dma_wait3A_93 = tpu.memref_slice %arg8[%add3A_91, %dma_wait3A_92] : memref<40x128xi32, #tpu.memory_space<vmem>> -> memref<1x128xi32, #tpu.memory_space<vmem>>
        %dma_wait3A_94 = tpu.memref_squeeze %dma_wait3A_93 : memref<1x128xi32, #tpu.memory_space<vmem>> -> memref<128xi32, #tpu.memory_space<vmem>>
        %dma_wait3A_95 = arith.constant 0 : i32
        %dma_wait3A_96 = arith.constant 0 : i32
        %dma_wait3A_97 = tpu.memref_slice %arg2[%dma_wait3A_95, %dma_wait3A_96] : memref<10000x128xf32, #tpu.memory_space<hbm>> -> memref<10000x128xf32, #tpu.memory_space<hbm>>
        tpu.wait_indirect_dma semaphore(%arg13 : memref<!tpu.dma_semaphore, #tpu.memory_space<semaphore_mem>>) src(%dma_wait3A_97 : memref<10000x128xf32, #tpu.memory_space<hbm>>) dst(%arg11 : memref<128x128xf32, #tpu.memory_space<vmem>>)
        "tpu.region"() ({
          %run_scoped3A = tpu.sem_alloc : memref<!tpu.dma_semaphore, #tpu.memory_space<semaphore_mem>>
          %dma_start3A_105 = arith.constant 0 : i32
          %dma_start3A_106 = tpu.memref_slice %arg9[%add3A_91, %dma_start3A_105] : memref<40x128xi32, #tpu.memory_space<vmem>> -> memref<1x128xi32, #tpu.memory_space<vmem>>
          %dma_start3A_107 = tpu.memref_squeeze %dma_start3A_106 : memref<1x128xi32, #tpu.memory_space<vmem>> -> memref<128xi32, #tpu.memory_space<vmem>>
          %dma_start3A_108 = arith.constant 0 : i32
          %dma_start3A_109 = arith.constant 0 : i32
          %dma_start3A_110 = tpu.memref_slice %arg14[%dma_start3A_108, %dma_start3A_109] : memref<10240x128xf32, #tpu.memory_space<vmem_shared>> -> memref<10240x128xf32, #tpu.memory_space<vmem_shared>>
          tpu.enqueue_indirect_dma source(%arg11 : memref<128x128xf32, #tpu.memory_space<vmem>>) target(%dma_start3A_110 : memref<10240x128xf32, #tpu.memory_space<vmem_shared>>) offsets(%dma_start3A_107 : memref<128xi32, #tpu.memory_space<vmem>>) semaphore(%run_scoped3A : memref<!tpu.dma_semaphore, #tpu.memory_space<semaphore_mem>>) {add = true}
          %dma_wait3A_111 = arith.constant 0 : i32
          %dma_wait3A_112 = tpu.memref_slice %arg9[%add3A_91, %dma_wait3A_111] : memref<40x128xi32, #tpu.memory_space<vmem>> -> memref<1x128xi32, #tpu.memory_space<vmem>>
          %dma_wait3A_113 = tpu.memref_squeeze %dma_wait3A_112 : memref<1x128xi32, #tpu.memory_space<vmem>> -> memref<128xi32, #tpu.memory_space<vmem>>
          %dma_wait3A_114 = arith.constant 0 : i32
          %dma_wait3A_115 = arith.constant 0 : i32
          %dma_wait3A_116 = tpu.memref_slice %arg14[%dma_wait3A_114, %dma_wait3A_115] : memref<10240x128xf32, #tpu.memory_space<vmem_shared>> -> memref<10240x128xf32, #tpu.memory_space<vmem_shared>>
          tpu.wait_indirect_dma semaphore(%run_scoped3A : memref<!tpu.dma_semaphore, #tpu.memory_space<semaphore_mem>>) src(%arg11 : memref<128x128xf32, #tpu.memory_space<vmem>>) dst(%dma_wait3A_116 : memref<10240x128xf32, #tpu.memory_space<vmem_shared>>)
          tpu.yield
        }) : () -> ()
        %add3A_98 = arith.constant 2 : i32
        %add3A_99 = arith.addi %add3A_91, %add3A_98 : i32
        %lt3A_100 = arith.constant 40 : i32
        %lt3A_101 = arith.cmpi slt, %add3A_99, %lt3A_100 : i32
        %convert_element_type3A_102 = arith.extui %lt3A_101 : i1 to i32
        %cond3A_103 = arith.constant 0 : i32
        %cond3A_104 = arith.cmpi ne, %convert_element_type3A_102, %cond3A_103 : i32
        scf.if %cond3A_104 {
          %add3A_105 = arith.constant 2 : i32
          %add3A_106 = arith.addi %add3A_91, %add3A_105 : i32
          %dma_start3A_107 = arith.constant 0 : i32
          %dma_start3A_108 = tpu.memref_slice %arg8[%add3A_106, %dma_start3A_107] : memref<40x128xi32, #tpu.memory_space<vmem>> -> memref<1x128xi32, #tpu.memory_space<vmem>>
          %dma_start3A_109 = tpu.memref_squeeze %dma_start3A_108 : memref<1x128xi32, #tpu.memory_space<vmem>> -> memref<128xi32, #tpu.memory_space<vmem>>
          %dma_start3A_110 = arith.constant 0 : i32
          %dma_start3A_111 = arith.constant 0 : i32
          %dma_start3A_112 = tpu.memref_slice %arg2[%dma_start3A_110, %dma_start3A_111] : memref<10000x128xf32, #tpu.memory_space<hbm>> -> memref<10000x128xf32, #tpu.memory_space<hbm>>
          tpu.enqueue_indirect_dma source(%dma_start3A_112 : memref<10000x128xf32, #tpu.memory_space<hbm>>) target(%arg11 : memref<128x128xf32, #tpu.memory_space<vmem>>) offsets(%dma_start3A_109 : memref<128xi32, #tpu.memory_space<vmem>>) semaphore(%arg13 : memref<!tpu.dma_semaphore, #tpu.memory_space<semaphore_mem>>)
        } else {
        }
      }
      %scan3A_71 = arith.constant 20 : i32
    } else {
    }
    "tpu.trace_stop"() : () -> ()
    %barrier3A_30 = arith.constant 0 : index
    tpu.barrier barrier_id(%barrier3A_30)
    "tpu.trace_start"() <{level = 10 : i32, message = "agg_out"}> : () -> ()
    %mul3A_31 = arith.constant 640 : i32
    %mul3A_32 = arith.muli %arg1, %mul3A_31 : i32
    %mul3A_33 = arith.constant 640 : i32
    %mul3A_34 = arith.muli %arg1, %mul3A_33 : i32
    "tpu.region"() ({
      %run_scoped3A = tpu.sem_alloc : memref<!tpu.dma_semaphore, #tpu.memory_space<semaphore_mem>>
      %dma_start3A = arith.constant 0 : i32
      %dma_start3A_35 = tpu.memref_slice %arg7[%arg0, %mul3A_34, %dma_start3A] : memref<2x10240x128xf32, #tpu.memory_space<hbm>> -> memref<1x640x128xf32, #tpu.memory_space<hbm>>
      %dma_start3A_36 = tpu.memref_squeeze %dma_start3A_35 : memref<1x640x128xf32, #tpu.memory_space<hbm>> -> memref<640x128xf32, #tpu.memory_space<hbm>>
      %dma_start3A_37 = arith.constant 0 : i32
      %dma_start3A_38 = tpu.memref_slice %arg14[%mul3A_32, %dma_start3A_37] : memref<10240x128xf32, #tpu.memory_space<vmem_shared>> -> memref<640x128xf32, #tpu.memory_space<vmem_shared>>
      tpu.enqueue_dma source(%dma_start3A_38 : memref<640x128xf32, #tpu.memory_space<vmem_shared>>) target(%dma_start3A_36 : memref<640x128xf32, #tpu.memory_space<hbm>>) target_semaphore(%run_scoped3A : memref<!tpu.dma_semaphore, #tpu.memory_space<semaphore_mem>>)
      %dma_wait3A = arith.constant 0 : i32
      %dma_wait3A_39 = tpu.memref_slice %arg7[%arg0, %mul3A_34, %dma_wait3A] : memref<2x10240x128xf32, #tpu.memory_space<hbm>> -> memref<1x640x128xf32, #tpu.memory_space<hbm>>
      %dma_wait3A_40 = tpu.memref_squeeze %dma_wait3A_39 : memref<1x640x128xf32, #tpu.memory_space<hbm>> -> memref<640x128xf32, #tpu.memory_space<hbm>>
      %dma_wait3A_41 = arith.constant 0 : i32
      %dma_wait3A_42 = tpu.memref_slice %arg14[%mul3A_32, %dma_wait3A_41] : memref<10240x128xf32, #tpu.memory_space<vmem_shared>> -> memref<640x128xf32, #tpu.memory_space<vmem_shared>>
      tpu.wait_dma2 semaphore(%run_scoped3A : memref<!tpu.dma_semaphore, #tpu.memory_space<semaphore_mem>>) src(%dma_wait3A_42 : memref<640x128xf32, #tpu.memory_space<vmem_shared>>) dst(%dma_wait3A_40 : memref<640x128xf32, #tpu.memory_space<hbm>>)
      tpu.yield
    }) : () -> ()
    "tpu.trace_stop"() : () -> ()
    return
  }
}

#map = affine_map<(d0, d1) -> (0, 0)>
#map1 = affine_map<(d0, d1) -> (0, 0, 0)>
module attributes {stable_mosaic.version = 14 : i64} {
  func.func @_sc_aggregate(%arg0: i32, %arg1: i32, %arg2: memref<10000x128xf32, #tpu.memory_space<hbm>>, %arg3: memref<16x80x128xi32, #tpu.memory_space<hbm>>, %arg4: memref<16x80x128xi32, #tpu.memory_space<hbm>>, %arg5: memref<16x80x128xi32, #tpu.memory_space<hbm>>, %arg6: memref<16x80x128xi32, #tpu.memory_space<hbm>>, %arg7: memref<2x10240x128xf32, #tpu.memory_space<hbm>>, %arg8: memref<40x128xi32, #tpu.memory_space<vmem>>, %arg9: memref<40x128xi32, #tpu.memory_space<vmem>>, %arg10: memref<128x128xf32, #tpu.memory_space<vmem>>, %arg11: memref<128x128xf32, #tpu.memory_space<vmem>>, %arg12: memref<!tpu.dma_semaphore, #tpu.memory_space<semaphore_mem>>, %arg13: memref<!tpu.dma_semaphore, #tpu.memory_space<semaphore_mem>>, %arg14: memref<10240x128xf32, #tpu.memory_space<vmem_shared>>) attributes {dimension_semantics = [#tpu.dimension_semantics<core_parallel>, #tpu.dimension_semantics<subcore_parallel>], iteration_bounds = array<i64: 2, 16>, scalar_prefetch = 0 : i64, scratch_operands = 7 : i64, tpu.core_type = #tpu.core_type<sc_vector_subcore>, window_params = [{transform_indices = #map}, {transform_indices = #map1}, {transform_indices = #map1}, {transform_indices = #map1}, {transform_indices = #map1}, {transform_indices = #map1}]} {
    %broadcast_in_dim3A = arith.constant 0.000000e+00 : f32
    %broadcast_in_dim3A_0 = vector.broadcast %broadcast_in_dim3A : f32 to vector<16xf32>
    "tpu.trace_start"() <{level = 10 : i32, message = "agg_zero"}> : () -> ()
    %scan3A = arith.constant 0 : i32
    %scan3A_1 = arith.constant 128 : i32
    %scan3A_2 = arith.addi %scan3A, %scan3A_1 : i32
    %scan3A_3 = arith.constant 1 : i32
    scf.for %scan3A_35 = %scan3A to %scan3A_2 step %scan3A_3  : i32 {
      %mul3A_36 = arith.constant 1 : i32
      %mul3A_37 = arith.muli %scan3A_35, %mul3A_36 : i32
      %add3A_38 = arith.constant 0 : i32
      %add3A_39 = arith.addi %add3A_38, %mul3A_37 : i32
      %swap3A = arith.index_cast %add3A_39 : i32 to index
      %swap3A_40 = arith.constant 0 : index
      %swap3A_41 = tpu.vector_load %arg10[%swap3A, %swap3A_40] {strides = array<i32>} : memref<128x128xf32, #tpu.memory_space<vmem>>, vector<1x16xf32>,
      %swap3A_42 = vector.shape_cast %swap3A_41 : vector<1x16xf32> to vector<16xf32>
      %swap3A_43 = vector.shape_cast %broadcast_in_dim3A_0 : vector<16xf32> to vector<1x16xf32>
      tpu.vector_store %arg10[%swap3A, %swap3A_40], %swap3A_43 {strides = array<i32>} : memref<128x128xf32, #tpu.memory_space<vmem>>, vector<1x16xf32>,
      %swap3A_44 = arith.index_cast %add3A_39 : i32 to index
      %swap3A_45 = arith.constant 16 : index
      %swap3A_46 = tpu.vector_load %arg10[%swap3A_44, %swap3A_45] {strides = array<i32>} : memref<128x128xf32, #tpu.memory_space<vmem>>, vector<1x16xf32>,
      %swap3A_47 = vector.shape_cast %swap3A_46 : vector<1x16xf32> to vector<16xf32>
      %swap3A_48 = vector.shape_cast %broadcast_in_dim3A_0 : vector<16xf32> to vector<1x16xf32>
      tpu.vector_store %arg10[%swap3A_44, %swap3A_45], %swap3A_48 {strides = array<i32>} : memref<128x128xf32, #tpu.memory_space<vmem>>, vector<1x16xf32>,
      %swap3A_49 = arith.index_cast %add3A_39 : i32 to index
      %swap3A_50 = arith.constant 32 : index
      %swap3A_51 = tpu.vector_load %arg10[%swap3A_49, %swap3A_50] {strides = array<i32>} : memref<128x128xf32, #tpu.memory_space<vmem>>, vector<1x16xf32>,
      %swap3A_52 = vector.shape_cast %swap3A_51 : vector<1x16xf32> to vector<16xf32>
      %swap3A_53 = vector.shape_cast %broadcast_in_dim3A_0 : vector<16xf32> to vector<1x16xf32>
      tpu.vector_store %arg10[%swap3A_49, %swap3A_50], %swap3A_53 {strides = array<i32>} : memref<128x128xf32, #tpu.memory_space<vmem>>, vector<1x16xf32>,
      %swap3A_54 = arith.index_cast %add3A_39 : i32 to index
      %swap3A_55 = arith.constant 48 : index
      %swap3A_56 = tpu.vector_load %arg10[%swap3A_54, %swap3A_55] {strides = array<i32>} : memref<128x128xf32, #tpu.memory_space<vmem>>, vector<1x16xf32>,
      %swap3A_57 = vector.shape_cast %swap3A_56 : vector<1x16xf32> to vector<16xf32>
      %swap3A_58 = vector.shape_cast %broadcast_in_dim3A_0 : vector<16xf32> to vector<1x16xf32>
      tpu.vector_store %arg10[%swap3A_54, %swap3A_55], %swap3A_58 {strides = array<i32>} : memref<128x128xf32, #tpu.memory_space<vmem>>, vector<1x16xf32>,
      %swap3A_59 = arith.index_cast %add3A_39 : i32 to index
      %swap3A_60 = arith.constant 64 : index
      %swap3A_61 = tpu.vector_load %arg10[%swap3A_59, %swap3A_60] {strides = array<i32>} : memref<128x128xf32, #tpu.memory_space<vmem>>, vector<1x16xf32>,
      %swap3A_62 = vector.shape_cast %swap3A_61 : vector<1x16xf32> to vector<16xf32>
      %swap3A_63 = vector.shape_cast %broadcast_in_dim3A_0 : vector<16xf32> to vector<1x16xf32>
      tpu.vector_store %arg10[%swap3A_59, %swap3A_60], %swap3A_63 {strides = array<i32>} : memref<128x128xf32, #tpu.memory_space<vmem>>, vector<1x16xf32>,
      %swap3A_64 = arith.index_cast %add3A_39 : i32 to index
      %swap3A_65 = arith.constant 80 : index
      %swap3A_66 = tpu.vector_load %arg10[%swap3A_64, %swap3A_65] {strides = array<i32>} : memref<128x128xf32, #tpu.memory_space<vmem>>, vector<1x16xf32>,
      %swap3A_67 = vector.shape_cast %swap3A_66 : vector<1x16xf32> to vector<16xf32>
      %swap3A_68 = vector.shape_cast %broadcast_in_dim3A_0 : vector<16xf32> to vector<1x16xf32>
      tpu.vector_store %arg10[%swap3A_64, %swap3A_65], %swap3A_68 {strides = array<i32>} : memref<128x128xf32, #tpu.memory_space<vmem>>, vector<1x16xf32>,
      %swap3A_69 = arith.index_cast %add3A_39 : i32 to index
      %swap3A_70 = arith.constant 96 : index
      %swap3A_71 = tpu.vector_load %arg10[%swap3A_69, %swap3A_70] {strides = array<i32>} : memref<128x128xf32, #tpu.memory_space<vmem>>, vector<1x16xf32>,
      %swap3A_72 = vector.shape_cast %swap3A_71 : vector<1x16xf32> to vector<16xf32>
      %swap3A_73 = vector.shape_cast %broadcast_in_dim3A_0 : vector<16xf32> to vector<1x16xf32>
      tpu.vector_store %arg10[%swap3A_69, %swap3A_70], %swap3A_73 {strides = array<i32>} : memref<128x128xf32, #tpu.memory_space<vmem>>, vector<1x16xf32>,
      %swap3A_74 = arith.index_cast %add3A_39 : i32 to index
      %swap3A_75 = arith.constant 112 : index
      %swap3A_76 = tpu.vector_load %arg10[%swap3A_74, %swap3A_75] {strides = array<i32>} : memref<128x128xf32, #tpu.memory_space<vmem>>, vector<1x16xf32>,
      %swap3A_77 = vector.shape_cast %swap3A_76 : vector<1x16xf32> to vector<16xf32>
      %swap3A_78 = vector.shape_cast %broadcast_in_dim3A_0 : vector<16xf32> to vector<1x16xf32>
      tpu.vector_store %arg10[%swap3A_74, %swap3A_75], %swap3A_78 {strides = array<i32>} : memref<128x128xf32, #tpu.memory_space<vmem>>, vector<1x16xf32>,
    }
    %scan3A_4 = arith.constant 128 : i32
    %mul3A = arith.constant 640 : i32
    %mul3A_5 = arith.muli %arg1, %mul3A : i32
    %add3A = arith.constant 0 : i32
    %add3A_6 = arith.addi %mul3A_5, %add3A : i32
    "tpu.region"() ({
      %run_scoped3A = tpu.sem_alloc : memref<!tpu.dma_semaphore, #tpu.memory_space<semaphore_mem>>
      %dma_start3A = arith.constant 0 : i32
      %dma_start3A_35 = tpu.memref_slice %arg14[%add3A_6, %dma_start3A] : memref<10240x128xf32, #tpu.memory_space<vmem_shared>> -> memref<128x128xf32, #tpu.memory_space<vmem_shared>>
      %dma_start3A_36 = arith.constant 0 : i32
      %dma_start3A_37 = tpu.memref_slice %arg14[%add3A_6, %dma_start3A_36] : memref<10240x128xf32, #tpu.memory_space<vmem_shared>> -> memref<128x128xf32, #tpu.memory_space<vmem_shared>>
      tpu.enqueue_dma source(%arg10 : memref<128x128xf32, #tpu.memory_space<vmem>>) target(%dma_start3A_37 : memref<128x128xf32, #tpu.memory_space<vmem_shared>>) target_semaphore(%run_scoped3A : memref<!tpu.dma_semaphore, #tpu.memory_space<semaphore_mem>>)
      %dma_wait3A = arith.constant 0 : i32
      %dma_wait3A_38 = tpu.memref_slice %arg14[%add3A_6, %dma_wait3A] : memref<10240x128xf32, #tpu.memory_space<vmem_shared>> -> memref<128x128xf32, #tpu.memory_space<vmem_shared>>
      %dma_wait3A_39 = arith.constant 0 : i32
      %dma_wait3A_40 = tpu.memref_slice %arg14[%add3A_6, %dma_wait3A_39] : memref<10240x128xf32, #tpu.memory_space<vmem_shared>> -> memref<128x128xf32, #tpu.memory_space<vmem_shared>>
      tpu.wait_dma2 semaphore(%run_scoped3A : memref<!tpu.dma_semaphore, #tpu.memory_space<semaphore_mem>>) src(%arg10 : memref<128x128xf32, #tpu.memory_space<vmem>>) dst(%dma_wait3A_40 : memref<128x128xf32, #tpu.memory_space<vmem_shared>>)
      tpu.yield
    }) : () -> ()
    %mul3A_7 = arith.constant 640 : i32
    %mul3A_8 = arith.muli %arg1, %mul3A_7 : i32
    %add3A_9 = arith.constant 128 : i32
    %add3A_10 = arith.addi %mul3A_8, %add3A_9 : i32
    "tpu.region"() ({
      %run_scoped3A = tpu.sem_alloc : memref<!tpu.dma_semaphore, #tpu.memory_space<semaphore_mem>>
      %dma_start3A = arith.constant 0 : i32
      %dma_start3A_35 = tpu.memref_slice %arg14[%add3A_10, %dma_start3A] : memref<10240x128xf32, #tpu.memory_space<vmem_shared>> -> memref<128x128xf32, #tpu.memory_space<vmem_shared>>
      %dma_start3A_36 = arith.constant 0 : i32
      %dma_start3A_37 = tpu.memref_slice %arg14[%add3A_10, %dma_start3A_36] : memref<10240x128xf32, #tpu.memory_space<vmem_shared>> -> memref<128x128xf32, #tpu.memory_space<vmem_shared>>
      tpu.enqueue_dma source(%arg10 : memref<128x128xf32, #tpu.memory_space<vmem>>) target(%dma_start3A_37 : memref<128x128xf32, #tpu.memory_space<vmem_shared>>) target_semaphore(%run_scoped3A : memref<!tpu.dma_semaphore, #tpu.memory_space<semaphore_mem>>)
      %dma_wait3A = arith.constant 0 : i32
      %dma_wait3A_38 = tpu.memref_slice %arg14[%add3A_10, %dma_wait3A] : memref<10240x128xf32, #tpu.memory_space<vmem_shared>> -> memref<128x128xf32, #tpu.memory_space<vmem_shared>>
      %dma_wait3A_39 = arith.constant 0 : i32
      %dma_wait3A_40 = tpu.memref_slice %arg14[%add3A_10, %dma_wait3A_39] : memref<10240x128xf32, #tpu.memory_space<vmem_shared>> -> memref<128x128xf32, #tpu.memory_space<vmem_shared>>
      tpu.wait_dma2 semaphore(%run_scoped3A : memref<!tpu.dma_semaphore, #tpu.memory_space<semaphore_mem>>) src(%arg10 : memref<128x128xf32, #tpu.memory_space<vmem>>) dst(%dma_wait3A_40 : memref<128x128xf32, #tpu.memory_space<vmem_shared>>)
      tpu.yield
    }) : () -> ()
    %mul3A_11 = arith.constant 640 : i32
    %mul3A_12 = arith.muli %arg1, %mul3A_11 : i32
    %add3A_13 = arith.constant 256 : i32
    %add3A_14 = arith.addi %mul3A_12, %add3A_13 : i32
    "tpu.region"() ({
      %run_scoped3A = tpu.sem_alloc : memref<!tpu.dma_semaphore, #tpu.memory_space<semaphore_mem>>
      %dma_start3A = arith.constant 0 : i32
      %dma_start3A_35 = tpu.memref_slice %arg14[%add3A_14, %dma_start3A] : memref<10240x128xf32, #tpu.memory_space<vmem_shared>> -> memref<128x128xf32, #tpu.memory_space<vmem_shared>>
      %dma_start3A_36 = arith.constant 0 : i32
      %dma_start3A_37 = tpu.memref_slice %arg14[%add3A_14, %dma_start3A_36] : memref<10240x128xf32, #tpu.memory_space<vmem_shared>> -> memref<128x128xf32, #tpu.memory_space<vmem_shared>>
      tpu.enqueue_dma source(%arg10 : memref<128x128xf32, #tpu.memory_space<vmem>>) target(%dma_start3A_37 : memref<128x128xf32, #tpu.memory_space<vmem_shared>>) target_semaphore(%run_scoped3A : memref<!tpu.dma_semaphore, #tpu.memory_space<semaphore_mem>>)
      %dma_wait3A = arith.constant 0 : i32
      %dma_wait3A_38 = tpu.memref_slice %arg14[%add3A_14, %dma_wait3A] : memref<10240x128xf32, #tpu.memory_space<vmem_shared>> -> memref<128x128xf32, #tpu.memory_space<vmem_shared>>
      %dma_wait3A_39 = arith.constant 0 : i32
      %dma_wait3A_40 = tpu.memref_slice %arg14[%add3A_14, %dma_wait3A_39] : memref<10240x128xf32, #tpu.memory_space<vmem_shared>> -> memref<128x128xf32, #tpu.memory_space<vmem_shared>>
      tpu.wait_dma2 semaphore(%run_scoped3A : memref<!tpu.dma_semaphore, #tpu.memory_space<semaphore_mem>>) src(%arg10 : memref<128x128xf32, #tpu.memory_space<vmem>>) dst(%dma_wait3A_40 : memref<128x128xf32, #tpu.memory_space<vmem_shared>>)
      tpu.yield
    }) : () -> ()
    %mul3A_15 = arith.constant 640 : i32
    %mul3A_16 = arith.muli %arg1, %mul3A_15 : i32
    %add3A_17 = arith.constant 384 : i32
    %add3A_18 = arith.addi %mul3A_16, %add3A_17 : i32
    "tpu.region"() ({
      %run_scoped3A = tpu.sem_alloc : memref<!tpu.dma_semaphore, #tpu.memory_space<semaphore_mem>>
      %dma_start3A = arith.constant 0 : i32
      %dma_start3A_35 = tpu.memref_slice %arg14[%add3A_18, %dma_start3A] : memref<10240x128xf32, #tpu.memory_space<vmem_shared>> -> memref<128x128xf32, #tpu.memory_space<vmem_shared>>
      %dma_start3A_36 = arith.constant 0 : i32
      %dma_start3A_37 = tpu.memref_slice %arg14[%add3A_18, %dma_start3A_36] : memref<10240x128xf32, #tpu.memory_space<vmem_shared>> -> memref<128x128xf32, #tpu.memory_space<vmem_shared>>
      tpu.enqueue_dma source(%arg10 : memref<128x128xf32, #tpu.memory_space<vmem>>) target(%dma_start3A_37 : memref<128x128xf32, #tpu.memory_space<vmem_shared>>) target_semaphore(%run_scoped3A : memref<!tpu.dma_semaphore, #tpu.memory_space<semaphore_mem>>)
      %dma_wait3A = arith.constant 0 : i32
      %dma_wait3A_38 = tpu.memref_slice %arg14[%add3A_18, %dma_wait3A] : memref<10240x128xf32, #tpu.memory_space<vmem_shared>> -> memref<128x128xf32, #tpu.memory_space<vmem_shared>>
      %dma_wait3A_39 = arith.constant 0 : i32
      %dma_wait3A_40 = tpu.memref_slice %arg14[%add3A_18, %dma_wait3A_39] : memref<10240x128xf32, #tpu.memory_space<vmem_shared>> -> memref<128x128xf32, #tpu.memory_space<vmem_shared>>
      tpu.wait_dma2 semaphore(%run_scoped3A : memref<!tpu.dma_semaphore, #tpu.memory_space<semaphore_mem>>) src(%arg10 : memref<128x128xf32, #tpu.memory_space<vmem>>) dst(%dma_wait3A_40 : memref<128x128xf32, #tpu.memory_space<vmem_shared>>)
      tpu.yield
    }) : () -> ()
    %mul3A_19 = arith.constant 640 : i32
    %mul3A_20 = arith.muli %arg1, %mul3A_19 : i32
    %add3A_21 = arith.constant 512 : i32
    %add3A_22 = arith.addi %mul3A_20, %add3A_21 : i32
    "tpu.region"() ({
      %run_scoped3A = tpu.sem_alloc : memref<!tpu.dma_semaphore, #tpu.memory_space<semaphore_mem>>
      %dma_start3A = arith.constant 0 : i32
      %dma_start3A_35 = tpu.memref_slice %arg14[%add3A_22, %dma_start3A] : memref<10240x128xf32, #tpu.memory_space<vmem_shared>> -> memref<128x128xf32, #tpu.memory_space<vmem_shared>>
      %dma_start3A_36 = arith.constant 0 : i32
      %dma_start3A_37 = tpu.memref_slice %arg14[%add3A_22, %dma_start3A_36] : memref<10240x128xf32, #tpu.memory_space<vmem_shared>> -> memref<128x128xf32, #tpu.memory_space<vmem_shared>>
      tpu.enqueue_dma source(%arg10 : memref<128x128xf32, #tpu.memory_space<vmem>>) target(%dma_start3A_37 : memref<128x128xf32, #tpu.memory_space<vmem_shared>>) target_semaphore(%run_scoped3A : memref<!tpu.dma_semaphore, #tpu.memory_space<semaphore_mem>>)
      %dma_wait3A = arith.constant 0 : i32
      %dma_wait3A_38 = tpu.memref_slice %arg14[%add3A_22, %dma_wait3A] : memref<10240x128xf32, #tpu.memory_space<vmem_shared>> -> memref<128x128xf32, #tpu.memory_space<vmem_shared>>
      %dma_wait3A_39 = arith.constant 0 : i32
      %dma_wait3A_40 = tpu.memref_slice %arg14[%add3A_22, %dma_wait3A_39] : memref<10240x128xf32, #tpu.memory_space<vmem_shared>> -> memref<128x128xf32, #tpu.memory_space<vmem_shared>>
      tpu.wait_dma2 semaphore(%run_scoped3A : memref<!tpu.dma_semaphore, #tpu.memory_space<semaphore_mem>>) src(%arg10 : memref<128x128xf32, #tpu.memory_space<vmem>>) dst(%dma_wait3A_40 : memref<128x128xf32, #tpu.memory_space<vmem_shared>>)
      tpu.yield
    }) : () -> ()
    "tpu.trace_stop"() : () -> ()
    %barrier3A = arith.constant 0 : index
    tpu.barrier barrier_id(%barrier3A)
    %eq3A = arith.constant 0 : i32
    "tpu.trace_start"() <{level = 10 : i32, message = "agg_ring"}> : () -> ()
    %eq3A_23 = arith.cmpi eq, %arg0, %eq3A : i32
    %convert_element_type3A = arith.extui %eq3A_23 : i1 to i32
    %cond3A = arith.constant 0 : i32
    %cond3A_24 = arith.cmpi ne, %convert_element_type3A, %cond3A : i32
    scf.if %cond3A_24 {
      "tpu.region"() ({
        %run_scoped3A = tpu.sem_alloc : memref<!tpu.dma_semaphore, #tpu.memory_space<semaphore_mem>>
        %dma_start3A_72 = arith.constant 0 : i32
        %dma_start3A_73 = arith.constant 0 : i32
        %dma_start3A_74 = tpu.memref_slice %arg3[%arg1, %dma_start3A_72, %dma_start3A_73] : memref<16x80x128xi32, #tpu.memory_space<hbm>> -> memref<1x40x128xi32, #tpu.memory_space<hbm>>
        %dma_start3A_75 = tpu.memref_squeeze %dma_start3A_74 : memref<1x40x128xi32, #tpu.memory_space<hbm>> -> memref<40x128xi32, #tpu.memory_space<hbm>>
        %dma_start3A_76 = arith.constant 0 : i32
        %dma_start3A_77 = arith.constant 0 : i32
        %dma_start3A_78 = tpu.memref_slice %arg3[%arg1, %dma_start3A_76, %dma_start3A_77] : memref<16x80x128xi32, #tpu.memory_space<hbm>> -> memref<1x40x128xi32, #tpu.memory_space<hbm>>
        %dma_start3A_79 = tpu.memref_squeeze %dma_start3A_78 : memref<1x40x128xi32, #tpu.memory_space<hbm>> -> memref<40x128xi32, #tpu.memory_space<hbm>>
        tpu.enqueue_dma source(%dma_start3A_79 : memref<40x128xi32, #tpu.memory_space<hbm>>) target(%arg8 : memref<40x128xi32, #tpu.memory_space<vmem>>) target_semaphore(%run_scoped3A : memref<!tpu.dma_semaphore, #tpu.memory_space<semaphore_mem>>)
        %dma_wait3A = arith.constant 0 : i32
        %dma_wait3A_80 = arith.constant 0 : i32
        %dma_wait3A_81 = tpu.memref_slice %arg3[%arg1, %dma_wait3A, %dma_wait3A_80] : memref<16x80x128xi32, #tpu.memory_space<hbm>> -> memref<1x40x128xi32, #tpu.memory_space<hbm>>
        %dma_wait3A_82 = tpu.memref_squeeze %dma_wait3A_81 : memref<1x40x128xi32, #tpu.memory_space<hbm>> -> memref<40x128xi32, #tpu.memory_space<hbm>>
        %dma_wait3A_83 = arith.constant 0 : i32
        %dma_wait3A_84 = arith.constant 0 : i32
        %dma_wait3A_85 = tpu.memref_slice %arg3[%arg1, %dma_wait3A_83, %dma_wait3A_84] : memref<16x80x128xi32, #tpu.memory_space<hbm>> -> memref<1x40x128xi32, #tpu.memory_space<hbm>>
        %dma_wait3A_86 = tpu.memref_squeeze %dma_wait3A_85 : memref<1x40x128xi32, #tpu.memory_space<hbm>> -> memref<40x128xi32, #tpu.memory_space<hbm>>
        tpu.wait_dma2 semaphore(%run_scoped3A : memref<!tpu.dma_semaphore, #tpu.memory_space<semaphore_mem>>) src(%dma_wait3A_86 : memref<40x128xi32, #tpu.memory_space<hbm>>) dst(%arg8 : memref<40x128xi32, #tpu.memory_space<vmem>>)
        tpu.yield
      }) : () -> ()
      "tpu.region"() ({
        %run_scoped3A = tpu.sem_alloc : memref<!tpu.dma_semaphore, #tpu.memory_space<semaphore_mem>>
        %dma_start3A_72 = arith.constant 0 : i32
        %dma_start3A_73 = arith.constant 0 : i32
        %dma_start3A_74 = tpu.memref_slice %arg4[%arg1, %dma_start3A_72, %dma_start3A_73] : memref<16x80x128xi32, #tpu.memory_space<hbm>> -> memref<1x40x128xi32, #tpu.memory_space<hbm>>
        %dma_start3A_75 = tpu.memref_squeeze %dma_start3A_74 : memref<1x40x128xi32, #tpu.memory_space<hbm>> -> memref<40x128xi32, #tpu.memory_space<hbm>>
        %dma_start3A_76 = arith.constant 0 : i32
        %dma_start3A_77 = arith.constant 0 : i32
        %dma_start3A_78 = tpu.memref_slice %arg4[%arg1, %dma_start3A_76, %dma_start3A_77] : memref<16x80x128xi32, #tpu.memory_space<hbm>> -> memref<1x40x128xi32, #tpu.memory_space<hbm>>
        %dma_start3A_79 = tpu.memref_squeeze %dma_start3A_78 : memref<1x40x128xi32, #tpu.memory_space<hbm>> -> memref<40x128xi32, #tpu.memory_space<hbm>>
        tpu.enqueue_dma source(%dma_start3A_79 : memref<40x128xi32, #tpu.memory_space<hbm>>) target(%arg9 : memref<40x128xi32, #tpu.memory_space<vmem>>) target_semaphore(%run_scoped3A : memref<!tpu.dma_semaphore, #tpu.memory_space<semaphore_mem>>)
        %dma_wait3A = arith.constant 0 : i32
        %dma_wait3A_80 = arith.constant 0 : i32
        %dma_wait3A_81 = tpu.memref_slice %arg4[%arg1, %dma_wait3A, %dma_wait3A_80] : memref<16x80x128xi32, #tpu.memory_space<hbm>> -> memref<1x40x128xi32, #tpu.memory_space<hbm>>
        %dma_wait3A_82 = tpu.memref_squeeze %dma_wait3A_81 : memref<1x40x128xi32, #tpu.memory_space<hbm>> -> memref<40x128xi32, #tpu.memory_space<hbm>>
        %dma_wait3A_83 = arith.constant 0 : i32
        %dma_wait3A_84 = arith.constant 0 : i32
        %dma_wait3A_85 = tpu.memref_slice %arg4[%arg1, %dma_wait3A_83, %dma_wait3A_84] : memref<16x80x128xi32, #tpu.memory_space<hbm>> -> memref<1x40x128xi32, #tpu.memory_space<hbm>>
        %dma_wait3A_86 = tpu.memref_squeeze %dma_wait3A_85 : memref<1x40x128xi32, #tpu.memory_space<hbm>> -> memref<40x128xi32, #tpu.memory_space<hbm>>
        tpu.wait_dma2 semaphore(%run_scoped3A : memref<!tpu.dma_semaphore, #tpu.memory_space<semaphore_mem>>) src(%dma_wait3A_86 : memref<40x128xi32, #tpu.memory_space<hbm>>) dst(%arg9 : memref<40x128xi32, #tpu.memory_space<vmem>>)
        tpu.yield
      }) : () -> ()
      %dma_start3A = arith.constant 0 : i32
      %dma_start3A_35 = arith.constant 0 : i32
      %dma_start3A_36 = tpu.memref_slice %arg8[%dma_start3A, %dma_start3A_35] : memref<40x128xi32, #tpu.memory_space<vmem>> -> memref<1x128xi32, #tpu.memory_space<vmem>>
      %dma_start3A_37 = tpu.memref_squeeze %dma_start3A_36 : memref<1x128xi32, #tpu.memory_space<vmem>> -> memref<128xi32, #tpu.memory_space<vmem>>
      %dma_start3A_38 = arith.constant 0 : i32
      %dma_start3A_39 = arith.constant 0 : i32
      %dma_start3A_40 = tpu.memref_slice %arg2[%dma_start3A_38, %dma_start3A_39] : memref<10000x128xf32, #tpu.memory_space<hbm>> -> memref<10000x128xf32, #tpu.memory_space<hbm>>
      tpu.enqueue_indirect_dma source(%dma_start3A_40 : memref<10000x128xf32, #tpu.memory_space<hbm>>) target(%arg10 : memref<128x128xf32, #tpu.memory_space<vmem>>) offsets(%dma_start3A_37 : memref<128xi32, #tpu.memory_space<vmem>>) semaphore(%arg12 : memref<!tpu.dma_semaphore, #tpu.memory_space<semaphore_mem>>)
      %dma_start3A_41 = arith.constant 1 : i32
      %dma_start3A_42 = arith.constant 0 : i32
      %dma_start3A_43 = tpu.memref_slice %arg8[%dma_start3A_41, %dma_start3A_42] : memref<40x128xi32, #tpu.memory_space<vmem>> -> memref<1x128xi32, #tpu.memory_space<vmem>>
      %dma_start3A_44 = tpu.memref_squeeze %dma_start3A_43 : memref<1x128xi32, #tpu.memory_space<vmem>> -> memref<128xi32, #tpu.memory_space<vmem>>
      %dma_start3A_45 = arith.constant 0 : i32
      %dma_start3A_46 = arith.constant 0 : i32
      %dma_start3A_47 = tpu.memref_slice %arg2[%dma_start3A_45, %dma_start3A_46] : memref<10000x128xf32, #tpu.memory_space<hbm>> -> memref<10000x128xf32, #tpu.memory_space<hbm>>
      tpu.enqueue_indirect_dma source(%dma_start3A_47 : memref<10000x128xf32, #tpu.memory_space<hbm>>) target(%arg11 : memref<128x128xf32, #tpu.memory_space<vmem>>) offsets(%dma_start3A_44 : memref<128xi32, #tpu.memory_space<vmem>>) semaphore(%arg13 : memref<!tpu.dma_semaphore, #tpu.memory_space<semaphore_mem>>)
      %scan3A_48 = arith.constant 0 : i32
      %scan3A_49 = arith.constant 20 : i32
      %scan3A_50 = arith.addi %scan3A_48, %scan3A_49 : i32
      %scan3A_51 = arith.constant 1 : i32
      scf.for %scan3A_72 = %scan3A_48 to %scan3A_50 step %scan3A_51  : i32 {
        %mul3A_73 = arith.constant 2 : i32
        %mul3A_74 = arith.muli %scan3A_72, %mul3A_73 : i32
        %add3A_75 = arith.constant 0 : i32
        %add3A_76 = arith.addi %add3A_75, %mul3A_74 : i32
        %add3A_77 = arith.constant 0 : i32
        %add3A_78 = arith.addi %add3A_76, %add3A_77 : i32
        %dma_wait3A = arith.constant 0 : i32
        %dma_wait3A_79 = tpu.memref_slice %arg8[%add3A_78, %dma_wait3A] : memref<40x128xi32, #tpu.memory_space<vmem>> -> memref<1x128xi32, #tpu.memory_space<vmem>>
        %dma_wait3A_80 = tpu.memref_squeeze %dma_wait3A_79 : memref<1x128xi32, #tpu.memory_space<vmem>> -> memref<128xi32, #tpu.memory_space<vmem>>
        %dma_wait3A_81 = arith.constant 0 : i32
        %dma_wait3A_82 = arith.constant 0 : i32
        %dma_wait3A_83 = tpu.memref_slice %arg2[%dma_wait3A_81, %dma_wait3A_82] : memref<10000x128xf32, #tpu.memory_space<hbm>> -> memref<10000x128xf32, #tpu.memory_space<hbm>>
        tpu.wait_indirect_dma semaphore(%arg12 : memref<!tpu.dma_semaphore, #tpu.memory_space<semaphore_mem>>) src(%dma_wait3A_83 : memref<10000x128xf32, #tpu.memory_space<hbm>>) dst(%arg10 : memref<128x128xf32, #tpu.memory_space<vmem>>)
        "tpu.region"() ({
          %run_scoped3A = tpu.sem_alloc : memref<!tpu.dma_semaphore, #tpu.memory_space<semaphore_mem>>
          %dma_start3A_105 = arith.constant 0 : i32
          %dma_start3A_106 = tpu.memref_slice %arg9[%add3A_78, %dma_start3A_105] : memref<40x128xi32, #tpu.memory_space<vmem>> -> memref<1x128xi32, #tpu.memory_space<vmem>>
          %dma_start3A_107 = tpu.memref_squeeze %dma_start3A_106 : memref<1x128xi32, #tpu.memory_space<vmem>> -> memref<128xi32, #tpu.memory_space<vmem>>
          %dma_start3A_108 = arith.constant 0 : i32
          %dma_start3A_109 = arith.constant 0 : i32
          %dma_start3A_110 = tpu.memref_slice %arg14[%dma_start3A_108, %dma_start3A_109] : memref<10240x128xf32, #tpu.memory_space<vmem_shared>> -> memref<10240x128xf32, #tpu.memory_space<vmem_shared>>
          tpu.enqueue_indirect_dma source(%arg10 : memref<128x128xf32, #tpu.memory_space<vmem>>) target(%dma_start3A_110 : memref<10240x128xf32, #tpu.memory_space<vmem_shared>>) offsets(%dma_start3A_107 : memref<128xi32, #tpu.memory_space<vmem>>) semaphore(%run_scoped3A : memref<!tpu.dma_semaphore, #tpu.memory_space<semaphore_mem>>) {add = true}
          %dma_wait3A_111 = arith.constant 0 : i32
          %dma_wait3A_112 = tpu.memref_slice %arg9[%add3A_78, %dma_wait3A_111] : memref<40x128xi32, #tpu.memory_space<vmem>> -> memref<1x128xi32, #tpu.memory_space<vmem>>
          %dma_wait3A_113 = tpu.memref_squeeze %dma_wait3A_112 : memref<1x128xi32, #tpu.memory_space<vmem>> -> memref<128xi32, #tpu.memory_space<vmem>>
          %dma_wait3A_114 = arith.constant 0 : i32
          %dma_wait3A_115 = arith.constant 0 : i32
          %dma_wait3A_116 = tpu.memref_slice %arg14[%dma_wait3A_114, %dma_wait3A_115] : memref<10240x128xf32, #tpu.memory_space<vmem_shared>> -> memref<10240x128xf32, #tpu.memory_space<vmem_shared>>
          tpu.wait_indirect_dma semaphore(%run_scoped3A : memref<!tpu.dma_semaphore, #tpu.memory_space<semaphore_mem>>) src(%arg10 : memref<128x128xf32, #tpu.memory_space<vmem>>) dst(%dma_wait3A_116 : memref<10240x128xf32, #tpu.memory_space<vmem_shared>>)
          tpu.yield
        }) : () -> ()
        %add3A_84 = arith.constant 2 : i32
        %add3A_85 = arith.addi %add3A_78, %add3A_84 : i32
        %lt3A = arith.constant 40 : i32
        %lt3A_86 = arith.cmpi slt, %add3A_85, %lt3A : i32
        %convert_element_type3A_87 = arith.extui %lt3A_86 : i1 to i32
        %cond3A_88 = arith.constant 0 : i32
        %cond3A_89 = arith.cmpi ne, %convert_element_type3A_87, %cond3A_88 : i32
        scf.if %cond3A_89 {
          %add3A_105 = arith.constant 2 : i32
          %add3A_106 = arith.addi %add3A_78, %add3A_105 : i32
          %dma_start3A_107 = arith.constant 0 : i32
          %dma_start3A_108 = tpu.memref_slice %arg8[%add3A_106, %dma_start3A_107] : memref<40x128xi32, #tpu.memory_space<vmem>> -> memref<1x128xi32, #tpu.memory_space<vmem>>
          %dma_start3A_109 = tpu.memref_squeeze %dma_start3A_108 : memref<1x128xi32, #tpu.memory_space<vmem>> -> memref<128xi32, #tpu.memory_space<vmem>>
          %dma_start3A_110 = arith.constant 0 : i32
          %dma_start3A_111 = arith.constant 0 : i32
          %dma_start3A_112 = tpu.memref_slice %arg2[%dma_start3A_110, %dma_start3A_111] : memref<10000x128xf32, #tpu.memory_space<hbm>> -> memref<10000x128xf32, #tpu.memory_space<hbm>>
          tpu.enqueue_indirect_dma source(%dma_start3A_112 : memref<10000x128xf32, #tpu.memory_space<hbm>>) target(%arg10 : memref<128x128xf32, #tpu.memory_space<vmem>>) offsets(%dma_start3A_109 : memref<128xi32, #tpu.memory_space<vmem>>) semaphore(%arg12 : memref<!tpu.dma_semaphore, #tpu.memory_space<semaphore_mem>>)
        } else {
        }
        %add3A_90 = arith.constant 1 : i32
        %add3A_91 = arith.addi %add3A_76, %add3A_90 : i32
        %dma_wait3A_92 = arith.constant 0 : i32
        %dma_wait3A_93 = tpu.memref_slice %arg8[%add3A_91, %dma_wait3A_92] : memref<40x128xi32, #tpu.memory_space<vmem>> -> memref<1x128xi32, #tpu.memory_space<vmem>>
        %dma_wait3A_94 = tpu.memref_squeeze %dma_wait3A_93 : memref<1x128xi32, #tpu.memory_space<vmem>> -> memref<128xi32, #tpu.memory_space<vmem>>
        %dma_wait3A_95 = arith.constant 0 : i32
        %dma_wait3A_96 = arith.constant 0 : i32
        %dma_wait3A_97 = tpu.memref_slice %arg2[%dma_wait3A_95, %dma_wait3A_96] : memref<10000x128xf32, #tpu.memory_space<hbm>> -> memref<10000x128xf32, #tpu.memory_space<hbm>>
        tpu.wait_indirect_dma semaphore(%arg13 : memref<!tpu.dma_semaphore, #tpu.memory_space<semaphore_mem>>) src(%dma_wait3A_97 : memref<10000x128xf32, #tpu.memory_space<hbm>>) dst(%arg11 : memref<128x128xf32, #tpu.memory_space<vmem>>)
        "tpu.region"() ({
          %run_scoped3A = tpu.sem_alloc : memref<!tpu.dma_semaphore, #tpu.memory_space<semaphore_mem>>
          %dma_start3A_105 = arith.constant 0 : i32
          %dma_start3A_106 = tpu.memref_slice %arg9[%add3A_91, %dma_start3A_105] : memref<40x128xi32, #tpu.memory_space<vmem>> -> memref<1x128xi32, #tpu.memory_space<vmem>>
          %dma_start3A_107 = tpu.memref_squeeze %dma_start3A_106 : memref<1x128xi32, #tpu.memory_space<vmem>> -> memref<128xi32, #tpu.memory_space<vmem>>
          %dma_start3A_108 = arith.constant 0 : i32
          %dma_start3A_109 = arith.constant 0 : i32
          %dma_start3A_110 = tpu.memref_slice %arg14[%dma_start3A_108, %dma_start3A_109] : memref<10240x128xf32, #tpu.memory_space<vmem_shared>> -> memref<10240x128xf32, #tpu.memory_space<vmem_shared>>
          tpu.enqueue_indirect_dma source(%arg11 : memref<128x128xf32, #tpu.memory_space<vmem>>) target(%dma_start3A_110 : memref<10240x128xf32, #tpu.memory_space<vmem_shared>>) offsets(%dma_start3A_107 : memref<128xi32, #tpu.memory_space<vmem>>) semaphore(%run_scoped3A : memref<!tpu.dma_semaphore, #tpu.memory_space<semaphore_mem>>) {add = true}
          %dma_wait3A_111 = arith.constant 0 : i32
          %dma_wait3A_112 = tpu.memref_slice %arg9[%add3A_91, %dma_wait3A_111] : memref<40x128xi32, #tpu.memory_space<vmem>> -> memref<1x128xi32, #tpu.memory_space<vmem>>
          %dma_wait3A_113 = tpu.memref_squeeze %dma_wait3A_112 : memref<1x128xi32, #tpu.memory_space<vmem>> -> memref<128xi32, #tpu.memory_space<vmem>>
          %dma_wait3A_114 = arith.constant 0 : i32
          %dma_wait3A_115 = arith.constant 0 : i32
          %dma_wait3A_116 = tpu.memref_slice %arg14[%dma_wait3A_114, %dma_wait3A_115] : memref<10240x128xf32, #tpu.memory_space<vmem_shared>> -> memref<10240x128xf32, #tpu.memory_space<vmem_shared>>
          tpu.wait_indirect_dma semaphore(%run_scoped3A : memref<!tpu.dma_semaphore, #tpu.memory_space<semaphore_mem>>) src(%arg11 : memref<128x128xf32, #tpu.memory_space<vmem>>) dst(%dma_wait3A_116 : memref<10240x128xf32, #tpu.memory_space<vmem_shared>>)
          tpu.yield
        }) : () -> ()
        %add3A_98 = arith.constant 2 : i32
        %add3A_99 = arith.addi %add3A_91, %add3A_98 : i32
        %lt3A_100 = arith.constant 40 : i32
        %lt3A_101 = arith.cmpi slt, %add3A_99, %lt3A_100 : i32
        %convert_element_type3A_102 = arith.extui %lt3A_101 : i1 to i32
        %cond3A_103 = arith.constant 0 : i32
        %cond3A_104 = arith.cmpi ne, %convert_element_type3A_102, %cond3A_103 : i32
        scf.if %cond3A_104 {
          %add3A_105 = arith.constant 2 : i32
          %add3A_106 = arith.addi %add3A_91, %add3A_105 : i32
          %dma_start3A_107 = arith.constant 0 : i32
          %dma_start3A_108 = tpu.memref_slice %arg8[%add3A_106, %dma_start3A_107] : memref<40x128xi32, #tpu.memory_space<vmem>> -> memref<1x128xi32, #tpu.memory_space<vmem>>
          %dma_start3A_109 = tpu.memref_squeeze %dma_start3A_108 : memref<1x128xi32, #tpu.memory_space<vmem>> -> memref<128xi32, #tpu.memory_space<vmem>>
          %dma_start3A_110 = arith.constant 0 : i32
          %dma_start3A_111 = arith.constant 0 : i32
          %dma_start3A_112 = tpu.memref_slice %arg2[%dma_start3A_110, %dma_start3A_111] : memref<10000x128xf32, #tpu.memory_space<hbm>> -> memref<10000x128xf32, #tpu.memory_space<hbm>>
          tpu.enqueue_indirect_dma source(%dma_start3A_112 : memref<10000x128xf32, #tpu.memory_space<hbm>>) target(%arg11 : memref<128x128xf32, #tpu.memory_space<vmem>>) offsets(%dma_start3A_109 : memref<128xi32, #tpu.memory_space<vmem>>) semaphore(%arg13 : memref<!tpu.dma_semaphore, #tpu.memory_space<semaphore_mem>>)
        } else {
        }
      }
      %scan3A_52 = arith.constant 20 : i32
      "tpu.region"() ({
        %run_scoped3A = tpu.sem_alloc : memref<!tpu.dma_semaphore, #tpu.memory_space<semaphore_mem>>
        %dma_start3A_72 = arith.constant 40 : i32
        %dma_start3A_73 = arith.constant 0 : i32
        %dma_start3A_74 = tpu.memref_slice %arg3[%arg1, %dma_start3A_72, %dma_start3A_73] : memref<16x80x128xi32, #tpu.memory_space<hbm>> -> memref<1x40x128xi32, #tpu.memory_space<hbm>>
        %dma_start3A_75 = tpu.memref_squeeze %dma_start3A_74 : memref<1x40x128xi32, #tpu.memory_space<hbm>> -> memref<40x128xi32, #tpu.memory_space<hbm>>
        %dma_start3A_76 = arith.constant 40 : i32
        %dma_start3A_77 = arith.constant 0 : i32
        %dma_start3A_78 = tpu.memref_slice %arg3[%arg1, %dma_start3A_76, %dma_start3A_77] : memref<16x80x128xi32, #tpu.memory_space<hbm>> -> memref<1x40x128xi32, #tpu.memory_space<hbm>>
        %dma_start3A_79 = tpu.memref_squeeze %dma_start3A_78 : memref<1x40x128xi32, #tpu.memory_space<hbm>> -> memref<40x128xi32, #tpu.memory_space<hbm>>
        tpu.enqueue_dma source(%dma_start3A_79 : memref<40x128xi32, #tpu.memory_space<hbm>>) target(%arg8 : memref<40x128xi32, #tpu.memory_space<vmem>>) target_semaphore(%run_scoped3A : memref<!tpu.dma_semaphore, #tpu.memory_space<semaphore_mem>>)
        %dma_wait3A = arith.constant 40 : i32
        %dma_wait3A_80 = arith.constant 0 : i32
        %dma_wait3A_81 = tpu.memref_slice %arg3[%arg1, %dma_wait3A, %dma_wait3A_80] : memref<16x80x128xi32, #tpu.memory_space<hbm>> -> memref<1x40x128xi32, #tpu.memory_space<hbm>>
        %dma_wait3A_82 = tpu.memref_squeeze %dma_wait3A_81 : memref<1x40x128xi32, #tpu.memory_space<hbm>> -> memref<40x128xi32, #tpu.memory_space<hbm>>
        %dma_wait3A_83 = arith.constant 40 : i32
        %dma_wait3A_84 = arith.constant 0 : i32
        %dma_wait3A_85 = tpu.memref_slice %arg3[%arg1, %dma_wait3A_83, %dma_wait3A_84] : memref<16x80x128xi32, #tpu.memory_space<hbm>> -> memref<1x40x128xi32, #tpu.memory_space<hbm>>
        %dma_wait3A_86 = tpu.memref_squeeze %dma_wait3A_85 : memref<1x40x128xi32, #tpu.memory_space<hbm>> -> memref<40x128xi32, #tpu.memory_space<hbm>>
        tpu.wait_dma2 semaphore(%run_scoped3A : memref<!tpu.dma_semaphore, #tpu.memory_space<semaphore_mem>>) src(%dma_wait3A_86 : memref<40x128xi32, #tpu.memory_space<hbm>>) dst(%arg8 : memref<40x128xi32, #tpu.memory_space<vmem>>)
        tpu.yield
      }) : () -> ()
      "tpu.region"() ({
        %run_scoped3A = tpu.sem_alloc : memref<!tpu.dma_semaphore, #tpu.memory_space<semaphore_mem>>
        %dma_start3A_72 = arith.constant 40 : i32
        %dma_start3A_73 = arith.constant 0 : i32
        %dma_start3A_74 = tpu.memref_slice %arg4[%arg1, %dma_start3A_72, %dma_start3A_73] : memref<16x80x128xi32, #tpu.memory_space<hbm>> -> memref<1x40x128xi32, #tpu.memory_space<hbm>>
        %dma_start3A_75 = tpu.memref_squeeze %dma_start3A_74 : memref<1x40x128xi32, #tpu.memory_space<hbm>> -> memref<40x128xi32, #tpu.memory_space<hbm>>
        %dma_start3A_76 = arith.constant 40 : i32
        %dma_start3A_77 = arith.constant 0 : i32
        %dma_start3A_78 = tpu.memref_slice %arg4[%arg1, %dma_start3A_76, %dma_start3A_77] : memref<16x80x128xi32, #tpu.memory_space<hbm>> -> memref<1x40x128xi32, #tpu.memory_space<hbm>>
        %dma_start3A_79 = tpu.memref_squeeze %dma_start3A_78 : memref<1x40x128xi32, #tpu.memory_space<hbm>> -> memref<40x128xi32, #tpu.memory_space<hbm>>
        tpu.enqueue_dma source(%dma_start3A_79 : memref<40x128xi32, #tpu.memory_space<hbm>>) target(%arg9 : memref<40x128xi32, #tpu.memory_space<vmem>>) target_semaphore(%run_scoped3A : memref<!tpu.dma_semaphore, #tpu.memory_space<semaphore_mem>>)
        %dma_wait3A = arith.constant 40 : i32
        %dma_wait3A_80 = arith.constant 0 : i32
        %dma_wait3A_81 = tpu.memref_slice %arg4[%arg1, %dma_wait3A, %dma_wait3A_80] : memref<16x80x128xi32, #tpu.memory_space<hbm>> -> memref<1x40x128xi32, #tpu.memory_space<hbm>>
        %dma_wait3A_82 = tpu.memref_squeeze %dma_wait3A_81 : memref<1x40x128xi32, #tpu.memory_space<hbm>> -> memref<40x128xi32, #tpu.memory_space<hbm>>
        %dma_wait3A_83 = arith.constant 40 : i32
        %dma_wait3A_84 = arith.constant 0 : i32
        %dma_wait3A_85 = tpu.memref_slice %arg4[%arg1, %dma_wait3A_83, %dma_wait3A_84] : memref<16x80x128xi32, #tpu.memory_space<hbm>> -> memref<1x40x128xi32, #tpu.memory_space<hbm>>
        %dma_wait3A_86 = tpu.memref_squeeze %dma_wait3A_85 : memref<1x40x128xi32, #tpu.memory_space<hbm>> -> memref<40x128xi32, #tpu.memory_space<hbm>>
        tpu.wait_dma2 semaphore(%run_scoped3A : memref<!tpu.dma_semaphore, #tpu.memory_space<semaphore_mem>>) src(%dma_wait3A_86 : memref<40x128xi32, #tpu.memory_space<hbm>>) dst(%arg9 : memref<40x128xi32, #tpu.memory_space<vmem>>)
        tpu.yield
      }) : () -> ()
      %dma_start3A_53 = arith.constant 0 : i32
      %dma_start3A_54 = arith.constant 0 : i32
      %dma_start3A_55 = tpu.memref_slice %arg8[%dma_start3A_53, %dma_start3A_54] : memref<40x128xi32, #tpu.memory_space<vmem>> -> memref<1x128xi32, #tpu.memory_space<vmem>>
      %dma_start3A_56 = tpu.memref_squeeze %dma_start3A_55 : memref<1x128xi32, #tpu.memory_space<vmem>> -> memref<128xi32, #tpu.memory_space<vmem>>
      %dma_start3A_57 = arith.constant 0 : i32
      %dma_start3A_58 = arith.constant 0 : i32
      %dma_start3A_59 = tpu.memref_slice %arg2[%dma_start3A_57, %dma_start3A_58] : memref<10000x128xf32, #tpu.memory_space<hbm>> -> memref<10000x128xf32, #tpu.memory_space<hbm>>
      tpu.enqueue_indirect_dma source(%dma_start3A_59 : memref<10000x128xf32, #tpu.memory_space<hbm>>) target(%arg10 : memref<128x128xf32, #tpu.memory_space<vmem>>) offsets(%dma_start3A_56 : memref<128xi32, #tpu.memory_space<vmem>>) semaphore(%arg12 : memref<!tpu.dma_semaphore, #tpu.memory_space<semaphore_mem>>)
      %dma_start3A_60 = arith.constant 1 : i32
      %dma_start3A_61 = arith.constant 0 : i32
      %dma_start3A_62 = tpu.memref_slice %arg8[%dma_start3A_60, %dma_start3A_61] : memref<40x128xi32, #tpu.memory_space<vmem>> -> memref<1x128xi32, #tpu.memory_space<vmem>>
      %dma_start3A_63 = tpu.memref_squeeze %dma_start3A_62 : memref<1x128xi32, #tpu.memory_space<vmem>> -> memref<128xi32, #tpu.memory_space<vmem>>
      %dma_start3A_64 = arith.constant 0 : i32
      %dma_start3A_65 = arith.constant 0 : i32
      %dma_start3A_66 = tpu.memref_slice %arg2[%dma_start3A_64, %dma_start3A_65] : memref<10000x128xf32, #tpu.memory_space<hbm>> -> memref<10000x128xf32, #tpu.memory_space<hbm>>
      tpu.enqueue_indirect_dma source(%dma_start3A_66 : memref<10000x128xf32, #tpu.memory_space<hbm>>) target(%arg11 : memref<128x128xf32, #tpu.memory_space<vmem>>) offsets(%dma_start3A_63 : memref<128xi32, #tpu.memory_space<vmem>>) semaphore(%arg13 : memref<!tpu.dma_semaphore, #tpu.memory_space<semaphore_mem>>)
      %scan3A_67 = arith.constant 0 : i32
      %scan3A_68 = arith.constant 20 : i32
      %scan3A_69 = arith.addi %scan3A_67, %scan3A_68 : i32
      %scan3A_70 = arith.constant 1 : i32
      scf.for %scan3A_72 = %scan3A_67 to %scan3A_69 step %scan3A_70  : i32 {
        %mul3A_73 = arith.constant 2 : i32
        %mul3A_74 = arith.muli %scan3A_72, %mul3A_73 : i32
        %add3A_75 = arith.constant 0 : i32
        %add3A_76 = arith.addi %add3A_75, %mul3A_74 : i32
        %add3A_77 = arith.constant 0 : i32
        %add3A_78 = arith.addi %add3A_76, %add3A_77 : i32
        %dma_wait3A = arith.constant 0 : i32
        %dma_wait3A_79 = tpu.memref_slice %arg8[%add3A_78, %dma_wait3A] : memref<40x128xi32, #tpu.memory_space<vmem>> -> memref<1x128xi32, #tpu.memory_space<vmem>>
        %dma_wait3A_80 = tpu.memref_squeeze %dma_wait3A_79 : memref<1x128xi32, #tpu.memory_space<vmem>> -> memref<128xi32, #tpu.memory_space<vmem>>
        %dma_wait3A_81 = arith.constant 0 : i32
        %dma_wait3A_82 = arith.constant 0 : i32
        %dma_wait3A_83 = tpu.memref_slice %arg2[%dma_wait3A_81, %dma_wait3A_82] : memref<10000x128xf32, #tpu.memory_space<hbm>> -> memref<10000x128xf32, #tpu.memory_space<hbm>>
        tpu.wait_indirect_dma semaphore(%arg12 : memref<!tpu.dma_semaphore, #tpu.memory_space<semaphore_mem>>) src(%dma_wait3A_83 : memref<10000x128xf32, #tpu.memory_space<hbm>>) dst(%arg10 : memref<128x128xf32, #tpu.memory_space<vmem>>)
        "tpu.region"() ({
          %run_scoped3A = tpu.sem_alloc : memref<!tpu.dma_semaphore, #tpu.memory_space<semaphore_mem>>
          %dma_start3A_105 = arith.constant 0 : i32
          %dma_start3A_106 = tpu.memref_slice %arg9[%add3A_78, %dma_start3A_105] : memref<40x128xi32, #tpu.memory_space<vmem>> -> memref<1x128xi32, #tpu.memory_space<vmem>>
          %dma_start3A_107 = tpu.memref_squeeze %dma_start3A_106 : memref<1x128xi32, #tpu.memory_space<vmem>> -> memref<128xi32, #tpu.memory_space<vmem>>
          %dma_start3A_108 = arith.constant 0 : i32
          %dma_start3A_109 = arith.constant 0 : i32
          %dma_start3A_110 = tpu.memref_slice %arg14[%dma_start3A_108, %dma_start3A_109] : memref<10240x128xf32, #tpu.memory_space<vmem_shared>> -> memref<10240x128xf32, #tpu.memory_space<vmem_shared>>
          tpu.enqueue_indirect_dma source(%arg10 : memref<128x128xf32, #tpu.memory_space<vmem>>) target(%dma_start3A_110 : memref<10240x128xf32, #tpu.memory_space<vmem_shared>>) offsets(%dma_start3A_107 : memref<128xi32, #tpu.memory_space<vmem>>) semaphore(%run_scoped3A : memref<!tpu.dma_semaphore, #tpu.memory_space<semaphore_mem>>) {add = true}
          %dma_wait3A_111 = arith.constant 0 : i32
          %dma_wait3A_112 = tpu.memref_slice %arg9[%add3A_78, %dma_wait3A_111] : memref<40x128xi32, #tpu.memory_space<vmem>> -> memref<1x128xi32, #tpu.memory_space<vmem>>
          %dma_wait3A_113 = tpu.memref_squeeze %dma_wait3A_112 : memref<1x128xi32, #tpu.memory_space<vmem>> -> memref<128xi32, #tpu.memory_space<vmem>>
          %dma_wait3A_114 = arith.constant 0 : i32
          %dma_wait3A_115 = arith.constant 0 : i32
          %dma_wait3A_116 = tpu.memref_slice %arg14[%dma_wait3A_114, %dma_wait3A_115] : memref<10240x128xf32, #tpu.memory_space<vmem_shared>> -> memref<10240x128xf32, #tpu.memory_space<vmem_shared>>
          tpu.wait_indirect_dma semaphore(%run_scoped3A : memref<!tpu.dma_semaphore, #tpu.memory_space<semaphore_mem>>) src(%arg10 : memref<128x128xf32, #tpu.memory_space<vmem>>) dst(%dma_wait3A_116 : memref<10240x128xf32, #tpu.memory_space<vmem_shared>>)
          tpu.yield
        }) : () -> ()
        %add3A_84 = arith.constant 2 : i32
        %add3A_85 = arith.addi %add3A_78, %add3A_84 : i32
        %lt3A = arith.constant 40 : i32
        %lt3A_86 = arith.cmpi slt, %add3A_85, %lt3A : i32
        %convert_element_type3A_87 = arith.extui %lt3A_86 : i1 to i32
        %cond3A_88 = arith.constant 0 : i32
        %cond3A_89 = arith.cmpi ne, %convert_element_type3A_87, %cond3A_88 : i32
        scf.if %cond3A_89 {
          %add3A_105 = arith.constant 2 : i32
          %add3A_106 = arith.addi %add3A_78, %add3A_105 : i32
          %dma_start3A_107 = arith.constant 0 : i32
          %dma_start3A_108 = tpu.memref_slice %arg8[%add3A_106, %dma_start3A_107] : memref<40x128xi32, #tpu.memory_space<vmem>> -> memref<1x128xi32, #tpu.memory_space<vmem>>
          %dma_start3A_109 = tpu.memref_squeeze %dma_start3A_108 : memref<1x128xi32, #tpu.memory_space<vmem>> -> memref<128xi32, #tpu.memory_space<vmem>>
          %dma_start3A_110 = arith.constant 0 : i32
          %dma_start3A_111 = arith.constant 0 : i32
          %dma_start3A_112 = tpu.memref_slice %arg2[%dma_start3A_110, %dma_start3A_111] : memref<10000x128xf32, #tpu.memory_space<hbm>> -> memref<10000x128xf32, #tpu.memory_space<hbm>>
          tpu.enqueue_indirect_dma source(%dma_start3A_112 : memref<10000x128xf32, #tpu.memory_space<hbm>>) target(%arg10 : memref<128x128xf32, #tpu.memory_space<vmem>>) offsets(%dma_start3A_109 : memref<128xi32, #tpu.memory_space<vmem>>) semaphore(%arg12 : memref<!tpu.dma_semaphore, #tpu.memory_space<semaphore_mem>>)
        } else {
        }
        %add3A_90 = arith.constant 1 : i32
        %add3A_91 = arith.addi %add3A_76, %add3A_90 : i32
        %dma_wait3A_92 = arith.constant 0 : i32
        %dma_wait3A_93 = tpu.memref_slice %arg8[%add3A_91, %dma_wait3A_92] : memref<40x128xi32, #tpu.memory_space<vmem>> -> memref<1x128xi32, #tpu.memory_space<vmem>>
        %dma_wait3A_94 = tpu.memref_squeeze %dma_wait3A_93 : memref<1x128xi32, #tpu.memory_space<vmem>> -> memref<128xi32, #tpu.memory_space<vmem>>
        %dma_wait3A_95 = arith.constant 0 : i32
        %dma_wait3A_96 = arith.constant 0 : i32
        %dma_wait3A_97 = tpu.memref_slice %arg2[%dma_wait3A_95, %dma_wait3A_96] : memref<10000x128xf32, #tpu.memory_space<hbm>> -> memref<10000x128xf32, #tpu.memory_space<hbm>>
        tpu.wait_indirect_dma semaphore(%arg13 : memref<!tpu.dma_semaphore, #tpu.memory_space<semaphore_mem>>) src(%dma_wait3A_97 : memref<10000x128xf32, #tpu.memory_space<hbm>>) dst(%arg11 : memref<128x128xf32, #tpu.memory_space<vmem>>)
        "tpu.region"() ({
          %run_scoped3A = tpu.sem_alloc : memref<!tpu.dma_semaphore, #tpu.memory_space<semaphore_mem>>
          %dma_start3A_105 = arith.constant 0 : i32
          %dma_start3A_106 = tpu.memref_slice %arg9[%add3A_91, %dma_start3A_105] : memref<40x128xi32, #tpu.memory_space<vmem>> -> memref<1x128xi32, #tpu.memory_space<vmem>>
          %dma_start3A_107 = tpu.memref_squeeze %dma_start3A_106 : memref<1x128xi32, #tpu.memory_space<vmem>> -> memref<128xi32, #tpu.memory_space<vmem>>
          %dma_start3A_108 = arith.constant 0 : i32
          %dma_start3A_109 = arith.constant 0 : i32
          %dma_start3A_110 = tpu.memref_slice %arg14[%dma_start3A_108, %dma_start3A_109] : memref<10240x128xf32, #tpu.memory_space<vmem_shared>> -> memref<10240x128xf32, #tpu.memory_space<vmem_shared>>
          tpu.enqueue_indirect_dma source(%arg11 : memref<128x128xf32, #tpu.memory_space<vmem>>) target(%dma_start3A_110 : memref<10240x128xf32, #tpu.memory_space<vmem_shared>>) offsets(%dma_start3A_107 : memref<128xi32, #tpu.memory_space<vmem>>) semaphore(%run_scoped3A : memref<!tpu.dma_semaphore, #tpu.memory_space<semaphore_mem>>) {add = true}
          %dma_wait3A_111 = arith.constant 0 : i32
          %dma_wait3A_112 = tpu.memref_slice %arg9[%add3A_91, %dma_wait3A_111] : memref<40x128xi32, #tpu.memory_space<vmem>> -> memref<1x128xi32, #tpu.memory_space<vmem>>
          %dma_wait3A_113 = tpu.memref_squeeze %dma_wait3A_112 : memref<1x128xi32, #tpu.memory_space<vmem>> -> memref<128xi32, #tpu.memory_space<vmem>>
          %dma_wait3A_114 = arith.constant 0 : i32
          %dma_wait3A_115 = arith.constant 0 : i32
          %dma_wait3A_116 = tpu.memref_slice %arg14[%dma_wait3A_114, %dma_wait3A_115] : memref<10240x128xf32, #tpu.memory_space<vmem_shared>> -> memref<10240x128xf32, #tpu.memory_space<vmem_shared>>
          tpu.wait_indirect_dma semaphore(%run_scoped3A : memref<!tpu.dma_semaphore, #tpu.memory_space<semaphore_mem>>) src(%arg11 : memref<128x128xf32, #tpu.memory_space<vmem>>) dst(%dma_wait3A_116 : memref<10240x128xf32, #tpu.memory_space<vmem_shared>>)
          tpu.yield
        }) : () -> ()
        %add3A_98 = arith.constant 2 : i32
        %add3A_99 = arith.addi %add3A_91, %add3A_98 : i32
        %lt3A_100 = arith.constant 40 : i32
        %lt3A_101 = arith.cmpi slt, %add3A_99, %lt3A_100 : i32
        %convert_element_type3A_102 = arith.extui %lt3A_101 : i1 to i32
        %cond3A_103 = arith.constant 0 : i32
        %cond3A_104 = arith.cmpi ne, %convert_element_type3A_102, %cond3A_103 : i32
        scf.if %cond3A_104 {
          %add3A_105 = arith.constant 2 : i32
          %add3A_106 = arith.addi %add3A_91, %add3A_105 : i32
          %dma_start3A_107 = arith.constant 0 : i32
          %dma_start3A_108 = tpu.memref_slice %arg8[%add3A_106, %dma_start3A_107] : memref<40x128xi32, #tpu.memory_space<vmem>> -> memref<1x128xi32, #tpu.memory_space<vmem>>
          %dma_start3A_109 = tpu.memref_squeeze %dma_start3A_108 : memref<1x128xi32, #tpu.memory_space<vmem>> -> memref<128xi32, #tpu.memory_space<vmem>>
          %dma_start3A_110 = arith.constant 0 : i32
          %dma_start3A_111 = arith.constant 0 : i32
          %dma_start3A_112 = tpu.memref_slice %arg2[%dma_start3A_110, %dma_start3A_111] : memref<10000x128xf32, #tpu.memory_space<hbm>> -> memref<10000x128xf32, #tpu.memory_space<hbm>>
          tpu.enqueue_indirect_dma source(%dma_start3A_112 : memref<10000x128xf32, #tpu.memory_space<hbm>>) target(%arg11 : memref<128x128xf32, #tpu.memory_space<vmem>>) offsets(%dma_start3A_109 : memref<128xi32, #tpu.memory_space<vmem>>) semaphore(%arg13 : memref<!tpu.dma_semaphore, #tpu.memory_space<semaphore_mem>>)
        } else {
        }
      }
      %scan3A_71 = arith.constant 20 : i32
    } else {
    }
    %eq3A_25 = arith.constant 1 : i32
    %eq3A_26 = arith.cmpi eq, %arg0, %eq3A_25 : i32
    %convert_element_type3A_27 = arith.extui %eq3A_26 : i1 to i32
    %cond3A_28 = arith.constant 0 : i32
    %cond3A_29 = arith.cmpi ne, %convert_element_type3A_27, %cond3A_28 : i32
    scf.if %cond3A_29 {
      "tpu.region"() ({
        %run_scoped3A = tpu.sem_alloc : memref<!tpu.dma_semaphore, #tpu.memory_space<semaphore_mem>>
        %dma_start3A_72 = arith.constant 0 : i32
        %dma_start3A_73 = arith.constant 0 : i32
        %dma_start3A_74 = tpu.memref_slice %arg5[%arg1, %dma_start3A_72, %dma_start3A_73] : memref<16x80x128xi32, #tpu.memory_space<hbm>> -> memref<1x40x128xi32, #tpu.memory_space<hbm>>
        %dma_start3A_75 = tpu.memref_squeeze %dma_start3A_74 : memref<1x40x128xi32, #tpu.memory_space<hbm>> -> memref<40x128xi32, #tpu.memory_space<hbm>>
        %dma_start3A_76 = arith.constant 0 : i32
        %dma_start3A_77 = arith.constant 0 : i32
        %dma_start3A_78 = tpu.memref_slice %arg5[%arg1, %dma_start3A_76, %dma_start3A_77] : memref<16x80x128xi32, #tpu.memory_space<hbm>> -> memref<1x40x128xi32, #tpu.memory_space<hbm>>
        %dma_start3A_79 = tpu.memref_squeeze %dma_start3A_78 : memref<1x40x128xi32, #tpu.memory_space<hbm>> -> memref<40x128xi32, #tpu.memory_space<hbm>>
        tpu.enqueue_dma source(%dma_start3A_79 : memref<40x128xi32, #tpu.memory_space<hbm>>) target(%arg8 : memref<40x128xi32, #tpu.memory_space<vmem>>) target_semaphore(%run_scoped3A : memref<!tpu.dma_semaphore, #tpu.memory_space<semaphore_mem>>)
        %dma_wait3A = arith.constant 0 : i32
        %dma_wait3A_80 = arith.constant 0 : i32
        %dma_wait3A_81 = tpu.memref_slice %arg5[%arg1, %dma_wait3A, %dma_wait3A_80] : memref<16x80x128xi32, #tpu.memory_space<hbm>> -> memref<1x40x128xi32, #tpu.memory_space<hbm>>
        %dma_wait3A_82 = tpu.memref_squeeze %dma_wait3A_81 : memref<1x40x128xi32, #tpu.memory_space<hbm>> -> memref<40x128xi32, #tpu.memory_space<hbm>>
        %dma_wait3A_83 = arith.constant 0 : i32
        %dma_wait3A_84 = arith.constant 0 : i32
        %dma_wait3A_85 = tpu.memref_slice %arg5[%arg1, %dma_wait3A_83, %dma_wait3A_84] : memref<16x80x128xi32, #tpu.memory_space<hbm>> -> memref<1x40x128xi32, #tpu.memory_space<hbm>>
        %dma_wait3A_86 = tpu.memref_squeeze %dma_wait3A_85 : memref<1x40x128xi32, #tpu.memory_space<hbm>> -> memref<40x128xi32, #tpu.memory_space<hbm>>
        tpu.wait_dma2 semaphore(%run_scoped3A : memref<!tpu.dma_semaphore, #tpu.memory_space<semaphore_mem>>) src(%dma_wait3A_86 : memref<40x128xi32, #tpu.memory_space<hbm>>) dst(%arg8 : memref<40x128xi32, #tpu.memory_space<vmem>>)
        tpu.yield
      }) : () -> ()
      "tpu.region"() ({
        %run_scoped3A = tpu.sem_alloc : memref<!tpu.dma_semaphore, #tpu.memory_space<semaphore_mem>>
        %dma_start3A_72 = arith.constant 0 : i32
        %dma_start3A_73 = arith.constant 0 : i32
        %dma_start3A_74 = tpu.memref_slice %arg6[%arg1, %dma_start3A_72, %dma_start3A_73] : memref<16x80x128xi32, #tpu.memory_space<hbm>> -> memref<1x40x128xi32, #tpu.memory_space<hbm>>
        %dma_start3A_75 = tpu.memref_squeeze %dma_start3A_74 : memref<1x40x128xi32, #tpu.memory_space<hbm>> -> memref<40x128xi32, #tpu.memory_space<hbm>>
        %dma_start3A_76 = arith.constant 0 : i32
        %dma_start3A_77 = arith.constant 0 : i32
        %dma_start3A_78 = tpu.memref_slice %arg6[%arg1, %dma_start3A_76, %dma_start3A_77] : memref<16x80x128xi32, #tpu.memory_space<hbm>> -> memref<1x40x128xi32, #tpu.memory_space<hbm>>
        %dma_start3A_79 = tpu.memref_squeeze %dma_start3A_78 : memref<1x40x128xi32, #tpu.memory_space<hbm>> -> memref<40x128xi32, #tpu.memory_space<hbm>>
        tpu.enqueue_dma source(%dma_start3A_79 : memref<40x128xi32, #tpu.memory_space<hbm>>) target(%arg9 : memref<40x128xi32, #tpu.memory_space<vmem>>) target_semaphore(%run_scoped3A : memref<!tpu.dma_semaphore, #tpu.memory_space<semaphore_mem>>)
        %dma_wait3A = arith.constant 0 : i32
        %dma_wait3A_80 = arith.constant 0 : i32
        %dma_wait3A_81 = tpu.memref_slice %arg6[%arg1, %dma_wait3A, %dma_wait3A_80] : memref<16x80x128xi32, #tpu.memory_space<hbm>> -> memref<1x40x128xi32, #tpu.memory_space<hbm>>
        %dma_wait3A_82 = tpu.memref_squeeze %dma_wait3A_81 : memref<1x40x128xi32, #tpu.memory_space<hbm>> -> memref<40x128xi32, #tpu.memory_space<hbm>>
        %dma_wait3A_83 = arith.constant 0 : i32
        %dma_wait3A_84 = arith.constant 0 : i32
        %dma_wait3A_85 = tpu.memref_slice %arg6[%arg1, %dma_wait3A_83, %dma_wait3A_84] : memref<16x80x128xi32, #tpu.memory_space<hbm>> -> memref<1x40x128xi32, #tpu.memory_space<hbm>>
        %dma_wait3A_86 = tpu.memref_squeeze %dma_wait3A_85 : memref<1x40x128xi32, #tpu.memory_space<hbm>> -> memref<40x128xi32, #tpu.memory_space<hbm>>
        tpu.wait_dma2 semaphore(%run_scoped3A : memref<!tpu.dma_semaphore, #tpu.memory_space<semaphore_mem>>) src(%dma_wait3A_86 : memref<40x128xi32, #tpu.memory_space<hbm>>) dst(%arg9 : memref<40x128xi32, #tpu.memory_space<vmem>>)
        tpu.yield
      }) : () -> ()
      %dma_start3A = arith.constant 0 : i32
      %dma_start3A_35 = arith.constant 0 : i32
      %dma_start3A_36 = tpu.memref_slice %arg8[%dma_start3A, %dma_start3A_35] : memref<40x128xi32, #tpu.memory_space<vmem>> -> memref<1x128xi32, #tpu.memory_space<vmem>>
      %dma_start3A_37 = tpu.memref_squeeze %dma_start3A_36 : memref<1x128xi32, #tpu.memory_space<vmem>> -> memref<128xi32, #tpu.memory_space<vmem>>
      %dma_start3A_38 = arith.constant 0 : i32
      %dma_start3A_39 = arith.constant 0 : i32
      %dma_start3A_40 = tpu.memref_slice %arg2[%dma_start3A_38, %dma_start3A_39] : memref<10000x128xf32, #tpu.memory_space<hbm>> -> memref<10000x128xf32, #tpu.memory_space<hbm>>
      tpu.enqueue_indirect_dma source(%dma_start3A_40 : memref<10000x128xf32, #tpu.memory_space<hbm>>) target(%arg10 : memref<128x128xf32, #tpu.memory_space<vmem>>) offsets(%dma_start3A_37 : memref<128xi32, #tpu.memory_space<vmem>>) semaphore(%arg12 : memref<!tpu.dma_semaphore, #tpu.memory_space<semaphore_mem>>)
      %dma_start3A_41 = arith.constant 1 : i32
      %dma_start3A_42 = arith.constant 0 : i32
      %dma_start3A_43 = tpu.memref_slice %arg8[%dma_start3A_41, %dma_start3A_42] : memref<40x128xi32, #tpu.memory_space<vmem>> -> memref<1x128xi32, #tpu.memory_space<vmem>>
      %dma_start3A_44 = tpu.memref_squeeze %dma_start3A_43 : memref<1x128xi32, #tpu.memory_space<vmem>> -> memref<128xi32, #tpu.memory_space<vmem>>
      %dma_start3A_45 = arith.constant 0 : i32
      %dma_start3A_46 = arith.constant 0 : i32
      %dma_start3A_47 = tpu.memref_slice %arg2[%dma_start3A_45, %dma_start3A_46] : memref<10000x128xf32, #tpu.memory_space<hbm>> -> memref<10000x128xf32, #tpu.memory_space<hbm>>
      tpu.enqueue_indirect_dma source(%dma_start3A_47 : memref<10000x128xf32, #tpu.memory_space<hbm>>) target(%arg11 : memref<128x128xf32, #tpu.memory_space<vmem>>) offsets(%dma_start3A_44 : memref<128xi32, #tpu.memory_space<vmem>>) semaphore(%arg13 : memref<!tpu.dma_semaphore, #tpu.memory_space<semaphore_mem>>)
      %scan3A_48 = arith.constant 0 : i32
      %scan3A_49 = arith.constant 20 : i32
      %scan3A_50 = arith.addi %scan3A_48, %scan3A_49 : i32
      %scan3A_51 = arith.constant 1 : i32
      scf.for %scan3A_72 = %scan3A_48 to %scan3A_50 step %scan3A_51  : i32 {
        %mul3A_73 = arith.constant 2 : i32
        %mul3A_74 = arith.muli %scan3A_72, %mul3A_73 : i32
        %add3A_75 = arith.constant 0 : i32
        %add3A_76 = arith.addi %add3A_75, %mul3A_74 : i32
        %add3A_77 = arith.constant 0 : i32
        %add3A_78 = arith.addi %add3A_76, %add3A_77 : i32
        %dma_wait3A = arith.constant 0 : i32
        %dma_wait3A_79 = tpu.memref_slice %arg8[%add3A_78, %dma_wait3A] : memref<40x128xi32, #tpu.memory_space<vmem>> -> memref<1x128xi32, #tpu.memory_space<vmem>>
        %dma_wait3A_80 = tpu.memref_squeeze %dma_wait3A_79 : memref<1x128xi32, #tpu.memory_space<vmem>> -> memref<128xi32, #tpu.memory_space<vmem>>
        %dma_wait3A_81 = arith.constant 0 : i32
        %dma_wait3A_82 = arith.constant 0 : i32
        %dma_wait3A_83 = tpu.memref_slice %arg2[%dma_wait3A_81, %dma_wait3A_82] : memref<10000x128xf32, #tpu.memory_space<hbm>> -> memref<10000x128xf32, #tpu.memory_space<hbm>>
        tpu.wait_indirect_dma semaphore(%arg12 : memref<!tpu.dma_semaphore, #tpu.memory_space<semaphore_mem>>) src(%dma_wait3A_83 : memref<10000x128xf32, #tpu.memory_space<hbm>>) dst(%arg10 : memref<128x128xf32, #tpu.memory_space<vmem>>)
        "tpu.region"() ({
          %run_scoped3A = tpu.sem_alloc : memref<!tpu.dma_semaphore, #tpu.memory_space<semaphore_mem>>
          %dma_start3A_105 = arith.constant 0 : i32
          %dma_start3A_106 = tpu.memref_slice %arg9[%add3A_78, %dma_start3A_105] : memref<40x128xi32, #tpu.memory_space<vmem>> -> memref<1x128xi32, #tpu.memory_space<vmem>>
          %dma_start3A_107 = tpu.memref_squeeze %dma_start3A_106 : memref<1x128xi32, #tpu.memory_space<vmem>> -> memref<128xi32, #tpu.memory_space<vmem>>
          %dma_start3A_108 = arith.constant 0 : i32
          %dma_start3A_109 = arith.constant 0 : i32
          %dma_start3A_110 = tpu.memref_slice %arg14[%dma_start3A_108, %dma_start3A_109] : memref<10240x128xf32, #tpu.memory_space<vmem_shared>> -> memref<10240x128xf32, #tpu.memory_space<vmem_shared>>
          tpu.enqueue_indirect_dma source(%arg10 : memref<128x128xf32, #tpu.memory_space<vmem>>) target(%dma_start3A_110 : memref<10240x128xf32, #tpu.memory_space<vmem_shared>>) offsets(%dma_start3A_107 : memref<128xi32, #tpu.memory_space<vmem>>) semaphore(%run_scoped3A : memref<!tpu.dma_semaphore, #tpu.memory_space<semaphore_mem>>) {add = true}
          %dma_wait3A_111 = arith.constant 0 : i32
          %dma_wait3A_112 = tpu.memref_slice %arg9[%add3A_78, %dma_wait3A_111] : memref<40x128xi32, #tpu.memory_space<vmem>> -> memref<1x128xi32, #tpu.memory_space<vmem>>
          %dma_wait3A_113 = tpu.memref_squeeze %dma_wait3A_112 : memref<1x128xi32, #tpu.memory_space<vmem>> -> memref<128xi32, #tpu.memory_space<vmem>>
          %dma_wait3A_114 = arith.constant 0 : i32
          %dma_wait3A_115 = arith.constant 0 : i32
          %dma_wait3A_116 = tpu.memref_slice %arg14[%dma_wait3A_114, %dma_wait3A_115] : memref<10240x128xf32, #tpu.memory_space<vmem_shared>> -> memref<10240x128xf32, #tpu.memory_space<vmem_shared>>
          tpu.wait_indirect_dma semaphore(%run_scoped3A : memref<!tpu.dma_semaphore, #tpu.memory_space<semaphore_mem>>) src(%arg10 : memref<128x128xf32, #tpu.memory_space<vmem>>) dst(%dma_wait3A_116 : memref<10240x128xf32, #tpu.memory_space<vmem_shared>>)
          tpu.yield
        }) : () -> ()
        %add3A_84 = arith.constant 2 : i32
        %add3A_85 = arith.addi %add3A_78, %add3A_84 : i32
        %lt3A = arith.constant 40 : i32
        %lt3A_86 = arith.cmpi slt, %add3A_85, %lt3A : i32
        %convert_element_type3A_87 = arith.extui %lt3A_86 : i1 to i32
        %cond3A_88 = arith.constant 0 : i32
        %cond3A_89 = arith.cmpi ne, %convert_element_type3A_87, %cond3A_88 : i32
        scf.if %cond3A_89 {
          %add3A_105 = arith.constant 2 : i32
          %add3A_106 = arith.addi %add3A_78, %add3A_105 : i32
          %dma_start3A_107 = arith.constant 0 : i32
          %dma_start3A_108 = tpu.memref_slice %arg8[%add3A_106, %dma_start3A_107] : memref<40x128xi32, #tpu.memory_space<vmem>> -> memref<1x128xi32, #tpu.memory_space<vmem>>
          %dma_start3A_109 = tpu.memref_squeeze %dma_start3A_108 : memref<1x128xi32, #tpu.memory_space<vmem>> -> memref<128xi32, #tpu.memory_space<vmem>>
          %dma_start3A_110 = arith.constant 0 : i32
          %dma_start3A_111 = arith.constant 0 : i32
          %dma_start3A_112 = tpu.memref_slice %arg2[%dma_start3A_110, %dma_start3A_111] : memref<10000x128xf32, #tpu.memory_space<hbm>> -> memref<10000x128xf32, #tpu.memory_space<hbm>>
          tpu.enqueue_indirect_dma source(%dma_start3A_112 : memref<10000x128xf32, #tpu.memory_space<hbm>>) target(%arg10 : memref<128x128xf32, #tpu.memory_space<vmem>>) offsets(%dma_start3A_109 : memref<128xi32, #tpu.memory_space<vmem>>) semaphore(%arg12 : memref<!tpu.dma_semaphore, #tpu.memory_space<semaphore_mem>>)
        } else {
        }
        %add3A_90 = arith.constant 1 : i32
        %add3A_91 = arith.addi %add3A_76, %add3A_90 : i32
        %dma_wait3A_92 = arith.constant 0 : i32
        %dma_wait3A_93 = tpu.memref_slice %arg8[%add3A_91, %dma_wait3A_92] : memref<40x128xi32, #tpu.memory_space<vmem>> -> memref<1x128xi32, #tpu.memory_space<vmem>>
        %dma_wait3A_94 = tpu.memref_squeeze %dma_wait3A_93 : memref<1x128xi32, #tpu.memory_space<vmem>> -> memref<128xi32, #tpu.memory_space<vmem>>
        %dma_wait3A_95 = arith.constant 0 : i32
        %dma_wait3A_96 = arith.constant 0 : i32
        %dma_wait3A_97 = tpu.memref_slice %arg2[%dma_wait3A_95, %dma_wait3A_96] : memref<10000x128xf32, #tpu.memory_space<hbm>> -> memref<10000x128xf32, #tpu.memory_space<hbm>>
        tpu.wait_indirect_dma semaphore(%arg13 : memref<!tpu.dma_semaphore, #tpu.memory_space<semaphore_mem>>) src(%dma_wait3A_97 : memref<10000x128xf32, #tpu.memory_space<hbm>>) dst(%arg11 : memref<128x128xf32, #tpu.memory_space<vmem>>)
        "tpu.region"() ({
          %run_scoped3A = tpu.sem_alloc : memref<!tpu.dma_semaphore, #tpu.memory_space<semaphore_mem>>
          %dma_start3A_105 = arith.constant 0 : i32
          %dma_start3A_106 = tpu.memref_slice %arg9[%add3A_91, %dma_start3A_105] : memref<40x128xi32, #tpu.memory_space<vmem>> -> memref<1x128xi32, #tpu.memory_space<vmem>>
          %dma_start3A_107 = tpu.memref_squeeze %dma_start3A_106 : memref<1x128xi32, #tpu.memory_space<vmem>> -> memref<128xi32, #tpu.memory_space<vmem>>
          %dma_start3A_108 = arith.constant 0 : i32
          %dma_start3A_109 = arith.constant 0 : i32
          %dma_start3A_110 = tpu.memref_slice %arg14[%dma_start3A_108, %dma_start3A_109] : memref<10240x128xf32, #tpu.memory_space<vmem_shared>> -> memref<10240x128xf32, #tpu.memory_space<vmem_shared>>
          tpu.enqueue_indirect_dma source(%arg11 : memref<128x128xf32, #tpu.memory_space<vmem>>) target(%dma_start3A_110 : memref<10240x128xf32, #tpu.memory_space<vmem_shared>>) offsets(%dma_start3A_107 : memref<128xi32, #tpu.memory_space<vmem>>) semaphore(%run_scoped3A : memref<!tpu.dma_semaphore, #tpu.memory_space<semaphore_mem>>) {add = true}
          %dma_wait3A_111 = arith.constant 0 : i32
          %dma_wait3A_112 = tpu.memref_slice %arg9[%add3A_91, %dma_wait3A_111] : memref<40x128xi32, #tpu.memory_space<vmem>> -> memref<1x128xi32, #tpu.memory_space<vmem>>
          %dma_wait3A_113 = tpu.memref_squeeze %dma_wait3A_112 : memref<1x128xi32, #tpu.memory_space<vmem>> -> memref<128xi32, #tpu.memory_space<vmem>>
          %dma_wait3A_114 = arith.constant 0 : i32
          %dma_wait3A_115 = arith.constant 0 : i32
          %dma_wait3A_116 = tpu.memref_slice %arg14[%dma_wait3A_114, %dma_wait3A_115] : memref<10240x128xf32, #tpu.memory_space<vmem_shared>> -> memref<10240x128xf32, #tpu.memory_space<vmem_shared>>
          tpu.wait_indirect_dma semaphore(%run_scoped3A : memref<!tpu.dma_semaphore, #tpu.memory_space<semaphore_mem>>) src(%arg11 : memref<128x128xf32, #tpu.memory_space<vmem>>) dst(%dma_wait3A_116 : memref<10240x128xf32, #tpu.memory_space<vmem_shared>>)
          tpu.yield
        }) : () -> ()
        %add3A_98 = arith.constant 2 : i32
        %add3A_99 = arith.addi %add3A_91, %add3A_98 : i32
        %lt3A_100 = arith.constant 40 : i32
        %lt3A_101 = arith.cmpi slt, %add3A_99, %lt3A_100 : i32
        %convert_element_type3A_102 = arith.extui %lt3A_101 : i1 to i32
        %cond3A_103 = arith.constant 0 : i32
        %cond3A_104 = arith.cmpi ne, %convert_element_type3A_102, %cond3A_103 : i32
        scf.if %cond3A_104 {
          %add3A_105 = arith.constant 2 : i32
          %add3A_106 = arith.addi %add3A_91, %add3A_105 : i32
          %dma_start3A_107 = arith.constant 0 : i32
          %dma_start3A_108 = tpu.memref_slice %arg8[%add3A_106, %dma_start3A_107] : memref<40x128xi32, #tpu.memory_space<vmem>> -> memref<1x128xi32, #tpu.memory_space<vmem>>
          %dma_start3A_109 = tpu.memref_squeeze %dma_start3A_108 : memref<1x128xi32, #tpu.memory_space<vmem>> -> memref<128xi32, #tpu.memory_space<vmem>>
          %dma_start3A_110 = arith.constant 0 : i32
          %dma_start3A_111 = arith.constant 0 : i32
          %dma_start3A_112 = tpu.memref_slice %arg2[%dma_start3A_110, %dma_start3A_111] : memref<10000x128xf32, #tpu.memory_space<hbm>> -> memref<10000x128xf32, #tpu.memory_space<hbm>>
          tpu.enqueue_indirect_dma source(%dma_start3A_112 : memref<10000x128xf32, #tpu.memory_space<hbm>>) target(%arg11 : memref<128x128xf32, #tpu.memory_space<vmem>>) offsets(%dma_start3A_109 : memref<128xi32, #tpu.memory_space<vmem>>) semaphore(%arg13 : memref<!tpu.dma_semaphore, #tpu.memory_space<semaphore_mem>>)
        } else {
        }
      }
      %scan3A_52 = arith.constant 20 : i32
      "tpu.region"() ({
        %run_scoped3A = tpu.sem_alloc : memref<!tpu.dma_semaphore, #tpu.memory_space<semaphore_mem>>
        %dma_start3A_72 = arith.constant 40 : i32
        %dma_start3A_73 = arith.constant 0 : i32
        %dma_start3A_74 = tpu.memref_slice %arg5[%arg1, %dma_start3A_72, %dma_start3A_73] : memref<16x80x128xi32, #tpu.memory_space<hbm>> -> memref<1x40x128xi32, #tpu.memory_space<hbm>>
        %dma_start3A_75 = tpu.memref_squeeze %dma_start3A_74 : memref<1x40x128xi32, #tpu.memory_space<hbm>> -> memref<40x128xi32, #tpu.memory_space<hbm>>
        %dma_start3A_76 = arith.constant 40 : i32
        %dma_start3A_77 = arith.constant 0 : i32
        %dma_start3A_78 = tpu.memref_slice %arg5[%arg1, %dma_start3A_76, %dma_start3A_77] : memref<16x80x128xi32, #tpu.memory_space<hbm>> -> memref<1x40x128xi32, #tpu.memory_space<hbm>>
        %dma_start3A_79 = tpu.memref_squeeze %dma_start3A_78 : memref<1x40x128xi32, #tpu.memory_space<hbm>> -> memref<40x128xi32, #tpu.memory_space<hbm>>
        tpu.enqueue_dma source(%dma_start3A_79 : memref<40x128xi32, #tpu.memory_space<hbm>>) target(%arg8 : memref<40x128xi32, #tpu.memory_space<vmem>>) target_semaphore(%run_scoped3A : memref<!tpu.dma_semaphore, #tpu.memory_space<semaphore_mem>>)
        %dma_wait3A = arith.constant 40 : i32
        %dma_wait3A_80 = arith.constant 0 : i32
        %dma_wait3A_81 = tpu.memref_slice %arg5[%arg1, %dma_wait3A, %dma_wait3A_80] : memref<16x80x128xi32, #tpu.memory_space<hbm>> -> memref<1x40x128xi32, #tpu.memory_space<hbm>>
        %dma_wait3A_82 = tpu.memref_squeeze %dma_wait3A_81 : memref<1x40x128xi32, #tpu.memory_space<hbm>> -> memref<40x128xi32, #tpu.memory_space<hbm>>
        %dma_wait3A_83 = arith.constant 40 : i32
        %dma_wait3A_84 = arith.constant 0 : i32
        %dma_wait3A_85 = tpu.memref_slice %arg5[%arg1, %dma_wait3A_83, %dma_wait3A_84] : memref<16x80x128xi32, #tpu.memory_space<hbm>> -> memref<1x40x128xi32, #tpu.memory_space<hbm>>
        %dma_wait3A_86 = tpu.memref_squeeze %dma_wait3A_85 : memref<1x40x128xi32, #tpu.memory_space<hbm>> -> memref<40x128xi32, #tpu.memory_space<hbm>>
        tpu.wait_dma2 semaphore(%run_scoped3A : memref<!tpu.dma_semaphore, #tpu.memory_space<semaphore_mem>>) src(%dma_wait3A_86 : memref<40x128xi32, #tpu.memory_space<hbm>>) dst(%arg8 : memref<40x128xi32, #tpu.memory_space<vmem>>)
        tpu.yield
      }) : () -> ()
      "tpu.region"() ({
        %run_scoped3A = tpu.sem_alloc : memref<!tpu.dma_semaphore, #tpu.memory_space<semaphore_mem>>
        %dma_start3A_72 = arith.constant 40 : i32
        %dma_start3A_73 = arith.constant 0 : i32
        %dma_start3A_74 = tpu.memref_slice %arg6[%arg1, %dma_start3A_72, %dma_start3A_73] : memref<16x80x128xi32, #tpu.memory_space<hbm>> -> memref<1x40x128xi32, #tpu.memory_space<hbm>>
        %dma_start3A_75 = tpu.memref_squeeze %dma_start3A_74 : memref<1x40x128xi32, #tpu.memory_space<hbm>> -> memref<40x128xi32, #tpu.memory_space<hbm>>
        %dma_start3A_76 = arith.constant 40 : i32
        %dma_start3A_77 = arith.constant 0 : i32
        %dma_start3A_78 = tpu.memref_slice %arg6[%arg1, %dma_start3A_76, %dma_start3A_77] : memref<16x80x128xi32, #tpu.memory_space<hbm>> -> memref<1x40x128xi32, #tpu.memory_space<hbm>>
        %dma_start3A_79 = tpu.memref_squeeze %dma_start3A_78 : memref<1x40x128xi32, #tpu.memory_space<hbm>> -> memref<40x128xi32, #tpu.memory_space<hbm>>
        tpu.enqueue_dma source(%dma_start3A_79 : memref<40x128xi32, #tpu.memory_space<hbm>>) target(%arg9 : memref<40x128xi32, #tpu.memory_space<vmem>>) target_semaphore(%run_scoped3A : memref<!tpu.dma_semaphore, #tpu.memory_space<semaphore_mem>>)
        %dma_wait3A = arith.constant 40 : i32
        %dma_wait3A_80 = arith.constant 0 : i32
        %dma_wait3A_81 = tpu.memref_slice %arg6[%arg1, %dma_wait3A, %dma_wait3A_80] : memref<16x80x128xi32, #tpu.memory_space<hbm>> -> memref<1x40x128xi32, #tpu.memory_space<hbm>>
        %dma_wait3A_82 = tpu.memref_squeeze %dma_wait3A_81 : memref<1x40x128xi32, #tpu.memory_space<hbm>> -> memref<40x128xi32, #tpu.memory_space<hbm>>
        %dma_wait3A_83 = arith.constant 40 : i32
        %dma_wait3A_84 = arith.constant 0 : i32
        %dma_wait3A_85 = tpu.memref_slice %arg6[%arg1, %dma_wait3A_83, %dma_wait3A_84] : memref<16x80x128xi32, #tpu.memory_space<hbm>> -> memref<1x40x128xi32, #tpu.memory_space<hbm>>
        %dma_wait3A_86 = tpu.memref_squeeze %dma_wait3A_85 : memref<1x40x128xi32, #tpu.memory_space<hbm>> -> memref<40x128xi32, #tpu.memory_space<hbm>>
        tpu.wait_dma2 semaphore(%run_scoped3A : memref<!tpu.dma_semaphore, #tpu.memory_space<semaphore_mem>>) src(%dma_wait3A_86 : memref<40x128xi32, #tpu.memory_space<hbm>>) dst(%arg9 : memref<40x128xi32, #tpu.memory_space<vmem>>)
        tpu.yield
      }) : () -> ()
      %dma_start3A_53 = arith.constant 0 : i32
      %dma_start3A_54 = arith.constant 0 : i32
      %dma_start3A_55 = tpu.memref_slice %arg8[%dma_start3A_53, %dma_start3A_54] : memref<40x128xi32, #tpu.memory_space<vmem>> -> memref<1x128xi32, #tpu.memory_space<vmem>>
      %dma_start3A_56 = tpu.memref_squeeze %dma_start3A_55 : memref<1x128xi32, #tpu.memory_space<vmem>> -> memref<128xi32, #tpu.memory_space<vmem>>
      %dma_start3A_57 = arith.constant 0 : i32
      %dma_start3A_58 = arith.constant 0 : i32
      %dma_start3A_59 = tpu.memref_slice %arg2[%dma_start3A_57, %dma_start3A_58] : memref<10000x128xf32, #tpu.memory_space<hbm>> -> memref<10000x128xf32, #tpu.memory_space<hbm>>
      tpu.enqueue_indirect_dma source(%dma_start3A_59 : memref<10000x128xf32, #tpu.memory_space<hbm>>) target(%arg10 : memref<128x128xf32, #tpu.memory_space<vmem>>) offsets(%dma_start3A_56 : memref<128xi32, #tpu.memory_space<vmem>>) semaphore(%arg12 : memref<!tpu.dma_semaphore, #tpu.memory_space<semaphore_mem>>)
      %dma_start3A_60 = arith.constant 1 : i32
      %dma_start3A_61 = arith.constant 0 : i32
      %dma_start3A_62 = tpu.memref_slice %arg8[%dma_start3A_60, %dma_start3A_61] : memref<40x128xi32, #tpu.memory_space<vmem>> -> memref<1x128xi32, #tpu.memory_space<vmem>>
      %dma_start3A_63 = tpu.memref_squeeze %dma_start3A_62 : memref<1x128xi32, #tpu.memory_space<vmem>> -> memref<128xi32, #tpu.memory_space<vmem>>
      %dma_start3A_64 = arith.constant 0 : i32
      %dma_start3A_65 = arith.constant 0 : i32
      %dma_start3A_66 = tpu.memref_slice %arg2[%dma_start3A_64, %dma_start3A_65] : memref<10000x128xf32, #tpu.memory_space<hbm>> -> memref<10000x128xf32, #tpu.memory_space<hbm>>
      tpu.enqueue_indirect_dma source(%dma_start3A_66 : memref<10000x128xf32, #tpu.memory_space<hbm>>) target(%arg11 : memref<128x128xf32, #tpu.memory_space<vmem>>) offsets(%dma_start3A_63 : memref<128xi32, #tpu.memory_space<vmem>>) semaphore(%arg13 : memref<!tpu.dma_semaphore, #tpu.memory_space<semaphore_mem>>)
      %scan3A_67 = arith.constant 0 : i32
      %scan3A_68 = arith.constant 20 : i32
      %scan3A_69 = arith.addi %scan3A_67, %scan3A_68 : i32
      %scan3A_70 = arith.constant 1 : i32
      scf.for %scan3A_72 = %scan3A_67 to %scan3A_69 step %scan3A_70  : i32 {
        %mul3A_73 = arith.constant 2 : i32
        %mul3A_74 = arith.muli %scan3A_72, %mul3A_73 : i32
        %add3A_75 = arith.constant 0 : i32
        %add3A_76 = arith.addi %add3A_75, %mul3A_74 : i32
        %add3A_77 = arith.constant 0 : i32
        %add3A_78 = arith.addi %add3A_76, %add3A_77 : i32
        %dma_wait3A = arith.constant 0 : i32
        %dma_wait3A_79 = tpu.memref_slice %arg8[%add3A_78, %dma_wait3A] : memref<40x128xi32, #tpu.memory_space<vmem>> -> memref<1x128xi32, #tpu.memory_space<vmem>>
        %dma_wait3A_80 = tpu.memref_squeeze %dma_wait3A_79 : memref<1x128xi32, #tpu.memory_space<vmem>> -> memref<128xi32, #tpu.memory_space<vmem>>
        %dma_wait3A_81 = arith.constant 0 : i32
        %dma_wait3A_82 = arith.constant 0 : i32
        %dma_wait3A_83 = tpu.memref_slice %arg2[%dma_wait3A_81, %dma_wait3A_82] : memref<10000x128xf32, #tpu.memory_space<hbm>> -> memref<10000x128xf32, #tpu.memory_space<hbm>>
        tpu.wait_indirect_dma semaphore(%arg12 : memref<!tpu.dma_semaphore, #tpu.memory_space<semaphore_mem>>) src(%dma_wait3A_83 : memref<10000x128xf32, #tpu.memory_space<hbm>>) dst(%arg10 : memref<128x128xf32, #tpu.memory_space<vmem>>)
        "tpu.region"() ({
          %run_scoped3A = tpu.sem_alloc : memref<!tpu.dma_semaphore, #tpu.memory_space<semaphore_mem>>
          %dma_start3A_105 = arith.constant 0 : i32
          %dma_start3A_106 = tpu.memref_slice %arg9[%add3A_78, %dma_start3A_105] : memref<40x128xi32, #tpu.memory_space<vmem>> -> memref<1x128xi32, #tpu.memory_space<vmem>>
          %dma_start3A_107 = tpu.memref_squeeze %dma_start3A_106 : memref<1x128xi32, #tpu.memory_space<vmem>> -> memref<128xi32, #tpu.memory_space<vmem>>
          %dma_start3A_108 = arith.constant 0 : i32
          %dma_start3A_109 = arith.constant 0 : i32
          %dma_start3A_110 = tpu.memref_slice %arg14[%dma_start3A_108, %dma_start3A_109] : memref<10240x128xf32, #tpu.memory_space<vmem_shared>> -> memref<10240x128xf32, #tpu.memory_space<vmem_shared>>
          tpu.enqueue_indirect_dma source(%arg10 : memref<128x128xf32, #tpu.memory_space<vmem>>) target(%dma_start3A_110 : memref<10240x128xf32, #tpu.memory_space<vmem_shared>>) offsets(%dma_start3A_107 : memref<128xi32, #tpu.memory_space<vmem>>) semaphore(%run_scoped3A : memref<!tpu.dma_semaphore, #tpu.memory_space<semaphore_mem>>) {add = true}
          %dma_wait3A_111 = arith.constant 0 : i32
          %dma_wait3A_112 = tpu.memref_slice %arg9[%add3A_78, %dma_wait3A_111] : memref<40x128xi32, #tpu.memory_space<vmem>> -> memref<1x128xi32, #tpu.memory_space<vmem>>
          %dma_wait3A_113 = tpu.memref_squeeze %dma_wait3A_112 : memref<1x128xi32, #tpu.memory_space<vmem>> -> memref<128xi32, #tpu.memory_space<vmem>>
          %dma_wait3A_114 = arith.constant 0 : i32
          %dma_wait3A_115 = arith.constant 0 : i32
          %dma_wait3A_116 = tpu.memref_slice %arg14[%dma_wait3A_114, %dma_wait3A_115] : memref<10240x128xf32, #tpu.memory_space<vmem_shared>> -> memref<10240x128xf32, #tpu.memory_space<vmem_shared>>
          tpu.wait_indirect_dma semaphore(%run_scoped3A : memref<!tpu.dma_semaphore, #tpu.memory_space<semaphore_mem>>) src(%arg10 : memref<128x128xf32, #tpu.memory_space<vmem>>) dst(%dma_wait3A_116 : memref<10240x128xf32, #tpu.memory_space<vmem_shared>>)
          tpu.yield
        }) : () -> ()
        %add3A_84 = arith.constant 2 : i32
        %add3A_85 = arith.addi %add3A_78, %add3A_84 : i32
        %lt3A = arith.constant 40 : i32
        %lt3A_86 = arith.cmpi slt, %add3A_85, %lt3A : i32
        %convert_element_type3A_87 = arith.extui %lt3A_86 : i1 to i32
        %cond3A_88 = arith.constant 0 : i32
        %cond3A_89 = arith.cmpi ne, %convert_element_type3A_87, %cond3A_88 : i32
        scf.if %cond3A_89 {
          %add3A_105 = arith.constant 2 : i32
          %add3A_106 = arith.addi %add3A_78, %add3A_105 : i32
          %dma_start3A_107 = arith.constant 0 : i32
          %dma_start3A_108 = tpu.memref_slice %arg8[%add3A_106, %dma_start3A_107] : memref<40x128xi32, #tpu.memory_space<vmem>> -> memref<1x128xi32, #tpu.memory_space<vmem>>
          %dma_start3A_109 = tpu.memref_squeeze %dma_start3A_108 : memref<1x128xi32, #tpu.memory_space<vmem>> -> memref<128xi32, #tpu.memory_space<vmem>>
          %dma_start3A_110 = arith.constant 0 : i32
          %dma_start3A_111 = arith.constant 0 : i32
          %dma_start3A_112 = tpu.memref_slice %arg2[%dma_start3A_110, %dma_start3A_111] : memref<10000x128xf32, #tpu.memory_space<hbm>> -> memref<10000x128xf32, #tpu.memory_space<hbm>>
          tpu.enqueue_indirect_dma source(%dma_start3A_112 : memref<10000x128xf32, #tpu.memory_space<hbm>>) target(%arg10 : memref<128x128xf32, #tpu.memory_space<vmem>>) offsets(%dma_start3A_109 : memref<128xi32, #tpu.memory_space<vmem>>) semaphore(%arg12 : memref<!tpu.dma_semaphore, #tpu.memory_space<semaphore_mem>>)
        } else {
        }
        %add3A_90 = arith.constant 1 : i32
        %add3A_91 = arith.addi %add3A_76, %add3A_90 : i32
        %dma_wait3A_92 = arith.constant 0 : i32
        %dma_wait3A_93 = tpu.memref_slice %arg8[%add3A_91, %dma_wait3A_92] : memref<40x128xi32, #tpu.memory_space<vmem>> -> memref<1x128xi32, #tpu.memory_space<vmem>>
        %dma_wait3A_94 = tpu.memref_squeeze %dma_wait3A_93 : memref<1x128xi32, #tpu.memory_space<vmem>> -> memref<128xi32, #tpu.memory_space<vmem>>
        %dma_wait3A_95 = arith.constant 0 : i32
        %dma_wait3A_96 = arith.constant 0 : i32
        %dma_wait3A_97 = tpu.memref_slice %arg2[%dma_wait3A_95, %dma_wait3A_96] : memref<10000x128xf32, #tpu.memory_space<hbm>> -> memref<10000x128xf32, #tpu.memory_space<hbm>>
        tpu.wait_indirect_dma semaphore(%arg13 : memref<!tpu.dma_semaphore, #tpu.memory_space<semaphore_mem>>) src(%dma_wait3A_97 : memref<10000x128xf32, #tpu.memory_space<hbm>>) dst(%arg11 : memref<128x128xf32, #tpu.memory_space<vmem>>)
        "tpu.region"() ({
          %run_scoped3A = tpu.sem_alloc : memref<!tpu.dma_semaphore, #tpu.memory_space<semaphore_mem>>
          %dma_start3A_105 = arith.constant 0 : i32
          %dma_start3A_106 = tpu.memref_slice %arg9[%add3A_91, %dma_start3A_105] : memref<40x128xi32, #tpu.memory_space<vmem>> -> memref<1x128xi32, #tpu.memory_space<vmem>>
          %dma_start3A_107 = tpu.memref_squeeze %dma_start3A_106 : memref<1x128xi32, #tpu.memory_space<vmem>> -> memref<128xi32, #tpu.memory_space<vmem>>
          %dma_start3A_108 = arith.constant 0 : i32
          %dma_start3A_109 = arith.constant 0 : i32
          %dma_start3A_110 = tpu.memref_slice %arg14[%dma_start3A_108, %dma_start3A_109] : memref<10240x128xf32, #tpu.memory_space<vmem_shared>> -> memref<10240x128xf32, #tpu.memory_space<vmem_shared>>
          tpu.enqueue_indirect_dma source(%arg11 : memref<128x128xf32, #tpu.memory_space<vmem>>) target(%dma_start3A_110 : memref<10240x128xf32, #tpu.memory_space<vmem_shared>>) offsets(%dma_start3A_107 : memref<128xi32, #tpu.memory_space<vmem>>) semaphore(%run_scoped3A : memref<!tpu.dma_semaphore, #tpu.memory_space<semaphore_mem>>) {add = true}
          %dma_wait3A_111 = arith.constant 0 : i32
          %dma_wait3A_112 = tpu.memref_slice %arg9[%add3A_91, %dma_wait3A_111] : memref<40x128xi32, #tpu.memory_space<vmem>> -> memref<1x128xi32, #tpu.memory_space<vmem>>
          %dma_wait3A_113 = tpu.memref_squeeze %dma_wait3A_112 : memref<1x128xi32, #tpu.memory_space<vmem>> -> memref<128xi32, #tpu.memory_space<vmem>>
          %dma_wait3A_114 = arith.constant 0 : i32
          %dma_wait3A_115 = arith.constant 0 : i32
          %dma_wait3A_116 = tpu.memref_slice %arg14[%dma_wait3A_114, %dma_wait3A_115] : memref<10240x128xf32, #tpu.memory_space<vmem_shared>> -> memref<10240x128xf32, #tpu.memory_space<vmem_shared>>
          tpu.wait_indirect_dma semaphore(%run_scoped3A : memref<!tpu.dma_semaphore, #tpu.memory_space<semaphore_mem>>) src(%arg11 : memref<128x128xf32, #tpu.memory_space<vmem>>) dst(%dma_wait3A_116 : memref<10240x128xf32, #tpu.memory_space<vmem_shared>>)
          tpu.yield
        }) : () -> ()
        %add3A_98 = arith.constant 2 : i32
        %add3A_99 = arith.addi %add3A_91, %add3A_98 : i32
        %lt3A_100 = arith.constant 40 : i32
        %lt3A_101 = arith.cmpi slt, %add3A_99, %lt3A_100 : i32
        %convert_element_type3A_102 = arith.extui %lt3A_101 : i1 to i32
        %cond3A_103 = arith.constant 0 : i32
        %cond3A_104 = arith.cmpi ne, %convert_element_type3A_102, %cond3A_103 : i32
        scf.if %cond3A_104 {
          %add3A_105 = arith.constant 2 : i32
          %add3A_106 = arith.addi %add3A_91, %add3A_105 : i32
          %dma_start3A_107 = arith.constant 0 : i32
          %dma_start3A_108 = tpu.memref_slice %arg8[%add3A_106, %dma_start3A_107] : memref<40x128xi32, #tpu.memory_space<vmem>> -> memref<1x128xi32, #tpu.memory_space<vmem>>
          %dma_start3A_109 = tpu.memref_squeeze %dma_start3A_108 : memref<1x128xi32, #tpu.memory_space<vmem>> -> memref<128xi32, #tpu.memory_space<vmem>>
          %dma_start3A_110 = arith.constant 0 : i32
          %dma_start3A_111 = arith.constant 0 : i32
          %dma_start3A_112 = tpu.memref_slice %arg2[%dma_start3A_110, %dma_start3A_111] : memref<10000x128xf32, #tpu.memory_space<hbm>> -> memref<10000x128xf32, #tpu.memory_space<hbm>>
          tpu.enqueue_indirect_dma source(%dma_start3A_112 : memref<10000x128xf32, #tpu.memory_space<hbm>>) target(%arg11 : memref<128x128xf32, #tpu.memory_space<vmem>>) offsets(%dma_start3A_109 : memref<128xi32, #tpu.memory_space<vmem>>) semaphore(%arg13 : memref<!tpu.dma_semaphore, #tpu.memory_space<semaphore_mem>>)
        } else {
        }
      }
      %scan3A_71 = arith.constant 20 : i32
    } else {
    }
    "tpu.trace_stop"() : () -> ()
    %barrier3A_30 = arith.constant 0 : index
    tpu.barrier barrier_id(%barrier3A_30)
    "tpu.trace_start"() <{level = 10 : i32, message = "agg_out"}> : () -> ()
    %mul3A_31 = arith.constant 640 : i32
    %mul3A_32 = arith.muli %arg1, %mul3A_31 : i32
    %mul3A_33 = arith.constant 640 : i32
    %mul3A_34 = arith.muli %arg1, %mul3A_33 : i32
    "tpu.region"() ({
      %run_scoped3A = tpu.sem_alloc : memref<!tpu.dma_semaphore, #tpu.memory_space<semaphore_mem>>
      %dma_start3A = arith.constant 0 : i32
      %dma_start3A_35 = tpu.memref_slice %arg7[%arg0, %mul3A_34, %dma_start3A] : memref<2x10240x128xf32, #tpu.memory_space<hbm>> -> memref<1x640x128xf32, #tpu.memory_space<hbm>>
      %dma_start3A_36 = tpu.memref_squeeze %dma_start3A_35 : memref<1x640x128xf32, #tpu.memory_space<hbm>> -> memref<640x128xf32, #tpu.memory_space<hbm>>
      %dma_start3A_37 = arith.constant 0 : i32
      %dma_start3A_38 = tpu.memref_slice %arg14[%mul3A_32, %dma_start3A_37] : memref<10240x128xf32, #tpu.memory_space<vmem_shared>> -> memref<640x128xf32, #tpu.memory_space<vmem_shared>>
      tpu.enqueue_dma source(%dma_start3A_38 : memref<640x128xf32, #tpu.memory_space<vmem_shared>>) target(%dma_start3A_36 : memref<640x128xf32, #tpu.memory_space<hbm>>) target_semaphore(%run_scoped3A : memref<!tpu.dma_semaphore, #tpu.memory_space<semaphore_mem>>)
      %dma_wait3A = arith.constant 0 : i32
      %dma_wait3A_39 = tpu.memref_slice %arg7[%arg0, %mul3A_34, %dma_wait3A] : memref<2x10240x128xf32, #tpu.memory_space<hbm>> -> memref<1x640x128xf32, #tpu.memory_space<hbm>>
      %dma_wait3A_40 = tpu.memref_squeeze %dma_wait3A_39 : memref<1x640x128xf32, #tpu.memory_space<hbm>> -> memref<640x128xf32, #tpu.memory_space<hbm>>
      %dma_wait3A_41 = arith.constant 0 : i32
      %dma_wait3A_42 = tpu.memref_slice %arg14[%mul3A_32, %dma_wait3A_41] : memref<10240x128xf32, #tpu.memory_space<vmem_shared>> -> memref<640x128xf32, #tpu.memory_space<vmem_shared>>
      tpu.wait_dma2 semaphore(%run_scoped3A : memref<!tpu.dma_semaphore, #tpu.memory_space<semaphore_mem>>) src(%dma_wait3A_42 : memref<640x128xf32, #tpu.memory_space<vmem_shared>>) dst(%dma_wait3A_40 : memref<640x128xf32, #tpu.memory_space<hbm>>)
      tpu.yield
    }) : () -> ()
    "tpu.trace_stop"() : () -> ()
    return
  }
}

#map = affine_map<(d0, d1) -> (0, 0)>
#map1 = affine_map<(d0, d1) -> (0, 0, 0)>
module attributes {stable_mosaic.version = 14 : i64} {
  func.func @_sc_aggregate(%arg0: i32, %arg1: i32, %arg2: memref<10000x128xf32, #tpu.memory_space<hbm>>, %arg3: memref<16x80x128xi32, #tpu.memory_space<hbm>>, %arg4: memref<16x80x128xi32, #tpu.memory_space<hbm>>, %arg5: memref<16x80x128xi32, #tpu.memory_space<hbm>>, %arg6: memref<16x80x128xi32, #tpu.memory_space<hbm>>, %arg7: memref<2x10240x128xf32, #tpu.memory_space<hbm>>, %arg8: memref<40x128xi32, #tpu.memory_space<vmem>>, %arg9: memref<40x128xi32, #tpu.memory_space<vmem>>, %arg10: memref<128x128xf32, #tpu.memory_space<vmem>>, %arg11: memref<128x128xf32, #tpu.memory_space<vmem>>, %arg12: memref<!tpu.dma_semaphore, #tpu.memory_space<semaphore_mem>>, %arg13: memref<!tpu.dma_semaphore, #tpu.memory_space<semaphore_mem>>, %arg14: memref<10240x128xf32, #tpu.memory_space<vmem_shared>>) attributes {dimension_semantics = [#tpu.dimension_semantics<core_parallel>, #tpu.dimension_semantics<subcore_parallel>], iteration_bounds = array<i64: 2, 16>, scalar_prefetch = 0 : i64, scratch_operands = 7 : i64, tpu.core_type = #tpu.core_type<sc_vector_subcore>, window_params = [{transform_indices = #map}, {transform_indices = #map1}, {transform_indices = #map1}, {transform_indices = #map1}, {transform_indices = #map1}, {transform_indices = #map1}]} {
    %broadcast_in_dim3A = arith.constant 0.000000e+00 : f32
    %broadcast_in_dim3A_0 = vector.broadcast %broadcast_in_dim3A : f32 to vector<16xf32>
    "tpu.trace_start"() <{level = 10 : i32, message = "agg_zero"}> : () -> ()
    %scan3A = arith.constant 0 : i32
    %scan3A_1 = arith.constant 128 : i32
    %scan3A_2 = arith.addi %scan3A, %scan3A_1 : i32
    %scan3A_3 = arith.constant 1 : i32
    scf.for %scan3A_35 = %scan3A to %scan3A_2 step %scan3A_3  : i32 {
      %mul3A_36 = arith.constant 1 : i32
      %mul3A_37 = arith.muli %scan3A_35, %mul3A_36 : i32
      %add3A_38 = arith.constant 0 : i32
      %add3A_39 = arith.addi %add3A_38, %mul3A_37 : i32
      %swap3A = arith.index_cast %add3A_39 : i32 to index
      %swap3A_40 = arith.constant 0 : index
      %swap3A_41 = tpu.vector_load %arg10[%swap3A, %swap3A_40] {strides = array<i32>} : memref<128x128xf32, #tpu.memory_space<vmem>>, vector<1x16xf32>,
      %swap3A_42 = vector.shape_cast %swap3A_41 : vector<1x16xf32> to vector<16xf32>
      %swap3A_43 = vector.shape_cast %broadcast_in_dim3A_0 : vector<16xf32> to vector<1x16xf32>
      tpu.vector_store %arg10[%swap3A, %swap3A_40], %swap3A_43 {strides = array<i32>} : memref<128x128xf32, #tpu.memory_space<vmem>>, vector<1x16xf32>,
      %swap3A_44 = arith.index_cast %add3A_39 : i32 to index
      %swap3A_45 = arith.constant 16 : index
      %swap3A_46 = tpu.vector_load %arg10[%swap3A_44, %swap3A_45] {strides = array<i32>} : memref<128x128xf32, #tpu.memory_space<vmem>>, vector<1x16xf32>,
      %swap3A_47 = vector.shape_cast %swap3A_46 : vector<1x16xf32> to vector<16xf32>
      %swap3A_48 = vector.shape_cast %broadcast_in_dim3A_0 : vector<16xf32> to vector<1x16xf32>
      tpu.vector_store %arg10[%swap3A_44, %swap3A_45], %swap3A_48 {strides = array<i32>} : memref<128x128xf32, #tpu.memory_space<vmem>>, vector<1x16xf32>,
      %swap3A_49 = arith.index_cast %add3A_39 : i32 to index
      %swap3A_50 = arith.constant 32 : index
      %swap3A_51 = tpu.vector_load %arg10[%swap3A_49, %swap3A_50] {strides = array<i32>} : memref<128x128xf32, #tpu.memory_space<vmem>>, vector<1x16xf32>,
      %swap3A_52 = vector.shape_cast %swap3A_51 : vector<1x16xf32> to vector<16xf32>
      %swap3A_53 = vector.shape_cast %broadcast_in_dim3A_0 : vector<16xf32> to vector<1x16xf32>
      tpu.vector_store %arg10[%swap3A_49, %swap3A_50], %swap3A_53 {strides = array<i32>} : memref<128x128xf32, #tpu.memory_space<vmem>>, vector<1x16xf32>,
      %swap3A_54 = arith.index_cast %add3A_39 : i32 to index
      %swap3A_55 = arith.constant 48 : index
      %swap3A_56 = tpu.vector_load %arg10[%swap3A_54, %swap3A_55] {strides = array<i32>} : memref<128x128xf32, #tpu.memory_space<vmem>>, vector<1x16xf32>,
      %swap3A_57 = vector.shape_cast %swap3A_56 : vector<1x16xf32> to vector<16xf32>
      %swap3A_58 = vector.shape_cast %broadcast_in_dim3A_0 : vector<16xf32> to vector<1x16xf32>
      tpu.vector_store %arg10[%swap3A_54, %swap3A_55], %swap3A_58 {strides = array<i32>} : memref<128x128xf32, #tpu.memory_space<vmem>>, vector<1x16xf32>,
      %swap3A_59 = arith.index_cast %add3A_39 : i32 to index
      %swap3A_60 = arith.constant 64 : index
      %swap3A_61 = tpu.vector_load %arg10[%swap3A_59, %swap3A_60] {strides = array<i32>} : memref<128x128xf32, #tpu.memory_space<vmem>>, vector<1x16xf32>,
      %swap3A_62 = vector.shape_cast %swap3A_61 : vector<1x16xf32> to vector<16xf32>
      %swap3A_63 = vector.shape_cast %broadcast_in_dim3A_0 : vector<16xf32> to vector<1x16xf32>
      tpu.vector_store %arg10[%swap3A_59, %swap3A_60], %swap3A_63 {strides = array<i32>} : memref<128x128xf32, #tpu.memory_space<vmem>>, vector<1x16xf32>,
      %swap3A_64 = arith.index_cast %add3A_39 : i32 to index
      %swap3A_65 = arith.constant 80 : index
      %swap3A_66 = tpu.vector_load %arg10[%swap3A_64, %swap3A_65] {strides = array<i32>} : memref<128x128xf32, #tpu.memory_space<vmem>>, vector<1x16xf32>,
      %swap3A_67 = vector.shape_cast %swap3A_66 : vector<1x16xf32> to vector<16xf32>
      %swap3A_68 = vector.shape_cast %broadcast_in_dim3A_0 : vector<16xf32> to vector<1x16xf32>
      tpu.vector_store %arg10[%swap3A_64, %swap3A_65], %swap3A_68 {strides = array<i32>} : memref<128x128xf32, #tpu.memory_space<vmem>>, vector<1x16xf32>,
      %swap3A_69 = arith.index_cast %add3A_39 : i32 to index
      %swap3A_70 = arith.constant 96 : index
      %swap3A_71 = tpu.vector_load %arg10[%swap3A_69, %swap3A_70] {strides = array<i32>} : memref<128x128xf32, #tpu.memory_space<vmem>>, vector<1x16xf32>,
      %swap3A_72 = vector.shape_cast %swap3A_71 : vector<1x16xf32> to vector<16xf32>
      %swap3A_73 = vector.shape_cast %broadcast_in_dim3A_0 : vector<16xf32> to vector<1x16xf32>
      tpu.vector_store %arg10[%swap3A_69, %swap3A_70], %swap3A_73 {strides = array<i32>} : memref<128x128xf32, #tpu.memory_space<vmem>>, vector<1x16xf32>,
      %swap3A_74 = arith.index_cast %add3A_39 : i32 to index
      %swap3A_75 = arith.constant 112 : index
      %swap3A_76 = tpu.vector_load %arg10[%swap3A_74, %swap3A_75] {strides = array<i32>} : memref<128x128xf32, #tpu.memory_space<vmem>>, vector<1x16xf32>,
      %swap3A_77 = vector.shape_cast %swap3A_76 : vector<1x16xf32> to vector<16xf32>
      %swap3A_78 = vector.shape_cast %broadcast_in_dim3A_0 : vector<16xf32> to vector<1x16xf32>
      tpu.vector_store %arg10[%swap3A_74, %swap3A_75], %swap3A_78 {strides = array<i32>} : memref<128x128xf32, #tpu.memory_space<vmem>>, vector<1x16xf32>,
    }
    %scan3A_4 = arith.constant 128 : i32
    %mul3A = arith.constant 640 : i32
    %mul3A_5 = arith.muli %arg1, %mul3A : i32
    %add3A = arith.constant 0 : i32
    %add3A_6 = arith.addi %mul3A_5, %add3A : i32
    "tpu.region"() ({
      %run_scoped3A = tpu.sem_alloc : memref<!tpu.dma_semaphore, #tpu.memory_space<semaphore_mem>>
      %dma_start3A = arith.constant 0 : i32
      %dma_start3A_35 = tpu.memref_slice %arg14[%add3A_6, %dma_start3A] : memref<10240x128xf32, #tpu.memory_space<vmem_shared>> -> memref<128x128xf32, #tpu.memory_space<vmem_shared>>
      %dma_start3A_36 = arith.constant 0 : i32
      %dma_start3A_37 = tpu.memref_slice %arg14[%add3A_6, %dma_start3A_36] : memref<10240x128xf32, #tpu.memory_space<vmem_shared>> -> memref<128x128xf32, #tpu.memory_space<vmem_shared>>
      tpu.enqueue_dma source(%arg10 : memref<128x128xf32, #tpu.memory_space<vmem>>) target(%dma_start3A_37 : memref<128x128xf32, #tpu.memory_space<vmem_shared>>) target_semaphore(%run_scoped3A : memref<!tpu.dma_semaphore, #tpu.memory_space<semaphore_mem>>)
      %dma_wait3A = arith.constant 0 : i32
      %dma_wait3A_38 = tpu.memref_slice %arg14[%add3A_6, %dma_wait3A] : memref<10240x128xf32, #tpu.memory_space<vmem_shared>> -> memref<128x128xf32, #tpu.memory_space<vmem_shared>>
      %dma_wait3A_39 = arith.constant 0 : i32
      %dma_wait3A_40 = tpu.memref_slice %arg14[%add3A_6, %dma_wait3A_39] : memref<10240x128xf32, #tpu.memory_space<vmem_shared>> -> memref<128x128xf32, #tpu.memory_space<vmem_shared>>
      tpu.wait_dma2 semaphore(%run_scoped3A : memref<!tpu.dma_semaphore, #tpu.memory_space<semaphore_mem>>) src(%arg10 : memref<128x128xf32, #tpu.memory_space<vmem>>) dst(%dma_wait3A_40 : memref<128x128xf32, #tpu.memory_space<vmem_shared>>)
      tpu.yield
    }) : () -> ()
    %mul3A_7 = arith.constant 640 : i32
    %mul3A_8 = arith.muli %arg1, %mul3A_7 : i32
    %add3A_9 = arith.constant 128 : i32
    %add3A_10 = arith.addi %mul3A_8, %add3A_9 : i32
    "tpu.region"() ({
      %run_scoped3A = tpu.sem_alloc : memref<!tpu.dma_semaphore, #tpu.memory_space<semaphore_mem>>
      %dma_start3A = arith.constant 0 : i32
      %dma_start3A_35 = tpu.memref_slice %arg14[%add3A_10, %dma_start3A] : memref<10240x128xf32, #tpu.memory_space<vmem_shared>> -> memref<128x128xf32, #tpu.memory_space<vmem_shared>>
      %dma_start3A_36 = arith.constant 0 : i32
      %dma_start3A_37 = tpu.memref_slice %arg14[%add3A_10, %dma_start3A_36] : memref<10240x128xf32, #tpu.memory_space<vmem_shared>> -> memref<128x128xf32, #tpu.memory_space<vmem_shared>>
      tpu.enqueue_dma source(%arg10 : memref<128x128xf32, #tpu.memory_space<vmem>>) target(%dma_start3A_37 : memref<128x128xf32, #tpu.memory_space<vmem_shared>>) target_semaphore(%run_scoped3A : memref<!tpu.dma_semaphore, #tpu.memory_space<semaphore_mem>>)
      %dma_wait3A = arith.constant 0 : i32
      %dma_wait3A_38 = tpu.memref_slice %arg14[%add3A_10, %dma_wait3A] : memref<10240x128xf32, #tpu.memory_space<vmem_shared>> -> memref<128x128xf32, #tpu.memory_space<vmem_shared>>
      %dma_wait3A_39 = arith.constant 0 : i32
      %dma_wait3A_40 = tpu.memref_slice %arg14[%add3A_10, %dma_wait3A_39] : memref<10240x128xf32, #tpu.memory_space<vmem_shared>> -> memref<128x128xf32, #tpu.memory_space<vmem_shared>>
      tpu.wait_dma2 semaphore(%run_scoped3A : memref<!tpu.dma_semaphore, #tpu.memory_space<semaphore_mem>>) src(%arg10 : memref<128x128xf32, #tpu.memory_space<vmem>>) dst(%dma_wait3A_40 : memref<128x128xf32, #tpu.memory_space<vmem_shared>>)
      tpu.yield
    }) : () -> ()
    %mul3A_11 = arith.constant 640 : i32
    %mul3A_12 = arith.muli %arg1, %mul3A_11 : i32
    %add3A_13 = arith.constant 256 : i32
    %add3A_14 = arith.addi %mul3A_12, %add3A_13 : i32
    "tpu.region"() ({
      %run_scoped3A = tpu.sem_alloc : memref<!tpu.dma_semaphore, #tpu.memory_space<semaphore_mem>>
      %dma_start3A = arith.constant 0 : i32
      %dma_start3A_35 = tpu.memref_slice %arg14[%add3A_14, %dma_start3A] : memref<10240x128xf32, #tpu.memory_space<vmem_shared>> -> memref<128x128xf32, #tpu.memory_space<vmem_shared>>
      %dma_start3A_36 = arith.constant 0 : i32
      %dma_start3A_37 = tpu.memref_slice %arg14[%add3A_14, %dma_start3A_36] : memref<10240x128xf32, #tpu.memory_space<vmem_shared>> -> memref<128x128xf32, #tpu.memory_space<vmem_shared>>
      tpu.enqueue_dma source(%arg10 : memref<128x128xf32, #tpu.memory_space<vmem>>) target(%dma_start3A_37 : memref<128x128xf32, #tpu.memory_space<vmem_shared>>) target_semaphore(%run_scoped3A : memref<!tpu.dma_semaphore, #tpu.memory_space<semaphore_mem>>)
      %dma_wait3A = arith.constant 0 : i32
      %dma_wait3A_38 = tpu.memref_slice %arg14[%add3A_14, %dma_wait3A] : memref<10240x128xf32, #tpu.memory_space<vmem_shared>> -> memref<128x128xf32, #tpu.memory_space<vmem_shared>>
      %dma_wait3A_39 = arith.constant 0 : i32
      %dma_wait3A_40 = tpu.memref_slice %arg14[%add3A_14, %dma_wait3A_39] : memref<10240x128xf32, #tpu.memory_space<vmem_shared>> -> memref<128x128xf32, #tpu.memory_space<vmem_shared>>
      tpu.wait_dma2 semaphore(%run_scoped3A : memref<!tpu.dma_semaphore, #tpu.memory_space<semaphore_mem>>) src(%arg10 : memref<128x128xf32, #tpu.memory_space<vmem>>) dst(%dma_wait3A_40 : memref<128x128xf32, #tpu.memory_space<vmem_shared>>)
      tpu.yield
    }) : () -> ()
    %mul3A_15 = arith.constant 640 : i32
    %mul3A_16 = arith.muli %arg1, %mul3A_15 : i32
    %add3A_17 = arith.constant 384 : i32
    %add3A_18 = arith.addi %mul3A_16, %add3A_17 : i32
    "tpu.region"() ({
      %run_scoped3A = tpu.sem_alloc : memref<!tpu.dma_semaphore, #tpu.memory_space<semaphore_mem>>
      %dma_start3A = arith.constant 0 : i32
      %dma_start3A_35 = tpu.memref_slice %arg14[%add3A_18, %dma_start3A] : memref<10240x128xf32, #tpu.memory_space<vmem_shared>> -> memref<128x128xf32, #tpu.memory_space<vmem_shared>>
      %dma_start3A_36 = arith.constant 0 : i32
      %dma_start3A_37 = tpu.memref_slice %arg14[%add3A_18, %dma_start3A_36] : memref<10240x128xf32, #tpu.memory_space<vmem_shared>> -> memref<128x128xf32, #tpu.memory_space<vmem_shared>>
      tpu.enqueue_dma source(%arg10 : memref<128x128xf32, #tpu.memory_space<vmem>>) target(%dma_start3A_37 : memref<128x128xf32, #tpu.memory_space<vmem_shared>>) target_semaphore(%run_scoped3A : memref<!tpu.dma_semaphore, #tpu.memory_space<semaphore_mem>>)
      %dma_wait3A = arith.constant 0 : i32
      %dma_wait3A_38 = tpu.memref_slice %arg14[%add3A_18, %dma_wait3A] : memref<10240x128xf32, #tpu.memory_space<vmem_shared>> -> memref<128x128xf32, #tpu.memory_space<vmem_shared>>
      %dma_wait3A_39 = arith.constant 0 : i32
      %dma_wait3A_40 = tpu.memref_slice %arg14[%add3A_18, %dma_wait3A_39] : memref<10240x128xf32, #tpu.memory_space<vmem_shared>> -> memref<128x128xf32, #tpu.memory_space<vmem_shared>>
      tpu.wait_dma2 semaphore(%run_scoped3A : memref<!tpu.dma_semaphore, #tpu.memory_space<semaphore_mem>>) src(%arg10 : memref<128x128xf32, #tpu.memory_space<vmem>>) dst(%dma_wait3A_40 : memref<128x128xf32, #tpu.memory_space<vmem_shared>>)
      tpu.yield
    }) : () -> ()
    %mul3A_19 = arith.constant 640 : i32
    %mul3A_20 = arith.muli %arg1, %mul3A_19 : i32
    %add3A_21 = arith.constant 512 : i32
    %add3A_22 = arith.addi %mul3A_20, %add3A_21 : i32
    "tpu.region"() ({
      %run_scoped3A = tpu.sem_alloc : memref<!tpu.dma_semaphore, #tpu.memory_space<semaphore_mem>>
      %dma_start3A = arith.constant 0 : i32
      %dma_start3A_35 = tpu.memref_slice %arg14[%add3A_22, %dma_start3A] : memref<10240x128xf32, #tpu.memory_space<vmem_shared>> -> memref<128x128xf32, #tpu.memory_space<vmem_shared>>
      %dma_start3A_36 = arith.constant 0 : i32
      %dma_start3A_37 = tpu.memref_slice %arg14[%add3A_22, %dma_start3A_36] : memref<10240x128xf32, #tpu.memory_space<vmem_shared>> -> memref<128x128xf32, #tpu.memory_space<vmem_shared>>
      tpu.enqueue_dma source(%arg10 : memref<128x128xf32, #tpu.memory_space<vmem>>) target(%dma_start3A_37 : memref<128x128xf32, #tpu.memory_space<vmem_shared>>) target_semaphore(%run_scoped3A : memref<!tpu.dma_semaphore, #tpu.memory_space<semaphore_mem>>)
      %dma_wait3A = arith.constant 0 : i32
      %dma_wait3A_38 = tpu.memref_slice %arg14[%add3A_22, %dma_wait3A] : memref<10240x128xf32, #tpu.memory_space<vmem_shared>> -> memref<128x128xf32, #tpu.memory_space<vmem_shared>>
      %dma_wait3A_39 = arith.constant 0 : i32
      %dma_wait3A_40 = tpu.memref_slice %arg14[%add3A_22, %dma_wait3A_39] : memref<10240x128xf32, #tpu.memory_space<vmem_shared>> -> memref<128x128xf32, #tpu.memory_space<vmem_shared>>
      tpu.wait_dma2 semaphore(%run_scoped3A : memref<!tpu.dma_semaphore, #tpu.memory_space<semaphore_mem>>) src(%arg10 : memref<128x128xf32, #tpu.memory_space<vmem>>) dst(%dma_wait3A_40 : memref<128x128xf32, #tpu.memory_space<vmem_shared>>)
      tpu.yield
    }) : () -> ()
    "tpu.trace_stop"() : () -> ()
    %barrier3A = arith.constant 0 : index
    tpu.barrier barrier_id(%barrier3A)
    %eq3A = arith.constant 0 : i32
    "tpu.trace_start"() <{level = 10 : i32, message = "agg_ring"}> : () -> ()
    %eq3A_23 = arith.cmpi eq, %arg0, %eq3A : i32
    %convert_element_type3A = arith.extui %eq3A_23 : i1 to i32
    %cond3A = arith.constant 0 : i32
    %cond3A_24 = arith.cmpi ne, %convert_element_type3A, %cond3A : i32
    scf.if %cond3A_24 {
      "tpu.region"() ({
        %run_scoped3A = tpu.sem_alloc : memref<!tpu.dma_semaphore, #tpu.memory_space<semaphore_mem>>
        %dma_start3A_72 = arith.constant 0 : i32
        %dma_start3A_73 = arith.constant 0 : i32
        %dma_start3A_74 = tpu.memref_slice %arg3[%arg1, %dma_start3A_72, %dma_start3A_73] : memref<16x80x128xi32, #tpu.memory_space<hbm>> -> memref<1x40x128xi32, #tpu.memory_space<hbm>>
        %dma_start3A_75 = tpu.memref_squeeze %dma_start3A_74 : memref<1x40x128xi32, #tpu.memory_space<hbm>> -> memref<40x128xi32, #tpu.memory_space<hbm>>
        %dma_start3A_76 = arith.constant 0 : i32
        %dma_start3A_77 = arith.constant 0 : i32
        %dma_start3A_78 = tpu.memref_slice %arg3[%arg1, %dma_start3A_76, %dma_start3A_77] : memref<16x80x128xi32, #tpu.memory_space<hbm>> -> memref<1x40x128xi32, #tpu.memory_space<hbm>>
        %dma_start3A_79 = tpu.memref_squeeze %dma_start3A_78 : memref<1x40x128xi32, #tpu.memory_space<hbm>> -> memref<40x128xi32, #tpu.memory_space<hbm>>
        tpu.enqueue_dma source(%dma_start3A_79 : memref<40x128xi32, #tpu.memory_space<hbm>>) target(%arg8 : memref<40x128xi32, #tpu.memory_space<vmem>>) target_semaphore(%run_scoped3A : memref<!tpu.dma_semaphore, #tpu.memory_space<semaphore_mem>>)
        %dma_wait3A = arith.constant 0 : i32
        %dma_wait3A_80 = arith.constant 0 : i32
        %dma_wait3A_81 = tpu.memref_slice %arg3[%arg1, %dma_wait3A, %dma_wait3A_80] : memref<16x80x128xi32, #tpu.memory_space<hbm>> -> memref<1x40x128xi32, #tpu.memory_space<hbm>>
        %dma_wait3A_82 = tpu.memref_squeeze %dma_wait3A_81 : memref<1x40x128xi32, #tpu.memory_space<hbm>> -> memref<40x128xi32, #tpu.memory_space<hbm>>
        %dma_wait3A_83 = arith.constant 0 : i32
        %dma_wait3A_84 = arith.constant 0 : i32
        %dma_wait3A_85 = tpu.memref_slice %arg3[%arg1, %dma_wait3A_83, %dma_wait3A_84] : memref<16x80x128xi32, #tpu.memory_space<hbm>> -> memref<1x40x128xi32, #tpu.memory_space<hbm>>
        %dma_wait3A_86 = tpu.memref_squeeze %dma_wait3A_85 : memref<1x40x128xi32, #tpu.memory_space<hbm>> -> memref<40x128xi32, #tpu.memory_space<hbm>>
        tpu.wait_dma2 semaphore(%run_scoped3A : memref<!tpu.dma_semaphore, #tpu.memory_space<semaphore_mem>>) src(%dma_wait3A_86 : memref<40x128xi32, #tpu.memory_space<hbm>>) dst(%arg8 : memref<40x128xi32, #tpu.memory_space<vmem>>)
        tpu.yield
      }) : () -> ()
      "tpu.region"() ({
        %run_scoped3A = tpu.sem_alloc : memref<!tpu.dma_semaphore, #tpu.memory_space<semaphore_mem>>
        %dma_start3A_72 = arith.constant 0 : i32
        %dma_start3A_73 = arith.constant 0 : i32
        %dma_start3A_74 = tpu.memref_slice %arg4[%arg1, %dma_start3A_72, %dma_start3A_73] : memref<16x80x128xi32, #tpu.memory_space<hbm>> -> memref<1x40x128xi32, #tpu.memory_space<hbm>>
        %dma_start3A_75 = tpu.memref_squeeze %dma_start3A_74 : memref<1x40x128xi32, #tpu.memory_space<hbm>> -> memref<40x128xi32, #tpu.memory_space<hbm>>
        %dma_start3A_76 = arith.constant 0 : i32
        %dma_start3A_77 = arith.constant 0 : i32
        %dma_start3A_78 = tpu.memref_slice %arg4[%arg1, %dma_start3A_76, %dma_start3A_77] : memref<16x80x128xi32, #tpu.memory_space<hbm>> -> memref<1x40x128xi32, #tpu.memory_space<hbm>>
        %dma_start3A_79 = tpu.memref_squeeze %dma_start3A_78 : memref<1x40x128xi32, #tpu.memory_space<hbm>> -> memref<40x128xi32, #tpu.memory_space<hbm>>
        tpu.enqueue_dma source(%dma_start3A_79 : memref<40x128xi32, #tpu.memory_space<hbm>>) target(%arg9 : memref<40x128xi32, #tpu.memory_space<vmem>>) target_semaphore(%run_scoped3A : memref<!tpu.dma_semaphore, #tpu.memory_space<semaphore_mem>>)
        %dma_wait3A = arith.constant 0 : i32
        %dma_wait3A_80 = arith.constant 0 : i32
        %dma_wait3A_81 = tpu.memref_slice %arg4[%arg1, %dma_wait3A, %dma_wait3A_80] : memref<16x80x128xi32, #tpu.memory_space<hbm>> -> memref<1x40x128xi32, #tpu.memory_space<hbm>>
        %dma_wait3A_82 = tpu.memref_squeeze %dma_wait3A_81 : memref<1x40x128xi32, #tpu.memory_space<hbm>> -> memref<40x128xi32, #tpu.memory_space<hbm>>
        %dma_wait3A_83 = arith.constant 0 : i32
        %dma_wait3A_84 = arith.constant 0 : i32
        %dma_wait3A_85 = tpu.memref_slice %arg4[%arg1, %dma_wait3A_83, %dma_wait3A_84] : memref<16x80x128xi32, #tpu.memory_space<hbm>> -> memref<1x40x128xi32, #tpu.memory_space<hbm>>
        %dma_wait3A_86 = tpu.memref_squeeze %dma_wait3A_85 : memref<1x40x128xi32, #tpu.memory_space<hbm>> -> memref<40x128xi32, #tpu.memory_space<hbm>>
        tpu.wait_dma2 semaphore(%run_scoped3A : memref<!tpu.dma_semaphore, #tpu.memory_space<semaphore_mem>>) src(%dma_wait3A_86 : memref<40x128xi32, #tpu.memory_space<hbm>>) dst(%arg9 : memref<40x128xi32, #tpu.memory_space<vmem>>)
        tpu.yield
      }) : () -> ()
      %dma_start3A = arith.constant 0 : i32
      %dma_start3A_35 = arith.constant 0 : i32
      %dma_start3A_36 = tpu.memref_slice %arg8[%dma_start3A, %dma_start3A_35] : memref<40x128xi32, #tpu.memory_space<vmem>> -> memref<1x128xi32, #tpu.memory_space<vmem>>
      %dma_start3A_37 = tpu.memref_squeeze %dma_start3A_36 : memref<1x128xi32, #tpu.memory_space<vmem>> -> memref<128xi32, #tpu.memory_space<vmem>>
      %dma_start3A_38 = arith.constant 0 : i32
      %dma_start3A_39 = arith.constant 0 : i32
      %dma_start3A_40 = tpu.memref_slice %arg2[%dma_start3A_38, %dma_start3A_39] : memref<10000x128xf32, #tpu.memory_space<hbm>> -> memref<10000x128xf32, #tpu.memory_space<hbm>>
      tpu.enqueue_indirect_dma source(%dma_start3A_40 : memref<10000x128xf32, #tpu.memory_space<hbm>>) target(%arg10 : memref<128x128xf32, #tpu.memory_space<vmem>>) offsets(%dma_start3A_37 : memref<128xi32, #tpu.memory_space<vmem>>) semaphore(%arg12 : memref<!tpu.dma_semaphore, #tpu.memory_space<semaphore_mem>>)
      %dma_start3A_41 = arith.constant 1 : i32
      %dma_start3A_42 = arith.constant 0 : i32
      %dma_start3A_43 = tpu.memref_slice %arg8[%dma_start3A_41, %dma_start3A_42] : memref<40x128xi32, #tpu.memory_space<vmem>> -> memref<1x128xi32, #tpu.memory_space<vmem>>
      %dma_start3A_44 = tpu.memref_squeeze %dma_start3A_43 : memref<1x128xi32, #tpu.memory_space<vmem>> -> memref<128xi32, #tpu.memory_space<vmem>>
      %dma_start3A_45 = arith.constant 0 : i32
      %dma_start3A_46 = arith.constant 0 : i32
      %dma_start3A_47 = tpu.memref_slice %arg2[%dma_start3A_45, %dma_start3A_46] : memref<10000x128xf32, #tpu.memory_space<hbm>> -> memref<10000x128xf32, #tpu.memory_space<hbm>>
      tpu.enqueue_indirect_dma source(%dma_start3A_47 : memref<10000x128xf32, #tpu.memory_space<hbm>>) target(%arg11 : memref<128x128xf32, #tpu.memory_space<vmem>>) offsets(%dma_start3A_44 : memref<128xi32, #tpu.memory_space<vmem>>) semaphore(%arg13 : memref<!tpu.dma_semaphore, #tpu.memory_space<semaphore_mem>>)
      %scan3A_48 = arith.constant 0 : i32
      %scan3A_49 = arith.constant 20 : i32
      %scan3A_50 = arith.addi %scan3A_48, %scan3A_49 : i32
      %scan3A_51 = arith.constant 1 : i32
      scf.for %scan3A_72 = %scan3A_48 to %scan3A_50 step %scan3A_51  : i32 {
        %mul3A_73 = arith.constant 2 : i32
        %mul3A_74 = arith.muli %scan3A_72, %mul3A_73 : i32
        %add3A_75 = arith.constant 0 : i32
        %add3A_76 = arith.addi %add3A_75, %mul3A_74 : i32
        %add3A_77 = arith.constant 0 : i32
        %add3A_78 = arith.addi %add3A_76, %add3A_77 : i32
        %dma_wait3A = arith.constant 0 : i32
        %dma_wait3A_79 = tpu.memref_slice %arg8[%add3A_78, %dma_wait3A] : memref<40x128xi32, #tpu.memory_space<vmem>> -> memref<1x128xi32, #tpu.memory_space<vmem>>
        %dma_wait3A_80 = tpu.memref_squeeze %dma_wait3A_79 : memref<1x128xi32, #tpu.memory_space<vmem>> -> memref<128xi32, #tpu.memory_space<vmem>>
        %dma_wait3A_81 = arith.constant 0 : i32
        %dma_wait3A_82 = arith.constant 0 : i32
        %dma_wait3A_83 = tpu.memref_slice %arg2[%dma_wait3A_81, %dma_wait3A_82] : memref<10000x128xf32, #tpu.memory_space<hbm>> -> memref<10000x128xf32, #tpu.memory_space<hbm>>
        tpu.wait_indirect_dma semaphore(%arg12 : memref<!tpu.dma_semaphore, #tpu.memory_space<semaphore_mem>>) src(%dma_wait3A_83 : memref<10000x128xf32, #tpu.memory_space<hbm>>) dst(%arg10 : memref<128x128xf32, #tpu.memory_space<vmem>>)
        "tpu.region"() ({
          %run_scoped3A = tpu.sem_alloc : memref<!tpu.dma_semaphore, #tpu.memory_space<semaphore_mem>>
          %dma_start3A_105 = arith.constant 0 : i32
          %dma_start3A_106 = tpu.memref_slice %arg9[%add3A_78, %dma_start3A_105] : memref<40x128xi32, #tpu.memory_space<vmem>> -> memref<1x128xi32, #tpu.memory_space<vmem>>
          %dma_start3A_107 = tpu.memref_squeeze %dma_start3A_106 : memref<1x128xi32, #tpu.memory_space<vmem>> -> memref<128xi32, #tpu.memory_space<vmem>>
          %dma_start3A_108 = arith.constant 0 : i32
          %dma_start3A_109 = arith.constant 0 : i32
          %dma_start3A_110 = tpu.memref_slice %arg14[%dma_start3A_108, %dma_start3A_109] : memref<10240x128xf32, #tpu.memory_space<vmem_shared>> -> memref<10240x128xf32, #tpu.memory_space<vmem_shared>>
          tpu.enqueue_indirect_dma source(%arg10 : memref<128x128xf32, #tpu.memory_space<vmem>>) target(%dma_start3A_110 : memref<10240x128xf32, #tpu.memory_space<vmem_shared>>) offsets(%dma_start3A_107 : memref<128xi32, #tpu.memory_space<vmem>>) semaphore(%run_scoped3A : memref<!tpu.dma_semaphore, #tpu.memory_space<semaphore_mem>>) {add = true}
          %dma_wait3A_111 = arith.constant 0 : i32
          %dma_wait3A_112 = tpu.memref_slice %arg9[%add3A_78, %dma_wait3A_111] : memref<40x128xi32, #tpu.memory_space<vmem>> -> memref<1x128xi32, #tpu.memory_space<vmem>>
          %dma_wait3A_113 = tpu.memref_squeeze %dma_wait3A_112 : memref<1x128xi32, #tpu.memory_space<vmem>> -> memref<128xi32, #tpu.memory_space<vmem>>
          %dma_wait3A_114 = arith.constant 0 : i32
          %dma_wait3A_115 = arith.constant 0 : i32
          %dma_wait3A_116 = tpu.memref_slice %arg14[%dma_wait3A_114, %dma_wait3A_115] : memref<10240x128xf32, #tpu.memory_space<vmem_shared>> -> memref<10240x128xf32, #tpu.memory_space<vmem_shared>>
          tpu.wait_indirect_dma semaphore(%run_scoped3A : memref<!tpu.dma_semaphore, #tpu.memory_space<semaphore_mem>>) src(%arg10 : memref<128x128xf32, #tpu.memory_space<vmem>>) dst(%dma_wait3A_116 : memref<10240x128xf32, #tpu.memory_space<vmem_shared>>)
          tpu.yield
        }) : () -> ()
        %add3A_84 = arith.constant 2 : i32
        %add3A_85 = arith.addi %add3A_78, %add3A_84 : i32
        %lt3A = arith.constant 40 : i32
        %lt3A_86 = arith.cmpi slt, %add3A_85, %lt3A : i32
        %convert_element_type3A_87 = arith.extui %lt3A_86 : i1 to i32
        %cond3A_88 = arith.constant 0 : i32
        %cond3A_89 = arith.cmpi ne, %convert_element_type3A_87, %cond3A_88 : i32
        scf.if %cond3A_89 {
          %add3A_105 = arith.constant 2 : i32
          %add3A_106 = arith.addi %add3A_78, %add3A_105 : i32
          %dma_start3A_107 = arith.constant 0 : i32
          %dma_start3A_108 = tpu.memref_slice %arg8[%add3A_106, %dma_start3A_107] : memref<40x128xi32, #tpu.memory_space<vmem>> -> memref<1x128xi32, #tpu.memory_space<vmem>>
          %dma_start3A_109 = tpu.memref_squeeze %dma_start3A_108 : memref<1x128xi32, #tpu.memory_space<vmem>> -> memref<128xi32, #tpu.memory_space<vmem>>
          %dma_start3A_110 = arith.constant 0 : i32
          %dma_start3A_111 = arith.constant 0 : i32
          %dma_start3A_112 = tpu.memref_slice %arg2[%dma_start3A_110, %dma_start3A_111] : memref<10000x128xf32, #tpu.memory_space<hbm>> -> memref<10000x128xf32, #tpu.memory_space<hbm>>
          tpu.enqueue_indirect_dma source(%dma_start3A_112 : memref<10000x128xf32, #tpu.memory_space<hbm>>) target(%arg10 : memref<128x128xf32, #tpu.memory_space<vmem>>) offsets(%dma_start3A_109 : memref<128xi32, #tpu.memory_space<vmem>>) semaphore(%arg12 : memref<!tpu.dma_semaphore, #tpu.memory_space<semaphore_mem>>)
        } else {
        }
        %add3A_90 = arith.constant 1 : i32
        %add3A_91 = arith.addi %add3A_76, %add3A_90 : i32
        %dma_wait3A_92 = arith.constant 0 : i32
        %dma_wait3A_93 = tpu.memref_slice %arg8[%add3A_91, %dma_wait3A_92] : memref<40x128xi32, #tpu.memory_space<vmem>> -> memref<1x128xi32, #tpu.memory_space<vmem>>
        %dma_wait3A_94 = tpu.memref_squeeze %dma_wait3A_93 : memref<1x128xi32, #tpu.memory_space<vmem>> -> memref<128xi32, #tpu.memory_space<vmem>>
        %dma_wait3A_95 = arith.constant 0 : i32
        %dma_wait3A_96 = arith.constant 0 : i32
        %dma_wait3A_97 = tpu.memref_slice %arg2[%dma_wait3A_95, %dma_wait3A_96] : memref<10000x128xf32, #tpu.memory_space<hbm>> -> memref<10000x128xf32, #tpu.memory_space<hbm>>
        tpu.wait_indirect_dma semaphore(%arg13 : memref<!tpu.dma_semaphore, #tpu.memory_space<semaphore_mem>>) src(%dma_wait3A_97 : memref<10000x128xf32, #tpu.memory_space<hbm>>) dst(%arg11 : memref<128x128xf32, #tpu.memory_space<vmem>>)
        "tpu.region"() ({
          %run_scoped3A = tpu.sem_alloc : memref<!tpu.dma_semaphore, #tpu.memory_space<semaphore_mem>>
          %dma_start3A_105 = arith.constant 0 : i32
          %dma_start3A_106 = tpu.memref_slice %arg9[%add3A_91, %dma_start3A_105] : memref<40x128xi32, #tpu.memory_space<vmem>> -> memref<1x128xi32, #tpu.memory_space<vmem>>
          %dma_start3A_107 = tpu.memref_squeeze %dma_start3A_106 : memref<1x128xi32, #tpu.memory_space<vmem>> -> memref<128xi32, #tpu.memory_space<vmem>>
          %dma_start3A_108 = arith.constant 0 : i32
          %dma_start3A_109 = arith.constant 0 : i32
          %dma_start3A_110 = tpu.memref_slice %arg14[%dma_start3A_108, %dma_start3A_109] : memref<10240x128xf32, #tpu.memory_space<vmem_shared>> -> memref<10240x128xf32, #tpu.memory_space<vmem_shared>>
          tpu.enqueue_indirect_dma source(%arg11 : memref<128x128xf32, #tpu.memory_space<vmem>>) target(%dma_start3A_110 : memref<10240x128xf32, #tpu.memory_space<vmem_shared>>) offsets(%dma_start3A_107 : memref<128xi32, #tpu.memory_space<vmem>>) semaphore(%run_scoped3A : memref<!tpu.dma_semaphore, #tpu.memory_space<semaphore_mem>>) {add = true}
          %dma_wait3A_111 = arith.constant 0 : i32
          %dma_wait3A_112 = tpu.memref_slice %arg9[%add3A_91, %dma_wait3A_111] : memref<40x128xi32, #tpu.memory_space<vmem>> -> memref<1x128xi32, #tpu.memory_space<vmem>>
          %dma_wait3A_113 = tpu.memref_squeeze %dma_wait3A_112 : memref<1x128xi32, #tpu.memory_space<vmem>> -> memref<128xi32, #tpu.memory_space<vmem>>
          %dma_wait3A_114 = arith.constant 0 : i32
          %dma_wait3A_115 = arith.constant 0 : i32
          %dma_wait3A_116 = tpu.memref_slice %arg14[%dma_wait3A_114, %dma_wait3A_115] : memref<10240x128xf32, #tpu.memory_space<vmem_shared>> -> memref<10240x128xf32, #tpu.memory_space<vmem_shared>>
          tpu.wait_indirect_dma semaphore(%run_scoped3A : memref<!tpu.dma_semaphore, #tpu.memory_space<semaphore_mem>>) src(%arg11 : memref<128x128xf32, #tpu.memory_space<vmem>>) dst(%dma_wait3A_116 : memref<10240x128xf32, #tpu.memory_space<vmem_shared>>)
          tpu.yield
        }) : () -> ()
        %add3A_98 = arith.constant 2 : i32
        %add3A_99 = arith.addi %add3A_91, %add3A_98 : i32
        %lt3A_100 = arith.constant 40 : i32
        %lt3A_101 = arith.cmpi slt, %add3A_99, %lt3A_100 : i32
        %convert_element_type3A_102 = arith.extui %lt3A_101 : i1 to i32
        %cond3A_103 = arith.constant 0 : i32
        %cond3A_104 = arith.cmpi ne, %convert_element_type3A_102, %cond3A_103 : i32
        scf.if %cond3A_104 {
          %add3A_105 = arith.constant 2 : i32
          %add3A_106 = arith.addi %add3A_91, %add3A_105 : i32
          %dma_start3A_107 = arith.constant 0 : i32
          %dma_start3A_108 = tpu.memref_slice %arg8[%add3A_106, %dma_start3A_107] : memref<40x128xi32, #tpu.memory_space<vmem>> -> memref<1x128xi32, #tpu.memory_space<vmem>>
          %dma_start3A_109 = tpu.memref_squeeze %dma_start3A_108 : memref<1x128xi32, #tpu.memory_space<vmem>> -> memref<128xi32, #tpu.memory_space<vmem>>
          %dma_start3A_110 = arith.constant 0 : i32
          %dma_start3A_111 = arith.constant 0 : i32
          %dma_start3A_112 = tpu.memref_slice %arg2[%dma_start3A_110, %dma_start3A_111] : memref<10000x128xf32, #tpu.memory_space<hbm>> -> memref<10000x128xf32, #tpu.memory_space<hbm>>
          tpu.enqueue_indirect_dma source(%dma_start3A_112 : memref<10000x128xf32, #tpu.memory_space<hbm>>) target(%arg11 : memref<128x128xf32, #tpu.memory_space<vmem>>) offsets(%dma_start3A_109 : memref<128xi32, #tpu.memory_space<vmem>>) semaphore(%arg13 : memref<!tpu.dma_semaphore, #tpu.memory_space<semaphore_mem>>)
        } else {
        }
      }
      %scan3A_52 = arith.constant 20 : i32
      "tpu.region"() ({
        %run_scoped3A = tpu.sem_alloc : memref<!tpu.dma_semaphore, #tpu.memory_space<semaphore_mem>>
        %dma_start3A_72 = arith.constant 40 : i32
        %dma_start3A_73 = arith.constant 0 : i32
        %dma_start3A_74 = tpu.memref_slice %arg3[%arg1, %dma_start3A_72, %dma_start3A_73] : memref<16x80x128xi32, #tpu.memory_space<hbm>> -> memref<1x40x128xi32, #tpu.memory_space<hbm>>
        %dma_start3A_75 = tpu.memref_squeeze %dma_start3A_74 : memref<1x40x128xi32, #tpu.memory_space<hbm>> -> memref<40x128xi32, #tpu.memory_space<hbm>>
        %dma_start3A_76 = arith.constant 40 : i32
        %dma_start3A_77 = arith.constant 0 : i32
        %dma_start3A_78 = tpu.memref_slice %arg3[%arg1, %dma_start3A_76, %dma_start3A_77] : memref<16x80x128xi32, #tpu.memory_space<hbm>> -> memref<1x40x128xi32, #tpu.memory_space<hbm>>
        %dma_start3A_79 = tpu.memref_squeeze %dma_start3A_78 : memref<1x40x128xi32, #tpu.memory_space<hbm>> -> memref<40x128xi32, #tpu.memory_space<hbm>>
        tpu.enqueue_dma source(%dma_start3A_79 : memref<40x128xi32, #tpu.memory_space<hbm>>) target(%arg8 : memref<40x128xi32, #tpu.memory_space<vmem>>) target_semaphore(%run_scoped3A : memref<!tpu.dma_semaphore, #tpu.memory_space<semaphore_mem>>)
        %dma_wait3A = arith.constant 40 : i32
        %dma_wait3A_80 = arith.constant 0 : i32
        %dma_wait3A_81 = tpu.memref_slice %arg3[%arg1, %dma_wait3A, %dma_wait3A_80] : memref<16x80x128xi32, #tpu.memory_space<hbm>> -> memref<1x40x128xi32, #tpu.memory_space<hbm>>
        %dma_wait3A_82 = tpu.memref_squeeze %dma_wait3A_81 : memref<1x40x128xi32, #tpu.memory_space<hbm>> -> memref<40x128xi32, #tpu.memory_space<hbm>>
        %dma_wait3A_83 = arith.constant 40 : i32
        %dma_wait3A_84 = arith.constant 0 : i32
        %dma_wait3A_85 = tpu.memref_slice %arg3[%arg1, %dma_wait3A_83, %dma_wait3A_84] : memref<16x80x128xi32, #tpu.memory_space<hbm>> -> memref<1x40x128xi32, #tpu.memory_space<hbm>>
        %dma_wait3A_86 = tpu.memref_squeeze %dma_wait3A_85 : memref<1x40x128xi32, #tpu.memory_space<hbm>> -> memref<40x128xi32, #tpu.memory_space<hbm>>
        tpu.wait_dma2 semaphore(%run_scoped3A : memref<!tpu.dma_semaphore, #tpu.memory_space<semaphore_mem>>) src(%dma_wait3A_86 : memref<40x128xi32, #tpu.memory_space<hbm>>) dst(%arg8 : memref<40x128xi32, #tpu.memory_space<vmem>>)
        tpu.yield
      }) : () -> ()
      "tpu.region"() ({
        %run_scoped3A = tpu.sem_alloc : memref<!tpu.dma_semaphore, #tpu.memory_space<semaphore_mem>>
        %dma_start3A_72 = arith.constant 40 : i32
        %dma_start3A_73 = arith.constant 0 : i32
        %dma_start3A_74 = tpu.memref_slice %arg4[%arg1, %dma_start3A_72, %dma_start3A_73] : memref<16x80x128xi32, #tpu.memory_space<hbm>> -> memref<1x40x128xi32, #tpu.memory_space<hbm>>
        %dma_start3A_75 = tpu.memref_squeeze %dma_start3A_74 : memref<1x40x128xi32, #tpu.memory_space<hbm>> -> memref<40x128xi32, #tpu.memory_space<hbm>>
        %dma_start3A_76 = arith.constant 40 : i32
        %dma_start3A_77 = arith.constant 0 : i32
        %dma_start3A_78 = tpu.memref_slice %arg4[%arg1, %dma_start3A_76, %dma_start3A_77] : memref<16x80x128xi32, #tpu.memory_space<hbm>> -> memref<1x40x128xi32, #tpu.memory_space<hbm>>
        %dma_start3A_79 = tpu.memref_squeeze %dma_start3A_78 : memref<1x40x128xi32, #tpu.memory_space<hbm>> -> memref<40x128xi32, #tpu.memory_space<hbm>>
        tpu.enqueue_dma source(%dma_start3A_79 : memref<40x128xi32, #tpu.memory_space<hbm>>) target(%arg9 : memref<40x128xi32, #tpu.memory_space<vmem>>) target_semaphore(%run_scoped3A : memref<!tpu.dma_semaphore, #tpu.memory_space<semaphore_mem>>)
        %dma_wait3A = arith.constant 40 : i32
        %dma_wait3A_80 = arith.constant 0 : i32
        %dma_wait3A_81 = tpu.memref_slice %arg4[%arg1, %dma_wait3A, %dma_wait3A_80] : memref<16x80x128xi32, #tpu.memory_space<hbm>> -> memref<1x40x128xi32, #tpu.memory_space<hbm>>
        %dma_wait3A_82 = tpu.memref_squeeze %dma_wait3A_81 : memref<1x40x128xi32, #tpu.memory_space<hbm>> -> memref<40x128xi32, #tpu.memory_space<hbm>>
        %dma_wait3A_83 = arith.constant 40 : i32
        %dma_wait3A_84 = arith.constant 0 : i32
        %dma_wait3A_85 = tpu.memref_slice %arg4[%arg1, %dma_wait3A_83, %dma_wait3A_84] : memref<16x80x128xi32, #tpu.memory_space<hbm>> -> memref<1x40x128xi32, #tpu.memory_space<hbm>>
        %dma_wait3A_86 = tpu.memref_squeeze %dma_wait3A_85 : memref<1x40x128xi32, #tpu.memory_space<hbm>> -> memref<40x128xi32, #tpu.memory_space<hbm>>
        tpu.wait_dma2 semaphore(%run_scoped3A : memref<!tpu.dma_semaphore, #tpu.memory_space<semaphore_mem>>) src(%dma_wait3A_86 : memref<40x128xi32, #tpu.memory_space<hbm>>) dst(%arg9 : memref<40x128xi32, #tpu.memory_space<vmem>>)
        tpu.yield
      }) : () -> ()
      %dma_start3A_53 = arith.constant 0 : i32
      %dma_start3A_54 = arith.constant 0 : i32
      %dma_start3A_55 = tpu.memref_slice %arg8[%dma_start3A_53, %dma_start3A_54] : memref<40x128xi32, #tpu.memory_space<vmem>> -> memref<1x128xi32, #tpu.memory_space<vmem>>
      %dma_start3A_56 = tpu.memref_squeeze %dma_start3A_55 : memref<1x128xi32, #tpu.memory_space<vmem>> -> memref<128xi32, #tpu.memory_space<vmem>>
      %dma_start3A_57 = arith.constant 0 : i32
      %dma_start3A_58 = arith.constant 0 : i32
      %dma_start3A_59 = tpu.memref_slice %arg2[%dma_start3A_57, %dma_start3A_58] : memref<10000x128xf32, #tpu.memory_space<hbm>> -> memref<10000x128xf32, #tpu.memory_space<hbm>>
      tpu.enqueue_indirect_dma source(%dma_start3A_59 : memref<10000x128xf32, #tpu.memory_space<hbm>>) target(%arg10 : memref<128x128xf32, #tpu.memory_space<vmem>>) offsets(%dma_start3A_56 : memref<128xi32, #tpu.memory_space<vmem>>) semaphore(%arg12 : memref<!tpu.dma_semaphore, #tpu.memory_space<semaphore_mem>>)
      %dma_start3A_60 = arith.constant 1 : i32
      %dma_start3A_61 = arith.constant 0 : i32
      %dma_start3A_62 = tpu.memref_slice %arg8[%dma_start3A_60, %dma_start3A_61] : memref<40x128xi32, #tpu.memory_space<vmem>> -> memref<1x128xi32, #tpu.memory_space<vmem>>
      %dma_start3A_63 = tpu.memref_squeeze %dma_start3A_62 : memref<1x128xi32, #tpu.memory_space<vmem>> -> memref<128xi32, #tpu.memory_space<vmem>>
      %dma_start3A_64 = arith.constant 0 : i32
      %dma_start3A_65 = arith.constant 0 : i32
      %dma_start3A_66 = tpu.memref_slice %arg2[%dma_start3A_64, %dma_start3A_65] : memref<10000x128xf32, #tpu.memory_space<hbm>> -> memref<10000x128xf32, #tpu.memory_space<hbm>>
      tpu.enqueue_indirect_dma source(%dma_start3A_66 : memref<10000x128xf32, #tpu.memory_space<hbm>>) target(%arg11 : memref<128x128xf32, #tpu.memory_space<vmem>>) offsets(%dma_start3A_63 : memref<128xi32, #tpu.memory_space<vmem>>) semaphore(%arg13 : memref<!tpu.dma_semaphore, #tpu.memory_space<semaphore_mem>>)
      %scan3A_67 = arith.constant 0 : i32
      %scan3A_68 = arith.constant 20 : i32
      %scan3A_69 = arith.addi %scan3A_67, %scan3A_68 : i32
      %scan3A_70 = arith.constant 1 : i32
      scf.for %scan3A_72 = %scan3A_67 to %scan3A_69 step %scan3A_70  : i32 {
        %mul3A_73 = arith.constant 2 : i32
        %mul3A_74 = arith.muli %scan3A_72, %mul3A_73 : i32
        %add3A_75 = arith.constant 0 : i32
        %add3A_76 = arith.addi %add3A_75, %mul3A_74 : i32
        %add3A_77 = arith.constant 0 : i32
        %add3A_78 = arith.addi %add3A_76, %add3A_77 : i32
        %dma_wait3A = arith.constant 0 : i32
        %dma_wait3A_79 = tpu.memref_slice %arg8[%add3A_78, %dma_wait3A] : memref<40x128xi32, #tpu.memory_space<vmem>> -> memref<1x128xi32, #tpu.memory_space<vmem>>
        %dma_wait3A_80 = tpu.memref_squeeze %dma_wait3A_79 : memref<1x128xi32, #tpu.memory_space<vmem>> -> memref<128xi32, #tpu.memory_space<vmem>>
        %dma_wait3A_81 = arith.constant 0 : i32
        %dma_wait3A_82 = arith.constant 0 : i32
        %dma_wait3A_83 = tpu.memref_slice %arg2[%dma_wait3A_81, %dma_wait3A_82] : memref<10000x128xf32, #tpu.memory_space<hbm>> -> memref<10000x128xf32, #tpu.memory_space<hbm>>
        tpu.wait_indirect_dma semaphore(%arg12 : memref<!tpu.dma_semaphore, #tpu.memory_space<semaphore_mem>>) src(%dma_wait3A_83 : memref<10000x128xf32, #tpu.memory_space<hbm>>) dst(%arg10 : memref<128x128xf32, #tpu.memory_space<vmem>>)
        "tpu.region"() ({
          %run_scoped3A = tpu.sem_alloc : memref<!tpu.dma_semaphore, #tpu.memory_space<semaphore_mem>>
          %dma_start3A_105 = arith.constant 0 : i32
          %dma_start3A_106 = tpu.memref_slice %arg9[%add3A_78, %dma_start3A_105] : memref<40x128xi32, #tpu.memory_space<vmem>> -> memref<1x128xi32, #tpu.memory_space<vmem>>
          %dma_start3A_107 = tpu.memref_squeeze %dma_start3A_106 : memref<1x128xi32, #tpu.memory_space<vmem>> -> memref<128xi32, #tpu.memory_space<vmem>>
          %dma_start3A_108 = arith.constant 0 : i32
          %dma_start3A_109 = arith.constant 0 : i32
          %dma_start3A_110 = tpu.memref_slice %arg14[%dma_start3A_108, %dma_start3A_109] : memref<10240x128xf32, #tpu.memory_space<vmem_shared>> -> memref<10240x128xf32, #tpu.memory_space<vmem_shared>>
          tpu.enqueue_indirect_dma source(%arg10 : memref<128x128xf32, #tpu.memory_space<vmem>>) target(%dma_start3A_110 : memref<10240x128xf32, #tpu.memory_space<vmem_shared>>) offsets(%dma_start3A_107 : memref<128xi32, #tpu.memory_space<vmem>>) semaphore(%run_scoped3A : memref<!tpu.dma_semaphore, #tpu.memory_space<semaphore_mem>>) {add = true}
          %dma_wait3A_111 = arith.constant 0 : i32
          %dma_wait3A_112 = tpu.memref_slice %arg9[%add3A_78, %dma_wait3A_111] : memref<40x128xi32, #tpu.memory_space<vmem>> -> memref<1x128xi32, #tpu.memory_space<vmem>>
          %dma_wait3A_113 = tpu.memref_squeeze %dma_wait3A_112 : memref<1x128xi32, #tpu.memory_space<vmem>> -> memref<128xi32, #tpu.memory_space<vmem>>
          %dma_wait3A_114 = arith.constant 0 : i32
          %dma_wait3A_115 = arith.constant 0 : i32
          %dma_wait3A_116 = tpu.memref_slice %arg14[%dma_wait3A_114, %dma_wait3A_115] : memref<10240x128xf32, #tpu.memory_space<vmem_shared>> -> memref<10240x128xf32, #tpu.memory_space<vmem_shared>>
          tpu.wait_indirect_dma semaphore(%run_scoped3A : memref<!tpu.dma_semaphore, #tpu.memory_space<semaphore_mem>>) src(%arg10 : memref<128x128xf32, #tpu.memory_space<vmem>>) dst(%dma_wait3A_116 : memref<10240x128xf32, #tpu.memory_space<vmem_shared>>)
          tpu.yield
        }) : () -> ()
        %add3A_84 = arith.constant 2 : i32
        %add3A_85 = arith.addi %add3A_78, %add3A_84 : i32
        %lt3A = arith.constant 40 : i32
        %lt3A_86 = arith.cmpi slt, %add3A_85, %lt3A : i32
        %convert_element_type3A_87 = arith.extui %lt3A_86 : i1 to i32
        %cond3A_88 = arith.constant 0 : i32
        %cond3A_89 = arith.cmpi ne, %convert_element_type3A_87, %cond3A_88 : i32
        scf.if %cond3A_89 {
          %add3A_105 = arith.constant 2 : i32
          %add3A_106 = arith.addi %add3A_78, %add3A_105 : i32
          %dma_start3A_107 = arith.constant 0 : i32
          %dma_start3A_108 = tpu.memref_slice %arg8[%add3A_106, %dma_start3A_107] : memref<40x128xi32, #tpu.memory_space<vmem>> -> memref<1x128xi32, #tpu.memory_space<vmem>>
          %dma_start3A_109 = tpu.memref_squeeze %dma_start3A_108 : memref<1x128xi32, #tpu.memory_space<vmem>> -> memref<128xi32, #tpu.memory_space<vmem>>
          %dma_start3A_110 = arith.constant 0 : i32
          %dma_start3A_111 = arith.constant 0 : i32
          %dma_start3A_112 = tpu.memref_slice %arg2[%dma_start3A_110, %dma_start3A_111] : memref<10000x128xf32, #tpu.memory_space<hbm>> -> memref<10000x128xf32, #tpu.memory_space<hbm>>
          tpu.enqueue_indirect_dma source(%dma_start3A_112 : memref<10000x128xf32, #tpu.memory_space<hbm>>) target(%arg10 : memref<128x128xf32, #tpu.memory_space<vmem>>) offsets(%dma_start3A_109 : memref<128xi32, #tpu.memory_space<vmem>>) semaphore(%arg12 : memref<!tpu.dma_semaphore, #tpu.memory_space<semaphore_mem>>)
        } else {
        }
        %add3A_90 = arith.constant 1 : i32
        %add3A_91 = arith.addi %add3A_76, %add3A_90 : i32
        %dma_wait3A_92 = arith.constant 0 : i32
        %dma_wait3A_93 = tpu.memref_slice %arg8[%add3A_91, %dma_wait3A_92] : memref<40x128xi32, #tpu.memory_space<vmem>> -> memref<1x128xi32, #tpu.memory_space<vmem>>
        %dma_wait3A_94 = tpu.memref_squeeze %dma_wait3A_93 : memref<1x128xi32, #tpu.memory_space<vmem>> -> memref<128xi32, #tpu.memory_space<vmem>>
        %dma_wait3A_95 = arith.constant 0 : i32
        %dma_wait3A_96 = arith.constant 0 : i32
        %dma_wait3A_97 = tpu.memref_slice %arg2[%dma_wait3A_95, %dma_wait3A_96] : memref<10000x128xf32, #tpu.memory_space<hbm>> -> memref<10000x128xf32, #tpu.memory_space<hbm>>
        tpu.wait_indirect_dma semaphore(%arg13 : memref<!tpu.dma_semaphore, #tpu.memory_space<semaphore_mem>>) src(%dma_wait3A_97 : memref<10000x128xf32, #tpu.memory_space<hbm>>) dst(%arg11 : memref<128x128xf32, #tpu.memory_space<vmem>>)
        "tpu.region"() ({
          %run_scoped3A = tpu.sem_alloc : memref<!tpu.dma_semaphore, #tpu.memory_space<semaphore_mem>>
          %dma_start3A_105 = arith.constant 0 : i32
          %dma_start3A_106 = tpu.memref_slice %arg9[%add3A_91, %dma_start3A_105] : memref<40x128xi32, #tpu.memory_space<vmem>> -> memref<1x128xi32, #tpu.memory_space<vmem>>
          %dma_start3A_107 = tpu.memref_squeeze %dma_start3A_106 : memref<1x128xi32, #tpu.memory_space<vmem>> -> memref<128xi32, #tpu.memory_space<vmem>>
          %dma_start3A_108 = arith.constant 0 : i32
          %dma_start3A_109 = arith.constant 0 : i32
          %dma_start3A_110 = tpu.memref_slice %arg14[%dma_start3A_108, %dma_start3A_109] : memref<10240x128xf32, #tpu.memory_space<vmem_shared>> -> memref<10240x128xf32, #tpu.memory_space<vmem_shared>>
          tpu.enqueue_indirect_dma source(%arg11 : memref<128x128xf32, #tpu.memory_space<vmem>>) target(%dma_start3A_110 : memref<10240x128xf32, #tpu.memory_space<vmem_shared>>) offsets(%dma_start3A_107 : memref<128xi32, #tpu.memory_space<vmem>>) semaphore(%run_scoped3A : memref<!tpu.dma_semaphore, #tpu.memory_space<semaphore_mem>>) {add = true}
          %dma_wait3A_111 = arith.constant 0 : i32
          %dma_wait3A_112 = tpu.memref_slice %arg9[%add3A_91, %dma_wait3A_111] : memref<40x128xi32, #tpu.memory_space<vmem>> -> memref<1x128xi32, #tpu.memory_space<vmem>>
          %dma_wait3A_113 = tpu.memref_squeeze %dma_wait3A_112 : memref<1x128xi32, #tpu.memory_space<vmem>> -> memref<128xi32, #tpu.memory_space<vmem>>
          %dma_wait3A_114 = arith.constant 0 : i32
          %dma_wait3A_115 = arith.constant 0 : i32
          %dma_wait3A_116 = tpu.memref_slice %arg14[%dma_wait3A_114, %dma_wait3A_115] : memref<10240x128xf32, #tpu.memory_space<vmem_shared>> -> memref<10240x128xf32, #tpu.memory_space<vmem_shared>>
          tpu.wait_indirect_dma semaphore(%run_scoped3A : memref<!tpu.dma_semaphore, #tpu.memory_space<semaphore_mem>>) src(%arg11 : memref<128x128xf32, #tpu.memory_space<vmem>>) dst(%dma_wait3A_116 : memref<10240x128xf32, #tpu.memory_space<vmem_shared>>)
          tpu.yield
        }) : () -> ()
        %add3A_98 = arith.constant 2 : i32
        %add3A_99 = arith.addi %add3A_91, %add3A_98 : i32
        %lt3A_100 = arith.constant 40 : i32
        %lt3A_101 = arith.cmpi slt, %add3A_99, %lt3A_100 : i32
        %convert_element_type3A_102 = arith.extui %lt3A_101 : i1 to i32
        %cond3A_103 = arith.constant 0 : i32
        %cond3A_104 = arith.cmpi ne, %convert_element_type3A_102, %cond3A_103 : i32
        scf.if %cond3A_104 {
          %add3A_105 = arith.constant 2 : i32
          %add3A_106 = arith.addi %add3A_91, %add3A_105 : i32
          %dma_start3A_107 = arith.constant 0 : i32
          %dma_start3A_108 = tpu.memref_slice %arg8[%add3A_106, %dma_start3A_107] : memref<40x128xi32, #tpu.memory_space<vmem>> -> memref<1x128xi32, #tpu.memory_space<vmem>>
          %dma_start3A_109 = tpu.memref_squeeze %dma_start3A_108 : memref<1x128xi32, #tpu.memory_space<vmem>> -> memref<128xi32, #tpu.memory_space<vmem>>
          %dma_start3A_110 = arith.constant 0 : i32
          %dma_start3A_111 = arith.constant 0 : i32
          %dma_start3A_112 = tpu.memref_slice %arg2[%dma_start3A_110, %dma_start3A_111] : memref<10000x128xf32, #tpu.memory_space<hbm>> -> memref<10000x128xf32, #tpu.memory_space<hbm>>
          tpu.enqueue_indirect_dma source(%dma_start3A_112 : memref<10000x128xf32, #tpu.memory_space<hbm>>) target(%arg11 : memref<128x128xf32, #tpu.memory_space<vmem>>) offsets(%dma_start3A_109 : memref<128xi32, #tpu.memory_space<vmem>>) semaphore(%arg13 : memref<!tpu.dma_semaphore, #tpu.memory_space<semaphore_mem>>)
        } else {
        }
      }
      %scan3A_71 = arith.constant 20 : i32
    } else {
    }
    %eq3A_25 = arith.constant 1 : i32
    %eq3A_26 = arith.cmpi eq, %arg0, %eq3A_25 : i32
    %convert_element_type3A_27 = arith.extui %eq3A_26 : i1 to i32
    %cond3A_28 = arith.constant 0 : i32
    %cond3A_29 = arith.cmpi ne, %convert_element_type3A_27, %cond3A_28 : i32
    scf.if %cond3A_29 {
      "tpu.region"() ({
        %run_scoped3A = tpu.sem_alloc : memref<!tpu.dma_semaphore, #tpu.memory_space<semaphore_mem>>
        %dma_start3A_72 = arith.constant 0 : i32
        %dma_start3A_73 = arith.constant 0 : i32
        %dma_start3A_74 = tpu.memref_slice %arg5[%arg1, %dma_start3A_72, %dma_start3A_73] : memref<16x80x128xi32, #tpu.memory_space<hbm>> -> memref<1x40x128xi32, #tpu.memory_space<hbm>>
        %dma_start3A_75 = tpu.memref_squeeze %dma_start3A_74 : memref<1x40x128xi32, #tpu.memory_space<hbm>> -> memref<40x128xi32, #tpu.memory_space<hbm>>
        %dma_start3A_76 = arith.constant 0 : i32
        %dma_start3A_77 = arith.constant 0 : i32
        %dma_start3A_78 = tpu.memref_slice %arg5[%arg1, %dma_start3A_76, %dma_start3A_77] : memref<16x80x128xi32, #tpu.memory_space<hbm>> -> memref<1x40x128xi32, #tpu.memory_space<hbm>>
        %dma_start3A_79 = tpu.memref_squeeze %dma_start3A_78 : memref<1x40x128xi32, #tpu.memory_space<hbm>> -> memref<40x128xi32, #tpu.memory_space<hbm>>
        tpu.enqueue_dma source(%dma_start3A_79 : memref<40x128xi32, #tpu.memory_space<hbm>>) target(%arg8 : memref<40x128xi32, #tpu.memory_space<vmem>>) target_semaphore(%run_scoped3A : memref<!tpu.dma_semaphore, #tpu.memory_space<semaphore_mem>>)
        %dma_wait3A = arith.constant 0 : i32
        %dma_wait3A_80 = arith.constant 0 : i32
        %dma_wait3A_81 = tpu.memref_slice %arg5[%arg1, %dma_wait3A, %dma_wait3A_80] : memref<16x80x128xi32, #tpu.memory_space<hbm>> -> memref<1x40x128xi32, #tpu.memory_space<hbm>>
        %dma_wait3A_82 = tpu.memref_squeeze %dma_wait3A_81 : memref<1x40x128xi32, #tpu.memory_space<hbm>> -> memref<40x128xi32, #tpu.memory_space<hbm>>
        %dma_wait3A_83 = arith.constant 0 : i32
        %dma_wait3A_84 = arith.constant 0 : i32
        %dma_wait3A_85 = tpu.memref_slice %arg5[%arg1, %dma_wait3A_83, %dma_wait3A_84] : memref<16x80x128xi32, #tpu.memory_space<hbm>> -> memref<1x40x128xi32, #tpu.memory_space<hbm>>
        %dma_wait3A_86 = tpu.memref_squeeze %dma_wait3A_85 : memref<1x40x128xi32, #tpu.memory_space<hbm>> -> memref<40x128xi32, #tpu.memory_space<hbm>>
        tpu.wait_dma2 semaphore(%run_scoped3A : memref<!tpu.dma_semaphore, #tpu.memory_space<semaphore_mem>>) src(%dma_wait3A_86 : memref<40x128xi32, #tpu.memory_space<hbm>>) dst(%arg8 : memref<40x128xi32, #tpu.memory_space<vmem>>)
        tpu.yield
      }) : () -> ()
      "tpu.region"() ({
        %run_scoped3A = tpu.sem_alloc : memref<!tpu.dma_semaphore, #tpu.memory_space<semaphore_mem>>
        %dma_start3A_72 = arith.constant 0 : i32
        %dma_start3A_73 = arith.constant 0 : i32
        %dma_start3A_74 = tpu.memref_slice %arg6[%arg1, %dma_start3A_72, %dma_start3A_73] : memref<16x80x128xi32, #tpu.memory_space<hbm>> -> memref<1x40x128xi32, #tpu.memory_space<hbm>>
        %dma_start3A_75 = tpu.memref_squeeze %dma_start3A_74 : memref<1x40x128xi32, #tpu.memory_space<hbm>> -> memref<40x128xi32, #tpu.memory_space<hbm>>
        %dma_start3A_76 = arith.constant 0 : i32
        %dma_start3A_77 = arith.constant 0 : i32
        %dma_start3A_78 = tpu.memref_slice %arg6[%arg1, %dma_start3A_76, %dma_start3A_77] : memref<16x80x128xi32, #tpu.memory_space<hbm>> -> memref<1x40x128xi32, #tpu.memory_space<hbm>>
        %dma_start3A_79 = tpu.memref_squeeze %dma_start3A_78 : memref<1x40x128xi32, #tpu.memory_space<hbm>> -> memref<40x128xi32, #tpu.memory_space<hbm>>
        tpu.enqueue_dma source(%dma_start3A_79 : memref<40x128xi32, #tpu.memory_space<hbm>>) target(%arg9 : memref<40x128xi32, #tpu.memory_space<vmem>>) target_semaphore(%run_scoped3A : memref<!tpu.dma_semaphore, #tpu.memory_space<semaphore_mem>>)
        %dma_wait3A = arith.constant 0 : i32
        %dma_wait3A_80 = arith.constant 0 : i32
        %dma_wait3A_81 = tpu.memref_slice %arg6[%arg1, %dma_wait3A, %dma_wait3A_80] : memref<16x80x128xi32, #tpu.memory_space<hbm>> -> memref<1x40x128xi32, #tpu.memory_space<hbm>>
        %dma_wait3A_82 = tpu.memref_squeeze %dma_wait3A_81 : memref<1x40x128xi32, #tpu.memory_space<hbm>> -> memref<40x128xi32, #tpu.memory_space<hbm>>
        %dma_wait3A_83 = arith.constant 0 : i32
        %dma_wait3A_84 = arith.constant 0 : i32
        %dma_wait3A_85 = tpu.memref_slice %arg6[%arg1, %dma_wait3A_83, %dma_wait3A_84] : memref<16x80x128xi32, #tpu.memory_space<hbm>> -> memref<1x40x128xi32, #tpu.memory_space<hbm>>
        %dma_wait3A_86 = tpu.memref_squeeze %dma_wait3A_85 : memref<1x40x128xi32, #tpu.memory_space<hbm>> -> memref<40x128xi32, #tpu.memory_space<hbm>>
        tpu.wait_dma2 semaphore(%run_scoped3A : memref<!tpu.dma_semaphore, #tpu.memory_space<semaphore_mem>>) src(%dma_wait3A_86 : memref<40x128xi32, #tpu.memory_space<hbm>>) dst(%arg9 : memref<40x128xi32, #tpu.memory_space<vmem>>)
        tpu.yield
      }) : () -> ()
      %dma_start3A = arith.constant 0 : i32
      %dma_start3A_35 = arith.constant 0 : i32
      %dma_start3A_36 = tpu.memref_slice %arg8[%dma_start3A, %dma_start3A_35] : memref<40x128xi32, #tpu.memory_space<vmem>> -> memref<1x128xi32, #tpu.memory_space<vmem>>
      %dma_start3A_37 = tpu.memref_squeeze %dma_start3A_36 : memref<1x128xi32, #tpu.memory_space<vmem>> -> memref<128xi32, #tpu.memory_space<vmem>>
      %dma_start3A_38 = arith.constant 0 : i32
      %dma_start3A_39 = arith.constant 0 : i32
      %dma_start3A_40 = tpu.memref_slice %arg2[%dma_start3A_38, %dma_start3A_39] : memref<10000x128xf32, #tpu.memory_space<hbm>> -> memref<10000x128xf32, #tpu.memory_space<hbm>>
      tpu.enqueue_indirect_dma source(%dma_start3A_40 : memref<10000x128xf32, #tpu.memory_space<hbm>>) target(%arg10 : memref<128x128xf32, #tpu.memory_space<vmem>>) offsets(%dma_start3A_37 : memref<128xi32, #tpu.memory_space<vmem>>) semaphore(%arg12 : memref<!tpu.dma_semaphore, #tpu.memory_space<semaphore_mem>>)
      %dma_start3A_41 = arith.constant 1 : i32
      %dma_start3A_42 = arith.constant 0 : i32
      %dma_start3A_43 = tpu.memref_slice %arg8[%dma_start3A_41, %dma_start3A_42] : memref<40x128xi32, #tpu.memory_space<vmem>> -> memref<1x128xi32, #tpu.memory_space<vmem>>
      %dma_start3A_44 = tpu.memref_squeeze %dma_start3A_43 : memref<1x128xi32, #tpu.memory_space<vmem>> -> memref<128xi32, #tpu.memory_space<vmem>>
      %dma_start3A_45 = arith.constant 0 : i32
      %dma_start3A_46 = arith.constant 0 : i32
      %dma_start3A_47 = tpu.memref_slice %arg2[%dma_start3A_45, %dma_start3A_46] : memref<10000x128xf32, #tpu.memory_space<hbm>> -> memref<10000x128xf32, #tpu.memory_space<hbm>>
      tpu.enqueue_indirect_dma source(%dma_start3A_47 : memref<10000x128xf32, #tpu.memory_space<hbm>>) target(%arg11 : memref<128x128xf32, #tpu.memory_space<vmem>>) offsets(%dma_start3A_44 : memref<128xi32, #tpu.memory_space<vmem>>) semaphore(%arg13 : memref<!tpu.dma_semaphore, #tpu.memory_space<semaphore_mem>>)
      %scan3A_48 = arith.constant 0 : i32
      %scan3A_49 = arith.constant 20 : i32
      %scan3A_50 = arith.addi %scan3A_48, %scan3A_49 : i32
      %scan3A_51 = arith.constant 1 : i32
      scf.for %scan3A_72 = %scan3A_48 to %scan3A_50 step %scan3A_51  : i32 {
        %mul3A_73 = arith.constant 2 : i32
        %mul3A_74 = arith.muli %scan3A_72, %mul3A_73 : i32
        %add3A_75 = arith.constant 0 : i32
        %add3A_76 = arith.addi %add3A_75, %mul3A_74 : i32
        %add3A_77 = arith.constant 0 : i32
        %add3A_78 = arith.addi %add3A_76, %add3A_77 : i32
        %dma_wait3A = arith.constant 0 : i32
        %dma_wait3A_79 = tpu.memref_slice %arg8[%add3A_78, %dma_wait3A] : memref<40x128xi32, #tpu.memory_space<vmem>> -> memref<1x128xi32, #tpu.memory_space<vmem>>
        %dma_wait3A_80 = tpu.memref_squeeze %dma_wait3A_79 : memref<1x128xi32, #tpu.memory_space<vmem>> -> memref<128xi32, #tpu.memory_space<vmem>>
        %dma_wait3A_81 = arith.constant 0 : i32
        %dma_wait3A_82 = arith.constant 0 : i32
        %dma_wait3A_83 = tpu.memref_slice %arg2[%dma_wait3A_81, %dma_wait3A_82] : memref<10000x128xf32, #tpu.memory_space<hbm>> -> memref<10000x128xf32, #tpu.memory_space<hbm>>
        tpu.wait_indirect_dma semaphore(%arg12 : memref<!tpu.dma_semaphore, #tpu.memory_space<semaphore_mem>>) src(%dma_wait3A_83 : memref<10000x128xf32, #tpu.memory_space<hbm>>) dst(%arg10 : memref<128x128xf32, #tpu.memory_space<vmem>>)
        "tpu.region"() ({
          %run_scoped3A = tpu.sem_alloc : memref<!tpu.dma_semaphore, #tpu.memory_space<semaphore_mem>>
          %dma_start3A_105 = arith.constant 0 : i32
          %dma_start3A_106 = tpu.memref_slice %arg9[%add3A_78, %dma_start3A_105] : memref<40x128xi32, #tpu.memory_space<vmem>> -> memref<1x128xi32, #tpu.memory_space<vmem>>
          %dma_start3A_107 = tpu.memref_squeeze %dma_start3A_106 : memref<1x128xi32, #tpu.memory_space<vmem>> -> memref<128xi32, #tpu.memory_space<vmem>>
          %dma_start3A_108 = arith.constant 0 : i32
          %dma_start3A_109 = arith.constant 0 : i32
          %dma_start3A_110 = tpu.memref_slice %arg14[%dma_start3A_108, %dma_start3A_109] : memref<10240x128xf32, #tpu.memory_space<vmem_shared>> -> memref<10240x128xf32, #tpu.memory_space<vmem_shared>>
          tpu.enqueue_indirect_dma source(%arg10 : memref<128x128xf32, #tpu.memory_space<vmem>>) target(%dma_start3A_110 : memref<10240x128xf32, #tpu.memory_space<vmem_shared>>) offsets(%dma_start3A_107 : memref<128xi32, #tpu.memory_space<vmem>>) semaphore(%run_scoped3A : memref<!tpu.dma_semaphore, #tpu.memory_space<semaphore_mem>>) {add = true}
          %dma_wait3A_111 = arith.constant 0 : i32
          %dma_wait3A_112 = tpu.memref_slice %arg9[%add3A_78, %dma_wait3A_111] : memref<40x128xi32, #tpu.memory_space<vmem>> -> memref<1x128xi32, #tpu.memory_space<vmem>>
          %dma_wait3A_113 = tpu.memref_squeeze %dma_wait3A_112 : memref<1x128xi32, #tpu.memory_space<vmem>> -> memref<128xi32, #tpu.memory_space<vmem>>
          %dma_wait3A_114 = arith.constant 0 : i32
          %dma_wait3A_115 = arith.constant 0 : i32
          %dma_wait3A_116 = tpu.memref_slice %arg14[%dma_wait3A_114, %dma_wait3A_115] : memref<10240x128xf32, #tpu.memory_space<vmem_shared>> -> memref<10240x128xf32, #tpu.memory_space<vmem_shared>>
          tpu.wait_indirect_dma semaphore(%run_scoped3A : memref<!tpu.dma_semaphore, #tpu.memory_space<semaphore_mem>>) src(%arg10 : memref<128x128xf32, #tpu.memory_space<vmem>>) dst(%dma_wait3A_116 : memref<10240x128xf32, #tpu.memory_space<vmem_shared>>)
          tpu.yield
        }) : () -> ()
        %add3A_84 = arith.constant 2 : i32
        %add3A_85 = arith.addi %add3A_78, %add3A_84 : i32
        %lt3A = arith.constant 40 : i32
        %lt3A_86 = arith.cmpi slt, %add3A_85, %lt3A : i32
        %convert_element_type3A_87 = arith.extui %lt3A_86 : i1 to i32
        %cond3A_88 = arith.constant 0 : i32
        %cond3A_89 = arith.cmpi ne, %convert_element_type3A_87, %cond3A_88 : i32
        scf.if %cond3A_89 {
          %add3A_105 = arith.constant 2 : i32
          %add3A_106 = arith.addi %add3A_78, %add3A_105 : i32
          %dma_start3A_107 = arith.constant 0 : i32
          %dma_start3A_108 = tpu.memref_slice %arg8[%add3A_106, %dma_start3A_107] : memref<40x128xi32, #tpu.memory_space<vmem>> -> memref<1x128xi32, #tpu.memory_space<vmem>>
          %dma_start3A_109 = tpu.memref_squeeze %dma_start3A_108 : memref<1x128xi32, #tpu.memory_space<vmem>> -> memref<128xi32, #tpu.memory_space<vmem>>
          %dma_start3A_110 = arith.constant 0 : i32
          %dma_start3A_111 = arith.constant 0 : i32
          %dma_start3A_112 = tpu.memref_slice %arg2[%dma_start3A_110, %dma_start3A_111] : memref<10000x128xf32, #tpu.memory_space<hbm>> -> memref<10000x128xf32, #tpu.memory_space<hbm>>
          tpu.enqueue_indirect_dma source(%dma_start3A_112 : memref<10000x128xf32, #tpu.memory_space<hbm>>) target(%arg10 : memref<128x128xf32, #tpu.memory_space<vmem>>) offsets(%dma_start3A_109 : memref<128xi32, #tpu.memory_space<vmem>>) semaphore(%arg12 : memref<!tpu.dma_semaphore, #tpu.memory_space<semaphore_mem>>)
        } else {
        }
        %add3A_90 = arith.constant 1 : i32
        %add3A_91 = arith.addi %add3A_76, %add3A_90 : i32
        %dma_wait3A_92 = arith.constant 0 : i32
        %dma_wait3A_93 = tpu.memref_slice %arg8[%add3A_91, %dma_wait3A_92] : memref<40x128xi32, #tpu.memory_space<vmem>> -> memref<1x128xi32, #tpu.memory_space<vmem>>
        %dma_wait3A_94 = tpu.memref_squeeze %dma_wait3A_93 : memref<1x128xi32, #tpu.memory_space<vmem>> -> memref<128xi32, #tpu.memory_space<vmem>>
        %dma_wait3A_95 = arith.constant 0 : i32
        %dma_wait3A_96 = arith.constant 0 : i32
        %dma_wait3A_97 = tpu.memref_slice %arg2[%dma_wait3A_95, %dma_wait3A_96] : memref<10000x128xf32, #tpu.memory_space<hbm>> -> memref<10000x128xf32, #tpu.memory_space<hbm>>
        tpu.wait_indirect_dma semaphore(%arg13 : memref<!tpu.dma_semaphore, #tpu.memory_space<semaphore_mem>>) src(%dma_wait3A_97 : memref<10000x128xf32, #tpu.memory_space<hbm>>) dst(%arg11 : memref<128x128xf32, #tpu.memory_space<vmem>>)
        "tpu.region"() ({
          %run_scoped3A = tpu.sem_alloc : memref<!tpu.dma_semaphore, #tpu.memory_space<semaphore_mem>>
          %dma_start3A_105 = arith.constant 0 : i32
          %dma_start3A_106 = tpu.memref_slice %arg9[%add3A_91, %dma_start3A_105] : memref<40x128xi32, #tpu.memory_space<vmem>> -> memref<1x128xi32, #tpu.memory_space<vmem>>
          %dma_start3A_107 = tpu.memref_squeeze %dma_start3A_106 : memref<1x128xi32, #tpu.memory_space<vmem>> -> memref<128xi32, #tpu.memory_space<vmem>>
          %dma_start3A_108 = arith.constant 0 : i32
          %dma_start3A_109 = arith.constant 0 : i32
          %dma_start3A_110 = tpu.memref_slice %arg14[%dma_start3A_108, %dma_start3A_109] : memref<10240x128xf32, #tpu.memory_space<vmem_shared>> -> memref<10240x128xf32, #tpu.memory_space<vmem_shared>>
          tpu.enqueue_indirect_dma source(%arg11 : memref<128x128xf32, #tpu.memory_space<vmem>>) target(%dma_start3A_110 : memref<10240x128xf32, #tpu.memory_space<vmem_shared>>) offsets(%dma_start3A_107 : memref<128xi32, #tpu.memory_space<vmem>>) semaphore(%run_scoped3A : memref<!tpu.dma_semaphore, #tpu.memory_space<semaphore_mem>>) {add = true}
          %dma_wait3A_111 = arith.constant 0 : i32
          %dma_wait3A_112 = tpu.memref_slice %arg9[%add3A_91, %dma_wait3A_111] : memref<40x128xi32, #tpu.memory_space<vmem>> -> memref<1x128xi32, #tpu.memory_space<vmem>>
          %dma_wait3A_113 = tpu.memref_squeeze %dma_wait3A_112 : memref<1x128xi32, #tpu.memory_space<vmem>> -> memref<128xi32, #tpu.memory_space<vmem>>
          %dma_wait3A_114 = arith.constant 0 : i32
          %dma_wait3A_115 = arith.constant 0 : i32
          %dma_wait3A_116 = tpu.memref_slice %arg14[%dma_wait3A_114, %dma_wait3A_115] : memref<10240x128xf32, #tpu.memory_space<vmem_shared>> -> memref<10240x128xf32, #tpu.memory_space<vmem_shared>>
          tpu.wait_indirect_dma semaphore(%run_scoped3A : memref<!tpu.dma_semaphore, #tpu.memory_space<semaphore_mem>>) src(%arg11 : memref<128x128xf32, #tpu.memory_space<vmem>>) dst(%dma_wait3A_116 : memref<10240x128xf32, #tpu.memory_space<vmem_shared>>)
          tpu.yield
        }) : () -> ()
        %add3A_98 = arith.constant 2 : i32
        %add3A_99 = arith.addi %add3A_91, %add3A_98 : i32
        %lt3A_100 = arith.constant 40 : i32
        %lt3A_101 = arith.cmpi slt, %add3A_99, %lt3A_100 : i32
        %convert_element_type3A_102 = arith.extui %lt3A_101 : i1 to i32
        %cond3A_103 = arith.constant 0 : i32
        %cond3A_104 = arith.cmpi ne, %convert_element_type3A_102, %cond3A_103 : i32
        scf.if %cond3A_104 {
          %add3A_105 = arith.constant 2 : i32
          %add3A_106 = arith.addi %add3A_91, %add3A_105 : i32
          %dma_start3A_107 = arith.constant 0 : i32
          %dma_start3A_108 = tpu.memref_slice %arg8[%add3A_106, %dma_start3A_107] : memref<40x128xi32, #tpu.memory_space<vmem>> -> memref<1x128xi32, #tpu.memory_space<vmem>>
          %dma_start3A_109 = tpu.memref_squeeze %dma_start3A_108 : memref<1x128xi32, #tpu.memory_space<vmem>> -> memref<128xi32, #tpu.memory_space<vmem>>
          %dma_start3A_110 = arith.constant 0 : i32
          %dma_start3A_111 = arith.constant 0 : i32
          %dma_start3A_112 = tpu.memref_slice %arg2[%dma_start3A_110, %dma_start3A_111] : memref<10000x128xf32, #tpu.memory_space<hbm>> -> memref<10000x128xf32, #tpu.memory_space<hbm>>
          tpu.enqueue_indirect_dma source(%dma_start3A_112 : memref<10000x128xf32, #tpu.memory_space<hbm>>) target(%arg11 : memref<128x128xf32, #tpu.memory_space<vmem>>) offsets(%dma_start3A_109 : memref<128xi32, #tpu.memory_space<vmem>>) semaphore(%arg13 : memref<!tpu.dma_semaphore, #tpu.memory_space<semaphore_mem>>)
        } else {
        }
      }
      %scan3A_52 = arith.constant 20 : i32
      "tpu.region"() ({
        %run_scoped3A = tpu.sem_alloc : memref<!tpu.dma_semaphore, #tpu.memory_space<semaphore_mem>>
        %dma_start3A_72 = arith.constant 40 : i32
        %dma_start3A_73 = arith.constant 0 : i32
        %dma_start3A_74 = tpu.memref_slice %arg5[%arg1, %dma_start3A_72, %dma_start3A_73] : memref<16x80x128xi32, #tpu.memory_space<hbm>> -> memref<1x40x128xi32, #tpu.memory_space<hbm>>
        %dma_start3A_75 = tpu.memref_squeeze %dma_start3A_74 : memref<1x40x128xi32, #tpu.memory_space<hbm>> -> memref<40x128xi32, #tpu.memory_space<hbm>>
        %dma_start3A_76 = arith.constant 40 : i32
        %dma_start3A_77 = arith.constant 0 : i32
        %dma_start3A_78 = tpu.memref_slice %arg5[%arg1, %dma_start3A_76, %dma_start3A_77] : memref<16x80x128xi32, #tpu.memory_space<hbm>> -> memref<1x40x128xi32, #tpu.memory_space<hbm>>
        %dma_start3A_79 = tpu.memref_squeeze %dma_start3A_78 : memref<1x40x128xi32, #tpu.memory_space<hbm>> -> memref<40x128xi32, #tpu.memory_space<hbm>>
        tpu.enqueue_dma source(%dma_start3A_79 : memref<40x128xi32, #tpu.memory_space<hbm>>) target(%arg8 : memref<40x128xi32, #tpu.memory_space<vmem>>) target_semaphore(%run_scoped3A : memref<!tpu.dma_semaphore, #tpu.memory_space<semaphore_mem>>)
        %dma_wait3A = arith.constant 40 : i32
        %dma_wait3A_80 = arith.constant 0 : i32
        %dma_wait3A_81 = tpu.memref_slice %arg5[%arg1, %dma_wait3A, %dma_wait3A_80] : memref<16x80x128xi32, #tpu.memory_space<hbm>> -> memref<1x40x128xi32, #tpu.memory_space<hbm>>
        %dma_wait3A_82 = tpu.memref_squeeze %dma_wait3A_81 : memref<1x40x128xi32, #tpu.memory_space<hbm>> -> memref<40x128xi32, #tpu.memory_space<hbm>>
        %dma_wait3A_83 = arith.constant 40 : i32
        %dma_wait3A_84 = arith.constant 0 : i32
        %dma_wait3A_85 = tpu.memref_slice %arg5[%arg1, %dma_wait3A_83, %dma_wait3A_84] : memref<16x80x128xi32, #tpu.memory_space<hbm>> -> memref<1x40x128xi32, #tpu.memory_space<hbm>>
        %dma_wait3A_86 = tpu.memref_squeeze %dma_wait3A_85 : memref<1x40x128xi32, #tpu.memory_space<hbm>> -> memref<40x128xi32, #tpu.memory_space<hbm>>
        tpu.wait_dma2 semaphore(%run_scoped3A : memref<!tpu.dma_semaphore, #tpu.memory_space<semaphore_mem>>) src(%dma_wait3A_86 : memref<40x128xi32, #tpu.memory_space<hbm>>) dst(%arg8 : memref<40x128xi32, #tpu.memory_space<vmem>>)
        tpu.yield
      }) : () -> ()
      "tpu.region"() ({
        %run_scoped3A = tpu.sem_alloc : memref<!tpu.dma_semaphore, #tpu.memory_space<semaphore_mem>>
        %dma_start3A_72 = arith.constant 40 : i32
        %dma_start3A_73 = arith.constant 0 : i32
        %dma_start3A_74 = tpu.memref_slice %arg6[%arg1, %dma_start3A_72, %dma_start3A_73] : memref<16x80x128xi32, #tpu.memory_space<hbm>> -> memref<1x40x128xi32, #tpu.memory_space<hbm>>
        %dma_start3A_75 = tpu.memref_squeeze %dma_start3A_74 : memref<1x40x128xi32, #tpu.memory_space<hbm>> -> memref<40x128xi32, #tpu.memory_space<hbm>>
        %dma_start3A_76 = arith.constant 40 : i32
        %dma_start3A_77 = arith.constant 0 : i32
        %dma_start3A_78 = tpu.memref_slice %arg6[%arg1, %dma_start3A_76, %dma_start3A_77] : memref<16x80x128xi32, #tpu.memory_space<hbm>> -> memref<1x40x128xi32, #tpu.memory_space<hbm>>
        %dma_start3A_79 = tpu.memref_squeeze %dma_start3A_78 : memref<1x40x128xi32, #tpu.memory_space<hbm>> -> memref<40x128xi32, #tpu.memory_space<hbm>>
        tpu.enqueue_dma source(%dma_start3A_79 : memref<40x128xi32, #tpu.memory_space<hbm>>) target(%arg9 : memref<40x128xi32, #tpu.memory_space<vmem>>) target_semaphore(%run_scoped3A : memref<!tpu.dma_semaphore, #tpu.memory_space<semaphore_mem>>)
        %dma_wait3A = arith.constant 40 : i32
        %dma_wait3A_80 = arith.constant 0 : i32
        %dma_wait3A_81 = tpu.memref_slice %arg6[%arg1, %dma_wait3A, %dma_wait3A_80] : memref<16x80x128xi32, #tpu.memory_space<hbm>> -> memref<1x40x128xi32, #tpu.memory_space<hbm>>
        %dma_wait3A_82 = tpu.memref_squeeze %dma_wait3A_81 : memref<1x40x128xi32, #tpu.memory_space<hbm>> -> memref<40x128xi32, #tpu.memory_space<hbm>>
        %dma_wait3A_83 = arith.constant 40 : i32
        %dma_wait3A_84 = arith.constant 0 : i32
        %dma_wait3A_85 = tpu.memref_slice %arg6[%arg1, %dma_wait3A_83, %dma_wait3A_84] : memref<16x80x128xi32, #tpu.memory_space<hbm>> -> memref<1x40x128xi32, #tpu.memory_space<hbm>>
        %dma_wait3A_86 = tpu.memref_squeeze %dma_wait3A_85 : memref<1x40x128xi32, #tpu.memory_space<hbm>> -> memref<40x128xi32, #tpu.memory_space<hbm>>
        tpu.wait_dma2 semaphore(%run_scoped3A : memref<!tpu.dma_semaphore, #tpu.memory_space<semaphore_mem>>) src(%dma_wait3A_86 : memref<40x128xi32, #tpu.memory_space<hbm>>) dst(%arg9 : memref<40x128xi32, #tpu.memory_space<vmem>>)
        tpu.yield
      }) : () -> ()
      %dma_start3A_53 = arith.constant 0 : i32
      %dma_start3A_54 = arith.constant 0 : i32
      %dma_start3A_55 = tpu.memref_slice %arg8[%dma_start3A_53, %dma_start3A_54] : memref<40x128xi32, #tpu.memory_space<vmem>> -> memref<1x128xi32, #tpu.memory_space<vmem>>
      %dma_start3A_56 = tpu.memref_squeeze %dma_start3A_55 : memref<1x128xi32, #tpu.memory_space<vmem>> -> memref<128xi32, #tpu.memory_space<vmem>>
      %dma_start3A_57 = arith.constant 0 : i32
      %dma_start3A_58 = arith.constant 0 : i32
      %dma_start3A_59 = tpu.memref_slice %arg2[%dma_start3A_57, %dma_start3A_58] : memref<10000x128xf32, #tpu.memory_space<hbm>> -> memref<10000x128xf32, #tpu.memory_space<hbm>>
      tpu.enqueue_indirect_dma source(%dma_start3A_59 : memref<10000x128xf32, #tpu.memory_space<hbm>>) target(%arg10 : memref<128x128xf32, #tpu.memory_space<vmem>>) offsets(%dma_start3A_56 : memref<128xi32, #tpu.memory_space<vmem>>) semaphore(%arg12 : memref<!tpu.dma_semaphore, #tpu.memory_space<semaphore_mem>>)
      %dma_start3A_60 = arith.constant 1 : i32
      %dma_start3A_61 = arith.constant 0 : i32
      %dma_start3A_62 = tpu.memref_slice %arg8[%dma_start3A_60, %dma_start3A_61] : memref<40x128xi32, #tpu.memory_space<vmem>> -> memref<1x128xi32, #tpu.memory_space<vmem>>
      %dma_start3A_63 = tpu.memref_squeeze %dma_start3A_62 : memref<1x128xi32, #tpu.memory_space<vmem>> -> memref<128xi32, #tpu.memory_space<vmem>>
      %dma_start3A_64 = arith.constant 0 : i32
      %dma_start3A_65 = arith.constant 0 : i32
      %dma_start3A_66 = tpu.memref_slice %arg2[%dma_start3A_64, %dma_start3A_65] : memref<10000x128xf32, #tpu.memory_space<hbm>> -> memref<10000x128xf32, #tpu.memory_space<hbm>>
      tpu.enqueue_indirect_dma source(%dma_start3A_66 : memref<10000x128xf32, #tpu.memory_space<hbm>>) target(%arg11 : memref<128x128xf32, #tpu.memory_space<vmem>>) offsets(%dma_start3A_63 : memref<128xi32, #tpu.memory_space<vmem>>) semaphore(%arg13 : memref<!tpu.dma_semaphore, #tpu.memory_space<semaphore_mem>>)
      %scan3A_67 = arith.constant 0 : i32
      %scan3A_68 = arith.constant 20 : i32
      %scan3A_69 = arith.addi %scan3A_67, %scan3A_68 : i32
      %scan3A_70 = arith.constant 1 : i32
      scf.for %scan3A_72 = %scan3A_67 to %scan3A_69 step %scan3A_70  : i32 {
        %mul3A_73 = arith.constant 2 : i32
        %mul3A_74 = arith.muli %scan3A_72, %mul3A_73 : i32
        %add3A_75 = arith.constant 0 : i32
        %add3A_76 = arith.addi %add3A_75, %mul3A_74 : i32
        %add3A_77 = arith.constant 0 : i32
        %add3A_78 = arith.addi %add3A_76, %add3A_77 : i32
        %dma_wait3A = arith.constant 0 : i32
        %dma_wait3A_79 = tpu.memref_slice %arg8[%add3A_78, %dma_wait3A] : memref<40x128xi32, #tpu.memory_space<vmem>> -> memref<1x128xi32, #tpu.memory_space<vmem>>
        %dma_wait3A_80 = tpu.memref_squeeze %dma_wait3A_79 : memref<1x128xi32, #tpu.memory_space<vmem>> -> memref<128xi32, #tpu.memory_space<vmem>>
        %dma_wait3A_81 = arith.constant 0 : i32
        %dma_wait3A_82 = arith.constant 0 : i32
        %dma_wait3A_83 = tpu.memref_slice %arg2[%dma_wait3A_81, %dma_wait3A_82] : memref<10000x128xf32, #tpu.memory_space<hbm>> -> memref<10000x128xf32, #tpu.memory_space<hbm>>
        tpu.wait_indirect_dma semaphore(%arg12 : memref<!tpu.dma_semaphore, #tpu.memory_space<semaphore_mem>>) src(%dma_wait3A_83 : memref<10000x128xf32, #tpu.memory_space<hbm>>) dst(%arg10 : memref<128x128xf32, #tpu.memory_space<vmem>>)
        "tpu.region"() ({
          %run_scoped3A = tpu.sem_alloc : memref<!tpu.dma_semaphore, #tpu.memory_space<semaphore_mem>>
          %dma_start3A_105 = arith.constant 0 : i32
          %dma_start3A_106 = tpu.memref_slice %arg9[%add3A_78, %dma_start3A_105] : memref<40x128xi32, #tpu.memory_space<vmem>> -> memref<1x128xi32, #tpu.memory_space<vmem>>
          %dma_start3A_107 = tpu.memref_squeeze %dma_start3A_106 : memref<1x128xi32, #tpu.memory_space<vmem>> -> memref<128xi32, #tpu.memory_space<vmem>>
          %dma_start3A_108 = arith.constant 0 : i32
          %dma_start3A_109 = arith.constant 0 : i32
          %dma_start3A_110 = tpu.memref_slice %arg14[%dma_start3A_108, %dma_start3A_109] : memref<10240x128xf32, #tpu.memory_space<vmem_shared>> -> memref<10240x128xf32, #tpu.memory_space<vmem_shared>>
          tpu.enqueue_indirect_dma source(%arg10 : memref<128x128xf32, #tpu.memory_space<vmem>>) target(%dma_start3A_110 : memref<10240x128xf32, #tpu.memory_space<vmem_shared>>) offsets(%dma_start3A_107 : memref<128xi32, #tpu.memory_space<vmem>>) semaphore(%run_scoped3A : memref<!tpu.dma_semaphore, #tpu.memory_space<semaphore_mem>>) {add = true}
          %dma_wait3A_111 = arith.constant 0 : i32
          %dma_wait3A_112 = tpu.memref_slice %arg9[%add3A_78, %dma_wait3A_111] : memref<40x128xi32, #tpu.memory_space<vmem>> -> memref<1x128xi32, #tpu.memory_space<vmem>>
          %dma_wait3A_113 = tpu.memref_squeeze %dma_wait3A_112 : memref<1x128xi32, #tpu.memory_space<vmem>> -> memref<128xi32, #tpu.memory_space<vmem>>
          %dma_wait3A_114 = arith.constant 0 : i32
          %dma_wait3A_115 = arith.constant 0 : i32
          %dma_wait3A_116 = tpu.memref_slice %arg14[%dma_wait3A_114, %dma_wait3A_115] : memref<10240x128xf32, #tpu.memory_space<vmem_shared>> -> memref<10240x128xf32, #tpu.memory_space<vmem_shared>>
          tpu.wait_indirect_dma semaphore(%run_scoped3A : memref<!tpu.dma_semaphore, #tpu.memory_space<semaphore_mem>>) src(%arg10 : memref<128x128xf32, #tpu.memory_space<vmem>>) dst(%dma_wait3A_116 : memref<10240x128xf32, #tpu.memory_space<vmem_shared>>)
          tpu.yield
        }) : () -> ()
        %add3A_84 = arith.constant 2 : i32
        %add3A_85 = arith.addi %add3A_78, %add3A_84 : i32
        %lt3A = arith.constant 40 : i32
        %lt3A_86 = arith.cmpi slt, %add3A_85, %lt3A : i32
        %convert_element_type3A_87 = arith.extui %lt3A_86 : i1 to i32
        %cond3A_88 = arith.constant 0 : i32
        %cond3A_89 = arith.cmpi ne, %convert_element_type3A_87, %cond3A_88 : i32
        scf.if %cond3A_89 {
          %add3A_105 = arith.constant 2 : i32
          %add3A_106 = arith.addi %add3A_78, %add3A_105 : i32
          %dma_start3A_107 = arith.constant 0 : i32
          %dma_start3A_108 = tpu.memref_slice %arg8[%add3A_106, %dma_start3A_107] : memref<40x128xi32, #tpu.memory_space<vmem>> -> memref<1x128xi32, #tpu.memory_space<vmem>>
          %dma_start3A_109 = tpu.memref_squeeze %dma_start3A_108 : memref<1x128xi32, #tpu.memory_space<vmem>> -> memref<128xi32, #tpu.memory_space<vmem>>
          %dma_start3A_110 = arith.constant 0 : i32
          %dma_start3A_111 = arith.constant 0 : i32
          %dma_start3A_112 = tpu.memref_slice %arg2[%dma_start3A_110, %dma_start3A_111] : memref<10000x128xf32, #tpu.memory_space<hbm>> -> memref<10000x128xf32, #tpu.memory_space<hbm>>
          tpu.enqueue_indirect_dma source(%dma_start3A_112 : memref<10000x128xf32, #tpu.memory_space<hbm>>) target(%arg10 : memref<128x128xf32, #tpu.memory_space<vmem>>) offsets(%dma_start3A_109 : memref<128xi32, #tpu.memory_space<vmem>>) semaphore(%arg12 : memref<!tpu.dma_semaphore, #tpu.memory_space<semaphore_mem>>)
        } else {
        }
        %add3A_90 = arith.constant 1 : i32
        %add3A_91 = arith.addi %add3A_76, %add3A_90 : i32
        %dma_wait3A_92 = arith.constant 0 : i32
        %dma_wait3A_93 = tpu.memref_slice %arg8[%add3A_91, %dma_wait3A_92] : memref<40x128xi32, #tpu.memory_space<vmem>> -> memref<1x128xi32, #tpu.memory_space<vmem>>
        %dma_wait3A_94 = tpu.memref_squeeze %dma_wait3A_93 : memref<1x128xi32, #tpu.memory_space<vmem>> -> memref<128xi32, #tpu.memory_space<vmem>>
        %dma_wait3A_95 = arith.constant 0 : i32
        %dma_wait3A_96 = arith.constant 0 : i32
        %dma_wait3A_97 = tpu.memref_slice %arg2[%dma_wait3A_95, %dma_wait3A_96] : memref<10000x128xf32, #tpu.memory_space<hbm>> -> memref<10000x128xf32, #tpu.memory_space<hbm>>
        tpu.wait_indirect_dma semaphore(%arg13 : memref<!tpu.dma_semaphore, #tpu.memory_space<semaphore_mem>>) src(%dma_wait3A_97 : memref<10000x128xf32, #tpu.memory_space<hbm>>) dst(%arg11 : memref<128x128xf32, #tpu.memory_space<vmem>>)
        "tpu.region"() ({
          %run_scoped3A = tpu.sem_alloc : memref<!tpu.dma_semaphore, #tpu.memory_space<semaphore_mem>>
          %dma_start3A_105 = arith.constant 0 : i32
          %dma_start3A_106 = tpu.memref_slice %arg9[%add3A_91, %dma_start3A_105] : memref<40x128xi32, #tpu.memory_space<vmem>> -> memref<1x128xi32, #tpu.memory_space<vmem>>
          %dma_start3A_107 = tpu.memref_squeeze %dma_start3A_106 : memref<1x128xi32, #tpu.memory_space<vmem>> -> memref<128xi32, #tpu.memory_space<vmem>>
          %dma_start3A_108 = arith.constant 0 : i32
          %dma_start3A_109 = arith.constant 0 : i32
          %dma_start3A_110 = tpu.memref_slice %arg14[%dma_start3A_108, %dma_start3A_109] : memref<10240x128xf32, #tpu.memory_space<vmem_shared>> -> memref<10240x128xf32, #tpu.memory_space<vmem_shared>>
          tpu.enqueue_indirect_dma source(%arg11 : memref<128x128xf32, #tpu.memory_space<vmem>>) target(%dma_start3A_110 : memref<10240x128xf32, #tpu.memory_space<vmem_shared>>) offsets(%dma_start3A_107 : memref<128xi32, #tpu.memory_space<vmem>>) semaphore(%run_scoped3A : memref<!tpu.dma_semaphore, #tpu.memory_space<semaphore_mem>>) {add = true}
          %dma_wait3A_111 = arith.constant 0 : i32
          %dma_wait3A_112 = tpu.memref_slice %arg9[%add3A_91, %dma_wait3A_111] : memref<40x128xi32, #tpu.memory_space<vmem>> -> memref<1x128xi32, #tpu.memory_space<vmem>>
          %dma_wait3A_113 = tpu.memref_squeeze %dma_wait3A_112 : memref<1x128xi32, #tpu.memory_space<vmem>> -> memref<128xi32, #tpu.memory_space<vmem>>
          %dma_wait3A_114 = arith.constant 0 : i32
          %dma_wait3A_115 = arith.constant 0 : i32
          %dma_wait3A_116 = tpu.memref_slice %arg14[%dma_wait3A_114, %dma_wait3A_115] : memref<10240x128xf32, #tpu.memory_space<vmem_shared>> -> memref<10240x128xf32, #tpu.memory_space<vmem_shared>>
          tpu.wait_indirect_dma semaphore(%run_scoped3A : memref<!tpu.dma_semaphore, #tpu.memory_space<semaphore_mem>>) src(%arg11 : memref<128x128xf32, #tpu.memory_space<vmem>>) dst(%dma_wait3A_116 : memref<10240x128xf32, #tpu.memory_space<vmem_shared>>)
          tpu.yield
        }) : () -> ()
        %add3A_98 = arith.constant 2 : i32
        %add3A_99 = arith.addi %add3A_91, %add3A_98 : i32
        %lt3A_100 = arith.constant 40 : i32
        %lt3A_101 = arith.cmpi slt, %add3A_99, %lt3A_100 : i32
        %convert_element_type3A_102 = arith.extui %lt3A_101 : i1 to i32
        %cond3A_103 = arith.constant 0 : i32
        %cond3A_104 = arith.cmpi ne, %convert_element_type3A_102, %cond3A_103 : i32
        scf.if %cond3A_104 {
          %add3A_105 = arith.constant 2 : i32
          %add3A_106 = arith.addi %add3A_91, %add3A_105 : i32
          %dma_start3A_107 = arith.constant 0 : i32
          %dma_start3A_108 = tpu.memref_slice %arg8[%add3A_106, %dma_start3A_107] : memref<40x128xi32, #tpu.memory_space<vmem>> -> memref<1x128xi32, #tpu.memory_space<vmem>>
          %dma_start3A_109 = tpu.memref_squeeze %dma_start3A_108 : memref<1x128xi32, #tpu.memory_space<vmem>> -> memref<128xi32, #tpu.memory_space<vmem>>
          %dma_start3A_110 = arith.constant 0 : i32
          %dma_start3A_111 = arith.constant 0 : i32
          %dma_start3A_112 = tpu.memref_slice %arg2[%dma_start3A_110, %dma_start3A_111] : memref<10000x128xf32, #tpu.memory_space<hbm>> -> memref<10000x128xf32, #tpu.memory_space<hbm>>
          tpu.enqueue_indirect_dma source(%dma_start3A_112 : memref<10000x128xf32, #tpu.memory_space<hbm>>) target(%arg11 : memref<128x128xf32, #tpu.memory_space<vmem>>) offsets(%dma_start3A_109 : memref<128xi32, #tpu.memory_space<vmem>>) semaphore(%arg13 : memref<!tpu.dma_semaphore, #tpu.memory_space<semaphore_mem>>)
        } else {
        }
      }
      %scan3A_71 = arith.constant 20 : i32
    } else {
    }
    "tpu.trace_stop"() : () -> ()
    %barrier3A_30 = arith.constant 0 : index
    tpu.barrier barrier_id(%barrier3A_30)
    "tpu.trace_start"() <{level = 10 : i32, message = "agg_out"}> : () -> ()
    %mul3A_31 = arith.constant 640 : i32
    %mul3A_32 = arith.muli %arg1, %mul3A_31 : i32
    %mul3A_33 = arith.constant 640 : i32
    %mul3A_34 = arith.muli %arg1, %mul3A_33 : i32
    "tpu.region"() ({
      %run_scoped3A = tpu.sem_alloc : memref<!tpu.dma_semaphore, #tpu.memory_space<semaphore_mem>>
      %dma_start3A = arith.constant 0 : i32
      %dma_start3A_35 = tpu.memref_slice %arg7[%arg0, %mul3A_34, %dma_start3A] : memref<2x10240x128xf32, #tpu.memory_space<hbm>> -> memref<1x640x128xf32, #tpu.memory_space<hbm>>
      %dma_start3A_36 = tpu.memref_squeeze %dma_start3A_35 : memref<1x640x128xf32, #tpu.memory_space<hbm>> -> memref<640x128xf32, #tpu.memory_space<hbm>>
      %dma_start3A_37 = arith.constant 0 : i32
      %dma_start3A_38 = tpu.memref_slice %arg14[%mul3A_32, %dma_start3A_37] : memref<10240x128xf32, #tpu.memory_space<vmem_shared>> -> memref<640x128xf32, #tpu.memory_space<vmem_shared>>
      tpu.enqueue_dma source(%dma_start3A_38 : memref<640x128xf32, #tpu.memory_space<vmem_shared>>) target(%dma_start3A_36 : memref<640x128xf32, #tpu.memory_space<hbm>>) target_semaphore(%run_scoped3A : memref<!tpu.dma_semaphore, #tpu.memory_space<semaphore_mem>>)
      %dma_wait3A = arith.constant 0 : i32
      %dma_wait3A_39 = tpu.memref_slice %arg7[%arg0, %mul3A_34, %dma_wait3A] : memref<2x10240x128xf32, #tpu.memory_space<hbm>> -> memref<1x640x128xf32, #tpu.memory_space<hbm>>
      %dma_wait3A_40 = tpu.memref_squeeze %dma_wait3A_39 : memref<1x640x128xf32, #tpu.memory_space<hbm>> -> memref<640x128xf32, #tpu.memory_space<hbm>>
      %dma_wait3A_41 = arith.constant 0 : i32
      %dma_wait3A_42 = tpu.memref_slice %arg14[%mul3A_32, %dma_wait3A_41] : memref<10240x128xf32, #tpu.memory_space<vmem_shared>> -> memref<640x128xf32, #tpu.memory_space<vmem_shared>>
      tpu.wait_dma2 semaphore(%run_scoped3A : memref<!tpu.dma_semaphore, #tpu.memory_space<semaphore_mem>>) src(%dma_wait3A_42 : memref<640x128xf32, #tpu.memory_space<vmem_shared>>) dst(%dma_wait3A_40 : memref<640x128xf32, #tpu.memory_space<hbm>>)
      tpu.yield
    }) : () -> ()
    "tpu.trace_stop"() : () -> ()
    return
  }
}

module attributes {stable_mosaic.version = 14 : i64} {
  func.func @_tc_dense_body(%arg0: i32, %arg1: memref<1000x128xf32, #tpu.memory_space<vmem>>, %arg2: memref<1000x128xf32, #tpu.memory_space<vmem>>, %arg3: memref<1000x1xf32, #tpu.memory_space<vmem>>, %arg4: memref<1000x1xf32, #tpu.memory_space<vmem>>, %arg5: memref<1000x128xf32, #tpu.memory_space<vmem>>, %arg6: memref<128x128xf32, #tpu.memory_space<vmem>>, %arg7: memref<1x128xf32, #tpu.memory_space<vmem>>, %arg8: memref<128x128xf32, #tpu.memory_space<vmem>>, %arg9: memref<1000x128xf32, #tpu.memory_space<vmem>>) attributes {dimension_semantics = [#tpu.dimension_semantics<arbitrary>], iteration_bounds = array<i64: 10>, scalar_prefetch = 0 : i64, scratch_operands = 0 : i64, tpu.core_type = #tpu.core_type<tc>, window_params = [{transform_indices = @transform_0, window_bounds = array<i64: 1000, 128>}, {transform_indices = @transform_1, window_bounds = array<i64: 1000, 128>}, {transform_indices = @transform_2, window_bounds = array<i64: 1000, 1>}, {transform_indices = @transform_3, window_bounds = array<i64: 1000, 1>}, {transform_indices = @transform_4, window_bounds = array<i64: 1000, 128>}, {pipeline_mode = #tpu.pipeline_mode<synchronous>, transform_indices = @transform_5, window_bounds = array<i64: 128, 128>}, {pipeline_mode = #tpu.pipeline_mode<synchronous>, transform_indices = @transform_6, window_bounds = array<i64: 1, 128>}, {pipeline_mode = #tpu.pipeline_mode<synchronous>, transform_indices = @transform_7, window_bounds = array<i64: 128, 128>}, {transform_indices = @transform_8, window_bounds = array<i64: 1000, 128>}]} {
    %get3A = arith.constant 0 : index
    %get3A_0 = arith.constant 0 : index
    %get3A_1 = vector.load %arg3[%get3A, %get3A_0] : memref<1000x1xf32, #tpu.memory_space<vmem>>, vector<1000x1xf32>
    %get3A_2 = arith.constant 0 : index
    %get3A_3 = arith.constant 0 : index
    %get3A_4 = vector.load %arg4[%get3A_2, %get3A_3] : memref<1000x1xf32, #tpu.memory_space<vmem>>, vector<1000x1xf32>
    %add3A = arith.addf %get3A_1, %get3A_4 : vector<1000x1xf32>
    %max3A = arith.constant 1.000000e+00 : f32
    %max3A_5 = vector.broadcast %max3A : f32 to vector<1000x1xf32>
    %max3A_6 = arith.maximumf %add3A, %max3A_5 : vector<1000x1xf32>
    %div3A = arith.constant 1.000000e+00 : f32
    %div3A_7 = vector.broadcast %div3A : f32 to vector<1000x1xf32>
    %div3A_8 = arith.divf %div3A_7, %max3A_6 : vector<1000x1xf32>
    %get3A_9 = arith.constant 0 : index
    %get3A_10 = arith.constant 0 : index
    %get3A_11 = vector.load %arg1[%get3A_9, %get3A_10] : memref<1000x128xf32, #tpu.memory_space<vmem>>, vector<1000x128xf32>
    %get3A_12 = arith.constant 0 : index
    %get3A_13 = arith.constant 0 : index
    %get3A_14 = vector.load %arg2[%get3A_12, %get3A_13] : memref<1000x128xf32, #tpu.memory_space<vmem>>, vector<1000x128xf32>
    %add3A_15 = arith.addf %get3A_11, %get3A_14 : vector<1000x128xf32>
    %mul3A = vector.broadcast %div3A_8 : vector<1000x1xf32> to vector<1000x128xf32>
    %mul3A_16 = arith.mulf %add3A_15, %mul3A : vector<1000x128xf32>
    %get3A_17 = arith.constant 0 : index
    %get3A_18 = arith.constant 0 : index
    %get3A_19 = vector.load %arg6[%get3A_17, %get3A_18] : memref<128x128xf32, #tpu.memory_space<vmem>>, vector<128x128xf32>
    %dot_general3A = arith.constant dense<0.000000e+00> : vector<1000x128xf32>
    %dot_general3A_20 = tpu.matmul %mul3A_16, %get3A_19, %dot_general3A {dimension_numbers = #tpu.dot_dimension_numbers<[1], [0], [0], [1], [0, 0, 1, 1], [], []>, transpose_lhs_hint = false} : vector<1000x128xf32>, vector<128x128xf32>, vector<1000x128xf32> -> vector<1000x128xf32>
    %get3A_21 = arith.constant 0 : index
    %get3A_22 = arith.constant 0 : index
    %get3A_23 = vector.load %arg7[%get3A_21, %get3A_22] : memref<1x128xf32, #tpu.memory_space<vmem>>, vector<1x128xf32>
    %add3A_24 = vector.broadcast %get3A_23 : vector<1x128xf32> to vector<1000x128xf32>
    %add3A_25 = arith.addf %dot_general3A_20, %add3A_24 : vector<1000x128xf32>
    %get3A_26 = arith.constant 0 : index
    %get3A_27 = arith.constant 0 : index
    %get3A_28 = vector.load %arg5[%get3A_26, %get3A_27] : memref<1000x128xf32, #tpu.memory_space<vmem>>, vector<1000x128xf32>
    %get3A_29 = arith.constant 0 : index
    %get3A_30 = arith.constant 0 : index
    %get3A_31 = vector.load %arg8[%get3A_29, %get3A_30] : memref<128x128xf32, #tpu.memory_space<vmem>>, vector<128x128xf32>
    %dot_general3A_32 = arith.constant dense<0.000000e+00> : vector<1000x128xf32>
    %dot_general3A_33 = tpu.matmul %get3A_28, %get3A_31, %dot_general3A_32 {dimension_numbers = #tpu.dot_dimension_numbers<[1], [0], [0], [1], [0, 0, 1, 1], [], []>, transpose_lhs_hint = false} : vector<1000x128xf32>, vector<128x128xf32>, vector<1000x128xf32> -> vector<1000x128xf32>
    %add3A_34 = arith.addf %add3A_25, %dot_general3A_33 : vector<1000x128xf32>
    %mul3A_35 = arith.mulf %add3A_34, %add3A_34 : vector<1000x128xf32>
    %reduce_sum3A = arith.constant dense<0.000000e+00> : vector<1000xf32>
    %reduce_sum3A_36 = vector.multi_reduction <add>, %mul3A_35, %reduce_sum3A [1] : vector<1000x128xf32> to vector<1000xf32>
    %broadcast_in_dim3A = vector.shape_cast %reduce_sum3A_36 : vector<1000xf32> to vector<1000x1xf32>
    %sqrt3A = math.sqrt %broadcast_in_dim3A : vector<1000x1xf32>
    %max3A_37 = arith.constant 9.99999996E-13 : f32
    %max3A_38 = vector.broadcast %max3A_37 : f32 to vector<1000x1xf32>
    %max3A_39 = arith.maximumf %sqrt3A, %max3A_38 : vector<1000x1xf32>
    %div3A_40 = vector.broadcast %max3A_39 : vector<1000x1xf32> to vector<1000x128xf32>
    %div3A_41 = arith.divf %add3A_34, %div3A_40 : vector<1000x128xf32>
    %max3A_42 = arith.constant 0.000000e+00 : f32
    %max3A_43 = vector.broadcast %max3A_42 : f32 to vector<1000x128xf32>
    %max3A_44 = arith.maximumf %div3A_41, %max3A_43 : vector<1000x128xf32>
    %swap3A = arith.constant 0 : index
    %swap3A_45 = arith.constant 0 : index
    %swap3A_46 = vector.load %arg9[%swap3A, %swap3A_45] : memref<1000x128xf32, #tpu.memory_space<vmem>>, vector<1000x128xf32>
    tpu.vector_store %arg9[%swap3A, %swap3A_45], %max3A_44 {strides = array<i32>} : memref<1000x128xf32, #tpu.memory_space<vmem>>, vector<1000x128xf32>,
    return
  }
  func.func @transform_0(%arg0: i32) -> (i32, i32) {
    %c0_i32 = arith.constant 0 : i32
    %c0_i32_0 = arith.constant 0 : i32
    return %arg0, %c0_i32 : i32, i32
  }
  func.func @transform_1(%arg0: i32) -> (i32, i32) {
    %c0_i32 = arith.constant 0 : i32
    %c0_i32_0 = arith.constant 0 : i32
    return %arg0, %c0_i32 : i32, i32
  }
  func.func @transform_2(%arg0: i32) -> (i32, i32) {
    %c0_i32 = arith.constant 0 : i32
    %c0_i32_0 = arith.constant 0 : i32
    return %arg0, %c0_i32 : i32, i32
  }
  func.func @transform_3(%arg0: i32) -> (i32, i32) {
    %c0_i32 = arith.constant 0 : i32
    %c0_i32_0 = arith.constant 0 : i32
    return %arg0, %c0_i32 : i32, i32
  }
  func.func @transform_4(%arg0: i32) -> (i32, i32) {
    %c0_i32 = arith.constant 0 : i32
    %c0_i32_0 = arith.constant 0 : i32
    return %arg0, %c0_i32 : i32, i32
  }
  func.func @transform_5(%arg0: i32) -> (i32, i32) {
    %c0_i32 = arith.constant 0 : i32
    %c0_i32_0 = arith.constant 0 : i32
    %c0_i32_1 = arith.constant 0 : i32
    return %c0_i32, %c0_i32_0 : i32, i32
  }
  func.func @transform_6(%arg0: i32) -> (i32, i32) {
    %c0_i32 = arith.constant 0 : i32
    %c0_i32_0 = arith.constant 0 : i32
    %c0_i32_1 = arith.constant 0 : i32
    return %c0_i32, %c0_i32_0 : i32, i32
  }
  func.func @transform_7(%arg0: i32) -> (i32, i32) {
    %c0_i32 = arith.constant 0 : i32
    %c0_i32_0 = arith.constant 0 : i32
    %c0_i32_1 = arith.constant 0 : i32
    return %c0_i32, %c0_i32_0 : i32, i32
  }
  func.func @transform_8(%arg0: i32) -> (i32, i32) {
    %c0_i32 = arith.constant 0 : i32
    %c0_i32_0 = arith.constant 0 : i32
    return %arg0, %c0_i32 : i32, i32
  }
}

module attributes {stable_mosaic.version = 14 : i64} {
  func.func @_tc_dense_body(%arg0: i32, %arg1: memref<1000x128xf32, #tpu.memory_space<vmem>>, %arg2: memref<1000x128xf32, #tpu.memory_space<vmem>>, %arg3: memref<1000x1xf32, #tpu.memory_space<vmem>>, %arg4: memref<1000x1xf32, #tpu.memory_space<vmem>>, %arg5: memref<1000x128xf32, #tpu.memory_space<vmem>>, %arg6: memref<128x128xf32, #tpu.memory_space<vmem>>, %arg7: memref<1x128xf32, #tpu.memory_space<vmem>>, %arg8: memref<128x128xf32, #tpu.memory_space<vmem>>, %arg9: memref<1000x128xf32, #tpu.memory_space<vmem>>) attributes {dimension_semantics = [#tpu.dimension_semantics<arbitrary>], iteration_bounds = array<i64: 10>, scalar_prefetch = 0 : i64, scratch_operands = 0 : i64, tpu.core_type = #tpu.core_type<tc>, window_params = [{transform_indices = @transform_0, window_bounds = array<i64: 1000, 128>}, {transform_indices = @transform_1, window_bounds = array<i64: 1000, 128>}, {transform_indices = @transform_2, window_bounds = array<i64: 1000, 1>}, {transform_indices = @transform_3, window_bounds = array<i64: 1000, 1>}, {transform_indices = @transform_4, window_bounds = array<i64: 1000, 128>}, {pipeline_mode = #tpu.pipeline_mode<synchronous>, transform_indices = @transform_5, window_bounds = array<i64: 128, 128>}, {pipeline_mode = #tpu.pipeline_mode<synchronous>, transform_indices = @transform_6, window_bounds = array<i64: 1, 128>}, {pipeline_mode = #tpu.pipeline_mode<synchronous>, transform_indices = @transform_7, window_bounds = array<i64: 128, 128>}, {transform_indices = @transform_8, window_bounds = array<i64: 1000, 128>}]} {
    %get3A = arith.constant 0 : index
    %get3A_0 = arith.constant 0 : index
    %get3A_1 = vector.load %arg3[%get3A, %get3A_0] : memref<1000x1xf32, #tpu.memory_space<vmem>>, vector<1000x1xf32>
    %get3A_2 = arith.constant 0 : index
    %get3A_3 = arith.constant 0 : index
    %get3A_4 = vector.load %arg4[%get3A_2, %get3A_3] : memref<1000x1xf32, #tpu.memory_space<vmem>>, vector<1000x1xf32>
    %add3A = arith.addf %get3A_1, %get3A_4 : vector<1000x1xf32>
    %max3A = arith.constant 1.000000e+00 : f32
    %max3A_5 = vector.broadcast %max3A : f32 to vector<1000x1xf32>
    %max3A_6 = arith.maximumf %add3A, %max3A_5 : vector<1000x1xf32>
    %div3A = arith.constant 1.000000e+00 : f32
    %div3A_7 = vector.broadcast %div3A : f32 to vector<1000x1xf32>
    %div3A_8 = arith.divf %div3A_7, %max3A_6 : vector<1000x1xf32>
    %get3A_9 = arith.constant 0 : index
    %get3A_10 = arith.constant 0 : index
    %get3A_11 = vector.load %arg1[%get3A_9, %get3A_10] : memref<1000x128xf32, #tpu.memory_space<vmem>>, vector<1000x128xf32>
    %get3A_12 = arith.constant 0 : index
    %get3A_13 = arith.constant 0 : index
    %get3A_14 = vector.load %arg2[%get3A_12, %get3A_13] : memref<1000x128xf32, #tpu.memory_space<vmem>>, vector<1000x128xf32>
    %add3A_15 = arith.addf %get3A_11, %get3A_14 : vector<1000x128xf32>
    %mul3A = vector.broadcast %div3A_8 : vector<1000x1xf32> to vector<1000x128xf32>
    %mul3A_16 = arith.mulf %add3A_15, %mul3A : vector<1000x128xf32>
    %get3A_17 = arith.constant 0 : index
    %get3A_18 = arith.constant 0 : index
    %get3A_19 = vector.load %arg6[%get3A_17, %get3A_18] : memref<128x128xf32, #tpu.memory_space<vmem>>, vector<128x128xf32>
    %dot_general3A = arith.constant dense<0.000000e+00> : vector<1000x128xf32>
    %dot_general3A_20 = tpu.matmul %mul3A_16, %get3A_19, %dot_general3A {dimension_numbers = #tpu.dot_dimension_numbers<[1], [0], [0], [1], [0, 0, 1, 1], [], []>, transpose_lhs_hint = false} : vector<1000x128xf32>, vector<128x128xf32>, vector<1000x128xf32> -> vector<1000x128xf32>
    %get3A_21 = arith.constant 0 : index
    %get3A_22 = arith.constant 0 : index
    %get3A_23 = vector.load %arg7[%get3A_21, %get3A_22] : memref<1x128xf32, #tpu.memory_space<vmem>>, vector<1x128xf32>
    %add3A_24 = vector.broadcast %get3A_23 : vector<1x128xf32> to vector<1000x128xf32>
    %add3A_25 = arith.addf %dot_general3A_20, %add3A_24 : vector<1000x128xf32>
    %get3A_26 = arith.constant 0 : index
    %get3A_27 = arith.constant 0 : index
    %get3A_28 = vector.load %arg5[%get3A_26, %get3A_27] : memref<1000x128xf32, #tpu.memory_space<vmem>>, vector<1000x128xf32>
    %get3A_29 = arith.constant 0 : index
    %get3A_30 = arith.constant 0 : index
    %get3A_31 = vector.load %arg8[%get3A_29, %get3A_30] : memref<128x128xf32, #tpu.memory_space<vmem>>, vector<128x128xf32>
    %dot_general3A_32 = arith.constant dense<0.000000e+00> : vector<1000x128xf32>
    %dot_general3A_33 = tpu.matmul %get3A_28, %get3A_31, %dot_general3A_32 {dimension_numbers = #tpu.dot_dimension_numbers<[1], [0], [0], [1], [0, 0, 1, 1], [], []>, transpose_lhs_hint = false} : vector<1000x128xf32>, vector<128x128xf32>, vector<1000x128xf32> -> vector<1000x128xf32>
    %add3A_34 = arith.addf %add3A_25, %dot_general3A_33 : vector<1000x128xf32>
    %mul3A_35 = arith.mulf %add3A_34, %add3A_34 : vector<1000x128xf32>
    %reduce_sum3A = arith.constant dense<0.000000e+00> : vector<1000xf32>
    %reduce_sum3A_36 = vector.multi_reduction <add>, %mul3A_35, %reduce_sum3A [1] : vector<1000x128xf32> to vector<1000xf32>
    %broadcast_in_dim3A = vector.shape_cast %reduce_sum3A_36 : vector<1000xf32> to vector<1000x1xf32>
    %sqrt3A = math.sqrt %broadcast_in_dim3A : vector<1000x1xf32>
    %max3A_37 = arith.constant 9.99999996E-13 : f32
    %max3A_38 = vector.broadcast %max3A_37 : f32 to vector<1000x1xf32>
    %max3A_39 = arith.maximumf %sqrt3A, %max3A_38 : vector<1000x1xf32>
    %div3A_40 = vector.broadcast %max3A_39 : vector<1000x1xf32> to vector<1000x128xf32>
    %div3A_41 = arith.divf %add3A_34, %div3A_40 : vector<1000x128xf32>
    %swap3A = arith.constant 0 : index
    %swap3A_42 = arith.constant 0 : index
    %swap3A_43 = vector.load %arg9[%swap3A, %swap3A_42] : memref<1000x128xf32, #tpu.memory_space<vmem>>, vector<1000x128xf32>
    tpu.vector_store %arg9[%swap3A, %swap3A_42], %div3A_41 {strides = array<i32>} : memref<1000x128xf32, #tpu.memory_space<vmem>>, vector<1000x128xf32>,
    return
  }
  func.func @transform_0(%arg0: i32) -> (i32, i32) {
    %c0_i32 = arith.constant 0 : i32
    %c0_i32_0 = arith.constant 0 : i32
    return %arg0, %c0_i32 : i32, i32
  }
  func.func @transform_1(%arg0: i32) -> (i32, i32) {
    %c0_i32 = arith.constant 0 : i32
    %c0_i32_0 = arith.constant 0 : i32
    return %arg0, %c0_i32 : i32, i32
  }
  func.func @transform_2(%arg0: i32) -> (i32, i32) {
    %c0_i32 = arith.constant 0 : i32
    %c0_i32_0 = arith.constant 0 : i32
    return %arg0, %c0_i32 : i32, i32
  }
  func.func @transform_3(%arg0: i32) -> (i32, i32) {
    %c0_i32 = arith.constant 0 : i32
    %c0_i32_0 = arith.constant 0 : i32
    return %arg0, %c0_i32 : i32, i32
  }
  func.func @transform_4(%arg0: i32) -> (i32, i32) {
    %c0_i32 = arith.constant 0 : i32
    %c0_i32_0 = arith.constant 0 : i32
    return %arg0, %c0_i32 : i32, i32
  }
  func.func @transform_5(%arg0: i32) -> (i32, i32) {
    %c0_i32 = arith.constant 0 : i32
    %c0_i32_0 = arith.constant 0 : i32
    %c0_i32_1 = arith.constant 0 : i32
    return %c0_i32, %c0_i32_0 : i32, i32
  }
  func.func @transform_6(%arg0: i32) -> (i32, i32) {
    %c0_i32 = arith.constant 0 : i32
    %c0_i32_0 = arith.constant 0 : i32
    %c0_i32_1 = arith.constant 0 : i32
    return %c0_i32, %c0_i32_0 : i32, i32
  }
  func.func @transform_7(%arg0: i32) -> (i32, i32) {
    %c0_i32 = arith.constant 0 : i32
    %c0_i32_0 = arith.constant 0 : i32
    %c0_i32_1 = arith.constant 0 : i32
    return %c0_i32, %c0_i32_0 : i32, i32
  }
  func.func @transform_8(%arg0: i32) -> (i32, i32) {
    %c0_i32 = arith.constant 0 : i32
    %c0_i32_0 = arith.constant 0 : i32
    return %arg0, %c0_i32 : i32, i32
  }
}

</mosaic_0001>

<sc_bundles>
// kernel: kernel.12.cloned.1.call-start
scs
__scs_entry_jumppad:
0x0: {  	(pc) =	sbr.rel $0x88, $3  }
0x1: {  	(tag) =	ssettag $0x0;
	lr =	simm.s32 $0x1  }
0x2: {  	[smem:$0x3F96] =	sst lr;
	_ =	strace $0xD0000000  }
0x3: {  	_ = 	snop  }
0x4: {  	_ = 	snop  }
0x5: {  	_ = 	snop  }
0x6: {  	_ = 	snop  }
0x7: {  	_ = 	snop  }
__scs_overlays_trampoline_lowered:
0x8: {  	[smem:$0x3FA5] =	sst s0  }
0x9: {  	[smem:$0x3FA6] =	sst s1  }
0xa: {  	[smem:$0x3FA7] =	sst s2  }
0xb: {  	[smem:$0x3FA8] =	sst s3  }
0xc: {  	[smem:$0x3FA9] =	sst s4  }
0xd: {  	[smem:$0x3FAA] =	sst s5  }
0xe: {  	[smem:$0x3FAB] =	sst s6  }
0xf: {  	[smem:$0x3FAC] =	sst s7  }
0x10: {  	[smem:$0x3FAD] =	sst s8  }
0x11: {  	[smem:$0x3FAE] =	sst s9;
	s0 =	simm.s32 @!p0 $0x0  }
0x12: {  	s1 =	sld [smem:$0x3F94];
	s0 =	simm.s32 @p0 $0x1  }
0x13: {  	[smem:$0x3FAF] =	sst s0;
	s0 =	simm.s32 @!p1 $0x0  }
0x14: {  	s2 =	sld [smem:$0x3F93];
	s0 =	simm.s32 @p1 $0x1  }
0x15: {  	[smem:$0x3FB0] =	sst s0;
	s0 =	simm.s32 @!p2 $0x0  }
0x16: {  	s3 =	sld [smem:$0x3FDB];
	s0 =	simm.s32 @p2 $0x1  }
0x17: {  	s4 =	simm.s32 $0x1BF5;
	[smem:$0x3FB2] =	sst s0  }
0x18: {  	s0 =	sld [smem:$0x3F95];
	_ =	swait.ge [sflag:s4], $0x0  }
0x19: {  	s7 =	sld [smem:$0x3F96]  }
0x1a: {  	s8 =	sadd.s32 $0xFFFFE003, lr  }
0x1b: {  	s9 =	sadd.s32 $0xFFFFFEF7, lr;
	s5 =	simm.s32 $0xFFFFFFFF;
	p2 =	slt.u32 s8, $0xFFFFF086  }
0x1c: {  	p1 =	slt.u32 s9, $0xF7A;
	s5 =	simm.s32 @!p2 $0x0  }
0x1d: {  	s5 =	simm.s32 @p1 $0x1;
	p0 =	seq.s32 s7, s2  }
0x1e: {  	s7 =	smul.u32 @!p0 $0xF7A, s2;
	p2 =	seq.s32 @!p0 s5, $0x0  }
0x1f: {  	s9 =	smul.u32 $0xF7A, s1;
	s8 =	simm.s32 @!p0 $0x1BF5;
	p2 =	por !p2, p0  }
0x20: {  	[sflag:s8] =	ssyncset.s32 @!p0 $0xFFFFF086;
	s6 =	sadd.s32 @!p0 s3, s7;
	s7 =	simm.s32 @!p0 $0x108  }
0x21: {  	s3 =	sadd.s32 s3, s9;
	s6 =	sadd.s32 @!p0 $0x88, s6;
	s7 =	simm.s32 @p2 $0x1082  }
0x22: {  	[simem:s7], [sflag:s8] =	dma.local @!p0 [hbm:s6], $0xF7A  }
0x23: {  	s9 =	sor.u32 $0xD0000000, s2;
	s6 =	simm.s32 $0x108;
	_ =	swait.ge @!p0 [sflag:s8], $0x0  }
0x24: {  	s3 =	sadd.s32 $0x88, s3;
	s6 =	simm.s32 @!p1 $0x1082;
	[sflag:s4] =	ssyncset.s32 $0xFFFFF086  }
0x25: {  	[simem:s6], [sflag:s4] =	dma.local [hbm:s3], $0xF7A  }
0x26: {  	[smem:$0x3F96] =	sst s1;
	(tag) =	ssettag s2;
	_ =	strace s9  }
0x27: {  	s1 =	sld [smem:$0x3FA6]  }
0x28: {  	s2 =	sld [smem:$0x3FA7]  }
0x29: {  	s4 =	sld [smem:$0x3FA9]  }
0x2a: {  	p0 =	seq.s32 s5, $0x0;
	s5 =	sld [smem:$0x3FAA]  }
0x2b: {  	s6 =	sld [smem:$0x3FAB]  }
0x2c: {  	s7 =	sld [smem:$0x3FAC]  }
0x2d: {  	s3 =	simm.s32 $0x108;
	s8 =	sld [smem:$0x3FAD]  }
0x2e: {  	s3 =	simm.s32 @!p0 $0x1082;
	s9 =	sld [smem:$0x3FAE]  }
0x2f: {  	lr =	sadd.s32 s0, s3;
	s0 =	sld [smem:$0x3FA5]  }
0x30: {  	s3 =	sld [smem:$0x3FA8]  }
0x31: {  	[smem:$0x3FB1] =	sst s10  }
0x32: {  	s10 =	sld [smem:$0x3FAF];
	_ =	sdelay $0x3  }
0x33: {  	p0 =	seq.s32 s10, $0x1;
	s10 =	sld [smem:$0x3FB1];
	_ =	sdelay $0x3  }
0x34: {  	[smem:$0x3FB1] =	sst s10  }
0x35: {  	s10 =	sld [smem:$0x3FB0];
	_ =	sdelay $0x3  }
0x36: {  	p1 =	seq.s32 s10, $0x1;
	s10 =	sld [smem:$0x3FB1];
	_ =	sdelay $0x3  }
0x37: {  	[smem:$0x3FB1] =	sst s10  }
0x38: {  	s10 =	sld [smem:$0x3FB2]  }
0x39: {  	_ = 	snop;
	(pc) =	sbr.ind lr, $3  }
0x3a: {  	_ = 	snop  }
0x3b: {  	_ = 	snop  }
0x3c: {  	p2 =	seq.s32 s10, $0x1;
	s10 =	sld [smem:$0x3FB1]  }
0x3d: {  	_ =	shalt  }
0x3e: {  	_ =	shalt  }
0x3f: {  	_ =	shalt  }
0x40: {  	_ =	shalt  }
0x41: {  	_ =	shalt  }
0x42: {  	_ =	shalt  }
0x43: {  	_ =	shalt  }
0x44: {  	_ =	shalt  }
0x45: {  	_ =	shalt  }
0x46: {  	_ =	shalt  }
0x47: {  	_ =	shalt  }
0x48: {  	_ =	shalt  }
0x49: {  	_ =	shalt  }
0x4a: {  	_ =	shalt  }
0x4b: {  	_ =	shalt  }
0x4c: {  	_ =	shalt  }
0x4d: {  	_ =	shalt  }
0x4e: {  	_ =	shalt  }
0x4f: {  	_ =	shalt  }
0x50: {  	_ =	shalt  }
0x51: {  	_ =	shalt  }
0x52: {  	_ =	shalt  }
0x53: {  	_ =	shalt  }
0x54: {  	_ =	shalt  }
0x55: {  	_ =	shalt  }
0x56: {  	_ =	shalt  }
0x57: {  	_ =	shalt  }
0x58: {  	_ =	shalt  }
0x59: {  	_ =	shalt  }
0x5a: {  	_ =	shalt  }
0x5b: {  	_ =	shalt  }
0x5c: {  	_ =	shalt  }
0x5d: {  	_ =	shalt  }
0x5e: {  	_ =	shalt  }
0x5f: {  	_ =	shalt  }
0x60: {  	_ =	shalt  }
0x61: {  	_ =	shalt  }
0x62: {  	_ =	shalt  }
0x63: {  	_ =	shalt  }
0x64: {  	_ =	shalt  }
0x65: {  	_ =	shalt  }
0x66: {  	_ =	shalt  }
0x67: {  	_ =	shalt  }
0x68: {  	_ =	shalt  }
0x69: {  	_ =	shalt  }
0x6a: {  	_ =	shalt  }
0x6b: {  	_ =	shalt  }
0x6c: {  	_ =	shalt  }
0x6d: {  	_ =	shalt  }
0x6e: {  	_ =	shalt  }
0x6f: {  	_ =	shalt  }
0x70: {  	_ =	shalt  }
0x71: {  	_ =	shalt  }
0x72: {  	_ =	shalt  }
0x73: {  	_ =	shalt  }
0x74: {  	_ =	shalt  }
0x75: {  	_ =	shalt  }
0x76: {  	_ =	shalt  }
0x77: {  	_ =	shalt  }
0x78: {  	_ =	shalt  }
0x79: {  	_ =	shalt  }
0x7a: {  	_ =	shalt  }
0x7b: {  	_ =	shalt  }
0x7c: {  	_ =	shalt  }
0x7d: {  	_ =	shalt  }
0x7e: {  	_ =	shalt  }
0x7f: {  	_ =	shalt  }
0x80: {  	_ =	shalt  }
0x81: {  	_ =	shalt  }
0x82: {  	_ =	shalt  }
0x83: {  	_ =	shalt  }
0x84: {  	_ =	shalt  }
0x85: {  	_ =	shalt  }
0x86: {  	_ =	shalt  }
0x87: {  	_ =	shalt  }
.Lfunc_end0:
.L_simem_size_0:
called_computation.1_lowered:
.L_overlay_start_0:
0x88: {  	s2 =	sld [smem:$0x3FD9]  }
0x89: {  	s3 =	sld [smem:$0x3FFE];
	_ =	sdelay $0x1  }
0x8a: {  	s1 =	srdreg.scid  }
0x8b: {  	s0 =	sand.u32 $0x1, s1  }
0x8c: {  	s17 =	sshll.u32 s0, $0xA;
	s2 =	sadd.s32 s3, s2  }
0x8d: {  	s2 =	sadd.s32 s2, s17  }
0x8e: {  	[smem:$0x3FBD] =	sst s2  }
0x8f: {  	_ = 	snop  }
0x90: {  	s18 =	sld [smem:$0x3FC9];
	(tm) =	ssettm $0x1  }
0x91: {  	s19 =	sld [smem:$0x3FFB];
	_ =	sdelay $0x3  }
0x92: {  	_ =	strace s19  }
0x93: {  	s2 =	sld [smem:$0x3FFC];
	_ =	sdelay $0x3  }
0x94: {  	_ =	strace s2  }
0x95: {  	s2 =	sld [smem:$0x3FFD];
	_ =	sdelay $0x3  }
0x96: {  	_ =	strace s2  }
0x97: {  	_ =	strace $0x8FFFFFFF  }
0x98: {  	s20 =	sld [smem:$0x3FDB];
	_ =	sdelay $0x1  }
0x99: {  	s4 =	simm.s32 $_scs_section_size  }
0x9a: {  	s5 =	simm.s32 $_size__tile_overlayer_lowered;
	s6 =	simm.s32 $_tile_overlayer_lowered  }
0x9b: {  	s7 =	simm.s32 $0x1BFF;
	s21 =	sshll.u32 s6, $0x1;
	s4 =	sadd.s32 s4, s20  }
0x9c: {  	s22 =	simm.s32 $0x0;
	s5 =	sshll.u32 s5, $0x1;
	s6 =	sadd.s32 s21, s4  }
0x9d: {  	[timem:s22], [sflag:s7] =	dma.local [hbm:s6], s5  }
0x9e: {  	_ =	swait.ge [sflag:s7], s5  }
0x9f: {  	s5 =	ssub.s32 $0x0, s5;
	[sflag:s7] =	ssyncset.done $0x0  }
0xa0: {  	[sflag:s7] =	ssyncadd.s32 s5;
	_ =	sdelay $0x1  }
0xa1: {  	s23 =	simm.s32 $0x1B8B  }
0xa2: {  	_ =	swait.ge [sflag:s23], $0x1  }
0xa3: {  	[sflag:s23] =	ssyncset.done $0x0  }
0xa4: {  	[sflag:s23] =	ssyncadd.s32 $0xFFFFFFFF  }
0xa5: {  	s5 =	sld [smem:$0x0]  }
0xa6: {  	s6 =	sand.u32 $0xFFFFFFFE, s1  }
0xa7: {  	p0 =	sne.s32 s1, s6  }
0xa8: {  	s6 =	sshll.u32 @p0 s6, $0xE  }
0xa9: {  	s6 =	sadd.s32 @p0 $0x11B8D, s6;
	s7 =	sshll.u32 @p0 s5, $0x11  }
0xaa: {  	s6 =	sor.u32 @p0 s7, s6  }
0xab: {  	[sflag:s6] =	ssyncadd.remote.s32 @p0 $0x1;
	_ =	sdelay $0x1  }
0xac: {  	s6 =	simm.s32 @p0 $0x1B8D  }
0xad: {  	_ =	swait.eq @p0 [sflag:s6], $0x1  }
0xae: {  	[sflag:s6] =	ssyncadd.s32 @p0 $0xFFFFFFFF  }
0xaf: {  	s7 =	sshll.u32 @!p0 s1, $0xE  }
0xb0: {  	s7 =	sor.u32 @!p0 $0x4000, s7;
	s6 =	simm.s32 @!p0 $0x1B8D  }
0xb1: {  	s5 =	sshll.u32 @!p0 s5, $0x11;
	s7 =	sadd.s32 @!p0 $0x11B8D, s7;
	_ =	swait.eq @!p0 [sflag:s6], $0x1  }
0xb2: {  	s5 =	sor.u32 @!p0 s5, s7;
	[sflag:s6] =	ssyncadd.s32 @!p0 $0xFFFFFFFF  }
0xb3: {  	s25 =	simm.s32 $0x1B8E;
	s24 =	sld [smem:$0x3FFE];
	[sflag:s5] =	ssyncadd.remote.s32 @!p0 $0x1  }
0xb4: {  	s26 =	simm.s32 $execute0_lowered;
	[smem:$0x3FD2] =	sst s25  }
0xb5: {  	s6 =	sshll.u32 s26, $0x1;
	_ =	strace $0x80000049;
	[dreg:$0x1] =	wrdreg $0xFFFFFFFF  }
0xb6: {  	s28 =	simm.s32 $_size_execute0_lowered;
	s4 =	sadd.s32 s4, s6;
	[dreg:$0x0] =	wrdreg $0x0  }
0xb7: {  	s6 =	sshll.u32 s28, $0x1;
	[dreg:$0x2] =	wrdreg s4  }
0xb8: {  	[dreg:$0x3] =	wrdreg s6  }
0xb9: {  	[dreg:$0x4] =	wrdreg $0xC0  }
0xba: {  	_ =	task [dreg:s22], $0x5FFFF  }
0xbb: {  	[dreg:$0x1] =	wrdreg $0xFFFFFFFF  }
0xbc: {  	[dreg:$0x0] =	wrdreg $0x60  }
0xbd: {  	[dreg:$0x2] =	wrdreg s18  }
0xbe: {  	[dreg:$0x3] =	wrdreg s24  }
0xbf: {  	[dreg:$0x4] =	wrdreg $0xA8000  }
0xc0: {  	[dreg:$0x5] =	wrdreg $0xA  }
0xc1: {  	_ =	task.clear_ibuf [dreg:s22], $0x6FFFF;
	_ =	strace $0x90000049  }
0xc2: {  	s29 =	simm.s32 $0xA;
	_ =	strace $0x8000004E  }
0xc3: {  	_ =	swait.ge [sflag:s29], $0x1  }
0xc4: {  	[sflag:s29] =	ssyncadd.s32 $0xFFFFFFFF  }
0xc5: {  	_ =	strace $0x9000004E  }
0xc6: {  	_ =	sfence  }
0xc7: {  	s30 =	sld [smem:$0x0];
	_ =	sdelay $0x2  }
0xc8: {  	s31 =	sshll.u32 s1, $0xD;
	s1 =	sshrl.u32 s1, $0x2  }
0xc9: {  	s4 =	sand.u32 $0x4000, s31;
	s1 =	sadd.s32 s1, s30  }
0xca: {  	s0 =	sor.u32 s4, s0;
	s1 =	sshll.u32 s1, $0x11  }
0xcb: {  	s0 =	sor.u32 s1, s0  }
0xcc: {  	s0 =	sadd.s32 $0x8F2B, s0  }
0xcd: {  	[sflag:s0] =	ssyncadd.remote.s32 $0x1  }
0xce: {  	_ =	sfence.sel $0xFFFF  }
0xcf: {  	[dreg:$0x0] =	wrdreg $0xFFFFFFFF;
	(pc) =	sbr.abs _section_cstart, $3  }
0xd0: {  	[dreg:$0x1] =	wrdreg $0xFFFFFFFF  }
0xd1: {  	_ =	task.clear_ibuf [dreg:s22], $0x2FFFF;
	_ =	strace $0x9FFFFFFF  }
0xd2: {  	(tm) =	ssettm $0x7FFFFFFF  }
0xd3: {  	_ =	shalt  }
tec
execute0_lowered:
.L_overlay_start_1:
0x0: {  	(tag) =	ssettag $0x1  }
0x1: {  	s1 =	rddreg [dreg:$0x0]  }
0x2: {  	s5 =	rddreg [dreg:$0x1]  }
0x3: {  	s2 =	rddreg [dreg:$0x2];
	s3 =	srdreg.scid  }
0x4: {  	s4 =	simm.s32 $0x0;
	s21 =	simm.s32 $0x3;
	s22 =	simm.s32 $0x1400  }
0x5: {  	s23 =	simm.s32 $0x80;
	s24 =	simm.s32 $0x6800;
	s28 =	simm.s32 $0x2700  }
0x6: {  	s29 =	simm.s32 $0x2780;
	s10 =	sand.u32 $0x1, s3;
	s3 =	stileid.u32  }
0x7: {  	[smem:$0x7FF] =	sst s4;
	s12 =	sadd.s32 $0x12E00, s5;
	s6 =	smul.u32 $0x140000, s10  }
0x8: {  	s13 =	sadd.s32 $0xDE00, s5;
	s16 =	sadd.s32 $0x8E00, s5;
	s7 =	smul.u32 $0x14000, s3  }
0x9: {  	s17 =	sadd.s32 $0x3E00, s5;
	_ =	strace $0x8000004A;
	s25 =	smul.u32 $0x50000, s3  }
0xa: {  	s26 =	ssub.s32 $0x2, s10;
	s11 =	smul.u32 $0x2800, s3;
	p0 =	seq.s32 s10, $0x1  }
0xb: {  	s31 =	sshrl.u32 s26, $0x1;
	s6 =	sadd.s32 s7, s6;
	s30 =	sshrl.u32 s25, $0x2  }
0xc: {  	s19 =	ssub.s32 s26, s31;
	s15 =	sshrl.u32 s11, $0x3;
	s25 =	simm.s32 $0x1  }
0xd: {  	s26 =	simm.s32 $0x2;
	s6 =	sshrl.u32 s6, $0x3;
	s10 =	sadd.s32 s12, s15  }
0xe: {  	s20 =	sadd.s32 $0x280, s15;
	s11 =	sadd.s32 s13, s15;
	s14 =	sadd.s32 s16, s15  }
.Ltmp0:
0xf: {  	s15 =	sadd.s32 s17, s15;
	s19 =	smax.u32 s19, $0x1;
	(pc) =	sbr.rel .LBB2_1-.Ltmp0, $4  }
0x10: {  	s18 =	sadd.s32 s6, s5;
	s5 =	sadd.s32 s30, s2;
	s12 =	sadd.s32 s12, s20  }
0x11: {  	s13 =	sadd.s32 s13, s20;
	s16 =	sadd.s32 s16, s20;
	s17 =	sadd.s32 s17, s20  }
0x12: {  	s20 =	simm.s32 $0x2800;
	s6 =	sadd.s32 $0x4000, s5;
	s7 =	sadd.s32 $0x8000, s5  }
0x13: {  	v0 =	vimm.f32 $0.0e+00;
	s8 =	sadd.s32 $0xC000, s5;
	s9 =	sadd.s32 $0x10000, s5;
	s18 =	sadd.s32 $0x17E00, s18  }
.LBB2_8:
0x14: {  	[tilespmem:s24], [sflag:$0x2] =	stream.indirect.gather [hbm4b:s1+s23], $0x80, s31, s23, $0x2000b8;
	[tilespmem:$0x1E800] =	vst v63  }
.LBB2_14:
0x15: {  	_ =	swait.ge [sflag:s25], $0x4000  }
0x16: {  	[sflag:s25] =	ssyncset.done $0x0  }
0x17: {  	[sflag:s25] =	ssyncadd.s32 $0xFFFFC000  }
0x18: {  	[spmem:s2] =	stream.indirect.scatter.add.f32 [tilespmem:s20], [sflag:$0x3], $0x80, s28, s23, $0x2000b8;
	[tilespmem:$0x1E800] =	vst v63  }
0x19: {  	_ =	swait.ge [sflag:s21], $0x4000  }
0x1a: {  	[sflag:s21] =	ssyncset.done $0x0  }
0x1b: {  	[sflag:s21] =	ssyncadd.s32 $0xFFFFC000  }
0x1c: {  	_ =	swait.ge [sflag:s26], $0x4000  }
0x1d: {  	[sflag:s26] =	ssyncset.done $0x0  }
0x1e: {  	[sflag:s26] =	ssyncadd.s32 $0xFFFFC000  }
0x1f: {  	[spmem:s2] =	stream.indirect.scatter.add.f32 [tilespmem:s24], [sflag:$0x3], $0x80, s29, s23, $0x2000b8;
	[tilespmem:$0x1E800] =	vst v63  }
0x20: {  	_ =	swait.ge [sflag:s21], $0x4000  }
0x21: {  	[sflag:s21] =	ssyncset.done $0x0  }
0x22: {  	[sflag:s21] =	ssyncadd.s32 $0xFFFFC000  }
0x23: {  	s0 =	sshll.u32 s3, $0x6;
	_ =	strace $0x9000004C  }
0x24: {  	s30 =	sshrl.u32 s5, $0x3;
	s4 =	sadd.s32 $0x1, s4;
	[bflag:$0x0] =	sbarrier.arrive $0xFFFF  }
0x25: {  	s0 =	sor.u32 $0x1C03, s0;
	p1 =	sne.s32 s4, s19;
	_ =	strace $0x8000004D  }
0x26: {  	[hbm:s18], [sflag:s0] =	dma.local [spmem:s30], $0x2800  }
.Ltmp1:
0x27: {  	_ = 	snop;
	(pc) =	sbr.rel @!p1 .LBB2_15-.Ltmp1, $4  }
0x28: {  	_ =	swait.ge [sflag:s21], $0x2800  }
0x29: {  	[sflag:s21] =	ssyncset.done $0x0  }
0x2a: {  	[sflag:s21] =	ssyncadd.s32 $0xFFFFD800  }
0x2b: {  	_ =	strace $0x9000004D  }
.LBB2_1:
0x2c: {  	_ =	strace $0x8000004B;
	s30 =	simm.s32 $0x0;
	s31 =	simm.s32 $0x200  }
.LBB2_2:
0x2d: {  	p1 =	sne.s32 s31, $0xFE00;
	[tilespmem:s30+$0x2870] =	vst v0  }
0x2e: {  	[tilespmem:s30+$0x2800] =	vst v0  }
0x2f: {  	[tilespmem:s30+$0x2810] =	vst v0  }
.Ltmp2:
0x30: {  	[tilespmem:s30+$0x2820] =	vst v0;
	(pc) =	sbr.rel @p1 .LBB2_2-.Ltmp2, $4  }
0x31: {  	[tilespmem:s30+$0x2830] =	vst v0  }
0x32: {  	[tilespmem:s30+$0x2840] =	vst v0  }
0x33: {  	[tilespmem:s30+$0x2850] =	vst v0  }
0x34: {  	[tilespmem:s30+$0x2860] =	vst v0;
	s30 =	sshra.s32 s31, $0x2;
	s31 =	sadd.s32 $0x200, s31  }
0x35: {  	[tilespmem:s30+$0x2870] =	vst v0  }
0x36: {  	[tilespmem:s30+$0x2800] =	vst v0  }
0x37: {  	[tilespmem:s30+$0x2810] =	vst v0  }
0x38: {  	[tilespmem:s30+$0x2820] =	vst v0  }
0x39: {  	[tilespmem:s30+$0x2830] =	vst v0  }
0x3a: {  	[tilespmem:s30+$0x2840] =	vst v0  }
0x3b: {  	[tilespmem:s30+$0x2850] =	vst v0  }
0x3c: {  	[tilespmem:s30+$0x2860] =	vst v0  }
0x3d: {  	[spmem:s5] =	stream.linear.scatter [tilespmem:s20], [sflag:$0x3], $0x4000, $0x200038;
	[tilespmem:$0x1E800] =	vst v63  }
0x3e: {  	_ =	swait.ge [sflag:s21], $0x4000  }
0x3f: {  	[sflag:s21] =	ssyncset.done $0x0  }
0x40: {  	[sflag:s21] =	ssyncadd.s32 $0xFFFFC000  }
0x41: {  	[spmem:s6] =	stream.linear.scatter [tilespmem:s20], [sflag:$0x3], $0x4000, $0x200038;
	[tilespmem:$0x1E800] =	vst v63  }
0x42: {  	_ =	swait.ge [sflag:s21], $0x4000  }
0x43: {  	[sflag:s21] =	ssyncset.done $0x0  }
0x44: {  	[sflag:s21] =	ssyncadd.s32 $0xFFFFC000  }
0x45: {  	[spmem:s7] =	stream.linear.scatter [tilespmem:s20], [sflag:$0x3], $0x4000, $0x200038;
	[tilespmem:$0x1E800] =	vst v63  }
0x46: {  	_ =	swait.ge [sflag:s21], $0x4000  }
0x47: {  	[sflag:s21] =	ssyncset.done $0x0  }
0x48: {  	[sflag:s21] =	ssyncadd.s32 $0xFFFFC000  }
0x49: {  	[spmem:s8] =	stream.linear.scatter [tilespmem:s20], [sflag:$0x3], $0x4000, $0x200038;
	[tilespmem:$0x1E800] =	vst v63  }
0x4a: {  	_ =	swait.ge [sflag:s21], $0x4000  }
0x4b: {  	[sflag:s21] =	ssyncset.done $0x0  }
0x4c: {  	[sflag:s21] =	ssyncadd.s32 $0xFFFFC000  }
0x4d: {  	[spmem:s9] =	stream.linear.scatter [tilespmem:s20], [sflag:$0x3], $0x4000, $0x200038;
	[tilespmem:$0x1E800] =	vst v63  }
0x4e: {  	_ =	swait.ge [sflag:s21], $0x4000  }
.Ltmp3:
0x4f: {  	[sflag:s21] =	ssyncset.done $0x0;
	(pc) =	sbr.rel @!p0 .LBB2_4-.Ltmp3, $4  }
0x50: {  	[sflag:s21] =	ssyncadd.s32 $0xFFFFC000  }
0x51: {  	_ =	strace $0x9000004B  }
0x52: {  	[bflag:$0x0] =	sbarrier.arrive $0xFFFF  }
0x53: {  	_ =	strace $0x8000004C  }
0x54: {  	s0 =	simm.s32 $0x0  }
0x55: {  	[tilespmem:s0], [sflag:$0x3] =	stream.linear.gather [hbm4b:s14+s0], $0x1400, $0x200038;
	[tilespmem:$0x1E800] =	vst v63  }
0x56: {  	_ =	swait.ge [sflag:s21], $0x1400  }
0x57: {  	[sflag:s21] =	ssyncset.done $0x0  }
0x58: {  	[sflag:s21] =	ssyncadd.s32 $0xFFFFEC00  }
0x59: {  	[tilespmem:s22], [sflag:$0x3] =	stream.linear.gather [hbm4b:s15+s0], $0x1400, $0x200038;
	[tilespmem:$0x1E800] =	vst v63  }
0x5a: {  	_ =	swait.ge [sflag:s21], $0x1400  }
0x5b: {  	[sflag:s21] =	ssyncset.done $0x0  }
0x5c: {  	[sflag:s21] =	ssyncadd.s32 $0xFFFFEC00  }
0x5d: {  	[tilespmem:s20], [sflag:$0x1] =	stream.indirect.gather [hbm4b:s1+s23], $0x80, s0, s23, $0x2000b8;
	[tilespmem:$0x1E800] =	vst v63  }
0x5e: {  	_ = 	snop  }
0x5f: {  	[tilespmem:s24], [sflag:$0x2] =	stream.indirect.gather [hbm4b:s1+s23], $0x80, s23, s23, $0x2000b8;
	[tilespmem:$0x1E800] =	vst v63  }
0x60: {  	_ =	swait.ge [sflag:s25], $0x4000  }
0x61: {  	[sflag:s25] =	ssyncset.done $0x0  }
0x62: {  	s0 =	simm.s32 $0x1400;
	[sflag:s25] =	ssyncadd.s32 $0xFFFFC000  }
0x63: {  	[spmem:s2] =	stream.indirect.scatter.add.f32 [tilespmem:s20], [sflag:$0x3], $0x80, s0, s23, $0x2000b8;
	[tilespmem:$0x1E800] =	vst v63  }
0x64: {  	_ =	swait.ge [sflag:s21], $0x4000  }
0x65: {  	[sflag:s21] =	ssyncset.done $0x0  }
0x66: {  	s0 =	simm.s32 $0x100;
	[sflag:s21] =	ssyncadd.s32 $0xFFFFC000  }
0x67: {  	[tilespmem:s20], [sflag:$0x1] =	stream.indirect.gather [hbm4b:s1+s23], $0x80, s0, s23, $0x2000b8;
	[tilespmem:$0x1E800] =	vst v63  }
0x68: {  	_ =	swait.ge [sflag:s26], $0x4000  }
0x69: {  	[sflag:s26] =	ssyncset.done $0x0  }
0x6a: {  	s0 =	simm.s32 $0x1480;
	[sflag:s26] =	ssyncadd.s32 $0xFFFFC000  }
0x6b: {  	[spmem:s2] =	stream.indirect.scatter.add.f32 [tilespmem:s24], [sflag:$0x3], $0x80, s0, s23, $0x2000b8;
	[tilespmem:$0x1E800] =	vst v63  }
0x6c: {  	_ =	swait.ge [sflag:s21], $0x4000  }
0x6d: {  	[sflag:s21] =	ssyncset.done $0x0  }
0x6e: {  	s30 =	simm.s32 $0x400;
	s31 =	simm.s32 $0x180;
	[sflag:s21] =	ssyncadd.s32 $0xFFFFC000  }
.LBB2_10:
0x6f: {  	[tilespmem:s24], [sflag:$0x2] =	stream.indirect.gather [hbm4b:s1+s23], $0x80, s31, s23, $0x2000b8;
	[tilespmem:$0x1E800] =	vst v63  }
0x70: {  	s0 =	smov.u32 s30  }
0x71: {  	p1 =	sne.s32 s30, $0x4800;
	s30 =	sadd.s32 $0x400, s30;
	_ =	swait.ge [sflag:s25], $0x4000  }
0x72: {  	s0 =	sshra.s32 s0, $0x2;
	[sflag:s25] =	ssyncset.done $0x0  }
0x73: {  	s31 =	sadd.s32 $0x1400, s0;
	[sflag:s25] =	ssyncadd.s32 $0xFFFFC000  }
0x74: {  	[spmem:s2] =	stream.indirect.scatter.add.f32 [tilespmem:s20], [sflag:$0x3], $0x80, s31, s23, $0x2000b8;
	[tilespmem:$0x1E800] =	vst v63  }
0x75: {  	_ =	swait.ge [sflag:s21], $0x4000  }
0x76: {  	[sflag:s21] =	ssyncset.done $0x0  }
0x77: {  	s31 =	sadd.s32 $0x100, s0;
	[sflag:s21] =	ssyncadd.s32 $0xFFFFC000  }
0x78: {  	[tilespmem:s20], [sflag:$0x1] =	stream.indirect.gather [hbm4b:s1+s23], $0x80, s31, s23, $0x2000b8;
	[tilespmem:$0x1E800] =	vst v63  }
0x79: {  	_ =	swait.ge [sflag:s26], $0x4000  }
0x7a: {  	[sflag:s26] =	ssyncset.done $0x0  }
.Ltmp4:
0x7b: {  	s31 =	sadd.s32 $0x1480, s0;
	[sflag:s26] =	ssyncadd.s32 $0xFFFFC000;
	(pc) =	sbr.rel @p1 .LBB2_10-.Ltmp4, $4  }
0x7c: {  	[spmem:s2] =	stream.indirect.scatter.add.f32 [tilespmem:s24], [sflag:$0x3], $0x80, s31, s23, $0x2000b8;
	[tilespmem:$0x1E800] =	vst v63  }
0x7d: {  	_ =	swait.ge [sflag:s21], $0x4000  }
0x7e: {  	[sflag:s21] =	ssyncset.done $0x0  }
0x7f: {  	s31 =	sadd.s32 $0x180, s0;
	[sflag:s21] =	ssyncadd.s32 $0xFFFFC000  }
0x80: {  	[tilespmem:s24], [sflag:$0x2] =	stream.indirect.gather [hbm4b:s1+s23], $0x80, s31, s23, $0x2000b8;
	[tilespmem:$0x1E800] =	vst v63  }
0x81: {  	_ =	swait.ge [sflag:s25], $0x4000  }
0x82: {  	[sflag:s25] =	ssyncset.done $0x0  }
0x83: {  	[sflag:s25] =	ssyncadd.s32 $0xFFFFC000  }
0x84: {  	[spmem:s2] =	stream.indirect.scatter.add.f32 [tilespmem:s20], [sflag:$0x3], $0x80, s28, s23, $0x2000b8;
	[tilespmem:$0x1E800] =	vst v63  }
0x85: {  	_ =	swait.ge [sflag:s21], $0x4000  }
0x86: {  	[sflag:s21] =	ssyncset.done $0x0  }
0x87: {  	[sflag:s21] =	ssyncadd.s32 $0xFFFFC000  }
0x88: {  	_ =	swait.ge [sflag:s26], $0x4000  }
0x89: {  	[sflag:s26] =	ssyncset.done $0x0  }
0x8a: {  	[sflag:s26] =	ssyncadd.s32 $0xFFFFC000  }
0x8b: {  	[spmem:s2] =	stream.indirect.scatter.add.f32 [tilespmem:s24], [sflag:$0x3], $0x80, s29, s23, $0x2000b8;
	[tilespmem:$0x1E800] =	vst v63  }
0x8c: {  	_ =	swait.ge [sflag:s21], $0x4000  }
0x8d: {  	[sflag:s21] =	ssyncset.done $0x0  }
0x8e: {  	s0 =	simm.s32 $0x0;
	[sflag:s21] =	ssyncadd.s32 $0xFFFFC000  }
0x8f: {  	[tilespmem:s0], [sflag:$0x3] =	stream.linear.gather [hbm4b:s16+s0], $0x1400, $0x200038;
	[tilespmem:$0x1E800] =	vst v63  }
0x90: {  	_ =	swait.ge [sflag:s21], $0x1400  }
0x91: {  	[sflag:s21] =	ssyncset.done $0x0  }
0x92: {  	[sflag:s21] =	ssyncadd.s32 $0xFFFFEC00  }
0x93: {  	[tilespmem:s22], [sflag:$0x3] =	stream.linear.gather [hbm4b:s17+s0], $0x1400, $0x200038;
	[tilespmem:$0x1E800] =	vst v63  }
0x94: {  	_ =	swait.ge [sflag:s21], $0x1400  }
0x95: {  	[sflag:s21] =	ssyncset.done $0x0  }
0x96: {  	[sflag:s21] =	ssyncadd.s32 $0xFFFFEC00  }
0x97: {  	[tilespmem:s20], [sflag:$0x1] =	stream.indirect.gather [hbm4b:s1+s23], $0x80, s0, s23, $0x2000b8;
	[tilespmem:$0x1E800] =	vst v63  }
0x98: {  	_ = 	snop  }
0x99: {  	[tilespmem:s24], [sflag:$0x2] =	stream.indirect.gather [hbm4b:s1+s23], $0x80, s23, s23, $0x2000b8;
	[tilespmem:$0x1E800] =	vst v63  }
0x9a: {  	_ =	swait.ge [sflag:s25], $0x4000  }
0x9b: {  	[sflag:s25] =	ssyncset.done $0x0  }
0x9c: {  	s0 =	simm.s32 $0x1400;
	[sflag:s25] =	ssyncadd.s32 $0xFFFFC000  }
0x9d: {  	[spmem:s2] =	stream.indirect.scatter.add.f32 [tilespmem:s20], [sflag:$0x3], $0x80, s0, s23, $0x2000b8;
	[tilespmem:$0x1E800] =	vst v63  }
0x9e: {  	_ =	swait.ge [sflag:s21], $0x4000  }
0x9f: {  	[sflag:s21] =	ssyncset.done $0x0  }
0xa0: {  	s0 =	simm.s32 $0x100;
	[sflag:s21] =	ssyncadd.s32 $0xFFFFC000  }
0xa1: {  	[tilespmem:s20], [sflag:$0x1] =	stream.indirect.gather [hbm4b:s1+s23], $0x80, s0, s23, $0x2000b8;
	[tilespmem:$0x1E800] =	vst v63  }
0xa2: {  	_ =	swait.ge [sflag:s26], $0x4000  }
0xa3: {  	[sflag:s26] =	ssyncset.done $0x0  }
0xa4: {  	s0 =	simm.s32 $0x1480;
	[sflag:s26] =	ssyncadd.s32 $0xFFFFC000  }
0xa5: {  	[spmem:s2] =	stream.indirect.scatter.add.f32 [tilespmem:s24], [sflag:$0x3], $0x80, s0, s23, $0x2000b8;
	[tilespmem:$0x1E800] =	vst v63  }
0xa6: {  	_ =	swait.ge [sflag:s21], $0x4000  }
0xa7: {  	[sflag:s21] =	ssyncset.done $0x0  }
0xa8: {  	s30 =	simm.s32 $0x400;
	s31 =	simm.s32 $0x180;
	[sflag:s21] =	ssyncadd.s32 $0xFFFFC000  }
.LBB2_12:
0xa9: {  	[tilespmem:s24], [sflag:$0x2] =	stream.indirect.gather [hbm4b:s1+s23], $0x80, s31, s23, $0x2000b8;
	[tilespmem:$0x1E800] =	vst v63  }
0xaa: {  	s0 =	smov.u32 s30  }
0xab: {  	p1 =	sne.s32 s30, $0x4800;
	s30 =	sadd.s32 $0x400, s30;
	_ =	swait.ge [sflag:s25], $0x4000  }
0xac: {  	s0 =	sshra.s32 s0, $0x2;
	[sflag:s25] =	ssyncset.done $0x0  }
0xad: {  	s31 =	sadd.s32 $0x1400, s0;
	[sflag:s25] =	ssyncadd.s32 $0xFFFFC000  }
0xae: {  	[spmem:s2] =	stream.indirect.scatter.add.f32 [tilespmem:s20], [sflag:$0x3], $0x80, s31, s23, $0x2000b8;
	[tilespmem:$0x1E800] =	vst v63  }
0xaf: {  	_ =	swait.ge [sflag:s21], $0x4000  }
0xb0: {  	[sflag:s21] =	ssyncset.done $0x0  }
0xb1: {  	s31 =	sadd.s32 $0x100, s0;
	[sflag:s21] =	ssyncadd.s32 $0xFFFFC000  }
0xb2: {  	[tilespmem:s20], [sflag:$0x1] =	stream.indirect.gather [hbm4b:s1+s23], $0x80, s31, s23, $0x2000b8;
	[tilespmem:$0x1E800] =	vst v63  }
0xb3: {  	_ =	swait.ge [sflag:s26], $0x4000  }
0xb4: {  	[sflag:s26] =	ssyncset.done $0x0  }
.Ltmp5:
0xb5: {  	s31 =	sadd.s32 $0x1480, s0;
	[sflag:s26] =	ssyncadd.s32 $0xFFFFC000;
	(pc) =	sbr.rel @p1 .LBB2_12-.Ltmp5, $4  }
0xb6: {  	[spmem:s2] =	stream.indirect.scatter.add.f32 [tilespmem:s24], [sflag:$0x3], $0x80, s31, s23, $0x2000b8;
	[tilespmem:$0x1E800] =	vst v63  }
0xb7: {  	_ =	swait.ge [sflag:s21], $0x4000  }
0xb8: {  	[sflag:s21] =	ssyncset.done $0x0  }
0xb9: {  	s31 =	sadd.s32 $0x180, s0;
	[sflag:s21] =	ssyncadd.s32 $0xFFFFC000  }
.Ltmp6:
0xba: {  	(pc) =	sbr.rel .LBB2_14-.Ltmp6, $2  }
0xbb: {  	_ =	sdelay $0x2  }
0xbc: {  	[tilespmem:s24], [sflag:$0x2] =	stream.indirect.gather [hbm4b:s1+s23], $0x80, s31, s23, $0x2000b8;
	[tilespmem:$0x1E800] =	vst v63  }
.LBB2_4:
0xbd: {  	s30 =	simm.s32 $0x0  }
0xbe: {  	[tilespmem:s30], [sflag:$0x3] =	stream.linear.gather [hbm4b:s10+s30], $0x1400, $0x200038;
	[tilespmem:$0x1E800] =	vst v63  }
0xbf: {  	_ =	swait.ge [sflag:s21], $0x1400  }
0xc0: {  	[sflag:s21] =	ssyncset.done $0x0  }
0xc1: {  	[sflag:s21] =	ssyncadd.s32 $0xFFFFEC00  }
0xc2: {  	[tilespmem:s22], [sflag:$0x3] =	stream.linear.gather [hbm4b:s11+s30], $0x1400, $0x200038;
	[tilespmem:$0x1E800] =	vst v63  }
0xc3: {  	_ =	swait.ge [sflag:s21], $0x1400  }
0xc4: {  	[sflag:s21] =	ssyncset.done $0x0  }
0xc5: {  	[sflag:s21] =	ssyncadd.s32 $0xFFFFEC00  }
0xc6: {  	[tilespmem:s20], [sflag:$0x1] =	stream.indirect.gather [hbm4b:s1+s23], $0x80, s30, s23, $0x2000b8;
	[tilespmem:$0x1E800] =	vst v63  }
0xc7: {  	_ = 	snop  }
0xc8: {  	[tilespmem:s24], [sflag:$0x2] =	stream.indirect.gather [hbm4b:s1+s23], $0x80, s23, s23, $0x2000b8;
	[tilespmem:$0x1E800] =	vst v63  }
0xc9: {  	_ =	swait.ge [sflag:s25], $0x4000  }
0xca: {  	[sflag:s25] =	ssyncset.done $0x0  }
0xcb: {  	s30 =	simm.s32 $0x1400;
	[sflag:s25] =	ssyncadd.s32 $0xFFFFC000  }
0xcc: {  	[spmem:s2] =	stream.indirect.scatter.add.f32 [tilespmem:s20], [sflag:$0x3], $0x80, s30, s23, $0x2000b8;
	[tilespmem:$0x1E800] =	vst v63  }
0xcd: {  	_ =	swait.ge [sflag:s21], $0x4000  }
0xce: {  	[sflag:s21] =	ssyncset.done $0x0  }
0xcf: {  	s30 =	simm.s32 $0x100;
	[sflag:s21] =	ssyncadd.s32 $0xFFFFC000  }
0xd0: {  	[tilespmem:s20], [sflag:$0x1] =	stream.indirect.gather [hbm4b:s1+s23], $0x80, s30, s23, $0x2000b8;
	[tilespmem:$0x1E800] =	vst v63  }
0xd1: {  	_ =	swait.ge [sflag:s26], $0x4000  }
0xd2: {  	[sflag:s26] =	ssyncset.done $0x0  }
0xd3: {  	s30 =	simm.s32 $0x1480;
	[sflag:s26] =	ssyncadd.s32 $0xFFFFC000  }
0xd4: {  	[spmem:s2] =	stream.indirect.scatter.add.f32 [tilespmem:s24], [sflag:$0x3], $0x80, s30, s23, $0x2000b8;
	[tilespmem:$0x1E800] =	vst v63  }
0xd5: {  	_ =	swait.ge [sflag:s21], $0x4000  }
0xd6: {  	[sflag:s21] =	ssyncset.done $0x0  }
0xd7: {  	s31 =	simm.s32 $0x180;
	s30 =	simm.s32 $0x400;
	[sflag:s21] =	ssyncadd.s32 $0xFFFFC000  }
.LBB2_5:
0xd8: {  	[tilespmem:s24], [sflag:$0x2] =	stream.indirect.gather [hbm4b:s1+s23], $0x80, s31, s23, $0x2000b8;
	[tilespmem:$0x1E800] =	vst v63  }
0xd9: {  	s31 =	smov.u32 s30  }
0xda: {  	p1 =	sne.s32 s30, $0x4800;
	s30 =	sadd.s32 $0x400, s30;
	_ =	swait.ge [sflag:s25], $0x4000  }
0xdb: {  	s31 =	sshra.s32 s31, $0x2;
	[sflag:s25] =	ssyncset.done $0x0  }
0xdc: {  	s0 =	sadd.s32 $0x1400, s31;
	[sflag:s25] =	ssyncadd.s32 $0xFFFFC000  }
0xdd: {  	[spmem:s2] =	stream.indirect.scatter.add.f32 [tilespmem:s20], [sflag:$0x3], $0x80, s0, s23, $0x2000b8;
	[tilespmem:$0x1E800] =	vst v63  }
0xde: {  	_ =	swait.ge [sflag:s21], $0x4000  }
0xdf: {  	[sflag:s21] =	ssyncset.done $0x0  }
0xe0: {  	s0 =	sadd.s32 $0x100, s31;
	[sflag:s21] =	ssyncadd.s32 $0xFFFFC000  }
0xe1: {  	[tilespmem:s20], [sflag:$0x1] =	stream.indirect.gather [hbm4b:s1+s23], $0x80, s0, s23, $0x2000b8;
	[tilespmem:$0x1E800] =	vst v63  }
0xe2: {  	_ =	swait.ge [sflag:s26], $0x4000  }
0xe3: {  	[sflag:s26] =	ssyncset.done $0x0  }
.Ltmp7:
0xe4: {  	s0 =	sadd.s32 $0x1480, s31;
	[sflag:s26] =	ssyncadd.s32 $0xFFFFC000;
	(pc) =	sbr.rel @p1 .LBB2_5-.Ltmp7, $4  }
0xe5: {  	[spmem:s2] =	stream.indirect.scatter.add.f32 [tilespmem:s24], [sflag:$0x3], $0x80, s0, s23, $0x2000b8;
	[tilespmem:$0x1E800] =	vst v63  }
0xe6: {  	_ =	swait.ge [sflag:s21], $0x4000  }
0xe7: {  	[sflag:s21] =	ssyncset.done $0x0  }
0xe8: {  	s31 =	sadd.s32 $0x180, s31;
	[sflag:s21] =	ssyncadd.s32 $0xFFFFC000  }
0xe9: {  	[tilespmem:s24], [sflag:$0x2] =	stream.indirect.gather [hbm4b:s1+s23], $0x80, s31, s23, $0x2000b8;
	[tilespmem:$0x1E800] =	vst v63  }
0xea: {  	_ =	swait.ge [sflag:s25], $0x4000  }
0xeb: {  	[sflag:s25] =	ssyncset.done $0x0  }
0xec: {  	[sflag:s25] =	ssyncadd.s32 $0xFFFFC000  }
0xed: {  	[spmem:s2] =	stream.indirect.scatter.add.f32 [tilespmem:s20], [sflag:$0x3], $0x80, s28, s23, $0x2000b8;
	[tilespmem:$0x1E800] =	vst v63  }
0xee: {  	_ =	swait.ge [sflag:s21], $0x4000  }
0xef: {  	[sflag:s21] =	ssyncset.done $0x0  }
0xf0: {  	[sflag:s21] =	ssyncadd.s32 $0xFFFFC000  }
0xf1: {  	_ =	swait.ge [sflag:s26], $0x4000  }
0xf2: {  	[sflag:s26] =	ssyncset.done $0x0  }
0xf3: {  	[sflag:s26] =	ssyncadd.s32 $0xFFFFC000  }
0xf4: {  	[spmem:s2] =	stream.indirect.scatter.add.f32 [tilespmem:s24], [sflag:$0x3], $0x80, s29, s23, $0x2000b8;
	[tilespmem:$0x1E800] =	vst v63  }
0xf5: {  	_ =	swait.ge [sflag:s21], $0x4000  }
0xf6: {  	[sflag:s21] =	ssyncset.done $0x0  }
0xf7: {  	s0 =	simm.s32 $0x0;
	[sflag:s21] =	ssyncadd.s32 $0xFFFFC000  }
0xf8: {  	[tilespmem:s0], [sflag:$0x3] =	stream.linear.gather [hbm4b:s12+s0], $0x1400, $0x200038;
	[tilespmem:$0x1E800] =	vst v63  }
0xf9: {  	_ =	swait.ge [sflag:s21], $0x1400  }
0xfa: {  	[sflag:s21] =	ssyncset.done $0x0  }
0xfb: {  	[sflag:s21] =	ssyncadd.s32 $0xFFFFEC00  }
0xfc: {  	[tilespmem:s22], [sflag:$0x3] =	stream.linear.gather [hbm4b:s13+s0], $0x1400, $0x200038;
	[tilespmem:$0x1E800] =	vst v63  }
0xfd: {  	_ =	swait.ge [sflag:s21], $0x1400  }
0xfe: {  	[sflag:s21] =	ssyncset.done $0x0  }
0xff: {  	[sflag:s21] =	ssyncadd.s32 $0xFFFFEC00  }
0x100: {  	[tilespmem:s20], [sflag:$0x1] =	stream.indirect.gather [hbm4b:s1+s23], $0x80, s0, s23, $0x2000b8;
	[tilespmem:$0x1E800] =	vst v63  }
0x101: {  	_ = 	snop  }
0x102: {  	[tilespmem:s24], [sflag:$0x2] =	stream.indirect.gather [hbm4b:s1+s23], $0x80, s23, s23, $0x2000b8;
	[tilespmem:$0x1E800] =	vst v63  }
0x103: {  	_ =	swait.ge [sflag:s25], $0x4000  }
0x104: {  	[sflag:s25] =	ssyncset.done $0x0  }
0x105: {  	s0 =	simm.s32 $0x1400;
	[sflag:s25] =	ssyncadd.s32 $0xFFFFC000  }
0x106: {  	[spmem:s2] =	stream.indirect.scatter.add.f32 [tilespmem:s20], [sflag:$0x3], $0x80, s0, s23, $0x2000b8;
	[tilespmem:$0x1E800] =	vst v63  }
0x107: {  	_ =	swait.ge [sflag:s21], $0x4000  }
0x108: {  	[sflag:s21] =	ssyncset.done $0x0  }
0x109: {  	s0 =	simm.s32 $0x100;
	[sflag:s21] =	ssyncadd.s32 $0xFFFFC000  }
0x10a: {  	[tilespmem:s20], [sflag:$0x1] =	stream.indirect.gather [hbm4b:s1+s23], $0x80, s0, s23, $0x2000b8;
	[tilespmem:$0x1E800] =	vst v63  }
0x10b: {  	_ =	swait.ge [sflag:s26], $0x4000  }
0x10c: {  	[sflag:s26] =	ssyncset.done $0x0  }
0x10d: {  	s0 =	simm.s32 $0x1480;
	[sflag:s26] =	ssyncadd.s32 $0xFFFFC000  }
0x10e: {  	[spmem:s2] =	stream.indirect.scatter.add.f32 [tilespmem:s24], [sflag:$0x3], $0x80, s0, s23, $0x2000b8;
	[tilespmem:$0x1E800] =	vst v63  }
0x10f: {  	_ =	swait.ge [sflag:s21], $0x4000  }
0x110: {  	[sflag:s21] =	ssyncset.done $0x0  }
0x111: {  	s30 =	simm.s32 $0x400;
	s31 =	simm.s32 $0x180;
	[sflag:s21] =	ssyncadd.s32 $0xFFFFC000  }
.LBB2_7:
0x112: {  	[tilespmem:s24], [sflag:$0x2] =	stream.indirect.gather [hbm4b:s1+s23], $0x80, s31, s23, $0x2000b8;
	[tilespmem:$0x1E800] =	vst v63  }
0x113: {  	s0 =	smov.u32 s30  }
0x114: {  	p1 =	seq.s32 s30, $0x4800;
	s30 =	sadd.s32 $0x400, s30;
	_ =	swait.ge [sflag:s25], $0x4000  }
0x115: {  	s0 =	sshra.s32 s0, $0x2;
	[sflag:s25] =	ssyncset.done $0x0  }
0x116: {  	s31 =	sadd.s32 $0x1400, s0;
	[sflag:s25] =	ssyncadd.s32 $0xFFFFC000  }
0x117: {  	[spmem:s2] =	stream.indirect.scatter.add.f32 [tilespmem:s20], [sflag:$0x3], $0x80, s31, s23, $0x2000b8;
	[tilespmem:$0x1E800] =	vst v63  }
0x118: {  	_ =	swait.ge [sflag:s21], $0x4000  }
0x119: {  	[sflag:s21] =	ssyncset.done $0x0  }
0x11a: {  	s31 =	sadd.s32 $0x100, s0;
	[sflag:s21] =	ssyncadd.s32 $0xFFFFC000  }
0x11b: {  	[tilespmem:s20], [sflag:$0x1] =	stream.indirect.gather [hbm4b:s1+s23], $0x80, s31, s23, $0x2000b8;
	[tilespmem:$0x1E800] =	vst v63  }
0x11c: {  	_ =	swait.ge [sflag:s26], $0x4000  }
0x11d: {  	[sflag:s26] =	ssyncset.done $0x0  }
.Ltmp8:
0x11e: {  	s31 =	sadd.s32 $0x1480, s0;
	[sflag:s26] =	ssyncadd.s32 $0xFFFFC000;
	(pc) =	sbr.rel @!p1 .LBB2_7-.Ltmp8, $4  }
0x11f: {  	[spmem:s2] =	stream.indirect.scatter.add.f32 [tilespmem:s24], [sflag:$0x3], $0x80, s31, s23, $0x2000b8;
	[tilespmem:$0x1E800] =	vst v63  }
0x120: {  	_ =	swait.ge [sflag:s21], $0x4000  }
0x121: {  	[sflag:s21] =	ssyncset.done $0x0  }
0x122: {  	s31 =	sadd.s32 $0x180, s0;
	[sflag:s21] =	ssyncadd.s32 $0xFFFFC000  }
.Ltmp9:
0x123: {  	_ = 	snop;
	(pc) =	sbr.rel .LBB2_8-.Ltmp9, $1  }
0x124: {  	_ =	sdelay $0x3  }
.LBB2_15:
0x125: {  	_ =	sfence.sel $0x180000  }
0x126: {  	[bflag:$0x0] =	sbarrier.arrive $0xFFFF  }
0x127: {  	_ =	strace $0x9000004A  }
0x128: {  	[bflag:$0x2] =	sbarrier.arrive $0xFFFF  }
0x129: {  	p0 =	sne.s32 s3, $0x0;
	s0 =	rddreg [dreg:$0x3]  }
0x12a: {  	s0 =	sadd.s32 @!p0 $0x100000, s0  }
0x12b: {  	[sflag:s0] =	ssyncadd.tile.s32 @!p0 $0x1;
	_ =	shalt  }
.Lfunc_end2:
_tile_overlayer_lowered:
.L_overlay_start_2:
0x12c: {  	(tag) =	ssettag $0x2  }
0x12d: {  	s0 =	rddreg [dreg:$0x0];
	s2 =	stileid.u32  }
0x12e: {  	s1 =	rddreg [dreg:$0x1];
	p0 =	sne.s32 s2, $0x0  }
0x12f: {  	s3 =	rddreg [dreg:$0x2];
	[bflag:$0x3] =	sbarrier.arrive $0xFFFF;
	s2 =	simm.s32 @!p0 $0x1C03  }
0x130: {  	[timem:s3], [sflag:s2] =	dma.local @!p0 [hbm:s0], s1  }
0x131: {  	s0 =	simm.s32 @!p0 $0x3  }
0x132: {  	_ =	swait.ge @!p0 [sflag:s0], s1  }
0x133: {  	s1 =	ssub.s32 @!p0 $0x0, s1;
	[sflag:s0] =	ssyncset.done @!p0 $0x0  }
0x134: {  	[sflag:s0] =	ssyncadd.s32 @!p0 s1  }
0x135: {  	[bflag:$0x3] =	sbarrier.arrive $0xFFFF  }
0x136: {  	_ =	shalt  }

// kernel: kernel.15.cloned.1.call-start
scs
__scs_entry_jumppad:
0x0: {  	(pc) =	sbr.rel $0x88, $3  }
0x1: {  	(tag) =	ssettag $0x0;
	lr =	simm.s32 $0x1  }
0x2: {  	[smem:$0x3F96] =	sst lr;
	_ =	strace $0xD0000000  }
0x3: {  	_ = 	snop  }
0x4: {  	_ = 	snop  }
0x5: {  	_ = 	snop  }
0x6: {  	_ = 	snop  }
0x7: {  	_ = 	snop  }
__scs_overlays_trampoline_lowered:
0x8: {  	[smem:$0x3FA5] =	sst s0  }
0x9: {  	[smem:$0x3FA6] =	sst s1  }
0xa: {  	[smem:$0x3FA7] =	sst s2  }
0xb: {  	[smem:$0x3FA8] =	sst s3  }
0xc: {  	[smem:$0x3FA9] =	sst s4  }
0xd: {  	[smem:$0x3FAA] =	sst s5  }
0xe: {  	[smem:$0x3FAB] =	sst s6  }
0xf: {  	[smem:$0x3FAC] =	sst s7  }
0x10: {  	[smem:$0x3FAD] =	sst s8  }
0x11: {  	[smem:$0x3FAE] =	sst s9;
	s0 =	simm.s32 @!p0 $0x0  }
0x12: {  	s1 =	sld [smem:$0x3F94];
	s0 =	simm.s32 @p0 $0x1  }
0x13: {  	[smem:$0x3FAF] =	sst s0;
	s0 =	simm.s32 @!p1 $0x0  }
0x14: {  	s2 =	sld [smem:$0x3F93];
	s0 =	simm.s32 @p1 $0x1  }
0x15: {  	[smem:$0x3FB0] =	sst s0;
	s0 =	simm.s32 @!p2 $0x0  }
0x16: {  	s3 =	sld [smem:$0x3FDB];
	s0 =	simm.s32 @p2 $0x1  }
0x17: {  	s4 =	simm.s32 $0x1BF5;
	[smem:$0x3FB2] =	sst s0  }
0x18: {  	s0 =	sld [smem:$0x3F95];
	_ =	swait.ge [sflag:s4], $0x0  }
0x19: {  	s7 =	sld [smem:$0x3F96]  }
0x1a: {  	s8 =	sadd.s32 $0xFFFFE003, lr  }
0x1b: {  	s9 =	sadd.s32 $0xFFFFFEF7, lr;
	s5 =	simm.s32 $0xFFFFFFFF;
	p2 =	slt.u32 s8, $0xFFFFF086  }
0x1c: {  	p1 =	slt.u32 s9, $0xF7A;
	s5 =	simm.s32 @!p2 $0x0  }
0x1d: {  	s5 =	simm.s32 @p1 $0x1;
	p0 =	seq.s32 s7, s2  }
0x1e: {  	s7 =	smul.u32 @!p0 $0xF7A, s2;
	p2 =	seq.s32 @!p0 s5, $0x0  }
0x1f: {  	s9 =	smul.u32 $0xF7A, s1;
	s8 =	simm.s32 @!p0 $0x1BF5;
	p2 =	por !p2, p0  }
0x20: {  	[sflag:s8] =	ssyncset.s32 @!p0 $0xFFFFF086;
	s6 =	sadd.s32 @!p0 s3, s7;
	s7 =	simm.s32 @!p0 $0x108  }
0x21: {  	s3 =	sadd.s32 s3, s9;
	s6 =	sadd.s32 @!p0 $0x88, s6;
	s7 =	simm.s32 @p2 $0x1082  }
0x22: {  	[simem:s7], [sflag:s8] =	dma.local @!p0 [hbm:s6], $0xF7A  }
0x23: {  	s9 =	sor.u32 $0xD0000000, s2;
	s6 =	simm.s32 $0x108;
	_ =	swait.ge @!p0 [sflag:s8], $0x0  }
0x24: {  	s3 =	sadd.s32 $0x88, s3;
	s6 =	simm.s32 @!p1 $0x1082;
	[sflag:s4] =	ssyncset.s32 $0xFFFFF086  }
0x25: {  	[simem:s6], [sflag:s4] =	dma.local [hbm:s3], $0xF7A  }
0x26: {  	[smem:$0x3F96] =	sst s1;
	(tag) =	ssettag s2;
	_ =	strace s9  }
0x27: {  	s1 =	sld [smem:$0x3FA6]  }
0x28: {  	s2 =	sld [smem:$0x3FA7]  }
0x29: {  	s4 =	sld [smem:$0x3FA9]  }
0x2a: {  	p0 =	seq.s32 s5, $0x0;
	s5 =	sld [smem:$0x3FAA]  }
0x2b: {  	s6 =	sld [smem:$0x3FAB]  }
0x2c: {  	s7 =	sld [smem:$0x3FAC]  }
0x2d: {  	s3 =	simm.s32 $0x108;
	s8 =	sld [smem:$0x3FAD]  }
0x2e: {  	s3 =	simm.s32 @!p0 $0x1082;
	s9 =	sld [smem:$0x3FAE]  }
0x2f: {  	lr =	sadd.s32 s0, s3;
	s0 =	sld [smem:$0x3FA5]  }
0x30: {  	s3 =	sld [smem:$0x3FA8]  }
0x31: {  	[smem:$0x3FB1] =	sst s10  }
0x32: {  	s10 =	sld [smem:$0x3FAF];
	_ =	sdelay $0x3  }
0x33: {  	p0 =	seq.s32 s10, $0x1;
	s10 =	sld [smem:$0x3FB1];
	_ =	sdelay $0x3  }
0x34: {  	[smem:$0x3FB1] =	sst s10  }
0x35: {  	s10 =	sld [smem:$0x3FB0];
	_ =	sdelay $0x3  }
0x36: {  	p1 =	seq.s32 s10, $0x1;
	s10 =	sld [smem:$0x3FB1];
	_ =	sdelay $0x3  }
0x37: {  	[smem:$0x3FB1] =	sst s10  }
0x38: {  	s10 =	sld [smem:$0x3FB2]  }
0x39: {  	_ = 	snop;
	(pc) =	sbr.ind lr, $3  }
0x3a: {  	_ = 	snop  }
0x3b: {  	_ = 	snop  }
0x3c: {  	p2 =	seq.s32 s10, $0x1;
	s10 =	sld [smem:$0x3FB1]  }
0x3d: {  	_ =	shalt  }
0x3e: {  	_ =	shalt  }
0x3f: {  	_ =	shalt  }
0x40: {  	_ =	shalt  }
0x41: {  	_ =	shalt  }
0x42: {  	_ =	shalt  }
0x43: {  	_ =	shalt  }
0x44: {  	_ =	shalt  }
0x45: {  	_ =	shalt  }
0x46: {  	_ =	shalt  }
0x47: {  	_ =	shalt  }
0x48: {  	_ =	shalt  }
0x49: {  	_ =	shalt  }
0x4a: {  	_ =	shalt  }
0x4b: {  	_ =	shalt  }
0x4c: {  	_ =	shalt  }
0x4d: {  	_ =	shalt  }
0x4e: {  	_ =	shalt  }
0x4f: {  	_ =	shalt  }
0x50: {  	_ =	shalt  }
0x51: {  	_ =	shalt  }
0x52: {  	_ =	shalt  }
0x53: {  	_ =	shalt  }
0x54: {  	_ =	shalt  }
0x55: {  	_ =	shalt  }
0x56: {  	_ =	shalt  }
0x57: {  	_ =	shalt  }
0x58: {  	_ =	shalt  }
0x59: {  	_ =	shalt  }
0x5a: {  	_ =	shalt  }
0x5b: {  	_ =	shalt  }
0x5c: {  	_ =	shalt  }
0x5d: {  	_ =	shalt  }
0x5e: {  	_ =	shalt  }
0x5f: {  	_ =	shalt  }
0x60: {  	_ =	shalt  }
0x61: {  	_ =	shalt  }
0x62: {  	_ =	shalt  }
0x63: {  	_ =	shalt  }
0x64: {  	_ =	shalt  }
0x65: {  	_ =	shalt  }
0x66: {  	_ =	shalt  }
0x67: {  	_ =	shalt  }
0x68: {  	_ =	shalt  }
0x69: {  	_ =	shalt  }
0x6a: {  	_ =	shalt  }
0x6b: {  	_ =	shalt  }
0x6c: {  	_ =	shalt  }
0x6d: {  	_ =	shalt  }
0x6e: {  	_ =	shalt  }
0x6f: {  	_ =	shalt  }
0x70: {  	_ =	shalt  }
0x71: {  	_ =	shalt  }
0x72: {  	_ =	shalt  }
0x73: {  	_ =	shalt  }
0x74: {  	_ =	shalt  }
0x75: {  	_ =	shalt  }
0x76: {  	_ =	shalt  }
0x77: {  	_ =	shalt  }
0x78: {  	_ =	shalt  }
0x79: {  	_ =	shalt  }
0x7a: {  	_ =	shalt  }
0x7b: {  	_ =	shalt  }
0x7c: {  	_ =	shalt  }
0x7d: {  	_ =	shalt  }
0x7e: {  	_ =	shalt  }
0x7f: {  	_ =	shalt  }
0x80: {  	_ =	shalt  }
0x81: {  	_ =	shalt  }
0x82: {  	_ =	shalt  }
0x83: {  	_ =	shalt  }
0x84: {  	_ =	shalt  }
0x85: {  	_ =	shalt  }
0x86: {  	_ =	shalt  }
0x87: {  	_ =	shalt  }
.Lfunc_end0:
.L_simem_size_0:
called_computation.2_lowered:
.L_overlay_start_0:
0x88: {  	s2 =	sld [smem:$0x3FD9]  }
0x89: {  	s3 =	sld [smem:$0x3FFE];
	_ =	sdelay $0x1  }
0x8a: {  	s1 =	srdreg.scid  }
0x8b: {  	s0 =	sand.u32 $0x1, s1  }
0x8c: {  	s16 =	sshll.u32 s0, $0xA;
	s2 =	sadd.s32 s3, s2  }
0x8d: {  	s2 =	sadd.s32 s2, s16  }
0x8e: {  	[smem:$0x3FBD] =	sst s2  }
0x8f: {  	_ = 	snop  }
0x90: {  	(tm) =	ssettm $0x1  }
0x91: {  	s17 =	sld [smem:$0x3FFB];
	_ =	sdelay $0x3  }
0x92: {  	_ =	strace s17  }
0x93: {  	s2 =	sld [smem:$0x3FFC];
	_ =	sdelay $0x3  }
0x94: {  	_ =	strace s2  }
0x95: {  	s2 =	sld [smem:$0x3FFD];
	_ =	sdelay $0x3  }
0x96: {  	_ =	strace s2  }
0x97: {  	_ =	strace $0x8FFFFFFF  }
0x98: {  	s18 =	sld [smem:$0x3FDB];
	_ =	sdelay $0x1  }
0x99: {  	s19 =	simm.s32 $_scs_section_size  }
0x9a: {  	s4 =	simm.s32 $_size__tile_overlayer_lowered;
	s5 =	simm.s32 $_tile_overlayer_lowered  }
0x9b: {  	s22 =	simm.s32 $0x1BFF;
	s21 =	sshll.u32 s5, $0x1;
	s2 =	sadd.s32 s19, s18  }
0x9c: {  	s6 =	simm.s32 $0x0;
	s20 =	sshll.u32 s4, $0x1;
	s4 =	sadd.s32 s21, s2  }
0x9d: {  	[timem:s6], [sflag:s22] =	dma.local [hbm:s4], s20  }
0x9e: {  	_ =	swait.ge [sflag:s22], s20  }
0x9f: {  	s3 =	ssub.s32 $0x0, s20;
	[sflag:s22] =	ssyncset.done $0x0  }
0xa0: {  	[sflag:s22] =	ssyncadd.s32 s3;
	_ =	sdelay $0x1  }
0xa1: {  	s23 =	simm.s32 $0x1B8B  }
0xa2: {  	_ =	swait.ge [sflag:s23], $0x1  }
0xa3: {  	[sflag:s23] =	ssyncset.done $0x0  }
0xa4: {  	s25 =	simm.s32 $0x1B8E;
	s24 =	sld [smem:$0x3FFE];
	[sflag:s23] =	ssyncadd.s32 $0xFFFFFFFF  }
0xa5: {  	s26 =	simm.s32 $execute0_lowered;
	[smem:$0x3FD2] =	sst s25  }
0xa6: {  	s4 =	sshll.u32 s26, $0x1;
	_ =	strace $0x8000004F;
	[dreg:$0x1] =	wrdreg $0xFFFFFFFF  }
0xa7: {  	s28 =	simm.s32 $_size_execute0_lowered;
	s2 =	sadd.s32 s2, s4;
	[dreg:$0x0] =	wrdreg $0x0  }
0xa8: {  	s4 =	sshll.u32 s28, $0x1;
	[dreg:$0x2] =	wrdreg s2  }
0xa9: {  	[dreg:$0x3] =	wrdreg s4  }
0xaa: {  	[dreg:$0x4] =	wrdreg $0xC0  }
0xab: {  	_ =	task [dreg:s6], $0x5FFFF  }
0xac: {  	[dreg:$0x1] =	wrdreg $0xFFFFFFFF  }
0xad: {  	[dreg:$0x0] =	wrdreg $0x60  }
0xae: {  	[dreg:$0x2] =	wrdreg s24  }
0xaf: {  	[dreg:$0x3] =	wrdreg $0xA8000  }
0xb0: {  	[dreg:$0x4] =	wrdreg $0x9  }
0xb1: {  	_ =	task.clear_ibuf [dreg:s6], $0x5FFFF;
	_ =	strace $0x9000004F  }
0xb2: {  	s29 =	simm.s32 $0x9;
	_ =	strace $0x80000054  }
0xb3: {  	_ =	swait.ge [sflag:s29], $0x1  }
0xb4: {  	[sflag:s29] =	ssyncadd.s32 $0xFFFFFFFF  }
0xb5: {  	_ =	strace $0x90000054  }
0xb6: {  	_ =	sfence  }
0xb7: {  	s30 =	sld [smem:$0x0];
	_ =	sdelay $0x2  }
0xb8: {  	s31 =	sshll.u32 s1, $0xD;
	s1 =	sshrl.u32 s1, $0x2  }
0xb9: {  	s3 =	sand.u32 $0x4000, s31;
	s1 =	sadd.s32 s1, s30  }
0xba: {  	s0 =	sor.u32 s3, s0;
	s1 =	sshll.u32 s1, $0x11  }
0xbb: {  	s0 =	sor.u32 s1, s0  }
0xbc: {  	s0 =	sadd.s32 $0x8F2B, s0  }
0xbd: {  	[sflag:s0] =	ssyncadd.remote.s32 $0x1  }
0xbe: {  	_ =	sfence.sel $0xFFFF  }
0xbf: {  	[dreg:$0x0] =	wrdreg $0xFFFFFFFF;
	(pc) =	sbr.abs _section_cstart, $3  }
0xc0: {  	[dreg:$0x1] =	wrdreg $0xFFFFFFFF  }
0xc1: {  	_ =	task.clear_ibuf [dreg:s6], $0x2FFFF;
	_ =	strace $0x9FFFFFFF  }
0xc2: {  	(tm) =	ssettm $0x7FFFFFFF  }
0xc3: {  	_ =	shalt  }
tec
execute0_lowered:
.L_overlay_start_1:
0x0: {  	(tag) =	ssettag $0x1  }
0x1: {  	s5 =	rddreg [dreg:$0x0]  }
0x2: {  	s1 =	rddreg [dreg:$0x1];
	s2 =	srdreg.scid;
	s3 =	simm.s32 $0x0  }
0x3: {  	s21 =	simm.s32 $0x3;
	s22 =	simm.s32 $0x1400;
	s23 =	simm.s32 $0x80  }
0x4: {  	s24 =	simm.s32 $0x6800;
	s28 =	simm.s32 $0x2700;
	s29 =	simm.s32 $0x2780  }
0x5: {  	s10 =	sand.u32 $0x1, s2;
	s2 =	stileid.u32;
	[smem:$0x7FF] =	sst s3  }
0x6: {  	s4 =	sadd.s32 $0x17E00, s5;
	s12 =	sadd.s32 $0x12E00, s5;
	s6 =	smul.u32 $0x140000, s10  }
0x7: {  	s13 =	sadd.s32 $0xDE00, s5;
	s16 =	sadd.s32 $0x8E00, s5;
	s7 =	smul.u32 $0x14000, s2  }
0x8: {  	s17 =	sadd.s32 $0x3E00, s5;
	_ =	strace $0x80000050;
	s25 =	smul.u32 $0x50000, s2  }
0x9: {  	s26 =	ssub.s32 $0x2, s10;
	s11 =	smul.u32 $0x2800, s2;
	p0 =	seq.s32 s10, $0x1  }
0xa: {  	s31 =	sshrl.u32 s26, $0x1;
	s6 =	sadd.s32 s7, s6;
	s30 =	sshrl.u32 s25, $0x2  }
0xb: {  	s19 =	ssub.s32 s26, s31;
	s15 =	sshrl.u32 s11, $0x3;
	s25 =	simm.s32 $0x1  }
0xc: {  	s26 =	simm.s32 $0x2;
	s6 =	sshrl.u32 s6, $0x3;
	s10 =	sadd.s32 s12, s15  }
0xd: {  	s20 =	sadd.s32 $0x280, s15;
	s11 =	sadd.s32 s13, s15;
	s14 =	sadd.s32 s16, s15  }
.Ltmp0:
0xe: {  	s15 =	sadd.s32 s17, s15;
	s19 =	smax.u32 s19, $0x1;
	(pc) =	sbr.rel .LBB2_1-.Ltmp0, $4  }
0xf: {  	s18 =	sadd.s32 s6, s5;
	s5 =	sadd.s32 s30, s1;
	s12 =	sadd.s32 s12, s20  }
0x10: {  	s13 =	sadd.s32 s13, s20;
	s16 =	sadd.s32 s16, s20;
	s17 =	sadd.s32 s17, s20  }
0x11: {  	s20 =	simm.s32 $0x2800;
	s6 =	sadd.s32 $0x4000, s5;
	s7 =	sadd.s32 $0x8000, s5  }
0x12: {  	v0 =	vimm.f32 $0.0e+00;
	s8 =	sadd.s32 $0xC000, s5;
	s9 =	sadd.s32 $0x10000, s5;
	s18 =	sadd.s32 $0x3F000, s18  }
.LBB2_8:
0x13: {  	[tilespmem:s24], [sflag:$0x2] =	stream.indirect.gather [hbm4b:s4+s23], $0x80, s31, s23, $0x2000b8;
	[tilespmem:$0x1E800] =	vst v63  }
.LBB2_14:
0x14: {  	_ =	swait.ge [sflag:s25], $0x4000  }
0x15: {  	[sflag:s25] =	ssyncset.done $0x0  }
0x16: {  	[sflag:s25] =	ssyncadd.s32 $0xFFFFC000  }
0x17: {  	[spmem:s1] =	stream.indirect.scatter.add.f32 [tilespmem:s20], [sflag:$0x3], $0x80, s28, s23, $0x2000b8;
	[tilespmem:$0x1E800] =	vst v63  }
0x18: {  	_ =	swait.ge [sflag:s21], $0x4000  }
0x19: {  	[sflag:s21] =	ssyncset.done $0x0  }
0x1a: {  	[sflag:s21] =	ssyncadd.s32 $0xFFFFC000  }
0x1b: {  	_ =	swait.ge [sflag:s26], $0x4000  }
0x1c: {  	[sflag:s26] =	ssyncset.done $0x0  }
0x1d: {  	[sflag:s26] =	ssyncadd.s32 $0xFFFFC000  }
0x1e: {  	[spmem:s1] =	stream.indirect.scatter.add.f32 [tilespmem:s24], [sflag:$0x3], $0x80, s29, s23, $0x2000b8;
	[tilespmem:$0x1E800] =	vst v63  }
0x1f: {  	_ =	swait.ge [sflag:s21], $0x4000  }
0x20: {  	[sflag:s21] =	ssyncset.done $0x0  }
0x21: {  	[sflag:s21] =	ssyncadd.s32 $0xFFFFC000  }
0x22: {  	s0 =	sshll.u32 s2, $0x6;
	_ =	strace $0x90000052  }
0x23: {  	s30 =	sshrl.u32 s5, $0x3;
	s3 =	sadd.s32 $0x1, s3;
	[bflag:$0x0] =	sbarrier.arrive $0xFFFF  }
0x24: {  	s0 =	sor.u32 $0x1C03, s0;
	p1 =	sne.s32 s3, s19;
	_ =	strace $0x80000053  }
0x25: {  	[hbm:s18], [sflag:s0] =	dma.local [spmem:s30], $0x2800  }
.Ltmp1:
0x26: {  	_ = 	snop;
	(pc) =	sbr.rel @!p1 .LBB2_15-.Ltmp1, $4  }
0x27: {  	_ =	swait.ge [sflag:s21], $0x2800  }
0x28: {  	[sflag:s21] =	ssyncset.done $0x0  }
0x29: {  	[sflag:s21] =	ssyncadd.s32 $0xFFFFD800  }
0x2a: {  	_ =	strace $0x90000053  }
.LBB2_1:
0x2b: {  	_ =	strace $0x80000051;
	s30 =	simm.s32 $0x0;
	s31 =	simm.s32 $0x200  }
.LBB2_2:
0x2c: {  	p1 =	sne.s32 s31, $0xFE00;
	[tilespmem:s30+$0x2870] =	vst v0  }
0x2d: {  	[tilespmem:s30+$0x2800] =	vst v0  }
0x2e: {  	[tilespmem:s30+$0x2810] =	vst v0  }
.Ltmp2:
0x2f: {  	[tilespmem:s30+$0x2820] =	vst v0;
	(pc) =	sbr.rel @p1 .LBB2_2-.Ltmp2, $4  }
0x30: {  	[tilespmem:s30+$0x2830] =	vst v0  }
0x31: {  	[tilespmem:s30+$0x2840] =	vst v0  }
0x32: {  	[tilespmem:s30+$0x2850] =	vst v0  }
0x33: {  	[tilespmem:s30+$0x2860] =	vst v0;
	s30 =	sshra.s32 s31, $0x2;
	s31 =	sadd.s32 $0x200, s31  }
0x34: {  	[tilespmem:s30+$0x2870] =	vst v0  }
0x35: {  	[tilespmem:s30+$0x2800] =	vst v0  }
0x36: {  	[tilespmem:s30+$0x2810] =	vst v0  }
0x37: {  	[tilespmem:s30+$0x2820] =	vst v0  }
0x38: {  	[tilespmem:s30+$0x2830] =	vst v0  }
0x39: {  	[tilespmem:s30+$0x2840] =	vst v0  }
0x3a: {  	[tilespmem:s30+$0x2850] =	vst v0  }
0x3b: {  	[tilespmem:s30+$0x2860] =	vst v0  }
0x3c: {  	[spmem:s5] =	stream.linear.scatter [tilespmem:s20], [sflag:$0x3], $0x4000, $0x200038;
	[tilespmem:$0x1E800] =	vst v63  }
0x3d: {  	_ =	swait.ge [sflag:s21], $0x4000  }
0x3e: {  	[sflag:s21] =	ssyncset.done $0x0  }
0x3f: {  	[sflag:s21] =	ssyncadd.s32 $0xFFFFC000  }
0x40: {  	[spmem:s6] =	stream.linear.scatter [tilespmem:s20], [sflag:$0x3], $0x4000, $0x200038;
	[tilespmem:$0x1E800] =	vst v63  }
0x41: {  	_ =	swait.ge [sflag:s21], $0x4000  }
0x42: {  	[sflag:s21] =	ssyncset.done $0x0  }
0x43: {  	[sflag:s21] =	ssyncadd.s32 $0xFFFFC000  }
0x44: {  	[spmem:s7] =	stream.linear.scatter [tilespmem:s20], [sflag:$0x3], $0x4000, $0x200038;
	[tilespmem:$0x1E800] =	vst v63  }
0x45: {  	_ =	swait.ge [sflag:s21], $0x4000  }
0x46: {  	[sflag:s21] =	ssyncset.done $0x0  }
0x47: {  	[sflag:s21] =	ssyncadd.s32 $0xFFFFC000  }
0x48: {  	[spmem:s8] =	stream.linear.scatter [tilespmem:s20], [sflag:$0x3], $0x4000, $0x200038;
	[tilespmem:$0x1E800] =	vst v63  }
0x49: {  	_ =	swait.ge [sflag:s21], $0x4000  }
0x4a: {  	[sflag:s21] =	ssyncset.done $0x0  }
0x4b: {  	[sflag:s21] =	ssyncadd.s32 $0xFFFFC000  }
0x4c: {  	[spmem:s9] =	stream.linear.scatter [tilespmem:s20], [sflag:$0x3], $0x4000, $0x200038;
	[tilespmem:$0x1E800] =	vst v63  }
0x4d: {  	_ =	swait.ge [sflag:s21], $0x4000  }
.Ltmp3:
0x4e: {  	[sflag:s21] =	ssyncset.done $0x0;
	(pc) =	sbr.rel @!p0 .LBB2_4-.Ltmp3, $4  }
0x4f: {  	[sflag:s21] =	ssyncadd.s32 $0xFFFFC000  }
0x50: {  	_ =	strace $0x90000051  }
0x51: {  	[bflag:$0x0] =	sbarrier.arrive $0xFFFF  }
0x52: {  	_ =	strace $0x80000052  }
0x53: {  	s0 =	simm.s32 $0x0  }
0x54: {  	[tilespmem:s0], [sflag:$0x3] =	stream.linear.gather [hbm4b:s14+s0], $0x1400, $0x200038;
	[tilespmem:$0x1E800] =	vst v63  }
0x55: {  	_ =	swait.ge [sflag:s21], $0x1400  }
0x56: {  	[sflag:s21] =	ssyncset.done $0x0  }
0x57: {  	[sflag:s21] =	ssyncadd.s32 $0xFFFFEC00  }
0x58: {  	[tilespmem:s22], [sflag:$0x3] =	stream.linear.gather [hbm4b:s15+s0], $0x1400, $0x200038;
	[tilespmem:$0x1E800] =	vst v63  }
0x59: {  	_ =	swait.ge [sflag:s21], $0x1400  }
0x5a: {  	[sflag:s21] =	ssyncset.done $0x0  }
0x5b: {  	[sflag:s21] =	ssyncadd.s32 $0xFFFFEC00  }
0x5c: {  	[tilespmem:s20], [sflag:$0x1] =	stream.indirect.gather [hbm4b:s4+s23], $0x80, s0, s23, $0x2000b8;
	[tilespmem:$0x1E800] =	vst v63  }
0x5d: {  	_ = 	snop  }
0x5e: {  	[tilespmem:s24], [sflag:$0x2] =	stream.indirect.gather [hbm4b:s4+s23], $0x80, s23, s23, $0x2000b8;
	[tilespmem:$0x1E800] =	vst v63  }
0x5f: {  	_ =	swait.ge [sflag:s25], $0x4000  }
0x60: {  	[sflag:s25] =	ssyncset.done $0x0  }
0x61: {  	s0 =	simm.s32 $0x1400;
	[sflag:s25] =	ssyncadd.s32 $0xFFFFC000  }
0x62: {  	[spmem:s1] =	stream.indirect.scatter.add.f32 [tilespmem:s20], [sflag:$0x3], $0x80, s0, s23, $0x2000b8;
	[tilespmem:$0x1E800] =	vst v63  }
0x63: {  	_ =	swait.ge [sflag:s21], $0x4000  }
0x64: {  	[sflag:s21] =	ssyncset.done $0x0  }
0x65: {  	s0 =	simm.s32 $0x100;
	[sflag:s21] =	ssyncadd.s32 $0xFFFFC000  }
0x66: {  	[tilespmem:s20], [sflag:$0x1] =	stream.indirect.gather [hbm4b:s4+s23], $0x80, s0, s23, $0x2000b8;
	[tilespmem:$0x1E800] =	vst v63  }
0x67: {  	_ =	swait.ge [sflag:s26], $0x4000  }
0x68: {  	[sflag:s26] =	ssyncset.done $0x0  }
0x69: {  	s0 =	simm.s32 $0x1480;
	[sflag:s26] =	ssyncadd.s32 $0xFFFFC000  }
0x6a: {  	[spmem:s1] =	stream.indirect.scatter.add.f32 [tilespmem:s24], [sflag:$0x3], $0x80, s0, s23, $0x2000b8;
	[tilespmem:$0x1E800] =	vst v63  }
0x6b: {  	_ =	swait.ge [sflag:s21], $0x4000  }
0x6c: {  	[sflag:s21] =	ssyncset.done $0x0  }
0x6d: {  	s30 =	simm.s32 $0x400;
	s31 =	simm.s32 $0x180;
	[sflag:s21] =	ssyncadd.s32 $0xFFFFC000  }
.LBB2_10:
0x6e: {  	[tilespmem:s24], [sflag:$0x2] =	stream.indirect.gather [hbm4b:s4+s23], $0x80, s31, s23, $0x2000b8;
	[tilespmem:$0x1E800] =	vst v63  }
0x6f: {  	s0 =	smov.u32 s30  }
0x70: {  	p1 =	sne.s32 s30, $0x4800;
	s30 =	sadd.s32 $0x400, s30;
	_ =	swait.ge [sflag:s25], $0x4000  }
0x71: {  	s0 =	sshra.s32 s0, $0x2;
	[sflag:s25] =	ssyncset.done $0x0  }
0x72: {  	s31 =	sadd.s32 $0x1400, s0;
	[sflag:s25] =	ssyncadd.s32 $0xFFFFC000  }
0x73: {  	[spmem:s1] =	stream.indirect.scatter.add.f32 [tilespmem:s20], [sflag:$0x3], $0x80, s31, s23, $0x2000b8;
	[tilespmem:$0x1E800] =	vst v63  }
0x74: {  	_ =	swait.ge [sflag:s21], $0x4000  }
0x75: {  	[sflag:s21] =	ssyncset.done $0x0  }
0x76: {  	s31 =	sadd.s32 $0x100, s0;
	[sflag:s21] =	ssyncadd.s32 $0xFFFFC000  }
0x77: {  	[tilespmem:s20], [sflag:$0x1] =	stream.indirect.gather [hbm4b:s4+s23], $0x80, s31, s23, $0x2000b8;
	[tilespmem:$0x1E800] =	vst v63  }
0x78: {  	_ =	swait.ge [sflag:s26], $0x4000  }
0x79: {  	[sflag:s26] =	ssyncset.done $0x0  }
.Ltmp4:
0x7a: {  	s31 =	sadd.s32 $0x1480, s0;
	[sflag:s26] =	ssyncadd.s32 $0xFFFFC000;
	(pc) =	sbr.rel @p1 .LBB2_10-.Ltmp4, $4  }
0x7b: {  	[spmem:s1] =	stream.indirect.scatter.add.f32 [tilespmem:s24], [sflag:$0x3], $0x80, s31, s23, $0x2000b8;
	[tilespmem:$0x1E800] =	vst v63  }
0x7c: {  	_ =	swait.ge [sflag:s21], $0x4000  }
0x7d: {  	[sflag:s21] =	ssyncset.done $0x0  }
0x7e: {  	s31 =	sadd.s32 $0x180, s0;
	[sflag:s21] =	ssyncadd.s32 $0xFFFFC000  }
0x7f: {  	[tilespmem:s24], [sflag:$0x2] =	stream.indirect.gather [hbm4b:s4+s23], $0x80, s31, s23, $0x2000b8;
	[tilespmem:$0x1E800] =	vst v63  }
0x80: {  	_ =	swait.ge [sflag:s25], $0x4000  }
0x81: {  	[sflag:s25] =	ssyncset.done $0x0  }
0x82: {  	[sflag:s25] =	ssyncadd.s32 $0xFFFFC000  }
0x83: {  	[spmem:s1] =	stream.indirect.scatter.add.f32 [tilespmem:s20], [sflag:$0x3], $0x80, s28, s23, $0x2000b8;
	[tilespmem:$0x1E800] =	vst v63  }
0x84: {  	_ =	swait.ge [sflag:s21], $0x4000  }
0x85: {  	[sflag:s21] =	ssyncset.done $0x0  }
0x86: {  	[sflag:s21] =	ssyncadd.s32 $0xFFFFC000  }
0x87: {  	_ =	swait.ge [sflag:s26], $0x4000  }
0x88: {  	[sflag:s26] =	ssyncset.done $0x0  }
0x89: {  	[sflag:s26] =	ssyncadd.s32 $0xFFFFC000  }
0x8a: {  	[spmem:s1] =	stream.indirect.scatter.add.f32 [tilespmem:s24], [sflag:$0x3], $0x80, s29, s23, $0x2000b8;
	[tilespmem:$0x1E800] =	vst v63  }
0x8b: {  	_ =	swait.ge [sflag:s21], $0x4000  }
0x8c: {  	[sflag:s21] =	ssyncset.done $0x0  }
0x8d: {  	s0 =	simm.s32 $0x0;
	[sflag:s21] =	ssyncadd.s32 $0xFFFFC000  }
0x8e: {  	[tilespmem:s0], [sflag:$0x3] =	stream.linear.gather [hbm4b:s16+s0], $0x1400, $0x200038;
	[tilespmem:$0x1E800] =	vst v63  }
0x8f: {  	_ =	swait.ge [sflag:s21], $0x1400  }
0x90: {  	[sflag:s21] =	ssyncset.done $0x0  }
0x91: {  	[sflag:s21] =	ssyncadd.s32 $0xFFFFEC00  }
0x92: {  	[tilespmem:s22], [sflag:$0x3] =	stream.linear.gather [hbm4b:s17+s0], $0x1400, $0x200038;
	[tilespmem:$0x1E800] =	vst v63  }
0x93: {  	_ =	swait.ge [sflag:s21], $0x1400  }
0x94: {  	[sflag:s21] =	ssyncset.done $0x0  }
0x95: {  	[sflag:s21] =	ssyncadd.s32 $0xFFFFEC00  }
0x96: {  	[tilespmem:s20], [sflag:$0x1] =	stream.indirect.gather [hbm4b:s4+s23], $0x80, s0, s23, $0x2000b8;
	[tilespmem:$0x1E800] =	vst v63  }
0x97: {  	_ = 	snop  }
0x98: {  	[tilespmem:s24], [sflag:$0x2] =	stream.indirect.gather [hbm4b:s4+s23], $0x80, s23, s23, $0x2000b8;
	[tilespmem:$0x1E800] =	vst v63  }
0x99: {  	_ =	swait.ge [sflag:s25], $0x4000  }
0x9a: {  	[sflag:s25] =	ssyncset.done $0x0  }
0x9b: {  	s0 =	simm.s32 $0x1400;
	[sflag:s25] =	ssyncadd.s32 $0xFFFFC000  }
0x9c: {  	[spmem:s1] =	stream.indirect.scatter.add.f32 [tilespmem:s20], [sflag:$0x3], $0x80, s0, s23, $0x2000b8;
	[tilespmem:$0x1E800] =	vst v63  }
0x9d: {  	_ =	swait.ge [sflag:s21], $0x4000  }
0x9e: {  	[sflag:s21] =	ssyncset.done $0x0  }
0x9f: {  	s0 =	simm.s32 $0x100;
	[sflag:s21] =	ssyncadd.s32 $0xFFFFC000  }
0xa0: {  	[tilespmem:s20], [sflag:$0x1] =	stream.indirect.gather [hbm4b:s4+s23], $0x80, s0, s23, $0x2000b8;
	[tilespmem:$0x1E800] =	vst v63  }
0xa1: {  	_ =	swait.ge [sflag:s26], $0x4000  }
0xa2: {  	[sflag:s26] =	ssyncset.done $0x0  }
0xa3: {  	s0 =	simm.s32 $0x1480;
	[sflag:s26] =	ssyncadd.s32 $0xFFFFC000  }
0xa4: {  	[spmem:s1] =	stream.indirect.scatter.add.f32 [tilespmem:s24], [sflag:$0x3], $0x80, s0, s23, $0x2000b8;
	[tilespmem:$0x1E800] =	vst v63  }
0xa5: {  	_ =	swait.ge [sflag:s21], $0x4000  }
0xa6: {  	[sflag:s21] =	ssyncset.done $0x0  }
0xa7: {  	s30 =	simm.s32 $0x400;
	s31 =	simm.s32 $0x180;
	[sflag:s21] =	ssyncadd.s32 $0xFFFFC000  }
.LBB2_12:
0xa8: {  	[tilespmem:s24], [sflag:$0x2] =	stream.indirect.gather [hbm4b:s4+s23], $0x80, s31, s23, $0x2000b8;
	[tilespmem:$0x1E800] =	vst v63  }
0xa9: {  	s0 =	smov.u32 s30  }
0xaa: {  	p1 =	sne.s32 s30, $0x4800;
	s30 =	sadd.s32 $0x400, s30;
	_ =	swait.ge [sflag:s25], $0x4000  }
0xab: {  	s0 =	sshra.s32 s0, $0x2;
	[sflag:s25] =	ssyncset.done $0x0  }
0xac: {  	s31 =	sadd.s32 $0x1400, s0;
	[sflag:s25] =	ssyncadd.s32 $0xFFFFC000  }
0xad: {  	[spmem:s1] =	stream.indirect.scatter.add.f32 [tilespmem:s20], [sflag:$0x3], $0x80, s31, s23, $0x2000b8;
	[tilespmem:$0x1E800] =	vst v63  }
0xae: {  	_ =	swait.ge [sflag:s21], $0x4000  }
0xaf: {  	[sflag:s21] =	ssyncset.done $0x0  }
0xb0: {  	s31 =	sadd.s32 $0x100, s0;
	[sflag:s21] =	ssyncadd.s32 $0xFFFFC000  }
0xb1: {  	[tilespmem:s20], [sflag:$0x1] =	stream.indirect.gather [hbm4b:s4+s23], $0x80, s31, s23, $0x2000b8;
	[tilespmem:$0x1E800] =	vst v63  }
0xb2: {  	_ =	swait.ge [sflag:s26], $0x4000  }
0xb3: {  	[sflag:s26] =	ssyncset.done $0x0  }
.Ltmp5:
0xb4: {  	s31 =	sadd.s32 $0x1480, s0;
	[sflag:s26] =	ssyncadd.s32 $0xFFFFC000;
	(pc) =	sbr.rel @p1 .LBB2_12-.Ltmp5, $4  }
0xb5: {  	[spmem:s1] =	stream.indirect.scatter.add.f32 [tilespmem:s24], [sflag:$0x3], $0x80, s31, s23, $0x2000b8;
	[tilespmem:$0x1E800] =	vst v63  }
0xb6: {  	_ =	swait.ge [sflag:s21], $0x4000  }
0xb7: {  	[sflag:s21] =	ssyncset.done $0x0  }
0xb8: {  	s31 =	sadd.s32 $0x180, s0;
	[sflag:s21] =	ssyncadd.s32 $0xFFFFC000  }
.Ltmp6:
0xb9: {  	(pc) =	sbr.rel .LBB2_14-.Ltmp6, $2  }
0xba: {  	_ =	sdelay $0x2  }
0xbb: {  	[tilespmem:s24], [sflag:$0x2] =	stream.indirect.gather [hbm4b:s4+s23], $0x80, s31, s23, $0x2000b8;
	[tilespmem:$0x1E800] =	vst v63  }
.LBB2_4:
0xbc: {  	s30 =	simm.s32 $0x0  }
0xbd: {  	[tilespmem:s30], [sflag:$0x3] =	stream.linear.gather [hbm4b:s10+s30], $0x1400, $0x200038;
	[tilespmem:$0x1E800] =	vst v63  }
0xbe: {  	_ =	swait.ge [sflag:s21], $0x1400  }
0xbf: {  	[sflag:s21] =	ssyncset.done $0x0  }
0xc0: {  	[sflag:s21] =	ssyncadd.s32 $0xFFFFEC00  }
0xc1: {  	[tilespmem:s22], [sflag:$0x3] =	stream.linear.gather [hbm4b:s11+s30], $0x1400, $0x200038;
	[tilespmem:$0x1E800] =	vst v63  }
0xc2: {  	_ =	swait.ge [sflag:s21], $0x1400  }
0xc3: {  	[sflag:s21] =	ssyncset.done $0x0  }
0xc4: {  	[sflag:s21] =	ssyncadd.s32 $0xFFFFEC00  }
0xc5: {  	[tilespmem:s20], [sflag:$0x1] =	stream.indirect.gather [hbm4b:s4+s23], $0x80, s30, s23, $0x2000b8;
	[tilespmem:$0x1E800] =	vst v63  }
0xc6: {  	_ = 	snop  }
0xc7: {  	[tilespmem:s24], [sflag:$0x2] =	stream.indirect.gather [hbm4b:s4+s23], $0x80, s23, s23, $0x2000b8;
	[tilespmem:$0x1E800] =	vst v63  }
0xc8: {  	_ =	swait.ge [sflag:s25], $0x4000  }
0xc9: {  	[sflag:s25] =	ssyncset.done $0x0  }
0xca: {  	s30 =	simm.s32 $0x1400;
	[sflag:s25] =	ssyncadd.s32 $0xFFFFC000  }
0xcb: {  	[spmem:s1] =	stream.indirect.scatter.add.f32 [tilespmem:s20], [sflag:$0x3], $0x80, s30, s23, $0x2000b8;
	[tilespmem:$0x1E800] =	vst v63  }
0xcc: {  	_ =	swait.ge [sflag:s21], $0x4000  }
0xcd: {  	[sflag:s21] =	ssyncset.done $0x0  }
0xce: {  	s30 =	simm.s32 $0x100;
	[sflag:s21] =	ssyncadd.s32 $0xFFFFC000  }
0xcf: {  	[tilespmem:s20], [sflag:$0x1] =	stream.indirect.gather [hbm4b:s4+s23], $0x80, s30, s23, $0x2000b8;
	[tilespmem:$0x1E800] =	vst v63  }
0xd0: {  	_ =	swait.ge [sflag:s26], $0x4000  }
0xd1: {  	[sflag:s26] =	ssyncset.done $0x0  }
0xd2: {  	s30 =	simm.s32 $0x1480;
	[sflag:s26] =	ssyncadd.s32 $0xFFFFC000  }
0xd3: {  	[spmem:s1] =	stream.indirect.scatter.add.f32 [tilespmem:s24], [sflag:$0x3], $0x80, s30, s23, $0x2000b8;
	[tilespmem:$0x1E800] =	vst v63  }
0xd4: {  	_ =	swait.ge [sflag:s21], $0x4000  }
0xd5: {  	[sflag:s21] =	ssyncset.done $0x0  }
0xd6: {  	s31 =	simm.s32 $0x180;
	s30 =	simm.s32 $0x400;
	[sflag:s21] =	ssyncadd.s32 $0xFFFFC000  }
.LBB2_5:
0xd7: {  	[tilespmem:s24], [sflag:$0x2] =	stream.indirect.gather [hbm4b:s4+s23], $0x80, s31, s23, $0x2000b8;
	[tilespmem:$0x1E800] =	vst v63  }
0xd8: {  	s31 =	smov.u32 s30  }
0xd9: {  	p1 =	sne.s32 s30, $0x4800;
	s30 =	sadd.s32 $0x400, s30;
	_ =	swait.ge [sflag:s25], $0x4000  }
0xda: {  	s31 =	sshra.s32 s31, $0x2;
	[sflag:s25] =	ssyncset.done $0x0  }
0xdb: {  	s0 =	sadd.s32 $0x1400, s31;
	[sflag:s25] =	ssyncadd.s32 $0xFFFFC000  }
0xdc: {  	[spmem:s1] =	stream.indirect.scatter.add.f32 [tilespmem:s20], [sflag:$0x3], $0x80, s0, s23, $0x2000b8;
	[tilespmem:$0x1E800] =	vst v63  }
0xdd: {  	_ =	swait.ge [sflag:s21], $0x4000  }
0xde: {  	[sflag:s21] =	ssyncset.done $0x0  }
0xdf: {  	s0 =	sadd.s32 $0x100, s31;
	[sflag:s21] =	ssyncadd.s32 $0xFFFFC000  }
0xe0: {  	[tilespmem:s20], [sflag:$0x1] =	stream.indirect.gather [hbm4b:s4+s23], $0x80, s0, s23, $0x2000b8;
	[tilespmem:$0x1E800] =	vst v63  }
0xe1: {  	_ =	swait.ge [sflag:s26], $0x4000  }
0xe2: {  	[sflag:s26] =	ssyncset.done $0x0  }
.Ltmp7:
0xe3: {  	s0 =	sadd.s32 $0x1480, s31;
	[sflag:s26] =	ssyncadd.s32 $0xFFFFC000;
	(pc) =	sbr.rel @p1 .LBB2_5-.Ltmp7, $4  }
0xe4: {  	[spmem:s1] =	stream.indirect.scatter.add.f32 [tilespmem:s24], [sflag:$0x3], $0x80, s0, s23, $0x2000b8;
	[tilespmem:$0x1E800] =	vst v63  }
0xe5: {  	_ =	swait.ge [sflag:s21], $0x4000  }
0xe6: {  	[sflag:s21] =	ssyncset.done $0x0  }
0xe7: {  	s31 =	sadd.s32 $0x180, s31;
	[sflag:s21] =	ssyncadd.s32 $0xFFFFC000  }
0xe8: {  	[tilespmem:s24], [sflag:$0x2] =	stream.indirect.gather [hbm4b:s4+s23], $0x80, s31, s23, $0x2000b8;
	[tilespmem:$0x1E800] =	vst v63  }
0xe9: {  	_ =	swait.ge [sflag:s25], $0x4000  }
0xea: {  	[sflag:s25] =	ssyncset.done $0x0  }
0xeb: {  	[sflag:s25] =	ssyncadd.s32 $0xFFFFC000  }
0xec: {  	[spmem:s1] =	stream.indirect.scatter.add.f32 [tilespmem:s20], [sflag:$0x3], $0x80, s28, s23, $0x2000b8;
	[tilespmem:$0x1E800] =	vst v63  }
0xed: {  	_ =	swait.ge [sflag:s21], $0x4000  }
0xee: {  	[sflag:s21] =	ssyncset.done $0x0  }
0xef: {  	[sflag:s21] =	ssyncadd.s32 $0xFFFFC000  }
0xf0: {  	_ =	swait.ge [sflag:s26], $0x4000  }
0xf1: {  	[sflag:s26] =	ssyncset.done $0x0  }
0xf2: {  	[sflag:s26] =	ssyncadd.s32 $0xFFFFC000  }
0xf3: {  	[spmem:s1] =	stream.indirect.scatter.add.f32 [tilespmem:s24], [sflag:$0x3], $0x80, s29, s23, $0x2000b8;
	[tilespmem:$0x1E800] =	vst v63  }
0xf4: {  	_ =	swait.ge [sflag:s21], $0x4000  }
0xf5: {  	[sflag:s21] =	ssyncset.done $0x0  }
0xf6: {  	s0 =	simm.s32 $0x0;
	[sflag:s21] =	ssyncadd.s32 $0xFFFFC000  }
0xf7: {  	[tilespmem:s0], [sflag:$0x3] =	stream.linear.gather [hbm4b:s12+s0], $0x1400, $0x200038;
	[tilespmem:$0x1E800] =	vst v63  }
0xf8: {  	_ =	swait.ge [sflag:s21], $0x1400  }
0xf9: {  	[sflag:s21] =	ssyncset.done $0x0  }
0xfa: {  	[sflag:s21] =	ssyncadd.s32 $0xFFFFEC00  }
0xfb: {  	[tilespmem:s22], [sflag:$0x3] =	stream.linear.gather [hbm4b:s13+s0], $0x1400, $0x200038;
	[tilespmem:$0x1E800] =	vst v63  }
0xfc: {  	_ =	swait.ge [sflag:s21], $0x1400  }
0xfd: {  	[sflag:s21] =	ssyncset.done $0x0  }
0xfe: {  	[sflag:s21] =	ssyncadd.s32 $0xFFFFEC00  }
0xff: {  	[tilespmem:s20], [sflag:$0x1] =	stream.indirect.gather [hbm4b:s4+s23], $0x80, s0, s23, $0x2000b8;
	[tilespmem:$0x1E800] =	vst v63  }
0x100: {  	_ = 	snop  }
0x101: {  	[tilespmem:s24], [sflag:$0x2] =	stream.indirect.gather [hbm4b:s4+s23], $0x80, s23, s23, $0x2000b8;
	[tilespmem:$0x1E800] =	vst v63  }
0x102: {  	_ =	swait.ge [sflag:s25], $0x4000  }
0x103: {  	[sflag:s25] =	ssyncset.done $0x0  }
0x104: {  	s0 =	simm.s32 $0x1400;
	[sflag:s25] =	ssyncadd.s32 $0xFFFFC000  }
0x105: {  	[spmem:s1] =	stream.indirect.scatter.add.f32 [tilespmem:s20], [sflag:$0x3], $0x80, s0, s23, $0x2000b8;
	[tilespmem:$0x1E800] =	vst v63  }
0x106: {  	_ =	swait.ge [sflag:s21], $0x4000  }
0x107: {  	[sflag:s21] =	ssyncset.done $0x0  }
0x108: {  	s0 =	simm.s32 $0x100;
	[sflag:s21] =	ssyncadd.s32 $0xFFFFC000  }
0x109: {  	[tilespmem:s20], [sflag:$0x1] =	stream.indirect.gather [hbm4b:s4+s23], $0x80, s0, s23, $0x2000b8;
	[tilespmem:$0x1E800] =	vst v63  }
0x10a: {  	_ =	swait.ge [sflag:s26], $0x4000  }
0x10b: {  	[sflag:s26] =	ssyncset.done $0x0  }
0x10c: {  	s0 =	simm.s32 $0x1480;
	[sflag:s26] =	ssyncadd.s32 $0xFFFFC000  }
0x10d: {  	[spmem:s1] =	stream.indirect.scatter.add.f32 [tilespmem:s24], [sflag:$0x3], $0x80, s0, s23, $0x2000b8;
	[tilespmem:$0x1E800] =	vst v63  }
0x10e: {  	_ =	swait.ge [sflag:s21], $0x4000  }
0x10f: {  	[sflag:s21] =	ssyncset.done $0x0  }
0x110: {  	s30 =	simm.s32 $0x400;
	s31 =	simm.s32 $0x180;
	[sflag:s21] =	ssyncadd.s32 $0xFFFFC000  }
.LBB2_7:
0x111: {  	[tilespmem:s24], [sflag:$0x2] =	stream.indirect.gather [hbm4b:s4+s23], $0x80, s31, s23, $0x2000b8;
	[tilespmem:$0x1E800] =	vst v63  }
0x112: {  	s0 =	smov.u32 s30  }
0x113: {  	p1 =	seq.s32 s30, $0x4800;
	s30 =	sadd.s32 $0x400, s30;
	_ =	swait.ge [sflag:s25], $0x4000  }
0x114: {  	s0 =	sshra.s32 s0, $0x2;
	[sflag:s25] =	ssyncset.done $0x0  }
0x115: {  	s31 =	sadd.s32 $0x1400, s0;
	[sflag:s25] =	ssyncadd.s32 $0xFFFFC000  }
0x116: {  	[spmem:s1] =	stream.indirect.scatter.add.f32 [tilespmem:s20], [sflag:$0x3], $0x80, s31, s23, $0x2000b8;
	[tilespmem:$0x1E800] =	vst v63  }
0x117: {  	_ =	swait.ge [sflag:s21], $0x4000  }
0x118: {  	[sflag:s21] =	ssyncset.done $0x0  }
0x119: {  	s31 =	sadd.s32 $0x100, s0;
	[sflag:s21] =	ssyncadd.s32 $0xFFFFC000  }
0x11a: {  	[tilespmem:s20], [sflag:$0x1] =	stream.indirect.gather [hbm4b:s4+s23], $0x80, s31, s23, $0x2000b8;
	[tilespmem:$0x1E800] =	vst v63  }
0x11b: {  	_ =	swait.ge [sflag:s26], $0x4000  }
0x11c: {  	[sflag:s26] =	ssyncset.done $0x0  }
.Ltmp8:
0x11d: {  	s31 =	sadd.s32 $0x1480, s0;
	[sflag:s26] =	ssyncadd.s32 $0xFFFFC000;
	(pc) =	sbr.rel @!p1 .LBB2_7-.Ltmp8, $4  }
0x11e: {  	[spmem:s1] =	stream.indirect.scatter.add.f32 [tilespmem:s24], [sflag:$0x3], $0x80, s31, s23, $0x2000b8;
	[tilespmem:$0x1E800] =	vst v63  }
0x11f: {  	_ =	swait.ge [sflag:s21], $0x4000  }
0x120: {  	[sflag:s21] =	ssyncset.done $0x0  }
0x121: {  	s31 =	sadd.s32 $0x180, s0;
	[sflag:s21] =	ssyncadd.s32 $0xFFFFC000  }
.Ltmp9:
0x122: {  	_ = 	snop;
	(pc) =	sbr.rel .LBB2_8-.Ltmp9, $1  }
0x123: {  	_ =	sdelay $0x3  }
.LBB2_15:
0x124: {  	_ =	sfence.sel $0x180000  }
0x125: {  	[bflag:$0x0] =	sbarrier.arrive $0xFFFF  }
0x126: {  	_ =	strace $0x90000050  }
0x127: {  	[bflag:$0x2] =	sbarrier.arrive $0xFFFF  }
0x128: {  	p0 =	sne.s32 s2, $0x0;
	s0 =	rddreg [dreg:$0x2]  }
0x129: {  	s0 =	sadd.s32 @!p0 $0x100000, s0  }
0x12a: {  	[sflag:s0] =	ssyncadd.tile.s32 @!p0 $0x1;
	_ =	shalt  }
.Lfunc_end2:
_tile_overlayer_lowered:
.L_overlay_start_2:
0x12b: {  	(tag) =	ssettag $0x2  }
0x12c: {  	s0 =	rddreg [dreg:$0x0];
	s2 =	stileid.u32  }
0x12d: {  	s1 =	rddreg [dreg:$0x1];
	p0 =	sne.s32 s2, $0x0  }
0x12e: {  	s3 =	rddreg [dreg:$0x2];
	[bflag:$0x3] =	sbarrier.arrive $0xFFFF;
	s2 =	simm.s32 @!p0 $0x1C03  }
0x12f: {  	[timem:s3], [sflag:s2] =	dma.local @!p0 [hbm:s0], s1  }
0x130: {  	s0 =	simm.s32 @!p0 $0x3  }
0x131: {  	_ =	swait.ge @!p0 [sflag:s0], s1  }
0x132: {  	s1 =	ssub.s32 @!p0 $0x0, s1;
	[sflag:s0] =	ssyncset.done @!p0 $0x0  }
0x133: {  	[sflag:s0] =	ssyncadd.s32 @!p0 s1  }
0x134: {  	[bflag:$0x3] =	sbarrier.arrive $0xFFFF  }
0x135: {  	_ =	shalt  }

// kernel: kernel.18.cloned.1.call-start
scs
__scs_entry_jumppad:
0x0: {  	(pc) =	sbr.rel $0x88, $3  }
0x1: {  	(tag) =	ssettag $0x0;
	lr =	simm.s32 $0x1  }
0x2: {  	[smem:$0x3F96] =	sst lr;
	_ =	strace $0xD0000000  }
0x3: {  	_ = 	snop  }
0x4: {  	_ = 	snop  }
0x5: {  	_ = 	snop  }
0x6: {  	_ = 	snop  }
0x7: {  	_ = 	snop  }
__scs_overlays_trampoline_lowered:
0x8: {  	[smem:$0x3FA5] =	sst s0  }
0x9: {  	[smem:$0x3FA6] =	sst s1  }
0xa: {  	[smem:$0x3FA7] =	sst s2  }
0xb: {  	[smem:$0x3FA8] =	sst s3  }
0xc: {  	[smem:$0x3FA9] =	sst s4  }
0xd: {  	[smem:$0x3FAA] =	sst s5  }
0xe: {  	[smem:$0x3FAB] =	sst s6  }
0xf: {  	[smem:$0x3FAC] =	sst s7  }
0x10: {  	[smem:$0x3FAD] =	sst s8  }
0x11: {  	[smem:$0x3FAE] =	sst s9;
	s0 =	simm.s32 @!p0 $0x0  }
0x12: {  	s1 =	sld [smem:$0x3F94];
	s0 =	simm.s32 @p0 $0x1  }
0x13: {  	[smem:$0x3FAF] =	sst s0;
	s0 =	simm.s32 @!p1 $0x0  }
0x14: {  	s2 =	sld [smem:$0x3F93];
	s0 =	simm.s32 @p1 $0x1  }
0x15: {  	[smem:$0x3FB0] =	sst s0;
	s0 =	simm.s32 @!p2 $0x0  }
0x16: {  	s3 =	sld [smem:$0x3FDB];
	s0 =	simm.s32 @p2 $0x1  }
0x17: {  	s4 =	simm.s32 $0x1BF5;
	[smem:$0x3FB2] =	sst s0  }
0x18: {  	s0 =	sld [smem:$0x3F95];
	_ =	swait.ge [sflag:s4], $0x0  }
0x19: {  	s7 =	sld [smem:$0x3F96]  }
0x1a: {  	s8 =	sadd.s32 $0xFFFFE003, lr  }
0x1b: {  	s9 =	sadd.s32 $0xFFFFFEF7, lr;
	s5 =	simm.s32 $0xFFFFFFFF;
	p2 =	slt.u32 s8, $0xFFFFF086  }
0x1c: {  	p1 =	slt.u32 s9, $0xF7A;
	s5 =	simm.s32 @!p2 $0x0  }
0x1d: {  	s5 =	simm.s32 @p1 $0x1;
	p0 =	seq.s32 s7, s2  }
0x1e: {  	s7 =	smul.u32 @!p0 $0xF7A, s2;
	p2 =	seq.s32 @!p0 s5, $0x0  }
0x1f: {  	s9 =	smul.u32 $0xF7A, s1;
	s8 =	simm.s32 @!p0 $0x1BF5;
	p2 =	por !p2, p0  }
0x20: {  	[sflag:s8] =	ssyncset.s32 @!p0 $0xFFFFF086;
	s6 =	sadd.s32 @!p0 s3, s7;
	s7 =	simm.s32 @!p0 $0x108  }
0x21: {  	s3 =	sadd.s32 s3, s9;
	s6 =	sadd.s32 @!p0 $0x88, s6;
	s7 =	simm.s32 @p2 $0x1082  }
0x22: {  	[simem:s7], [sflag:s8] =	dma.local @!p0 [hbm:s6], $0xF7A  }
0x23: {  	s9 =	sor.u32 $0xD0000000, s2;
	s6 =	simm.s32 $0x108;
	_ =	swait.ge @!p0 [sflag:s8], $0x0  }
0x24: {  	s3 =	sadd.s32 $0x88, s3;
	s6 =	simm.s32 @!p1 $0x1082;
	[sflag:s4] =	ssyncset.s32 $0xFFFFF086  }
0x25: {  	[simem:s6], [sflag:s4] =	dma.local [hbm:s3], $0xF7A  }
0x26: {  	[smem:$0x3F96] =	sst s1;
	(tag) =	ssettag s2;
	_ =	strace s9  }
0x27: {  	s1 =	sld [smem:$0x3FA6]  }
0x28: {  	s2 =	sld [smem:$0x3FA7]  }
0x29: {  	s4 =	sld [smem:$0x3FA9]  }
0x2a: {  	p0 =	seq.s32 s5, $0x0;
	s5 =	sld [smem:$0x3FAA]  }
0x2b: {  	s6 =	sld [smem:$0x3FAB]  }
0x2c: {  	s7 =	sld [smem:$0x3FAC]  }
0x2d: {  	s3 =	simm.s32 $0x108;
	s8 =	sld [smem:$0x3FAD]  }
0x2e: {  	s3 =	simm.s32 @!p0 $0x1082;
	s9 =	sld [smem:$0x3FAE]  }
0x2f: {  	lr =	sadd.s32 s0, s3;
	s0 =	sld [smem:$0x3FA5]  }
0x30: {  	s3 =	sld [smem:$0x3FA8]  }
0x31: {  	[smem:$0x3FB1] =	sst s10  }
0x32: {  	s10 =	sld [smem:$0x3FAF];
	_ =	sdelay $0x3  }
0x33: {  	p0 =	seq.s32 s10, $0x1;
	s10 =	sld [smem:$0x3FB1];
	_ =	sdelay $0x3  }
0x34: {  	[smem:$0x3FB1] =	sst s10  }
0x35: {  	s10 =	sld [smem:$0x3FB0];
	_ =	sdelay $0x3  }
0x36: {  	p1 =	seq.s32 s10, $0x1;
	s10 =	sld [smem:$0x3FB1];
	_ =	sdelay $0x3  }
0x37: {  	[smem:$0x3FB1] =	sst s10  }
0x38: {  	s10 =	sld [smem:$0x3FB2]  }
0x39: {  	_ = 	snop;
	(pc) =	sbr.ind lr, $3  }
0x3a: {  	_ = 	snop  }
0x3b: {  	_ = 	snop  }
0x3c: {  	p2 =	seq.s32 s10, $0x1;
	s10 =	sld [smem:$0x3FB1]  }
0x3d: {  	_ =	shalt  }
0x3e: {  	_ =	shalt  }
0x3f: {  	_ =	shalt  }
0x40: {  	_ =	shalt  }
0x41: {  	_ =	shalt  }
0x42: {  	_ =	shalt  }
0x43: {  	_ =	shalt  }
0x44: {  	_ =	shalt  }
0x45: {  	_ =	shalt  }
0x46: {  	_ =	shalt  }
0x47: {  	_ =	shalt  }
0x48: {  	_ =	shalt  }
0x49: {  	_ =	shalt  }
0x4a: {  	_ =	shalt  }
0x4b: {  	_ =	shalt  }
0x4c: {  	_ =	shalt  }
0x4d: {  	_ =	shalt  }
0x4e: {  	_ =	shalt  }
0x4f: {  	_ =	shalt  }
0x50: {  	_ =	shalt  }
0x51: {  	_ =	shalt  }
0x52: {  	_ =	shalt  }
0x53: {  	_ =	shalt  }
0x54: {  	_ =	shalt  }
0x55: {  	_ =	shalt  }
0x56: {  	_ =	shalt  }
0x57: {  	_ =	shalt  }
0x58: {  	_ =	shalt  }
0x59: {  	_ =	shalt  }
0x5a: {  	_ =	shalt  }
0x5b: {  	_ =	shalt  }
0x5c: {  	_ =	shalt  }
0x5d: {  	_ =	shalt  }
0x5e: {  	_ =	shalt  }
0x5f: {  	_ =	shalt  }
0x60: {  	_ =	shalt  }
0x61: {  	_ =	shalt  }
0x62: {  	_ =	shalt  }
0x63: {  	_ =	shalt  }
0x64: {  	_ =	shalt  }
0x65: {  	_ =	shalt  }
0x66: {  	_ =	shalt  }
0x67: {  	_ =	shalt  }
0x68: {  	_ =	shalt  }
0x69: {  	_ =	shalt  }
0x6a: {  	_ =	shalt  }
0x6b: {  	_ =	shalt  }
0x6c: {  	_ =	shalt  }
0x6d: {  	_ =	shalt  }
0x6e: {  	_ =	shalt  }
0x6f: {  	_ =	shalt  }
0x70: {  	_ =	shalt  }
0x71: {  	_ =	shalt  }
0x72: {  	_ =	shalt  }
0x73: {  	_ =	shalt  }
0x74: {  	_ =	shalt  }
0x75: {  	_ =	shalt  }
0x76: {  	_ =	shalt  }
0x77: {  	_ =	shalt  }
0x78: {  	_ =	shalt  }
0x79: {  	_ =	shalt  }
0x7a: {  	_ =	shalt  }
0x7b: {  	_ =	shalt  }
0x7c: {  	_ =	shalt  }
0x7d: {  	_ =	shalt  }
0x7e: {  	_ =	shalt  }
0x7f: {  	_ =	shalt  }
0x80: {  	_ =	shalt  }
0x81: {  	_ =	shalt  }
0x82: {  	_ =	shalt  }
0x83: {  	_ =	shalt  }
0x84: {  	_ =	shalt  }
0x85: {  	_ =	shalt  }
0x86: {  	_ =	shalt  }
0x87: {  	_ =	shalt  }
.Lfunc_end0:
.L_simem_size_0:
called_computation.3_lowered:
.L_overlay_start_0:
0x88: {  	s2 =	sld [smem:$0x3FD9]  }
0x89: {  	s3 =	sld [smem:$0x3FFE];
	_ =	sdelay $0x1  }
0x8a: {  	s1 =	srdreg.scid  }
0x8b: {  	s0 =	sand.u32 $0x1, s1  }
0x8c: {  	s16 =	sshll.u32 s0, $0xA;
	s2 =	sadd.s32 s3, s2  }
0x8d: {  	s2 =	sadd.s32 s2, s16  }
0x8e: {  	[smem:$0x3FBD] =	sst s2  }
0x8f: {  	_ = 	snop  }
0x90: {  	(tm) =	ssettm $0x1  }
0x91: {  	s17 =	sld [smem:$0x3FFB];
	_ =	sdelay $0x3  }
0x92: {  	_ =	strace s17  }
0x93: {  	s2 =	sld [smem:$0x3FFC];
	_ =	sdelay $0x3  }
0x94: {  	_ =	strace s2  }
0x95: {  	s2 =	sld [smem:$0x3FFD];
	_ =	sdelay $0x3  }
0x96: {  	_ =	strace s2  }
0x97: {  	_ =	strace $0x8FFFFFFF  }
0x98: {  	s18 =	sld [smem:$0x3FDB];
	_ =	sdelay $0x1  }
0x99: {  	s19 =	simm.s32 $_scs_section_size  }
0x9a: {  	s4 =	simm.s32 $_size__tile_overlayer_lowered;
	s5 =	simm.s32 $_tile_overlayer_lowered  }
0x9b: {  	s22 =	simm.s32 $0x1BFF;
	s21 =	sshll.u32 s5, $0x1;
	s2 =	sadd.s32 s19, s18  }
0x9c: {  	s6 =	simm.s32 $0x0;
	s20 =	sshll.u32 s4, $0x1;
	s4 =	sadd.s32 s21, s2  }
0x9d: {  	[timem:s6], [sflag:s22] =	dma.local [hbm:s4], s20  }
0x9e: {  	_ =	swait.ge [sflag:s22], s20  }
0x9f: {  	s3 =	ssub.s32 $0x0, s20;
	[sflag:s22] =	ssyncset.done $0x0  }
0xa0: {  	[sflag:s22] =	ssyncadd.s32 s3;
	_ =	sdelay $0x1  }
0xa1: {  	s23 =	simm.s32 $0x1B8B  }
0xa2: {  	_ =	swait.ge [sflag:s23], $0x1  }
0xa3: {  	[sflag:s23] =	ssyncset.done $0x0  }
0xa4: {  	s25 =	simm.s32 $0x1B8E;
	s24 =	sld [smem:$0x3FFE];
	[sflag:s23] =	ssyncadd.s32 $0xFFFFFFFF  }
0xa5: {  	s26 =	simm.s32 $execute0_lowered;
	[smem:$0x3FD2] =	sst s25  }
0xa6: {  	s4 =	sshll.u32 s26, $0x1;
	_ =	strace $0x80000055;
	[dreg:$0x1] =	wrdreg $0xFFFFFFFF  }
0xa7: {  	s28 =	simm.s32 $_size_execute0_lowered;
	s2 =	sadd.s32 s2, s4;
	[dreg:$0x0] =	wrdreg $0x0  }
0xa8: {  	s4 =	sshll.u32 s28, $0x1;
	[dreg:$0x2] =	wrdreg s2  }
0xa9: {  	[dreg:$0x3] =	wrdreg s4  }
0xaa: {  	[dreg:$0x4] =	wrdreg $0xC0  }
0xab: {  	_ =	task [dreg:s6], $0x5FFFF  }
0xac: {  	[dreg:$0x1] =	wrdreg $0xFFFFFFFF  }
0xad: {  	[dreg:$0x0] =	wrdreg $0x60  }
0xae: {  	[dreg:$0x2] =	wrdreg s24  }
0xaf: {  	[dreg:$0x3] =	wrdreg $0xA8000  }
0xb0: {  	[dreg:$0x4] =	wrdreg $0x9  }
0xb1: {  	_ =	task.clear_ibuf [dreg:s6], $0x5FFFF;
	_ =	strace $0x90000055  }
0xb2: {  	s29 =	simm.s32 $0x9;
	_ =	strace $0x8000005A  }
0xb3: {  	_ =	swait.ge [sflag:s29], $0x1  }
0xb4: {  	[sflag:s29] =	ssyncadd.s32 $0xFFFFFFFF  }
0xb5: {  	_ =	strace $0x9000005A  }
0xb6: {  	_ =	sfence  }
0xb7: {  	s30 =	sld [smem:$0x0];
	_ =	sdelay $0x2  }
0xb8: {  	s31 =	sshll.u32 s1, $0xD;
	s1 =	sshrl.u32 s1, $0x2  }
0xb9: {  	s3 =	sand.u32 $0x4000, s31;
	s1 =	sadd.s32 s1, s30  }
0xba: {  	s0 =	sor.u32 s3, s0;
	s1 =	sshll.u32 s1, $0x11  }
0xbb: {  	s0 =	sor.u32 s1, s0  }
0xbc: {  	s0 =	sadd.s32 $0x8F2B, s0  }
0xbd: {  	[sflag:s0] =	ssyncadd.remote.s32 $0x1  }
0xbe: {  	_ =	sfence.sel $0xFFFF  }
0xbf: {  	[dreg:$0x0] =	wrdreg $0xFFFFFFFF;
	(pc) =	sbr.abs _section_cstart, $3  }
0xc0: {  	[dreg:$0x1] =	wrdreg $0xFFFFFFFF  }
0xc1: {  	_ =	task.clear_ibuf [dreg:s6], $0x2FFFF;
	_ =	strace $0x9FFFFFFF  }
0xc2: {  	(tm) =	ssettm $0x7FFFFFFF  }
0xc3: {  	_ =	shalt  }
tec
execute0_lowered:
.L_overlay_start_1:
0x0: {  	(tag) =	ssettag $0x1  }
0x1: {  	s5 =	rddreg [dreg:$0x0]  }
0x2: {  	s1 =	rddreg [dreg:$0x1];
	s2 =	srdreg.scid;
	s3 =	simm.s32 $0x0  }
0x3: {  	s21 =	simm.s32 $0x3;
	s22 =	simm.s32 $0x1400;
	s23 =	simm.s32 $0x80  }
0x4: {  	s24 =	simm.s32 $0x6800;
	s28 =	simm.s32 $0x2700;
	s29 =	simm.s32 $0x2780  }
0x5: {  	s10 =	sand.u32 $0x1, s2;
	s2 =	stileid.u32;
	[smem:$0x7FF] =	sst s3  }
0x6: {  	s4 =	sadd.s32 $0x17E00, s5;
	s12 =	sadd.s32 $0x12E00, s5;
	s6 =	smul.u32 $0x140000, s10  }
0x7: {  	s13 =	sadd.s32 $0xDE00, s5;
	s16 =	sadd.s32 $0x8E00, s5;
	s7 =	smul.u32 $0x14000, s2  }
0x8: {  	s17 =	sadd.s32 $0x3E00, s5;
	_ =	strace $0x80000056;
	s25 =	smul.u32 $0x50000, s2  }
0x9: {  	s26 =	ssub.s32 $0x2, s10;
	s11 =	smul.u32 $0x2800, s2;
	p0 =	seq.s32 s10, $0x1  }
0xa: {  	s31 =	sshrl.u32 s26, $0x1;
	s6 =	sadd.s32 s7, s6;
	s30 =	sshrl.u32 s25, $0x2  }
0xb: {  	s19 =	ssub.s32 s26, s31;
	s15 =	sshrl.u32 s11, $0x3;
	s25 =	simm.s32 $0x1  }
0xc: {  	s26 =	simm.s32 $0x2;
	s6 =	sshrl.u32 s6, $0x3;
	s10 =	sadd.s32 s12, s15  }
0xd: {  	s20 =	sadd.s32 $0x280, s15;
	s11 =	sadd.s32 s13, s15;
	s14 =	sadd.s32 s16, s15  }
.Ltmp0:
0xe: {  	s15 =	sadd.s32 s17, s15;
	s19 =	smax.u32 s19, $0x1;
	(pc) =	sbr.rel .LBB2_1-.Ltmp0, $4  }
0xf: {  	s18 =	sadd.s32 s6, s5;
	s5 =	sadd.s32 s30, s1;
	s12 =	sadd.s32 s12, s20  }
0x10: {  	s13 =	sadd.s32 s13, s20;
	s16 =	sadd.s32 s16, s20;
	s17 =	sadd.s32 s17, s20  }
0x11: {  	s20 =	simm.s32 $0x2800;
	s6 =	sadd.s32 $0x4000, s5;
	s7 =	sadd.s32 $0x8000, s5  }
0x12: {  	v0 =	vimm.f32 $0.0e+00;
	s8 =	sadd.s32 $0xC000, s5;
	s9 =	sadd.s32 $0x10000, s5;
	s18 =	sadd.s32 $0x3F000, s18  }
.LBB2_8:
0x13: {  	[tilespmem:s24], [sflag:$0x2] =	stream.indirect.gather [hbm4b:s4+s23], $0x80, s31, s23, $0x2000b8;
	[tilespmem:$0x1E800] =	vst v63  }
.LBB2_14:
0x14: {  	_ =	swait.ge [sflag:s25], $0x4000  }
0x15: {  	[sflag:s25] =	ssyncset.done $0x0  }
0x16: {  	[sflag:s25] =	ssyncadd.s32 $0xFFFFC000  }
0x17: {  	[spmem:s1] =	stream.indirect.scatter.add.f32 [tilespmem:s20], [sflag:$0x3], $0x80, s28, s23, $0x2000b8;
	[tilespmem:$0x1E800] =	vst v63  }
0x18: {  	_ =	swait.ge [sflag:s21], $0x4000  }
0x19: {  	[sflag:s21] =	ssyncset.done $0x0  }
0x1a: {  	[sflag:s21] =	ssyncadd.s32 $0xFFFFC000  }
0x1b: {  	_ =	swait.ge [sflag:s26], $0x4000  }
0x1c: {  	[sflag:s26] =	ssyncset.done $0x0  }
0x1d: {  	[sflag:s26] =	ssyncadd.s32 $0xFFFFC000  }
0x1e: {  	[spmem:s1] =	stream.indirect.scatter.add.f32 [tilespmem:s24], [sflag:$0x3], $0x80, s29, s23, $0x2000b8;
	[tilespmem:$0x1E800] =	vst v63  }
0x1f: {  	_ =	swait.ge [sflag:s21], $0x4000  }
0x20: {  	[sflag:s21] =	ssyncset.done $0x0  }
0x21: {  	[sflag:s21] =	ssyncadd.s32 $0xFFFFC000  }
0x22: {  	s0 =	sshll.u32 s2, $0x6;
	_ =	strace $0x90000058  }
0x23: {  	s30 =	sshrl.u32 s5, $0x3;
	s3 =	sadd.s32 $0x1, s3;
	[bflag:$0x0] =	sbarrier.arrive $0xFFFF  }
0x24: {  	s0 =	sor.u32 $0x1C03, s0;
	p1 =	sne.s32 s3, s19;
	_ =	strace $0x80000059  }
0x25: {  	[hbm:s18], [sflag:s0] =	dma.local [spmem:s30], $0x2800  }
.Ltmp1:
0x26: {  	_ = 	snop;
	(pc) =	sbr.rel @!p1 .LBB2_15-.Ltmp1, $4  }
0x27: {  	_ =	swait.ge [sflag:s21], $0x2800  }
0x28: {  	[sflag:s21] =	ssyncset.done $0x0  }
0x29: {  	[sflag:s21] =	ssyncadd.s32 $0xFFFFD800  }
0x2a: {  	_ =	strace $0x90000059  }
.LBB2_1:
0x2b: {  	_ =	strace $0x80000057;
	s30 =	simm.s32 $0x0;
	s31 =	simm.s32 $0x200  }
.LBB2_2:
0x2c: {  	p1 =	sne.s32 s31, $0xFE00;
	[tilespmem:s30+$0x2870] =	vst v0  }
0x2d: {  	[tilespmem:s30+$0x2800] =	vst v0  }
0x2e: {  	[tilespmem:s30+$0x2810] =	vst v0  }
.Ltmp2:
0x2f: {  	[tilespmem:s30+$0x2820] =	vst v0;
	(pc) =	sbr.rel @p1 .LBB2_2-.Ltmp2, $4  }
0x30: {  	[tilespmem:s30+$0x2830] =	vst v0  }
0x31: {  	[tilespmem:s30+$0x2840] =	vst v0  }
0x32: {  	[tilespmem:s30+$0x2850] =	vst v0  }
0x33: {  	[tilespmem:s30+$0x2860] =	vst v0;
	s30 =	sshra.s32 s31, $0x2;
	s31 =	sadd.s32 $0x200, s31  }
0x34: {  	[tilespmem:s30+$0x2870] =	vst v0  }
0x35: {  	[tilespmem:s30+$0x2800] =	vst v0  }
0x36: {  	[tilespmem:s30+$0x2810] =	vst v0  }
0x37: {  	[tilespmem:s30+$0x2820] =	vst v0  }
0x38: {  	[tilespmem:s30+$0x2830] =	vst v0  }
0x39: {  	[tilespmem:s30+$0x2840] =	vst v0  }
0x3a: {  	[tilespmem:s30+$0x2850] =	vst v0  }
0x3b: {  	[tilespmem:s30+$0x2860] =	vst v0  }
0x3c: {  	[spmem:s5] =	stream.linear.scatter [tilespmem:s20], [sflag:$0x3], $0x4000, $0x200038;
	[tilespmem:$0x1E800] =	vst v63  }
0x3d: {  	_ =	swait.ge [sflag:s21], $0x4000  }
0x3e: {  	[sflag:s21] =	ssyncset.done $0x0  }
0x3f: {  	[sflag:s21] =	ssyncadd.s32 $0xFFFFC000  }
0x40: {  	[spmem:s6] =	stream.linear.scatter [tilespmem:s20], [sflag:$0x3], $0x4000, $0x200038;
	[tilespmem:$0x1E800] =	vst v63  }
0x41: {  	_ =	swait.ge [sflag:s21], $0x4000  }
0x42: {  	[sflag:s21] =	ssyncset.done $0x0  }
0x43: {  	[sflag:s21] =	ssyncadd.s32 $0xFFFFC000  }
0x44: {  	[spmem:s7] =	stream.linear.scatter [tilespmem:s20], [sflag:$0x3], $0x4000, $0x200038;
	[tilespmem:$0x1E800] =	vst v63  }
0x45: {  	_ =	swait.ge [sflag:s21], $0x4000  }
0x46: {  	[sflag:s21] =	ssyncset.done $0x0  }
0x47: {  	[sflag:s21] =	ssyncadd.s32 $0xFFFFC000  }
0x48: {  	[spmem:s8] =	stream.linear.scatter [tilespmem:s20], [sflag:$0x3], $0x4000, $0x200038;
	[tilespmem:$0x1E800] =	vst v63  }
0x49: {  	_ =	swait.ge [sflag:s21], $0x4000  }
0x4a: {  	[sflag:s21] =	ssyncset.done $0x0  }
0x4b: {  	[sflag:s21] =	ssyncadd.s32 $0xFFFFC000  }
0x4c: {  	[spmem:s9] =	stream.linear.scatter [tilespmem:s20], [sflag:$0x3], $0x4000, $0x200038;
	[tilespmem:$0x1E800] =	vst v63  }
0x4d: {  	_ =	swait.ge [sflag:s21], $0x4000  }
.Ltmp3:
0x4e: {  	[sflag:s21] =	ssyncset.done $0x0;
	(pc) =	sbr.rel @!p0 .LBB2_4-.Ltmp3, $4  }
0x4f: {  	[sflag:s21] =	ssyncadd.s32 $0xFFFFC000  }
0x50: {  	_ =	strace $0x90000057  }
0x51: {  	[bflag:$0x0] =	sbarrier.arrive $0xFFFF  }
0x52: {  	_ =	strace $0x80000058  }
0x53: {  	s0 =	simm.s32 $0x0  }
0x54: {  	[tilespmem:s0], [sflag:$0x3] =	stream.linear.gather [hbm4b:s14+s0], $0x1400, $0x200038;
	[tilespmem:$0x1E800] =	vst v63  }
0x55: {  	_ =	swait.ge [sflag:s21], $0x1400  }
0x56: {  	[sflag:s21] =	ssyncset.done $0x0  }
0x57: {  	[sflag:s21] =	ssyncadd.s32 $0xFFFFEC00  }
0x58: {  	[tilespmem:s22], [sflag:$0x3] =	stream.linear.gather [hbm4b:s15+s0], $0x1400, $0x200038;
	[tilespmem:$0x1E800] =	vst v63  }
0x59: {  	_ =	swait.ge [sflag:s21], $0x1400  }
0x5a: {  	[sflag:s21] =	ssyncset.done $0x0  }
0x5b: {  	[sflag:s21] =	ssyncadd.s32 $0xFFFFEC00  }
0x5c: {  	[tilespmem:s20], [sflag:$0x1] =	stream.indirect.gather [hbm4b:s4+s23], $0x80, s0, s23, $0x2000b8;
	[tilespmem:$0x1E800] =	vst v63  }
0x5d: {  	_ = 	snop  }
0x5e: {  	[tilespmem:s24], [sflag:$0x2] =	stream.indirect.gather [hbm4b:s4+s23], $0x80, s23, s23, $0x2000b8;
	[tilespmem:$0x1E800] =	vst v63  }
0x5f: {  	_ =	swait.ge [sflag:s25], $0x4000  }
0x60: {  	[sflag:s25] =	ssyncset.done $0x0  }
0x61: {  	s0 =	simm.s32 $0x1400;
	[sflag:s25] =	ssyncadd.s32 $0xFFFFC000  }
0x62: {  	[spmem:s1] =	stream.indirect.scatter.add.f32 [tilespmem:s20], [sflag:$0x3], $0x80, s0, s23, $0x2000b8;
	[tilespmem:$0x1E800] =	vst v63  }
0x63: {  	_ =	swait.ge [sflag:s21], $0x4000  }
0x64: {  	[sflag:s21] =	ssyncset.done $0x0  }
0x65: {  	s0 =	simm.s32 $0x100;
	[sflag:s21] =	ssyncadd.s32 $0xFFFFC000  }
0x66: {  	[tilespmem:s20], [sflag:$0x1] =	stream.indirect.gather [hbm4b:s4+s23], $0x80, s0, s23, $0x2000b8;
	[tilespmem:$0x1E800] =	vst v63  }
0x67: {  	_ =	swait.ge [sflag:s26], $0x4000  }
0x68: {  	[sflag:s26] =	ssyncset.done $0x0  }
0x69: {  	s0 =	simm.s32 $0x1480;
	[sflag:s26] =	ssyncadd.s32 $0xFFFFC000  }
0x6a: {  	[spmem:s1] =	stream.indirect.scatter.add.f32 [tilespmem:s24], [sflag:$0x3], $0x80, s0, s23, $0x2000b8;
	[tilespmem:$0x1E800] =	vst v63  }
0x6b: {  	_ =	swait.ge [sflag:s21], $0x4000  }
0x6c: {  	[sflag:s21] =	ssyncset.done $0x0  }
0x6d: {  	s30 =	simm.s32 $0x400;
	s31 =	simm.s32 $0x180;
	[sflag:s21] =	ssyncadd.s32 $0xFFFFC000  }
.LBB2_10:
0x6e: {  	[tilespmem:s24], [sflag:$0x2] =	stream.indirect.gather [hbm4b:s4+s23], $0x80, s31, s23, $0x2000b8;
	[tilespmem:$0x1E800] =	vst v63  }
0x6f: {  	s0 =	smov.u32 s30  }
0x70: {  	p1 =	sne.s32 s30, $0x4800;
	s30 =	sadd.s32 $0x400, s30;
	_ =	swait.ge [sflag:s25], $0x4000  }
0x71: {  	s0 =	sshra.s32 s0, $0x2;
	[sflag:s25] =	ssyncset.done $0x0  }
0x72: {  	s31 =	sadd.s32 $0x1400, s0;
	[sflag:s25] =	ssyncadd.s32 $0xFFFFC000  }
0x73: {  	[spmem:s1] =	stream.indirect.scatter.add.f32 [tilespmem:s20], [sflag:$0x3], $0x80, s31, s23, $0x2000b8;
	[tilespmem:$0x1E800] =	vst v63  }
0x74: {  	_ =	swait.ge [sflag:s21], $0x4000  }
0x75: {  	[sflag:s21] =	ssyncset.done $0x0  }
0x76: {  	s31 =	sadd.s32 $0x100, s0;
	[sflag:s21] =	ssyncadd.s32 $0xFFFFC000  }
0x77: {  	[tilespmem:s20], [sflag:$0x1] =	stream.indirect.gather [hbm4b:s4+s23], $0x80, s31, s23, $0x2000b8;
	[tilespmem:$0x1E800] =	vst v63  }
0x78: {  	_ =	swait.ge [sflag:s26], $0x4000  }
0x79: {  	[sflag:s26] =	ssyncset.done $0x0  }
.Ltmp4:
0x7a: {  	s31 =	sadd.s32 $0x1480, s0;
	[sflag:s26] =	ssyncadd.s32 $0xFFFFC000;
	(pc) =	sbr.rel @p1 .LBB2_10-.Ltmp4, $4  }
0x7b: {  	[spmem:s1] =	stream.indirect.scatter.add.f32 [tilespmem:s24], [sflag:$0x3], $0x80, s31, s23, $0x2000b8;
	[tilespmem:$0x1E800] =	vst v63  }
0x7c: {  	_ =	swait.ge [sflag:s21], $0x4000  }
0x7d: {  	[sflag:s21] =	ssyncset.done $0x0  }
0x7e: {  	s31 =	sadd.s32 $0x180, s0;
	[sflag:s21] =	ssyncadd.s32 $0xFFFFC000  }
0x7f: {  	[tilespmem:s24], [sflag:$0x2] =	stream.indirect.gather [hbm4b:s4+s23], $0x80, s31, s23, $0x2000b8;
	[tilespmem:$0x1E800] =	vst v63  }
0x80: {  	_ =	swait.ge [sflag:s25], $0x4000  }
0x81: {  	[sflag:s25] =	ssyncset.done $0x0  }
0x82: {  	[sflag:s25] =	ssyncadd.s32 $0xFFFFC000  }
0x83: {  	[spmem:s1] =	stream.indirect.scatter.add.f32 [tilespmem:s20], [sflag:$0x3], $0x80, s28, s23, $0x2000b8;
	[tilespmem:$0x1E800] =	vst v63  }
0x84: {  	_ =	swait.ge [sflag:s21], $0x4000  }
0x85: {  	[sflag:s21] =	ssyncset.done $0x0  }
0x86: {  	[sflag:s21] =	ssyncadd.s32 $0xFFFFC000  }
0x87: {  	_ =	swait.ge [sflag:s26], $0x4000  }
0x88: {  	[sflag:s26] =	ssyncset.done $0x0  }
0x89: {  	[sflag:s26] =	ssyncadd.s32 $0xFFFFC000  }
0x8a: {  	[spmem:s1] =	stream.indirect.scatter.add.f32 [tilespmem:s24], [sflag:$0x3], $0x80, s29, s23, $0x2000b8;
	[tilespmem:$0x1E800] =	vst v63  }
0x8b: {  	_ =	swait.ge [sflag:s21], $0x4000  }
0x8c: {  	[sflag:s21] =	ssyncset.done $0x0  }
0x8d: {  	s0 =	simm.s32 $0x0;
	[sflag:s21] =	ssyncadd.s32 $0xFFFFC000  }
0x8e: {  	[tilespmem:s0], [sflag:$0x3] =	stream.linear.gather [hbm4b:s16+s0], $0x1400, $0x200038;
	[tilespmem:$0x1E800] =	vst v63  }
0x8f: {  	_ =	swait.ge [sflag:s21], $0x1400  }
0x90: {  	[sflag:s21] =	ssyncset.done $0x0  }
0x91: {  	[sflag:s21] =	ssyncadd.s32 $0xFFFFEC00  }
0x92: {  	[tilespmem:s22], [sflag:$0x3] =	stream.linear.gather [hbm4b:s17+s0], $0x1400, $0x200038;
	[tilespmem:$0x1E800] =	vst v63  }
0x93: {  	_ =	swait.ge [sflag:s21], $0x1400  }
0x94: {  	[sflag:s21] =	ssyncset.done $0x0  }
0x95: {  	[sflag:s21] =	ssyncadd.s32 $0xFFFFEC00  }
0x96: {  	[tilespmem:s20], [sflag:$0x1] =	stream.indirect.gather [hbm4b:s4+s23], $0x80, s0, s23, $0x2000b8;
	[tilespmem:$0x1E800] =	vst v63  }
0x97: {  	_ = 	snop  }
0x98: {  	[tilespmem:s24], [sflag:$0x2] =	stream.indirect.gather [hbm4b:s4+s23], $0x80, s23, s23, $0x2000b8;
	[tilespmem:$0x1E800] =	vst v63  }
0x99: {  	_ =	swait.ge [sflag:s25], $0x4000  }
0x9a: {  	[sflag:s25] =	ssyncset.done $0x0  }
0x9b: {  	s0 =	simm.s32 $0x1400;
	[sflag:s25] =	ssyncadd.s32 $0xFFFFC000  }
0x9c: {  	[spmem:s1] =	stream.indirect.scatter.add.f32 [tilespmem:s20], [sflag:$0x3], $0x80, s0, s23, $0x2000b8;
	[tilespmem:$0x1E800] =	vst v63  }
0x9d: {  	_ =	swait.ge [sflag:s21], $0x4000  }
0x9e: {  	[sflag:s21] =	ssyncset.done $0x0  }
0x9f: {  	s0 =	simm.s32 $0x100;
	[sflag:s21] =	ssyncadd.s32 $0xFFFFC000  }
0xa0: {  	[tilespmem:s20], [sflag:$0x1] =	stream.indirect.gather [hbm4b:s4+s23], $0x80, s0, s23, $0x2000b8;
	[tilespmem:$0x1E800] =	vst v63  }
0xa1: {  	_ =	swait.ge [sflag:s26], $0x4000  }
0xa2: {  	[sflag:s26] =	ssyncset.done $0x0  }
0xa3: {  	s0 =	simm.s32 $0x1480;
	[sflag:s26] =	ssyncadd.s32 $0xFFFFC000  }
0xa4: {  	[spmem:s1] =	stream.indirect.scatter.add.f32 [tilespmem:s24], [sflag:$0x3], $0x80, s0, s23, $0x2000b8;
	[tilespmem:$0x1E800] =	vst v63  }
0xa5: {  	_ =	swait.ge [sflag:s21], $0x4000  }
0xa6: {  	[sflag:s21] =	ssyncset.done $0x0  }
0xa7: {  	s30 =	simm.s32 $0x400;
	s31 =	simm.s32 $0x180;
	[sflag:s21] =	ssyncadd.s32 $0xFFFFC000  }
.LBB2_12:
0xa8: {  	[tilespmem:s24], [sflag:$0x2] =	stream.indirect.gather [hbm4b:s4+s23], $0x80, s31, s23, $0x2000b8;
	[tilespmem:$0x1E800] =	vst v63  }
0xa9: {  	s0 =	smov.u32 s30  }
0xaa: {  	p1 =	sne.s32 s30, $0x4800;
	s30 =	sadd.s32 $0x400, s30;
	_ =	swait.ge [sflag:s25], $0x4000  }
0xab: {  	s0 =	sshra.s32 s0, $0x2;
	[sflag:s25] =	ssyncset.done $0x0  }
0xac: {  	s31 =	sadd.s32 $0x1400, s0;
	[sflag:s25] =	ssyncadd.s32 $0xFFFFC000  }
0xad: {  	[spmem:s1] =	stream.indirect.scatter.add.f32 [tilespmem:s20], [sflag:$0x3], $0x80, s31, s23, $0x2000b8;
	[tilespmem:$0x1E800] =	vst v63  }
0xae: {  	_ =	swait.ge [sflag:s21], $0x4000  }
0xaf: {  	[sflag:s21] =	ssyncset.done $0x0  }
0xb0: {  	s31 =	sadd.s32 $0x100, s0;
	[sflag:s21] =	ssyncadd.s32 $0xFFFFC000  }
0xb1: {  	[tilespmem:s20], [sflag:$0x1] =	stream.indirect.gather [hbm4b:s4+s23], $0x80, s31, s23, $0x2000b8;
	[tilespmem:$0x1E800] =	vst v63  }
0xb2: {  	_ =	swait.ge [sflag:s26], $0x4000  }
0xb3: {  	[sflag:s26] =	ssyncset.done $0x0  }
.Ltmp5:
0xb4: {  	s31 =	sadd.s32 $0x1480, s0;
	[sflag:s26] =	ssyncadd.s32 $0xFFFFC000;
	(pc) =	sbr.rel @p1 .LBB2_12-.Ltmp5, $4  }
0xb5: {  	[spmem:s1] =	stream.indirect.scatter.add.f32 [tilespmem:s24], [sflag:$0x3], $0x80, s31, s23, $0x2000b8;
	[tilespmem:$0x1E800] =	vst v63  }
0xb6: {  	_ =	swait.ge [sflag:s21], $0x4000  }
0xb7: {  	[sflag:s21] =	ssyncset.done $0x0  }
0xb8: {  	s31 =	sadd.s32 $0x180, s0;
	[sflag:s21] =	ssyncadd.s32 $0xFFFFC000  }
.Ltmp6:
0xb9: {  	(pc) =	sbr.rel .LBB2_14-.Ltmp6, $2  }
0xba: {  	_ =	sdelay $0x2  }
0xbb: {  	[tilespmem:s24], [sflag:$0x2] =	stream.indirect.gather [hbm4b:s4+s23], $0x80, s31, s23, $0x2000b8;
	[tilespmem:$0x1E800] =	vst v63  }
.LBB2_4:
0xbc: {  	s30 =	simm.s32 $0x0  }
0xbd: {  	[tilespmem:s30], [sflag:$0x3] =	stream.linear.gather [hbm4b:s10+s30], $0x1400, $0x200038;
	[tilespmem:$0x1E800] =	vst v63  }
0xbe: {  	_ =	swait.ge [sflag:s21], $0x1400  }
0xbf: {  	[sflag:s21] =	ssyncset.done $0x0  }
0xc0: {  	[sflag:s21] =	ssyncadd.s32 $0xFFFFEC00  }
0xc1: {  	[tilespmem:s22], [sflag:$0x3] =	stream.linear.gather [hbm4b:s11+s30], $0x1400, $0x200038;
	[tilespmem:$0x1E800] =	vst v63  }
0xc2: {  	_ =	swait.ge [sflag:s21], $0x1400  }
0xc3: {  	[sflag:s21] =	ssyncset.done $0x0  }
0xc4: {  	[sflag:s21] =	ssyncadd.s32 $0xFFFFEC00  }
0xc5: {  	[tilespmem:s20], [sflag:$0x1] =	stream.indirect.gather [hbm4b:s4+s23], $0x80, s30, s23, $0x2000b8;
	[tilespmem:$0x1E800] =	vst v63  }
0xc6: {  	_ = 	snop  }
0xc7: {  	[tilespmem:s24], [sflag:$0x2] =	stream.indirect.gather [hbm4b:s4+s23], $0x80, s23, s23, $0x2000b8;
	[tilespmem:$0x1E800] =	vst v63  }
0xc8: {  	_ =	swait.ge [sflag:s25], $0x4000  }
0xc9: {  	[sflag:s25] =	ssyncset.done $0x0  }
0xca: {  	s30 =	simm.s32 $0x1400;
	[sflag:s25] =	ssyncadd.s32 $0xFFFFC000  }
0xcb: {  	[spmem:s1] =	stream.indirect.scatter.add.f32 [tilespmem:s20], [sflag:$0x3], $0x80, s30, s23, $0x2000b8;
	[tilespmem:$0x1E800] =	vst v63  }
0xcc: {  	_ =	swait.ge [sflag:s21], $0x4000  }
0xcd: {  	[sflag:s21] =	ssyncset.done $0x0  }
0xce: {  	s30 =	simm.s32 $0x100;
	[sflag:s21] =	ssyncadd.s32 $0xFFFFC000  }
0xcf: {  	[tilespmem:s20], [sflag:$0x1] =	stream.indirect.gather [hbm4b:s4+s23], $0x80, s30, s23, $0x2000b8;
	[tilespmem:$0x1E800] =	vst v63  }
0xd0: {  	_ =	swait.ge [sflag:s26], $0x4000  }
0xd1: {  	[sflag:s26] =	ssyncset.done $0x0  }
0xd2: {  	s30 =	simm.s32 $0x1480;
	[sflag:s26] =	ssyncadd.s32 $0xFFFFC000  }
0xd3: {  	[spmem:s1] =	stream.indirect.scatter.add.f32 [tilespmem:s24], [sflag:$0x3], $0x80, s30, s23, $0x2000b8;
	[tilespmem:$0x1E800] =	vst v63  }
0xd4: {  	_ =	swait.ge [sflag:s21], $0x4000  }
0xd5: {  	[sflag:s21] =	ssyncset.done $0x0  }
0xd6: {  	s31 =	simm.s32 $0x180;
	s30 =	simm.s32 $0x400;
	[sflag:s21] =	ssyncadd.s32 $0xFFFFC000  }
.LBB2_5:
0xd7: {  	[tilespmem:s24], [sflag:$0x2] =	stream.indirect.gather [hbm4b:s4+s23], $0x80, s31, s23, $0x2000b8;
	[tilespmem:$0x1E800] =	vst v63  }
0xd8: {  	s31 =	smov.u32 s30  }
0xd9: {  	p1 =	sne.s32 s30, $0x4800;
	s30 =	sadd.s32 $0x400, s30;
	_ =	swait.ge [sflag:s25], $0x4000  }
0xda: {  	s31 =	sshra.s32 s31, $0x2;
	[sflag:s25] =	ssyncset.done $0x0  }
0xdb: {  	s0 =	sadd.s32 $0x1400, s31;
	[sflag:s25] =	ssyncadd.s32 $0xFFFFC000  }
0xdc: {  	[spmem:s1] =	stream.indirect.scatter.add.f32 [tilespmem:s20], [sflag:$0x3], $0x80, s0, s23, $0x2000b8;
	[tilespmem:$0x1E800] =	vst v63  }
0xdd: {  	_ =	swait.ge [sflag:s21], $0x4000  }
0xde: {  	[sflag:s21] =	ssyncset.done $0x0  }
0xdf: {  	s0 =	sadd.s32 $0x100, s31;
	[sflag:s21] =	ssyncadd.s32 $0xFFFFC000  }
0xe0: {  	[tilespmem:s20], [sflag:$0x1] =	stream.indirect.gather [hbm4b:s4+s23], $0x80, s0, s23, $0x2000b8;
	[tilespmem:$0x1E800] =	vst v63  }
0xe1: {  	_ =	swait.ge [sflag:s26], $0x4000  }
0xe2: {  	[sflag:s26] =	ssyncset.done $0x0  }
.Ltmp7:
0xe3: {  	s0 =	sadd.s32 $0x1480, s31;
	[sflag:s26] =	ssyncadd.s32 $0xFFFFC000;
	(pc) =	sbr.rel @p1 .LBB2_5-.Ltmp7, $4  }
0xe4: {  	[spmem:s1] =	stream.indirect.scatter.add.f32 [tilespmem:s24], [sflag:$0x3], $0x80, s0, s23, $0x2000b8;
	[tilespmem:$0x1E800] =	vst v63  }
0xe5: {  	_ =	swait.ge [sflag:s21], $0x4000  }
0xe6: {  	[sflag:s21] =	ssyncset.done $0x0  }
0xe7: {  	s31 =	sadd.s32 $0x180, s31;
	[sflag:s21] =	ssyncadd.s32 $0xFFFFC000  }
0xe8: {  	[tilespmem:s24], [sflag:$0x2] =	stream.indirect.gather [hbm4b:s4+s23], $0x80, s31, s23, $0x2000b8;
	[tilespmem:$0x1E800] =	vst v63  }
0xe9: {  	_ =	swait.ge [sflag:s25], $0x4000  }
0xea: {  	[sflag:s25] =	ssyncset.done $0x0  }
0xeb: {  	[sflag:s25] =	ssyncadd.s32 $0xFFFFC000  }
0xec: {  	[spmem:s1] =	stream.indirect.scatter.add.f32 [tilespmem:s20], [sflag:$0x3], $0x80, s28, s23, $0x2000b8;
	[tilespmem:$0x1E800] =	vst v63  }
0xed: {  	_ =	swait.ge [sflag:s21], $0x4000  }
0xee: {  	[sflag:s21] =	ssyncset.done $0x0  }
0xef: {  	[sflag:s21] =	ssyncadd.s32 $0xFFFFC000  }
0xf0: {  	_ =	swait.ge [sflag:s26], $0x4000  }
0xf1: {  	[sflag:s26] =	ssyncset.done $0x0  }
0xf2: {  	[sflag:s26] =	ssyncadd.s32 $0xFFFFC000  }
0xf3: {  	[spmem:s1] =	stream.indirect.scatter.add.f32 [tilespmem:s24], [sflag:$0x3], $0x80, s29, s23, $0x2000b8;
	[tilespmem:$0x1E800] =	vst v63  }
0xf4: {  	_ =	swait.ge [sflag:s21], $0x4000  }
0xf5: {  	[sflag:s21] =	ssyncset.done $0x0  }
0xf6: {  	s0 =	simm.s32 $0x0;
	[sflag:s21] =	ssyncadd.s32 $0xFFFFC000  }
0xf7: {  	[tilespmem:s0], [sflag:$0x3] =	stream.linear.gather [hbm4b:s12+s0], $0x1400, $0x200038;
	[tilespmem:$0x1E800] =	vst v63  }
0xf8: {  	_ =	swait.ge [sflag:s21], $0x1400  }
0xf9: {  	[sflag:s21] =	ssyncset.done $0x0  }
0xfa: {  	[sflag:s21] =	ssyncadd.s32 $0xFFFFEC00  }
0xfb: {  	[tilespmem:s22], [sflag:$0x3] =	stream.linear.gather [hbm4b:s13+s0], $0x1400, $0x200038;
	[tilespmem:$0x1E800] =	vst v63  }
0xfc: {  	_ =	swait.ge [sflag:s21], $0x1400  }
0xfd: {  	[sflag:s21] =	ssyncset.done $0x0  }
0xfe: {  	[sflag:s21] =	ssyncadd.s32 $0xFFFFEC00  }
0xff: {  	[tilespmem:s20], [sflag:$0x1] =	stream.indirect.gather [hbm4b:s4+s23], $0x80, s0, s23, $0x2000b8;
	[tilespmem:$0x1E800] =	vst v63  }
0x100: {  	_ = 	snop  }
0x101: {  	[tilespmem:s24], [sflag:$0x2] =	stream.indirect.gather [hbm4b:s4+s23], $0x80, s23, s23, $0x2000b8;
	[tilespmem:$0x1E800] =	vst v63  }
0x102: {  	_ =	swait.ge [sflag:s25], $0x4000  }
0x103: {  	[sflag:s25] =	ssyncset.done $0x0  }
0x104: {  	s0 =	simm.s32 $0x1400;
	[sflag:s25] =	ssyncadd.s32 $0xFFFFC000  }
0x105: {  	[spmem:s1] =	stream.indirect.scatter.add.f32 [tilespmem:s20], [sflag:$0x3], $0x80, s0, s23, $0x2000b8;
	[tilespmem:$0x1E800] =	vst v63  }
0x106: {  	_ =	swait.ge [sflag:s21], $0x4000  }
0x107: {  	[sflag:s21] =	ssyncset.done $0x0  }
0x108: {  	s0 =	simm.s32 $0x100;
	[sflag:s21] =	ssyncadd.s32 $0xFFFFC000  }
0x109: {  	[tilespmem:s20], [sflag:$0x1] =	stream.indirect.gather [hbm4b:s4+s23], $0x80, s0, s23, $0x2000b8;
	[tilespmem:$0x1E800] =	vst v63  }
0x10a: {  	_ =	swait.ge [sflag:s26], $0x4000  }
0x10b: {  	[sflag:s26] =	ssyncset.done $0x0  }
0x10c: {  	s0 =	simm.s32 $0x1480;
	[sflag:s26] =	ssyncadd.s32 $0xFFFFC000  }
0x10d: {  	[spmem:s1] =	stream.indirect.scatter.add.f32 [tilespmem:s24], [sflag:$0x3], $0x80, s0, s23, $0x2000b8;
	[tilespmem:$0x1E800] =	vst v63  }
0x10e: {  	_ =	swait.ge [sflag:s21], $0x4000  }
0x10f: {  	[sflag:s21] =	ssyncset.done $0x0  }
0x110: {  	s30 =	simm.s32 $0x400;
	s31 =	simm.s32 $0x180;
	[sflag:s21] =	ssyncadd.s32 $0xFFFFC000  }
.LBB2_7:
0x111: {  	[tilespmem:s24], [sflag:$0x2] =	stream.indirect.gather [hbm4b:s4+s23], $0x80, s31, s23, $0x2000b8;
	[tilespmem:$0x1E800] =	vst v63  }
0x112: {  	s0 =	smov.u32 s30  }
0x113: {  	p1 =	seq.s32 s30, $0x4800;
	s30 =	sadd.s32 $0x400, s30;
	_ =	swait.ge [sflag:s25], $0x4000  }
0x114: {  	s0 =	sshra.s32 s0, $0x2;
	[sflag:s25] =	ssyncset.done $0x0  }
0x115: {  	s31 =	sadd.s32 $0x1400, s0;
	[sflag:s25] =	ssyncadd.s32 $0xFFFFC000  }
0x116: {  	[spmem:s1] =	stream.indirect.scatter.add.f32 [tilespmem:s20], [sflag:$0x3], $0x80, s31, s23, $0x2000b8;
	[tilespmem:$0x1E800] =	vst v63  }
0x117: {  	_ =	swait.ge [sflag:s21], $0x4000  }
0x118: {  	[sflag:s21] =	ssyncset.done $0x0  }
0x119: {  	s31 =	sadd.s32 $0x100, s0;
	[sflag:s21] =	ssyncadd.s32 $0xFFFFC000  }
0x11a: {  	[tilespmem:s20], [sflag:$0x1] =	stream.indirect.gather [hbm4b:s4+s23], $0x80, s31, s23, $0x2000b8;
	[tilespmem:$0x1E800] =	vst v63  }
0x11b: {  	_ =	swait.ge [sflag:s26], $0x4000  }
0x11c: {  	[sflag:s26] =	ssyncset.done $0x0  }
.Ltmp8:
0x11d: {  	s31 =	sadd.s32 $0x1480, s0;
	[sflag:s26] =	ssyncadd.s32 $0xFFFFC000;
	(pc) =	sbr.rel @!p1 .LBB2_7-.Ltmp8, $4  }
0x11e: {  	[spmem:s1] =	stream.indirect.scatter.add.f32 [tilespmem:s24], [sflag:$0x3], $0x80, s31, s23, $0x2000b8;
	[tilespmem:$0x1E800] =	vst v63  }
0x11f: {  	_ =	swait.ge [sflag:s21], $0x4000  }
0x120: {  	[sflag:s21] =	ssyncset.done $0x0  }
0x121: {  	s31 =	sadd.s32 $0x180, s0;
	[sflag:s21] =	ssyncadd.s32 $0xFFFFC000  }
.Ltmp9:
0x122: {  	_ = 	snop;
	(pc) =	sbr.rel .LBB2_8-.Ltmp9, $1  }
0x123: {  	_ =	sdelay $0x3  }
.LBB2_15:
0x124: {  	_ =	sfence.sel $0x180000  }
0x125: {  	[bflag:$0x0] =	sbarrier.arrive $0xFFFF  }
0x126: {  	_ =	strace $0x90000056  }
0x127: {  	[bflag:$0x2] =	sbarrier.arrive $0xFFFF  }
0x128: {  	p0 =	sne.s32 s2, $0x0;
	s0 =	rddreg [dreg:$0x2]  }
0x129: {  	s0 =	sadd.s32 @!p0 $0x100000, s0  }
0x12a: {  	[sflag:s0] =	ssyncadd.tile.s32 @!p0 $0x1;
	_ =	shalt  }
.Lfunc_end2:
_tile_overlayer_lowered:
.L_overlay_start_2:
0x12b: {  	(tag) =	ssettag $0x2  }
0x12c: {  	s0 =	rddreg [dreg:$0x0];
	s2 =	stileid.u32  }
0x12d: {  	s1 =	rddreg [dreg:$0x1];
	p0 =	sne.s32 s2, $0x0  }
0x12e: {  	s3 =	rddreg [dreg:$0x2];
	[bflag:$0x3] =	sbarrier.arrive $0xFFFF;
	s2 =	simm.s32 @!p0 $0x1C03  }
0x12f: {  	[timem:s3], [sflag:s2] =	dma.local @!p0 [hbm:s0], s1  }
0x130: {  	s0 =	simm.s32 @!p0 $0x3  }
0x131: {  	_ =	swait.ge @!p0 [sflag:s0], s1  }
0x132: {  	s1 =	ssub.s32 @!p0 $0x0, s1;
	[sflag:s0] =	ssyncset.done @!p0 $0x0  }
0x133: {  	[sflag:s0] =	ssyncadd.s32 @!p0 s1  }
0x134: {  	[bflag:$0x3] =	sbarrier.arrive $0xFFFF  }
0x135: {  	_ =	shalt  }

// kernel: kernel.9.cloned.1.call-start
scs
__scs_entry_jumppad:
0x0: {  	(pc) =	sbr.rel $0x88, $3  }
0x1: {  	(tag) =	ssettag $0x0;
	lr =	simm.s32 $0x1  }
0x2: {  	[smem:$0x3F96] =	sst lr;
	_ =	strace $0xD0000000  }
0x3: {  	_ = 	snop  }
0x4: {  	_ = 	snop  }
0x5: {  	_ = 	snop  }
0x6: {  	_ = 	snop  }
0x7: {  	_ = 	snop  }
__scs_overlays_trampoline_lowered:
0x8: {  	[smem:$0x3FA5] =	sst s0  }
0x9: {  	[smem:$0x3FA6] =	sst s1  }
0xa: {  	[smem:$0x3FA7] =	sst s2  }
0xb: {  	[smem:$0x3FA8] =	sst s3  }
0xc: {  	[smem:$0x3FA9] =	sst s4  }
0xd: {  	[smem:$0x3FAA] =	sst s5  }
0xe: {  	[smem:$0x3FAB] =	sst s6  }
0xf: {  	[smem:$0x3FAC] =	sst s7  }
0x10: {  	[smem:$0x3FAD] =	sst s8  }
0x11: {  	[smem:$0x3FAE] =	sst s9;
	s0 =	simm.s32 @!p0 $0x0  }
0x12: {  	s1 =	sld [smem:$0x3F94];
	s0 =	simm.s32 @p0 $0x1  }
0x13: {  	[smem:$0x3FAF] =	sst s0;
	s0 =	simm.s32 @!p1 $0x0  }
0x14: {  	s2 =	sld [smem:$0x3F93];
	s0 =	simm.s32 @p1 $0x1  }
0x15: {  	[smem:$0x3FB0] =	sst s0;
	s0 =	simm.s32 @!p2 $0x0  }
0x16: {  	s3 =	sld [smem:$0x3FDB];
	s0 =	simm.s32 @p2 $0x1  }
0x17: {  	s4 =	simm.s32 $0x1BF5;
	[smem:$0x3FB2] =	sst s0  }
0x18: {  	s0 =	sld [smem:$0x3F95];
	_ =	swait.ge [sflag:s4], $0x0  }
0x19: {  	s7 =	sld [smem:$0x3F96]  }
0x1a: {  	s8 =	sadd.s32 $0xFFFFE003, lr  }
0x1b: {  	s9 =	sadd.s32 $0xFFFFFEF7, lr;
	s5 =	simm.s32 $0xFFFFFFFF;
	p2 =	slt.u32 s8, $0xFFFFF086  }
0x1c: {  	p1 =	slt.u32 s9, $0xF7A;
	s5 =	simm.s32 @!p2 $0x0  }
0x1d: {  	s5 =	simm.s32 @p1 $0x1;
	p0 =	seq.s32 s7, s2  }
0x1e: {  	s7 =	smul.u32 @!p0 $0xF7A, s2;
	p2 =	seq.s32 @!p0 s5, $0x0  }
0x1f: {  	s9 =	smul.u32 $0xF7A, s1;
	s8 =	simm.s32 @!p0 $0x1BF5;
	p2 =	por !p2, p0  }
0x20: {  	[sflag:s8] =	ssyncset.s32 @!p0 $0xFFFFF086;
	s6 =	sadd.s32 @!p0 s3, s7;
	s7 =	simm.s32 @!p0 $0x108  }
0x21: {  	s3 =	sadd.s32 s3, s9;
	s6 =	sadd.s32 @!p0 $0x88, s6;
	s7 =	simm.s32 @p2 $0x1082  }
0x22: {  	[simem:s7], [sflag:s8] =	dma.local @!p0 [hbm:s6], $0xF7A  }
0x23: {  	s9 =	sor.u32 $0xD0000000, s2;
	s6 =	simm.s32 $0x108;
	_ =	swait.ge @!p0 [sflag:s8], $0x0  }
0x24: {  	s3 =	sadd.s32 $0x88, s3;
	s6 =	simm.s32 @!p1 $0x1082;
	[sflag:s4] =	ssyncset.s32 $0xFFFFF086  }
0x25: {  	[simem:s6], [sflag:s4] =	dma.local [hbm:s3], $0xF7A  }
0x26: {  	[smem:$0x3F96] =	sst s1;
	(tag) =	ssettag s2;
	_ =	strace s9  }
0x27: {  	s1 =	sld [smem:$0x3FA6]  }
0x28: {  	s2 =	sld [smem:$0x3FA7]  }
0x29: {  	s4 =	sld [smem:$0x3FA9]  }
0x2a: {  	p0 =	seq.s32 s5, $0x0;
	s5 =	sld [smem:$0x3FAA]  }
0x2b: {  	s6 =	sld [smem:$0x3FAB]  }
0x2c: {  	s7 =	sld [smem:$0x3FAC]  }
0x2d: {  	s3 =	simm.s32 $0x108;
	s8 =	sld [smem:$0x3FAD]  }
0x2e: {  	s3 =	simm.s32 @!p0 $0x1082;
	s9 =	sld [smem:$0x3FAE]  }
0x2f: {  	lr =	sadd.s32 s0, s3;
	s0 =	sld [smem:$0x3FA5]  }
0x30: {  	s3 =	sld [smem:$0x3FA8]  }
0x31: {  	[smem:$0x3FB1] =	sst s10  }
0x32: {  	s10 =	sld [smem:$0x3FAF];
	_ =	sdelay $0x3  }
0x33: {  	p0 =	seq.s32 s10, $0x1;
	s10 =	sld [smem:$0x3FB1];
	_ =	sdelay $0x3  }
0x34: {  	[smem:$0x3FB1] =	sst s10  }
0x35: {  	s10 =	sld [smem:$0x3FB0];
	_ =	sdelay $0x3  }
0x36: {  	p1 =	seq.s32 s10, $0x1;
	s10 =	sld [smem:$0x3FB1];
	_ =	sdelay $0x3  }
0x37: {  	[smem:$0x3FB1] =	sst s10  }
0x38: {  	s10 =	sld [smem:$0x3FB2]  }
0x39: {  	_ = 	snop;
	(pc) =	sbr.ind lr, $3  }
0x3a: {  	_ = 	snop  }
0x3b: {  	_ = 	snop  }
0x3c: {  	p2 =	seq.s32 s10, $0x1;
	s10 =	sld [smem:$0x3FB1]  }
0x3d: {  	_ =	shalt  }
0x3e: {  	_ =	shalt  }
0x3f: {  	_ =	shalt  }
0x40: {  	_ =	shalt  }
0x41: {  	_ =	shalt  }
0x42: {  	_ =	shalt  }
0x43: {  	_ =	shalt  }
0x44: {  	_ =	shalt  }
0x45: {  	_ =	shalt  }
0x46: {  	_ =	shalt  }
0x47: {  	_ =	shalt  }
0x48: {  	_ =	shalt  }
0x49: {  	_ =	shalt  }
0x4a: {  	_ =	shalt  }
0x4b: {  	_ =	shalt  }
0x4c: {  	_ =	shalt  }
0x4d: {  	_ =	shalt  }
0x4e: {  	_ =	shalt  }
0x4f: {  	_ =	shalt  }
0x50: {  	_ =	shalt  }
0x51: {  	_ =	shalt  }
0x52: {  	_ =	shalt  }
0x53: {  	_ =	shalt  }
0x54: {  	_ =	shalt  }
0x55: {  	_ =	shalt  }
0x56: {  	_ =	shalt  }
0x57: {  	_ =	shalt  }
0x58: {  	_ =	shalt  }
0x59: {  	_ =	shalt  }
0x5a: {  	_ =	shalt  }
0x5b: {  	_ =	shalt  }
0x5c: {  	_ =	shalt  }
0x5d: {  	_ =	shalt  }
0x5e: {  	_ =	shalt  }
0x5f: {  	_ =	shalt  }
0x60: {  	_ =	shalt  }
0x61: {  	_ =	shalt  }
0x62: {  	_ =	shalt  }
0x63: {  	_ =	shalt  }
0x64: {  	_ =	shalt  }
0x65: {  	_ =	shalt  }
0x66: {  	_ =	shalt  }
0x67: {  	_ =	shalt  }
0x68: {  	_ =	shalt  }
0x69: {  	_ =	shalt  }
0x6a: {  	_ =	shalt  }
0x6b: {  	_ =	shalt  }
0x6c: {  	_ =	shalt  }
0x6d: {  	_ =	shalt  }
0x6e: {  	_ =	shalt  }
0x6f: {  	_ =	shalt  }
0x70: {  	_ =	shalt  }
0x71: {  	_ =	shalt  }
0x72: {  	_ =	shalt  }
0x73: {  	_ =	shalt  }
0x74: {  	_ =	shalt  }
0x75: {  	_ =	shalt  }
0x76: {  	_ =	shalt  }
0x77: {  	_ =	shalt  }
0x78: {  	_ =	shalt  }
0x79: {  	_ =	shalt  }
0x7a: {  	_ =	shalt  }
0x7b: {  	_ =	shalt  }
0x7c: {  	_ =	shalt  }
0x7d: {  	_ =	shalt  }
0x7e: {  	_ =	shalt  }
0x7f: {  	_ =	shalt  }
0x80: {  	_ =	shalt  }
0x81: {  	_ =	shalt  }
0x82: {  	_ =	shalt  }
0x83: {  	_ =	shalt  }
0x84: {  	_ =	shalt  }
0x85: {  	_ =	shalt  }
0x86: {  	_ =	shalt  }
0x87: {  	_ =	shalt  }
.Lfunc_end0:
.L_simem_size_0:
called_computation_lowered:
.L_overlay_start_0:
0x88: {  	s2 =	sld [smem:$0x3FD9]  }
0x89: {  	s3 =	sld [smem:$0x3FFE];
	_ =	sdelay $0x1  }
0x8a: {  	s1 =	srdreg.scid  }
0x8b: {  	s0 =	sand.u32 $0x1, s1  }
0x8c: {  	s17 =	sshll.u32 s0, $0xA;
	s2 =	sadd.s32 s3, s2  }
0x8d: {  	s2 =	sadd.s32 s2, s17  }
0x8e: {  	[smem:$0x3FBD] =	sst s2  }
0x8f: {  	_ = 	snop  }
0x90: {  	s2 =	sld [smem:$0x3FD0];
	(tm) =	ssettm $0x1  }
0x91: {  	s18 =	sld [smem:$0x3FFB];
	_ =	sdelay $0x3  }
0x92: {  	_ =	strace s18  }
0x93: {  	s3 =	sld [smem:$0x3FFC];
	_ =	sdelay $0x3  }
0x94: {  	_ =	strace s3  }
0x95: {  	s3 =	sld [smem:$0x3FFD];
	_ =	sdelay $0x3  }
0x96: {  	_ =	strace s3  }
0x97: {  	_ =	strace $0x8FFFFFFF  }
0x98: {  	s19 =	sld [smem:$0x3FDB];
	_ =	sdelay $0x1  }
0x99: {  	s4 =	simm.s32 $_scs_section_size  }
0x9a: {  	s5 =	simm.s32 $_size__tile_overlayer_lowered;
	s6 =	simm.s32 $_tile_overlayer_lowered  }
0x9b: {  	s22 =	simm.s32 $0x1BFF;
	s21 =	sshll.u32 s6, $0x1;
	s3 =	sadd.s32 s4, s19  }
0x9c: {  	s7 =	simm.s32 $0x0;
	s20 =	sshll.u32 s5, $0x1;
	s5 =	sadd.s32 s21, s3  }
0x9d: {  	[timem:s7], [sflag:s22] =	dma.local [hbm:s5], s20  }
0x9e: {  	_ =	swait.ge [sflag:s22], s20  }
0x9f: {  	s4 =	ssub.s32 $0x0, s20;
	[sflag:s22] =	ssyncset.done $0x0  }
0xa0: {  	[sflag:s22] =	ssyncadd.s32 s4;
	_ =	sdelay $0x1  }
0xa1: {  	s23 =	simm.s32 $0x1B8B  }
0xa2: {  	_ =	swait.ge [sflag:s23], $0x1  }
0xa3: {  	[sflag:s23] =	ssyncset.done $0x0  }
0xa4: {  	s25 =	simm.s32 $0x1B8E;
	s24 =	sld [smem:$0x3FFE];
	[sflag:s23] =	ssyncadd.s32 $0xFFFFFFFF  }
0xa5: {  	s26 =	simm.s32 $execute0_lowered;
	[smem:$0x3FD2] =	sst s25  }
0xa6: {  	s5 =	sshll.u32 s26, $0x1;
	_ =	strace $0x80000046;
	[dreg:$0x1] =	wrdreg $0xFFFFFFFF  }
0xa7: {  	s28 =	simm.s32 $_size_execute0_lowered;
	s3 =	sadd.s32 s3, s5;
	[dreg:$0x0] =	wrdreg $0x0  }
0xa8: {  	s5 =	sshll.u32 s28, $0x1;
	[dreg:$0x2] =	wrdreg s3  }
0xa9: {  	[dreg:$0x3] =	wrdreg s5  }
0xaa: {  	[dreg:$0x4] =	wrdreg $0xC0  }
0xab: {  	_ =	task [dreg:s7], $0x5FFFF  }
0xac: {  	[dreg:$0x1] =	wrdreg $0xFFFFFFFF  }
0xad: {  	[dreg:$0x0] =	wrdreg $0x60  }
0xae: {  	[dreg:$0x2] =	wrdreg s2  }
0xaf: {  	[dreg:$0x3] =	wrdreg s24  }
0xb0: {  	[dreg:$0x4] =	wrdreg $0x2B000  }
0xb1: {  	[dreg:$0x5] =	wrdreg $0x9  }
0xb2: {  	_ =	task.clear_ibuf [dreg:s7], $0x6FFFF;
	_ =	strace $0x90000046  }
0xb3: {  	s29 =	simm.s32 $0x9;
	_ =	strace $0x80000048  }
0xb4: {  	_ =	swait.ge [sflag:s29], $0x1  }
0xb5: {  	[sflag:s29] =	ssyncadd.s32 $0xFFFFFFFF  }
0xb6: {  	_ =	strace $0x90000048  }
0xb7: {  	_ =	sfence  }
0xb8: {  	s30 =	sld [smem:$0x0];
	_ =	sdelay $0x2  }
0xb9: {  	s31 =	sshll.u32 s1, $0xD;
	s1 =	sshrl.u32 s1, $0x2  }
0xba: {  	s3 =	sand.u32 $0x4000, s31;
	s1 =	sadd.s32 s1, s30  }
0xbb: {  	s0 =	sor.u32 s3, s0;
	s1 =	sshll.u32 s1, $0x11  }
0xbc: {  	s0 =	sor.u32 s1, s0  }
0xbd: {  	s0 =	sadd.s32 $0x8F2B, s0  }
0xbe: {  	[sflag:s0] =	ssyncadd.remote.s32 $0x1  }
0xbf: {  	_ =	sfence.sel $0xFFFF  }
0xc0: {  	[dreg:$0x0] =	wrdreg $0xFFFFFFFF;
	(pc) =	sbr.abs _section_cstart, $3  }
0xc1: {  	[dreg:$0x1] =	wrdreg $0xFFFFFFFF  }
0xc2: {  	_ =	task.clear_ibuf [dreg:s7], $0x2FFFF;
	_ =	strace $0x9FFFFFFF  }
0xc3: {  	(tm) =	ssettm $0x7FFFFFFF  }
tec
execute0_lowered:
.L_overlay_start_1:
0x0: {  	(tag) =	ssettag $0x1  }
0x1: {  	s5 =	rddreg [dreg:$0x0]  }
0x2: {  	s4 =	rddreg [dreg:$0x1]  }
0x3: {  	s2 =	rddreg [dreg:$0x2]  }
0x4: {  	s0 =	rddreg [dreg:$0x3]  }
0x5: {  	s3 =	simm.s32 $0x0;
	s6 =	srdreg.scid;
	s1 =	stileid.u32  }
0x6: {  	s11 =	simm.s32 $0x2800;
	s14 =	simm.s32 $0x20;
	s15 =	simm.s32 $0x10  }
0x7: {  	s16 =	simm.s32 $0x0;
	[smem:$0x7FF] =	sst s3;
	s7 =	smul.u32 $0x500, s1  }
0x8: {  	s6 =	sand.u32 $0x1, s6;
	s9 =	sshll.u32 s1, $0x1;
	s30 =	smul.u32 $0xA00, s1  }
0x9: {  	s12 =	sshll.u32 s1, $0x6;
	_ =	strace $0x80000047;
	s8 =	sshll.u32 s6, $0x7  }
0xa: {  	s29 =	sor.u32 s6, s9;
	s6 =	ssub.s32 $0x2, s6;
	s12 =	sor.u32 $0x1C01, s12  }
0xb: {  	s7 =	sor.u32 s8, s7;
	s8 =	smul.u32 $0x500, s29;
	s31 =	sshrl.u32 s6, $0x1  }
0xc: {  	s9 =	sshrl.u32 s30, $0x2;
	s7 =	sshrl.u32 s7, $0x3;
	s10 =	ssub.s32 s6, s31  }
0xd: {  	s7 =	sadd.s32 s7, s4;
	s4 =	sadd.s32 s9, s2;
	s5 =	sadd.s32 s5, s8  }
0xe: {  	s8 =	simm.s32 $0x2880;
	s9 =	simm.s32 $0x1;
	s6 =	sadd.s32 $0x3400, s7  }
0xf: {  	v0 =	vimm.f32 $1.000000000e+00;
	v1 =	vimm.f32 $0.0e+00;
	s7 =	smax.u32 s10, $0x1;
	s10 =	simm.s32 $0x80;
	s13 =	sshrl.u32 s4, $0x3  }
.LBB2_1:
0x10: {  	[tilespmem:$0x2800] =	vst v0  }
0x11: {  	[tilespmem:$0x2810] =	vst v0  }
0x12: {  	[tilespmem:$0x2820] =	vst v0  }
0x13: {  	[tilespmem:$0x2830] =	vst v0  }
0x14: {  	[tilespmem:$0x2840] =	vst v0  }
0x15: {  	[tilespmem:$0x2850] =	vst v0  }
0x16: {  	[tilespmem:$0x2860] =	vst v0  }
0x17: {  	[tilespmem:$0x2870] =	vst v0  }
0x18: {  	[tilespmem:$0x2880] =	vst v1  }
0x19: {  	[tilespmem:$0x2890] =	vst v1  }
0x1a: {  	[tilespmem:$0x28A0] =	vst v1  }
0x1b: {  	[tilespmem:$0x28B0] =	vst v1  }
0x1c: {  	[tilespmem:$0x28C0] =	vst v1  }
0x1d: {  	[tilespmem:$0x28D0] =	vst v1  }
0x1e: {  	[tilespmem:$0x28E0] =	vst v1  }
0x1f: {  	[tilespmem:$0x28F0] =	vst v1  }
0x20: {  	[tilespmem:$0x2900] =	vst v1  }
0x21: {  	[tilespmem:$0x2910] =	vst v1  }
0x22: {  	[tilespmem:$0x2920] =	vst v1  }
0x23: {  	[tilespmem:$0x2930] =	vst v1  }
0x24: {  	[tilespmem:$0x2940] =	vst v1  }
0x25: {  	[tilespmem:$0x2950] =	vst v1  }
0x26: {  	[tilespmem:$0x2960] =	vst v1  }
0x27: {  	[tilespmem:$0x2970] =	vst v1  }
0x28: {  	[tilespmem:$0x2980] =	vst v1  }
0x29: {  	[tilespmem:$0x2990] =	vst v1  }
0x2a: {  	[tilespmem:$0x29A0] =	vst v1  }
0x2b: {  	[tilespmem:$0x29B0] =	vst v1  }
0x2c: {  	[tilespmem:$0x29C0] =	vst v1  }
0x2d: {  	[tilespmem:$0x29D0] =	vst v1  }
0x2e: {  	[tilespmem:$0x29E0] =	vst v1  }
0x2f: {  	[tilespmem:$0x29F0] =	vst v1  }
0x30: {  	[tilespmem:$0x2A00] =	vst v1  }
0x31: {  	[tilespmem:$0x2A10] =	vst v1  }
0x32: {  	[tilespmem:$0x2A20] =	vst v1  }
0x33: {  	[tilespmem:$0x2A30] =	vst v1  }
0x34: {  	[tilespmem:$0x2A40] =	vst v1  }
0x35: {  	[tilespmem:$0x2A50] =	vst v1  }
0x36: {  	[tilespmem:$0x2A60] =	vst v1  }
0x37: {  	[tilespmem:$0x2A70] =	vst v1  }
0x38: {  	[tilespmem:$0x2A80] =	vst v1  }
0x39: {  	[tilespmem:$0x2A90] =	vst v1  }
0x3a: {  	[tilespmem:$0x2AA0] =	vst v1  }
0x3b: {  	[tilespmem:$0x2AB0] =	vst v1  }
0x3c: {  	[tilespmem:$0x2AC0] =	vst v1  }
0x3d: {  	[tilespmem:$0x2AD0] =	vst v1  }
0x3e: {  	[tilespmem:$0x2AE0] =	vst v1  }
0x3f: {  	[tilespmem:$0x2AF0] =	vst v1  }
0x40: {  	[spmem:s4] =	stream.linear.scatter [tilespmem:s8], [sflag:$0x1], $0x280, $0x38;
	[tilespmem:$0x2D80] =	vst v63  }
0x41: {  	_ =	swait.ge [sflag:s9], $0x280  }
0x42: {  	[sflag:s9] =	ssyncset.done $0x0  }
0x43: {  	[sflag:s9] =	ssyncadd.s32 $0xFFFFFD80  }
0x44: {  	[bflag:$0x0] =	sbarrier.arrive $0xFFFF  }
0x45: {  	[tilespmem:s3], [sflag:$0x1] =	stream.linear.gather [hbm4b:s5+s3], $0x2800, $0x38;
	[tilespmem:$0x2D80] =	vst v63  }
0x46: {  	_ =	swait.ge [sflag:s9], $0x2800  }
0x47: {  	[sflag:s9] =	ssyncset.done $0x0  }
0x48: {  	s17 =	simm.s32 $0x0;
	[sflag:s9] =	ssyncadd.s32 $0xFFFFD800  }
0x49: {  	[spmem:s2] =	stream.indirect.scatter.add.f32 [tilespmem:s11], [sflag:$0x1], $0x1, s17, s10, $0xb8;
	[tilespmem:$0x2D80] =	vst v63  }
0x4a: {  	_ =	swait.ge [sflag:s9], $0x80  }
0x4b: {  	s17 =	simm.s32 $0x200;
	[sflag:s9] =	ssyncset.done $0x0  }
.LBB2_2:
0x4c: {  	s18 =	sshra.s32 s17, $0x2;
	[sflag:s9] =	ssyncadd.s32 $0xFFFFFF80;
	p0 =	sne.s32 s17, $0x9E00  }
0x4d: {  	[spmem:s2] =	stream.indirect.scatter.add.f32 [tilespmem:s11], [sflag:$0x1], $0x1, s18, s10, $0xb8;
	[tilespmem:$0x2D80] =	vst v63  }
.Ltmp0:
0x4e: {  	_ = 	snop;
	(pc) =	sbr.rel @p0 .LBB2_2-.Ltmp0, $4  }
0x4f: {  	_ = 	snop  }
0x50: {  	s17 =	sadd.s32 $0x200, s17  }
0x51: {  	_ =	swait.ge [sflag:s9], $0x80  }
0x52: {  	[sflag:s9] =	ssyncset.done $0x0  }
0x53: {  	s16 =	sadd.s32 $0x1, s16  }
0x54: {  	[sflag:s9] =	ssyncadd.s32 $0xFFFFFF80;
	p0 =	sne.s32 s16, s7  }
.Ltmp1:
0x55: {  	[bflag:$0x0] =	sbarrier.arrive $0xFFFF;
	(pc) =	sbr.rel @p0 .LBB2_1-.Ltmp1, $4  }
0x56: {  	[hbm:s6@s14], [sflag:s12] =	dma.strided [spmem:s13@s15], $0x50, s9, $0x10   }
0x57: {  	_ =	swait.ge [sflag:s9], $0x50  }
0x58: {  	[sflag:s9] =	ssyncset.done $0x0  }
0x59: {  	[sflag:s9] =	ssyncadd.s32 $0xFFFFFFB0  }
0x5a: {  	_ =	sfence.sel $0x180000  }
0x5b: {  	[bflag:$0x0] =	sbarrier.arrive $0xFFFF  }
0x5c: {  	p0 =	sne.s32 s1, $0x0;
	_ =	strace $0x90000047  }
0x5d: {  	s0 =	sadd.s32 @!p0 $0x100000, s0;
	[bflag:$0x2] =	sbarrier.arrive $0xFFFF  }
0x5e: {  	[sflag:s0] =	ssyncadd.tile.s32 @!p0 $0x1;
	_ =	shalt  }
.Lfunc_end2:
_tile_overlayer_lowered:
.L_overlay_start_2:
0x5f: {  	(tag) =	ssettag $0x2  }
0x60: {  	s0 =	rddreg [dreg:$0x0];
	s2 =	stileid.u32  }
0x61: {  	s1 =	rddreg [dreg:$0x1];
	p0 =	sne.s32 s2, $0x0  }
0x62: {  	s3 =	rddreg [dreg:$0x2];
	[bflag:$0x3] =	sbarrier.arrive $0xFFFF;
	s2 =	simm.s32 @!p0 $0x1C01  }
0x63: {  	[timem:s3], [sflag:s2] =	dma.local @!p0 [hbm:s0], s1  }
0x64: {  	s0 =	simm.s32 @!p0 $0x1  }
0x65: {  	_ =	swait.ge @!p0 [sflag:s0], s1  }
0x66: {  	s1 =	ssub.s32 @!p0 $0x0, s1;
	[sflag:s0] =	ssyncset.done @!p0 $0x0  }
0x67: {  	[sflag:s0] =	ssyncadd.s32 @!p0 s1  }
0x68: {  	[bflag:$0x3] =	sbarrier.arrive $0xFFFF  }
0x69: {  	_ =	shalt  }

</sc_bundles>
